<compile_context>
chip_gen: v7x
topology: tpu7x:2x2x1
jax: 0.10.2.dev20260603
libtpu: 0.0.44.dev20260713+nightly
codegen_flags: <defaults>
</compile_context>

<pallas_src>
import functools

import jax
import jax.numpy as jnp
from jax import lax
from jax.experimental import pallas as pl
from jax.experimental.pallas import tpu as pltpu
from jax.experimental.pallas import tpu_sc as plsc

N_NODES = 10000
N_EDGES = 320000
D_FEAT = 128
D_EDGE = 16
D_OUT = D_EDGE + 2 * D_FEAT

NUM_CORES = 2
NUM_SUBCORES = 16
NW = NUM_CORES * NUM_SUBCORES
C = 1280
NCH = N_EDGES // C
NPAIR = NCH // 2


def _body(vt_hbm, eT_hbm, a_hbm, b_hbm, outT_hbm, tbl, idx0, idx1, ob0, ob1,
          eb, sem0, sem1, isem0, isem1, tsem, ersem, ewsem):
    wid = lax.axis_index("s") * NUM_CORES + lax.axis_index("c")
    t = wid // NUM_SUBCORES
    rb = wid % NUM_SUBCORES

    pltpu.async_copy(vt_hbm.at[pl.ds(rb * 8, 8), :], tbl, tsem)

    NE = 2 * NCH
    NE_IT = (NE + NW - 1) // NW

    def e_refs(i):
        r = pl.multiple_of(jnp.where(i < NCH, 0, 8), 8)
        cc = jnp.where(i < NCH, i, i - NCH)
        col = pl.multiple_of(cc * C, 128)
        return (eT_hbm.at[pl.ds(r, 8), pl.ds(col, C)],
                outT_hbm.at[pl.ds(r, 8), pl.ds(col, C)])

    row0 = D_EDGE + t * D_FEAT + rb * 8

    def v_pass(ids_hbm):
        pltpu.async_copy(ids_hbm.at[pl.ds(0, 2 * C)], idx0, isem0)
        pltpu.async_copy(ids_hbm.at[pl.ds(2 * C, 2 * C)], idx1, isem1)
        pltpu.make_async_copy(
            vt_hbm.at[pl.ds(rb * 8, 8), :], tbl, tsem).wait()

        def pair(t2, carry):
            j = t2 // 2
            i = wid + NW * j

            @pl.when(jnp.logical_and(t2 % 2 == 0, i < NE))
            def _():
                @pl.when(j > 0)
                def _():
                    _, dst_prev = e_refs(i - NW)
                    pltpu.make_async_copy(eb, dst_prev, ewsem).wait()

                src, _ = e_refs(i)
                pltpu.async_copy(src, eb, ersem)

            @pl.when(jnp.logical_and(t2 % 2 == 1, i < NE))
            def _():
                src, dst = e_refs(i)
                pltpu.make_async_copy(src, eb, ersem).wait()
                pltpu.async_copy(eb, dst, ewsem)

            pidx = t2 % 2

            @pl.when(pidx == 0)
            def _():
                pltpu.make_async_copy(
                    ids_hbm.at[pl.ds(0, 2 * C)], idx0, isem0).wait()

            @pl.when(pidx == 1)
            def _():
                pltpu.make_async_copy(
                    ids_hbm.at[pl.ds(0, 2 * C)], idx1, isem1).wait()

            for half, (ob, sem) in enumerate(((ob0, sem0), (ob1, sem1))):
                c = 2 * t2 + half
                col = pl.multiple_of(c * C, 128)

                @pl.when(t2 > 0)
                def _():
                    prev = pl.multiple_of((c - 2) * C, 128)
                    pltpu.make_async_copy(
                        ob, outT_hbm.at[pl.ds(row0, 8), pl.ds(prev, C)],
                        sem).wait()

                for p, ixb in enumerate((idx0, idx1)):
                    @pl.when(pidx == p)
                    def _():
                        @plsc.parallel_loop(0, C // 16, unroll=2)
                        def g_body(g):
                            iv = ixb[pl.ds(half * C + g * 16, 16)]
                            for k in range(8):
                                vals = plsc.load_gather(
                                    tbl, [jnp.full((16,), k, jnp.int32), iv])
                                ob[k, pl.ds(g * 16, 16)] = vals

                pltpu.async_copy(
                    ob, outT_hbm.at[pl.ds(row0, 8), pl.ds(col, C)], sem)

            @pl.when(t2 + 2 < NPAIR)
            def _():
                nxt = pl.multiple_of((t2 + 2) * 2 * C, 128)

                @pl.when(pidx == 0)
                def _():
                    pltpu.async_copy(
                        ids_hbm.at[pl.ds(nxt, 2 * C)], idx0, isem0)

                @pl.when(pidx == 1)
                def _():
                    pltpu.async_copy(
                        ids_hbm.at[pl.ds(nxt, 2 * C)], idx1, isem1)

            return carry

        lax.fori_loop(0, NPAIR, pair, 0)
        last = (NCH - 2) * C
        pltpu.make_async_copy(
            ob0, outT_hbm.at[pl.ds(row0, 8), pl.ds(last, C)], sem0).wait()
        pltpu.make_async_copy(
            ob1, outT_hbm.at[pl.ds(row0, 8), pl.ds(last + C, C)], sem1).wait()
        last_i = wid + NW * (NE_IT - 1)
        _, dlast = e_refs(jnp.where(last_i < NE, last_i, last_i - NW))
        pltpu.make_async_copy(eb, dlast, ewsem).wait()

    @pl.when(t == 0)
    def _():
        v_pass(a_hbm)

    @pl.when(t == 1)
    def _():
        v_pass(b_hbm)


@jax.jit
def _run(vt_flat, eT, ia, ib):
    mesh = plsc.VectorSubcoreMesh(core_axis_name="c", subcore_axis_name="s")
    kern = functools.partial(
        pl.kernel,
        mesh=mesh,
        out_type=jax.ShapeDtypeStruct((D_OUT, N_EDGES), jnp.float32),
        scratch_types=[
            pltpu.VMEM((8, N_NODES), jnp.float32),
            pltpu.VMEM((2 * C,), jnp.int32),
            pltpu.VMEM((2 * C,), jnp.int32),
            pltpu.VMEM((8, C), jnp.float32),
            pltpu.VMEM((8, C), jnp.float32),
            pltpu.VMEM((8, C), jnp.float32),
            pltpu.SemaphoreType.DMA,
            pltpu.SemaphoreType.DMA,
            pltpu.SemaphoreType.DMA,
            pltpu.SemaphoreType.DMA,
            pltpu.SemaphoreType.DMA,
            pltpu.SemaphoreType.DMA,
            pltpu.SemaphoreType.DMA,
        ],
        compiler_params=pltpu.CompilerParams(needs_layout_passes=False),
    )(_body)
    return kern(vt_flat, eT, ia, ib)


def kernel(V_set, E_set, a_node_ids, b_node_ids):
    vt = jnp.transpose(V_set[0])
    eT = jnp.transpose(E_set[0])
    ia = a_node_ids[0].astype(jnp.int32)
    ib = b_node_ids[0].astype(jnp.int32)
    outT = _run(vt, eT, ia, ib)
    return jnp.transpose(outT)[jnp.newaxis, ...]

# --- scband reference (transcript-rebuilt; emitter-appended) ---
"""Pipeline reference for scband-concat-edge-with-ends-layer-86028194939135 (READ-ONLY COPY).

The authoritative reference and input builder live on the scoring server;
editing this copy changes nothing except your own understanding.
"""

import jax, jax.numpy as jnp
import numpy as np

N_NODES = 10000
N_EDGES = 320000
D_FEAT = 128
D_EDGE = 16

def setup_inputs(seed: int = 0) -> dict:
    key = jax.random.key(seed)
    k1, k2, k3, k4 = jax.random.split(key, 4)
    V_set = jax.random.normal(k1, (1, N_NODES, D_FEAT), dtype=jnp.float32)
    E_set = jax.random.normal(k2, (1, N_EDGES, D_EDGE), dtype=jnp.float32)
    a_node_ids = jax.random.randint(k3, (1, N_EDGES), 0, N_NODES, dtype=jnp.int64 if jax.config.jax_enable_x64 else jnp.int32)
    b_node_ids = jax.random.randint(k4, (1, N_EDGES), 0, N_NODES, dtype=jnp.int64 if jax.config.jax_enable_x64 else jnp.int32)
    return {"V_set": V_set, "E_set": E_set, "a_node_ids": a_node_ids, "b_node_ids": b_node_ids}

def reference(V_set, E_set, a_node_ids, b_node_ids):
    # [e || v1 || v2] -> e'
    gathered_a = jnp.take(V_set[0], a_node_ids[0], axis=0)
    gathered_b = jnp.take(V_set[0], b_node_ids[0], axis=0)
    out = jnp.concatenate([E_set[0], gathered_a, gathered_b], axis=-1)
    return out[jnp.newaxis, ...]

if __name__ == "__main__":
    import jax
    _d = setup_inputs()
    print(jax.jit(kernel)(*tuple(_d.values())))

</pallas_src>

<mosaic_0001>
#map = affine_map<(d0, d1) -> (0, 0)>
#map1 = affine_map<(d0, d1) -> (0)>
module attributes {stable_mosaic.version = 14 : i64} {
  func.func @_body(%arg0: i32, %arg1: i32, %arg2: memref<128x10000xf32, #tpu.memory_space<hbm>>, %arg3: memref<16x320000xf32, #tpu.memory_space<hbm>>, %arg4: memref<320000xi32, #tpu.memory_space<hbm>>, %arg5: memref<320000xi32, #tpu.memory_space<hbm>>, %arg6: memref<272x320000xf32, #tpu.memory_space<hbm>>, %arg7: memref<8x10000xf32, #tpu.memory_space<vmem>>, %arg8: memref<2560xi32, #tpu.memory_space<vmem>>, %arg9: memref<2560xi32, #tpu.memory_space<vmem>>, %arg10: memref<8x1280xf32, #tpu.memory_space<vmem>>, %arg11: memref<8x1280xf32, #tpu.memory_space<vmem>>, %arg12: memref<8x1280xf32, #tpu.memory_space<vmem>>, %arg13: memref<!tpu.dma_semaphore, #tpu.memory_space<semaphore_mem>>, %arg14: memref<!tpu.dma_semaphore, #tpu.memory_space<semaphore_mem>>, %arg15: memref<!tpu.dma_semaphore, #tpu.memory_space<semaphore_mem>>, %arg16: memref<!tpu.dma_semaphore, #tpu.memory_space<semaphore_mem>>, %arg17: memref<!tpu.dma_semaphore, #tpu.memory_space<semaphore_mem>>, %arg18: memref<!tpu.dma_semaphore, #tpu.memory_space<semaphore_mem>>, %arg19: memref<!tpu.dma_semaphore, #tpu.memory_space<semaphore_mem>>) attributes {dimension_semantics = [#tpu.dimension_semantics<core_parallel>, #tpu.dimension_semantics<subcore_parallel>], iteration_bounds = array<i64: 2, 16>, scalar_prefetch = 0 : i64, scratch_operands = 13 : i64, tpu.core_type = #tpu.core_type<sc_vector_subcore>, window_params = [{transform_indices = #map}, {transform_indices = #map}, {transform_indices = #map1}, {transform_indices = #map1}, {transform_indices = #map}]} {
    %mul3A = arith.constant 2 : i32
    %mul3A_0 = arith.muli %arg1, %mul3A : i32
    %add3A = arith.addi %mul3A_0, %arg0 : i32
    %jit3A = arith.constant 16 : i32
    %div3A = arith.divsi %add3A, %jit3A : i32
    %sign3A = arith.constant 0 : i32
    %sign3A_1 = arith.cmpi sgt, %add3A, %sign3A : i32
    %sign3A_2 = arith.extui %sign3A_1 : i1 to i32
    %sign3A_3 = arith.constant 0 : i32
    %sign3A_4 = arith.cmpi slt, %add3A, %sign3A_3 : i32
    %sign3A_5 = arith.extui %sign3A_4 : i1 to i32
    %sign3A_6 = arith.subi %sign3A_2, %sign3A_5 : i32
    %sign3A_7 = arith.constant 0 : i32
    %sign3A_8 = arith.cmpi sgt, %jit3A, %sign3A_7 : i32
    %sign3A_9 = arith.extui %sign3A_8 : i1 to i32
    %sign3A_10 = arith.constant 0 : i32
    %sign3A_11 = arith.cmpi slt, %jit3A, %sign3A_10 : i32
    %sign3A_12 = arith.extui %sign3A_11 : i1 to i32
    %sign3A_13 = arith.subi %sign3A_9, %sign3A_12 : i32
    %ne3A = arith.cmpi ne, %sign3A_6, %sign3A_13 : i32
    %rem3A = arith.remsi %add3A, %jit3A : i32
    %ne3A_14 = arith.constant 0 : i32
    %ne3A_15 = arith.cmpi ne, %rem3A, %ne3A_14 : i32
    %and3A = arith.andi %ne3A, %ne3A_15 : i1
    %sub3A = arith.constant 1 : i32
    %sub3A_16 = arith.subi %div3A, %sub3A : i32
    %select_n3A = arith.select %and3A, %sub3A_16, %div3A : i32
    %jit3A_17 = arith.constant 16 : i32
    %eq3A = arith.constant 0 : i32
    %eq3A_18 = arith.cmpi eq, %jit3A_17, %eq3A : i32
    %jit3A_19 = arith.constant 1 : i32
    %select_n3A_20 = arith.select %eq3A_18, %jit3A_19, %jit3A_17 : i32
    %rem3A_21 = arith.remsi %add3A, %select_n3A_20 : i32
    %ne3A_22 = arith.constant 0 : i32
    %ne3A_23 = arith.cmpi ne, %rem3A_21, %ne3A_22 : i32
    %lt3A = arith.constant 0 : i32
    %lt3A_24 = arith.cmpi slt, %rem3A_21, %lt3A : i32
    %lt3A_25 = arith.constant 0 : i32
    %lt3A_26 = arith.cmpi slt, %select_n3A_20, %lt3A_25 : i32
    %ne3A_27 = arith.xori %lt3A_24, %lt3A_26 : i1
    %and3A_28 = arith.andi %ne3A_27, %ne3A_23 : i1
    %add3A_29 = arith.addi %rem3A_21, %select_n3A_20 : i32
    %select_n3A_30 = arith.select %and3A_28, %add3A_29, %rem3A_21 : i32
    %mul3A_31 = arith.constant 8 : i32
    %mul3A_32 = arith.muli %select_n3A_30, %mul3A_31 : i32
    %dma_start3A = arith.constant 0 : i32
    %dma_start3A_33 = tpu.memref_slice %arg2[%mul3A_32, %dma_start3A] : memref<128x10000xf32, #tpu.memory_space<hbm>> -> memref<8x10000xf32, #tpu.memory_space<hbm>>
    %dma_start3A_34 = arith.constant 0 : i32
    %dma_start3A_35 = tpu.memref_slice %arg2[%mul3A_32, %dma_start3A_34] : memref<128x10000xf32, #tpu.memory_space<hbm>> -> memref<8x10000xf32, #tpu.memory_space<hbm>>
    tpu.enqueue_dma source(%dma_start3A_35 : memref<8x10000xf32, #tpu.memory_space<hbm>>) target(%arg7 : memref<8x10000xf32, #tpu.memory_space<vmem>>) target_semaphore(%arg17 : memref<!tpu.dma_semaphore, #tpu.memory_space<semaphore_mem>>)
    %mul3A_36 = arith.constant 128 : i32
    %mul3A_37 = arith.muli %select_n3A, %mul3A_36 : i32
    %add3A_38 = arith.constant 16 : i32
    %add3A_39 = arith.addi %add3A_38, %mul3A_37 : i32
    %mul3A_40 = arith.constant 8 : i32
    %mul3A_41 = arith.muli %select_n3A_30, %mul3A_40 : i32
    %add3A_42 = arith.addi %add3A_39, %mul3A_41 : i32
    %eq3A_43 = arith.constant 0 : i32
    %eq3A_44 = arith.cmpi eq, %select_n3A, %eq3A_43 : i32
    %convert_element_type3A = arith.extui %eq3A_44 : i1 to i32
    %cond3A = arith.constant 0 : i32
    %cond3A_45 = arith.cmpi ne, %convert_element_type3A, %cond3A : i32
    scf.if %cond3A_45 {
      %dma_start3A_51 = arith.constant 0 : i32
      %dma_start3A_52 = tpu.memref_slice %arg4[%dma_start3A_51] : memref<320000xi32, #tpu.memory_space<hbm>> -> memref<2560xi32, #tpu.memory_space<hbm>>
      %dma_start3A_53 = arith.constant 0 : i32
      %dma_start3A_54 = tpu.memref_slice %arg4[%dma_start3A_53] : memref<320000xi32, #tpu.memory_space<hbm>> -> memref<2560xi32, #tpu.memory_space<hbm>>
      tpu.enqueue_dma source(%dma_start3A_54 : memref<2560xi32, #tpu.memory_space<hbm>>) target(%arg8 : memref<2560xi32, #tpu.memory_space<vmem>>) target_semaphore(%arg15 : memref<!tpu.dma_semaphore, #tpu.memory_space<semaphore_mem>>)
      %dma_start3A_55 = arith.constant 2560 : i32
      %dma_start3A_56 = tpu.memref_slice %arg4[%dma_start3A_55] : memref<320000xi32, #tpu.memory_space<hbm>> -> memref<2560xi32, #tpu.memory_space<hbm>>
      %dma_start3A_57 = arith.constant 2560 : i32
      %dma_start3A_58 = tpu.memref_slice %arg4[%dma_start3A_57] : memref<320000xi32, #tpu.memory_space<hbm>> -> memref<2560xi32, #tpu.memory_space<hbm>>
      tpu.enqueue_dma source(%dma_start3A_58 : memref<2560xi32, #tpu.memory_space<hbm>>) target(%arg9 : memref<2560xi32, #tpu.memory_space<vmem>>) target_semaphore(%arg16 : memref<!tpu.dma_semaphore, #tpu.memory_space<semaphore_mem>>)
      %mul3A_59 = arith.constant 8 : i32
      %mul3A_60 = arith.muli %select_n3A_30, %mul3A_59 : i32
      %dma_wait3A = arith.constant 0 : i32
      %dma_wait3A_61 = tpu.memref_slice %arg2[%mul3A_60, %dma_wait3A] : memref<128x10000xf32, #tpu.memory_space<hbm>> -> memref<8x10000xf32, #tpu.memory_space<hbm>>
      %dma_wait3A_62 = arith.constant 0 : i32
      %dma_wait3A_63 = tpu.memref_slice %arg2[%mul3A_60, %dma_wait3A_62] : memref<128x10000xf32, #tpu.memory_space<hbm>> -> memref<8x10000xf32, #tpu.memory_space<hbm>>
      tpu.wait_dma2 semaphore(%arg17 : memref<!tpu.dma_semaphore, #tpu.memory_space<semaphore_mem>>) src(%dma_wait3A_63 : memref<8x10000xf32, #tpu.memory_space<hbm>>) dst(%arg7 : memref<8x10000xf32, #tpu.memory_space<vmem>>)
      %scan3A = arith.constant 0 : i32
      %scan3A_64 = arith.constant 0 : i32
      %scan3A_65 = arith.constant 125 : i32
      %scan3A_66 = arith.addi %scan3A_64, %scan3A_65 : i32
      %scan3A_67 = arith.constant 1 : i32
      scf.for %scan3A_99 = %scan3A_64 to %scan3A_66 step %scan3A_67  : i32 {
        %jit3A_100 = arith.constant 2 : i32
        %div3A_101 = arith.divsi %scan3A_99, %jit3A_100 : i32
        %sign3A_102 = arith.constant 0 : i32
        %sign3A_103 = arith.cmpi sgt, %scan3A_99, %sign3A_102 : i32
        %sign3A_104 = arith.extui %sign3A_103 : i1 to i32
        %sign3A_105 = arith.constant 0 : i32
        %sign3A_106 = arith.cmpi slt, %scan3A_99, %sign3A_105 : i32
        %sign3A_107 = arith.extui %sign3A_106 : i1 to i32
        %sign3A_108 = arith.subi %sign3A_104, %sign3A_107 : i32
        %sign3A_109 = arith.constant 0 : i32
        %sign3A_110 = arith.cmpi sgt, %jit3A_100, %sign3A_109 : i32
        %sign3A_111 = arith.extui %sign3A_110 : i1 to i32
        %sign3A_112 = arith.constant 0 : i32
        %sign3A_113 = arith.cmpi slt, %jit3A_100, %sign3A_112 : i32
        %sign3A_114 = arith.extui %sign3A_113 : i1 to i32
        %sign3A_115 = arith.subi %sign3A_111, %sign3A_114 : i32
        %ne3A_116 = arith.cmpi ne, %sign3A_108, %sign3A_115 : i32
        %rem3A_117 = arith.remsi %scan3A_99, %jit3A_100 : i32
        %ne3A_118 = arith.constant 0 : i32
        %ne3A_119 = arith.cmpi ne, %rem3A_117, %ne3A_118 : i32
        %and3A_120 = arith.andi %ne3A_116, %ne3A_119 : i1
        %sub3A_121 = arith.constant 1 : i32
        %sub3A_122 = arith.subi %div3A_101, %sub3A_121 : i32
        %select_n3A_123 = arith.select %and3A_120, %sub3A_122, %div3A_101 : i32
        %mul3A_124 = arith.constant 32 : i32
        %mul3A_125 = arith.muli %mul3A_124, %select_n3A_123 : i32
        %add3A_126 = arith.addi %add3A, %mul3A_125 : i32
        %jit3A_127 = arith.constant 2 : i32
        %eq3A_128 = arith.constant 0 : i32
        %eq3A_129 = arith.cmpi eq, %jit3A_127, %eq3A_128 : i32
        %jit3A_130 = arith.constant 1 : i32
        %select_n3A_131 = arith.select %eq3A_129, %jit3A_130, %jit3A_127 : i32
        %rem3A_132 = arith.remsi %scan3A_99, %select_n3A_131 : i32
        %ne3A_133 = arith.constant 0 : i32
        %ne3A_134 = arith.cmpi ne, %rem3A_132, %ne3A_133 : i32
        %lt3A_135 = arith.constant 0 : i32
        %lt3A_136 = arith.cmpi slt, %rem3A_132, %lt3A_135 : i32
        %lt3A_137 = arith.constant 0 : i32
        %lt3A_138 = arith.cmpi slt, %select_n3A_131, %lt3A_137 : i32
        %ne3A_139 = arith.xori %lt3A_136, %lt3A_138 : i1
        %and3A_140 = arith.andi %ne3A_139, %ne3A_134 : i1
        %add3A_141 = arith.addi %rem3A_132, %select_n3A_131 : i32
        %select_n3A_142 = arith.select %and3A_140, %add3A_141, %rem3A_132 : i32
        %eq3A_143 = arith.constant 0 : i32
        %eq3A_144 = arith.cmpi eq, %select_n3A_142, %eq3A_143 : i32
        %lt3A_145 = arith.constant 500 : i32
        %lt3A_146 = arith.cmpi slt, %add3A_126, %lt3A_145 : i32
        %and3A_147 = arith.andi %eq3A_144, %lt3A_146 : i1
        %convert_element_type3A_148 = arith.extui %and3A_147 : i1 to i32
        %cond3A_149 = arith.constant 0 : i32
        %cond3A_150 = arith.cmpi ne, %convert_element_type3A_148, %cond3A_149 : i32
        scf.if %cond3A_150 {
          %gt3A_255 = arith.constant 0 : i32
          %gt3A_256 = arith.cmpi sgt, %select_n3A_123, %gt3A_255 : i32
          %convert_element_type3A_257 = arith.extui %gt3A_256 : i1 to i32
          %cond3A_258 = arith.constant 0 : i32
          %cond3A_259 = arith.cmpi ne, %convert_element_type3A_257, %cond3A_258 : i32
          scf.if %cond3A_259 {
            %sub3A_276 = arith.constant 32 : i32
            %sub3A_277 = arith.subi %add3A_126, %sub3A_276 : i32
            %lt3A_278 = arith.constant 250 : i32
            %lt3A_279 = arith.cmpi slt, %sub3A_277, %lt3A_278 : i32
            %jit3A_280 = arith.constant 0 : i32
            %jit3A_281 = arith.constant 8 : i32
            %select_n3A_282 = arith.select %lt3A_279, %jit3A_280, %jit3A_281 : i32
            %multiple_of3A_283 = tpu.assume_multiple %select_n3A_282, 8 : i32
            %lt3A_284 = arith.constant 250 : i32
            %lt3A_285 = arith.cmpi slt, %sub3A_277, %lt3A_284 : i32
            %sub3A_286 = arith.constant 250 : i32
            %sub3A_287 = arith.subi %sub3A_277, %sub3A_286 : i32
            %select_n3A_288 = arith.select %lt3A_285, %sub3A_277, %sub3A_287 : i32
            %mul3A_289 = arith.constant 1280 : i32
            %mul3A_290 = arith.muli %select_n3A_288, %mul3A_289 : i32
            %multiple_of3A_291 = tpu.assume_multiple %mul3A_290, 128 : i32
            %dma_wait3A_292 = tpu.memref_slice %arg6[%multiple_of3A_283, %multiple_of3A_291] : memref<272x320000xf32, #tpu.memory_space<hbm>> -> memref<8x1280xf32, #tpu.memory_space<hbm>>
            %dma_wait3A_293 = tpu.memref_slice %arg6[%multiple_of3A_283, %multiple_of3A_291] : memref<272x320000xf32, #tpu.memory_space<hbm>> -> memref<8x1280xf32, #tpu.memory_space<hbm>>
            tpu.wait_dma2 semaphore(%arg19 : memref<!tpu.dma_semaphore, #tpu.memory_space<semaphore_mem>>) src(%arg12 : memref<8x1280xf32, #tpu.memory_space<vmem>>) dst(%dma_wait3A_293 : memref<8x1280xf32, #tpu.memory_space<hbm>>)
          } else {
          }
          %lt3A_260 = arith.constant 250 : i32
          %lt3A_261 = arith.cmpi slt, %add3A_126, %lt3A_260 : i32
          %jit3A_262 = arith.constant 0 : i32
          %jit3A_263 = arith.constant 8 : i32
          %select_n3A_264 = arith.select %lt3A_261, %jit3A_262, %jit3A_263 : i32
          %multiple_of3A_265 = tpu.assume_multiple %select_n3A_264, 8 : i32
          %lt3A_266 = arith.constant 250 : i32
          %lt3A_267 = arith.cmpi slt, %add3A_126, %lt3A_266 : i32
          %sub3A_268 = arith.constant 250 : i32
          %sub3A_269 = arith.subi %add3A_126, %sub3A_268 : i32
          %select_n3A_270 = arith.select %lt3A_267, %add3A_126, %sub3A_269 : i32
          %mul3A_271 = arith.constant 1280 : i32
          %mul3A_272 = arith.muli %select_n3A_270, %mul3A_271 : i32
          %multiple_of3A_273 = tpu.assume_multiple %mul3A_272, 128 : i32
          %dma_start3A_274 = tpu.memref_slice %arg3[%multiple_of3A_265, %multiple_of3A_273] : memref<16x320000xf32, #tpu.memory_space<hbm>> -> memref<8x1280xf32, #tpu.memory_space<hbm>>
          %dma_start3A_275 = tpu.memref_slice %arg3[%multiple_of3A_265, %multiple_of3A_273] : memref<16x320000xf32, #tpu.memory_space<hbm>> -> memref<8x1280xf32, #tpu.memory_space<hbm>>
          tpu.enqueue_dma source(%dma_start3A_275 : memref<8x1280xf32, #tpu.memory_space<hbm>>) target(%arg12 : memref<8x1280xf32, #tpu.memory_space<vmem>>) target_semaphore(%arg18 : memref<!tpu.dma_semaphore, #tpu.memory_space<semaphore_mem>>)
        } else {
        }
        %jit3A_151 = arith.constant 2 : i32
        %eq3A_152 = arith.constant 0 : i32
        %eq3A_153 = arith.cmpi eq, %jit3A_151, %eq3A_152 : i32
        %jit3A_154 = arith.constant 1 : i32
        %select_n3A_155 = arith.select %eq3A_153, %jit3A_154, %jit3A_151 : i32
        %rem3A_156 = arith.remsi %scan3A_99, %select_n3A_155 : i32
        %ne3A_157 = arith.constant 0 : i32
        %ne3A_158 = arith.cmpi ne, %rem3A_156, %ne3A_157 : i32
        %lt3A_159 = arith.constant 0 : i32
        %lt3A_160 = arith.cmpi slt, %rem3A_156, %lt3A_159 : i32
        %lt3A_161 = arith.constant 0 : i32
        %lt3A_162 = arith.cmpi slt, %select_n3A_155, %lt3A_161 : i32
        %ne3A_163 = arith.xori %lt3A_160, %lt3A_162 : i1
        %and3A_164 = arith.andi %ne3A_163, %ne3A_158 : i1
        %add3A_165 = arith.addi %rem3A_156, %select_n3A_155 : i32
        %select_n3A_166 = arith.select %and3A_164, %add3A_165, %rem3A_156 : i32
        %eq3A_167 = arith.constant 1 : i32
        %eq3A_168 = arith.cmpi eq, %select_n3A_166, %eq3A_167 : i32
        %lt3A_169 = arith.constant 500 : i32
        %lt3A_170 = arith.cmpi slt, %add3A_126, %lt3A_169 : i32
        %and3A_171 = arith.andi %eq3A_168, %lt3A_170 : i1
        %convert_element_type3A_172 = arith.extui %and3A_171 : i1 to i32
        %cond3A_173 = arith.constant 0 : i32
        %cond3A_174 = arith.cmpi ne, %convert_element_type3A_172, %cond3A_173 : i32
        scf.if %cond3A_174 {
          %lt3A_255 = arith.constant 250 : i32
          %lt3A_256 = arith.cmpi slt, %add3A_126, %lt3A_255 : i32
          %jit3A_257 = arith.constant 0 : i32
          %jit3A_258 = arith.constant 8 : i32
          %select_n3A_259 = arith.select %lt3A_256, %jit3A_257, %jit3A_258 : i32
          %multiple_of3A_260 = tpu.assume_multiple %select_n3A_259, 8 : i32
          %lt3A_261 = arith.constant 250 : i32
          %lt3A_262 = arith.cmpi slt, %add3A_126, %lt3A_261 : i32
          %sub3A_263 = arith.constant 250 : i32
          %sub3A_264 = arith.subi %add3A_126, %sub3A_263 : i32
          %select_n3A_265 = arith.select %lt3A_262, %add3A_126, %sub3A_264 : i32
          %mul3A_266 = arith.constant 1280 : i32
          %mul3A_267 = arith.muli %select_n3A_265, %mul3A_266 : i32
          %multiple_of3A_268 = tpu.assume_multiple %mul3A_267, 128 : i32
          %dma_wait3A_269 = tpu.memref_slice %arg3[%multiple_of3A_260, %multiple_of3A_268] : memref<16x320000xf32, #tpu.memory_space<hbm>> -> memref<8x1280xf32, #tpu.memory_space<hbm>>
          %dma_wait3A_270 = tpu.memref_slice %arg3[%multiple_of3A_260, %multiple_of3A_268] : memref<16x320000xf32, #tpu.memory_space<hbm>> -> memref<8x1280xf32, #tpu.memory_space<hbm>>
          tpu.wait_dma2 semaphore(%arg18 : memref<!tpu.dma_semaphore, #tpu.memory_space<semaphore_mem>>) src(%dma_wait3A_270 : memref<8x1280xf32, #tpu.memory_space<hbm>>) dst(%arg12 : memref<8x1280xf32, #tpu.memory_space<vmem>>)
          %dma_start3A_271 = tpu.memref_slice %arg6[%multiple_of3A_260, %multiple_of3A_268] : memref<272x320000xf32, #tpu.memory_space<hbm>> -> memref<8x1280xf32, #tpu.memory_space<hbm>>
          %dma_start3A_272 = tpu.memref_slice %arg6[%multiple_of3A_260, %multiple_of3A_268] : memref<272x320000xf32, #tpu.memory_space<hbm>> -> memref<8x1280xf32, #tpu.memory_space<hbm>>
          tpu.enqueue_dma source(%arg12 : memref<8x1280xf32, #tpu.memory_space<vmem>>) target(%dma_start3A_272 : memref<8x1280xf32, #tpu.memory_space<hbm>>) target_semaphore(%arg19 : memref<!tpu.dma_semaphore, #tpu.memory_space<semaphore_mem>>)
        } else {
        }
        %jit3A_175 = arith.constant 2 : i32
        %eq3A_176 = arith.constant 0 : i32
        %eq3A_177 = arith.cmpi eq, %jit3A_175, %eq3A_176 : i32
        %jit3A_178 = arith.constant 1 : i32
        %select_n3A_179 = arith.select %eq3A_177, %jit3A_178, %jit3A_175 : i32
        %rem3A_180 = arith.remsi %scan3A_99, %select_n3A_179 : i32
        %ne3A_181 = arith.constant 0 : i32
        %ne3A_182 = arith.cmpi ne, %rem3A_180, %ne3A_181 : i32
        %lt3A_183 = arith.constant 0 : i32
        %lt3A_184 = arith.cmpi slt, %rem3A_180, %lt3A_183 : i32
        %lt3A_185 = arith.constant 0 : i32
        %lt3A_186 = arith.cmpi slt, %select_n3A_179, %lt3A_185 : i32
        %ne3A_187 = arith.xori %lt3A_184, %lt3A_186 : i1
        %and3A_188 = arith.andi %ne3A_187, %ne3A_182 : i1
        %add3A_189 = arith.addi %rem3A_180, %select_n3A_179 : i32
        %select_n3A_190 = arith.select %and3A_188, %add3A_189, %rem3A_180 : i32
        %eq3A_191 = arith.constant 0 : i32
        %eq3A_192 = arith.cmpi eq, %select_n3A_190, %eq3A_191 : i32
        %convert_element_type3A_193 = arith.extui %eq3A_192 : i1 to i32
        %cond3A_194 = arith.constant 0 : i32
        %cond3A_195 = arith.cmpi ne, %convert_element_type3A_193, %cond3A_194 : i32
        scf.if %cond3A_195 {
          %dma_wait3A_255 = arith.constant 0 : i32
          %dma_wait3A_256 = tpu.memref_slice %arg4[%dma_wait3A_255] : memref<320000xi32, #tpu.memory_space<hbm>> -> memref<2560xi32, #tpu.memory_space<hbm>>
          %dma_wait3A_257 = arith.constant 0 : i32
          %dma_wait3A_258 = tpu.memref_slice %arg4[%dma_wait3A_257] : memref<320000xi32, #tpu.memory_space<hbm>> -> memref<2560xi32, #tpu.memory_space<hbm>>
          tpu.wait_dma2 semaphore(%arg15 : memref<!tpu.dma_semaphore, #tpu.memory_space<semaphore_mem>>) src(%dma_wait3A_258 : memref<2560xi32, #tpu.memory_space<hbm>>) dst(%arg8 : memref<2560xi32, #tpu.memory_space<vmem>>)
        } else {
        }
        %eq3A_196 = arith.constant 1 : i32
        %eq3A_197 = arith.cmpi eq, %select_n3A_190, %eq3A_196 : i32
        %convert_element_type3A_198 = arith.extui %eq3A_197 : i1 to i32
        %cond3A_199 = arith.constant 0 : i32
        %cond3A_200 = arith.cmpi ne, %convert_element_type3A_198, %cond3A_199 : i32
        scf.if %cond3A_200 {
          %dma_wait3A_255 = arith.constant 0 : i32
          %dma_wait3A_256 = tpu.memref_slice %arg4[%dma_wait3A_255] : memref<320000xi32, #tpu.memory_space<hbm>> -> memref<2560xi32, #tpu.memory_space<hbm>>
          %dma_wait3A_257 = arith.constant 0 : i32
          %dma_wait3A_258 = tpu.memref_slice %arg4[%dma_wait3A_257] : memref<320000xi32, #tpu.memory_space<hbm>> -> memref<2560xi32, #tpu.memory_space<hbm>>
          tpu.wait_dma2 semaphore(%arg16 : memref<!tpu.dma_semaphore, #tpu.memory_space<semaphore_mem>>) src(%dma_wait3A_258 : memref<2560xi32, #tpu.memory_space<hbm>>) dst(%arg9 : memref<2560xi32, #tpu.memory_space<vmem>>)
        } else {
        }
        %mul3A_201 = arith.constant 2 : i32
        %mul3A_202 = arith.muli %mul3A_201, %scan3A_99 : i32
        %add3A_203 = arith.constant 0 : i32
        %add3A_204 = arith.addi %mul3A_202, %add3A_203 : i32
        %mul3A_205 = arith.constant 1280 : i32
        %mul3A_206 = arith.muli %add3A_204, %mul3A_205 : i32
        %multiple_of3A_207 = tpu.assume_multiple %mul3A_206, 128 : i32
        %gt3A = arith.constant 0 : i32
        %gt3A_208 = arith.cmpi sgt, %scan3A_99, %gt3A : i32
        %convert_element_type3A_209 = arith.extui %gt3A_208 : i1 to i32
        %cond3A_210 = arith.constant 0 : i32
        %cond3A_211 = arith.cmpi ne, %convert_element_type3A_209, %cond3A_210 : i32
        scf.if %cond3A_211 {
          %sub3A_255 = arith.constant 2 : i32
          %sub3A_256 = arith.subi %add3A_204, %sub3A_255 : i32
          %mul3A_257 = arith.constant 1280 : i32
          %mul3A_258 = arith.muli %sub3A_256, %mul3A_257 : i32
          %multiple_of3A_259 = tpu.assume_multiple %mul3A_258, 128 : i32
          %dma_wait3A_260 = tpu.memref_slice %arg6[%add3A_42, %multiple_of3A_259] : memref<272x320000xf32, #tpu.memory_space<hbm>> -> memref<8x1280xf32, #tpu.memory_space<hbm>>
          %dma_wait3A_261 = tpu.memref_slice %arg6[%add3A_42, %multiple_of3A_259] : memref<272x320000xf32, #tpu.memory_space<hbm>> -> memref<8x1280xf32, #tpu.memory_space<hbm>>
          tpu.wait_dma2 semaphore(%arg13 : memref<!tpu.dma_semaphore, #tpu.memory_space<semaphore_mem>>) src(%arg10 : memref<8x1280xf32, #tpu.memory_space<vmem>>) dst(%dma_wait3A_261 : memref<8x1280xf32, #tpu.memory_space<hbm>>)
        } else {
        }
        %eq3A_212 = arith.constant 0 : i32
        %eq3A_213 = arith.cmpi eq, %select_n3A_190, %eq3A_212 : i32
        %convert_element_type3A_214 = arith.extui %eq3A_213 : i1 to i32
        %cond3A_215 = arith.constant 0 : i32
        %cond3A_216 = arith.cmpi ne, %convert_element_type3A_214, %cond3A_215 : i32
        scf.if %cond3A_216 {
          %parallel_loop3A = arith.constant 0 : i32
          %parallel_loop3A_255 = arith.constant 80 : i32
          %parallel_loop3A_256 = arith.constant 1 : i32
          scf.for %parallel_loop3A_257 = %parallel_loop3A to %parallel_loop3A_255 step %parallel_loop3A_256  : i32 {
            %parallel_loop3A_258 = arith.constant 16 : i32
            %parallel_loop3A_259 = arith.muli %parallel_loop3A_257, %parallel_loop3A_258 : i32
            %parallel_loop3A_260 = arith.constant 0 : i32
            %parallel_loop3A_261 = arith.addi %parallel_loop3A_260, %parallel_loop3A_259 : i32
            %parallel_loop3A_262 = arith.index_cast %parallel_loop3A_261 : i32 to index
            %parallel_loop3A_263 = tpu.vector_load %arg8[%parallel_loop3A_262] {strides = array<i32>} : memref<2560xi32, #tpu.memory_space<vmem>>, vector<16xi32>,
            %parallel_loop3A_264 = arith.constant 0 : i32
            %parallel_loop3A_265 = vector.broadcast %parallel_loop3A_264 : i32 to vector<16xi32>
            %parallel_loop3A_266 = tpu.vector_load_idx %arg7[%parallel_loop3A_265, %parallel_loop3A_263] : memref<8x10000xf32, #tpu.memory_space<vmem>>[vector<16xi32>, vector<16xi32>], vector<16xf32>,
            %parallel_loop3A_267 = arith.constant 16 : i32
            %parallel_loop3A_268 = arith.muli %parallel_loop3A_257, %parallel_loop3A_267 : i32
            %parallel_loop3A_269 = arith.constant 0 : i32
            %parallel_loop3A_270 = arith.index_cast %parallel_loop3A_269 : i32 to index
            %parallel_loop3A_271 = arith.index_cast %parallel_loop3A_268 : i32 to index
            %parallel_loop3A_272 = tpu.vector_load %arg10[%parallel_loop3A_270, %parallel_loop3A_271] {strides = array<i32>} : memref<8x1280xf32, #tpu.memory_space<vmem>>, vector<16xf32>,
            tpu.vector_store %arg10[%parallel_loop3A_270, %parallel_loop3A_271], %parallel_loop3A_266 {strides = array<i32>} : memref<8x1280xf32, #tpu.memory_space<vmem>>, vector<16xf32>,
            %parallel_loop3A_273 = arith.constant 1 : i32
            %parallel_loop3A_274 = vector.broadcast %parallel_loop3A_273 : i32 to vector<16xi32>
            %parallel_loop3A_275 = tpu.vector_load_idx %arg7[%parallel_loop3A_274, %parallel_loop3A_263] : memref<8x10000xf32, #tpu.memory_space<vmem>>[vector<16xi32>, vector<16xi32>], vector<16xf32>,
            %parallel_loop3A_276 = arith.constant 16 : i32
            %parallel_loop3A_277 = arith.muli %parallel_loop3A_257, %parallel_loop3A_276 : i32
            %parallel_loop3A_278 = arith.constant 1 : i32
            %parallel_loop3A_279 = arith.index_cast %parallel_loop3A_278 : i32 to index
            %parallel_loop3A_280 = arith.index_cast %parallel_loop3A_277 : i32 to index
            %parallel_loop3A_281 = tpu.vector_load %arg10[%parallel_loop3A_279, %parallel_loop3A_280] {strides = array<i32>} : memref<8x1280xf32, #tpu.memory_space<vmem>>, vector<16xf32>,
            tpu.vector_store %arg10[%parallel_loop3A_279, %parallel_loop3A_280], %parallel_loop3A_275 {strides = array<i32>} : memref<8x1280xf32, #tpu.memory_space<vmem>>, vector<16xf32>,
            %parallel_loop3A_282 = arith.constant 2 : i32
            %parallel_loop3A_283 = vector.broadcast %parallel_loop3A_282 : i32 to vector<16xi32>
            %parallel_loop3A_284 = tpu.vector_load_idx %arg7[%parallel_loop3A_283, %parallel_loop3A_263] : memref<8x10000xf32, #tpu.memory_space<vmem>>[vector<16xi32>, vector<16xi32>], vector<16xf32>,
            %parallel_loop3A_285 = arith.constant 16 : i32
            %parallel_loop3A_286 = arith.muli %parallel_loop3A_257, %parallel_loop3A_285 : i32
            %parallel_loop3A_287 = arith.constant 2 : i32
            %parallel_loop3A_288 = arith.index_cast %parallel_loop3A_287 : i32 to index
            %parallel_loop3A_289 = arith.index_cast %parallel_loop3A_286 : i32 to index
            %parallel_loop3A_290 = tpu.vector_load %arg10[%parallel_loop3A_288, %parallel_loop3A_289] {strides = array<i32>} : memref<8x1280xf32, #tpu.memory_space<vmem>>, vector<16xf32>,
            tpu.vector_store %arg10[%parallel_loop3A_288, %parallel_loop3A_289], %parallel_loop3A_284 {strides = array<i32>} : memref<8x1280xf32, #tpu.memory_space<vmem>>, vector<16xf32>,
            %parallel_loop3A_291 = arith.constant 3 : i32
            %parallel_loop3A_292 = vector.broadcast %parallel_loop3A_291 : i32 to vector<16xi32>
            %parallel_loop3A_293 = tpu.vector_load_idx %arg7[%parallel_loop3A_292, %parallel_loop3A_263] : memref<8x10000xf32, #tpu.memory_space<vmem>>[vector<16xi32>, vector<16xi32>], vector<16xf32>,
            %parallel_loop3A_294 = arith.constant 16 : i32
            %parallel_loop3A_295 = arith.muli %parallel_loop3A_257, %parallel_loop3A_294 : i32
            %parallel_loop3A_296 = arith.constant 3 : i32
            %parallel_loop3A_297 = arith.index_cast %parallel_loop3A_296 : i32 to index
            %parallel_loop3A_298 = arith.index_cast %parallel_loop3A_295 : i32 to index
            %parallel_loop3A_299 = tpu.vector_load %arg10[%parallel_loop3A_297, %parallel_loop3A_298] {strides = array<i32>} : memref<8x1280xf32, #tpu.memory_space<vmem>>, vector<16xf32>,
            tpu.vector_store %arg10[%parallel_loop3A_297, %parallel_loop3A_298], %parallel_loop3A_293 {strides = array<i32>} : memref<8x1280xf32, #tpu.memory_space<vmem>>, vector<16xf32>,
            %parallel_loop3A_300 = arith.constant 4 : i32
            %parallel_loop3A_301 = vector.broadcast %parallel_loop3A_300 : i32 to vector<16xi32>
            %parallel_loop3A_302 = tpu.vector_load_idx %arg7[%parallel_loop3A_301, %parallel_loop3A_263] : memref<8x10000xf32, #tpu.memory_space<vmem>>[vector<16xi32>, vector<16xi32>], vector<16xf32>,
            %parallel_loop3A_303 = arith.constant 16 : i32
            %parallel_loop3A_304 = arith.muli %parallel_loop3A_257, %parallel_loop3A_303 : i32
            %parallel_loop3A_305 = arith.constant 4 : i32
            %parallel_loop3A_306 = arith.index_cast %parallel_loop3A_305 : i32 to index
            %parallel_loop3A_307 = arith.index_cast %parallel_loop3A_304 : i32 to index
            %parallel_loop3A_308 = tpu.vector_load %arg10[%parallel_loop3A_306, %parallel_loop3A_307] {strides = array<i32>} : memref<8x1280xf32, #tpu.memory_space<vmem>>, vector<16xf32>,
            tpu.vector_store %arg10[%parallel_loop3A_306, %parallel_loop3A_307], %parallel_loop3A_302 {strides = array<i32>} : memref<8x1280xf32, #tpu.memory_space<vmem>>, vector<16xf32>,
            %parallel_loop3A_309 = arith.constant 5 : i32
            %parallel_loop3A_310 = vector.broadcast %parallel_loop3A_309 : i32 to vector<16xi32>
            %parallel_loop3A_311 = tpu.vector_load_idx %arg7[%parallel_loop3A_310, %parallel_loop3A_263] : memref<8x10000xf32, #tpu.memory_space<vmem>>[vector<16xi32>, vector<16xi32>], vector<16xf32>,
            %parallel_loop3A_312 = arith.constant 16 : i32
            %parallel_loop3A_313 = arith.muli %parallel_loop3A_257, %parallel_loop3A_312 : i32
            %parallel_loop3A_314 = arith.constant 5 : i32
            %parallel_loop3A_315 = arith.index_cast %parallel_loop3A_314 : i32 to index
            %parallel_loop3A_316 = arith.index_cast %parallel_loop3A_313 : i32 to index
            %parallel_loop3A_317 = tpu.vector_load %arg10[%parallel_loop3A_315, %parallel_loop3A_316] {strides = array<i32>} : memref<8x1280xf32, #tpu.memory_space<vmem>>, vector<16xf32>,
            tpu.vector_store %arg10[%parallel_loop3A_315, %parallel_loop3A_316], %parallel_loop3A_311 {strides = array<i32>} : memref<8x1280xf32, #tpu.memory_space<vmem>>, vector<16xf32>,
            %parallel_loop3A_318 = arith.constant 6 : i32
            %parallel_loop3A_319 = vector.broadcast %parallel_loop3A_318 : i32 to vector<16xi32>
            %parallel_loop3A_320 = tpu.vector_load_idx %arg7[%parallel_loop3A_319, %parallel_loop3A_263] : memref<8x10000xf32, #tpu.memory_space<vmem>>[vector<16xi32>, vector<16xi32>], vector<16xf32>,
            %parallel_loop3A_321 = arith.constant 16 : i32
            %parallel_loop3A_322 = arith.muli %parallel_loop3A_257, %parallel_loop3A_321 : i32
            %parallel_loop3A_323 = arith.constant 6 : i32
            %parallel_loop3A_324 = arith.index_cast %parallel_loop3A_323 : i32 to index
            %parallel_loop3A_325 = arith.index_cast %parallel_loop3A_322 : i32 to index
            %parallel_loop3A_326 = tpu.vector_load %arg10[%parallel_loop3A_324, %parallel_loop3A_325] {strides = array<i32>} : memref<8x1280xf32, #tpu.memory_space<vmem>>, vector<16xf32>,
            tpu.vector_store %arg10[%parallel_loop3A_324, %parallel_loop3A_325], %parallel_loop3A_320 {strides = array<i32>} : memref<8x1280xf32, #tpu.memory_space<vmem>>, vector<16xf32>,
            %parallel_loop3A_327 = arith.constant 7 : i32
            %parallel_loop3A_328 = vector.broadcast %parallel_loop3A_327 : i32 to vector<16xi32>
            %parallel_loop3A_329 = tpu.vector_load_idx %arg7[%parallel_loop3A_328, %parallel_loop3A_263] : memref<8x10000xf32, #tpu.memory_space<vmem>>[vector<16xi32>, vector<16xi32>], vector<16xf32>,
            %parallel_loop3A_330 = arith.constant 16 : i32
            %parallel_loop3A_331 = arith.muli %parallel_loop3A_257, %parallel_loop3A_330 : i32
            %parallel_loop3A_332 = arith.constant 7 : i32
            %parallel_loop3A_333 = arith.index_cast %parallel_loop3A_332 : i32 to index
            %parallel_loop3A_334 = arith.index_cast %parallel_loop3A_331 : i32 to index
            %parallel_loop3A_335 = tpu.vector_load %arg10[%parallel_loop3A_333, %parallel_loop3A_334] {strides = array<i32>} : memref<8x1280xf32, #tpu.memory_space<vmem>>, vector<16xf32>,
            tpu.vector_store %arg10[%parallel_loop3A_333, %parallel_loop3A_334], %parallel_loop3A_329 {strides = array<i32>} : memref<8x1280xf32, #tpu.memory_space<vmem>>, vector<16xf32>,
          } {sc.loop_unroll_factor = 2 : i64, sc.parallel_access}
        } else {
        }
        %eq3A_217 = arith.constant 1 : i32
        %eq3A_218 = arith.cmpi eq, %select_n3A_190, %eq3A_217 : i32
        %convert_element_type3A_219 = arith.extui %eq3A_218 : i1 to i32
        %cond3A_220 = arith.constant 0 : i32
        %cond3A_221 = arith.cmpi ne, %convert_element_type3A_219, %cond3A_220 : i32
        scf.if %cond3A_221 {
          %parallel_loop3A = arith.constant 0 : i32
          %parallel_loop3A_255 = arith.constant 80 : i32
          %parallel_loop3A_256 = arith.constant 1 : i32
          scf.for %parallel_loop3A_257 = %parallel_loop3A to %parallel_loop3A_255 step %parallel_loop3A_256  : i32 {
            %parallel_loop3A_258 = arith.constant 16 : i32
            %parallel_loop3A_259 = arith.muli %parallel_loop3A_257, %parallel_loop3A_258 : i32
            %parallel_loop3A_260 = arith.constant 0 : i32
            %parallel_loop3A_261 = arith.addi %parallel_loop3A_260, %parallel_loop3A_259 : i32
            %parallel_loop3A_262 = arith.index_cast %parallel_loop3A_261 : i32 to index
            %parallel_loop3A_263 = tpu.vector_load %arg9[%parallel_loop3A_262] {strides = array<i32>} : memref<2560xi32, #tpu.memory_space<vmem>>, vector<16xi32>,
            %parallel_loop3A_264 = arith.constant 0 : i32
            %parallel_loop3A_265 = vector.broadcast %parallel_loop3A_264 : i32 to vector<16xi32>
            %parallel_loop3A_266 = tpu.vector_load_idx %arg7[%parallel_loop3A_265, %parallel_loop3A_263] : memref<8x10000xf32, #tpu.memory_space<vmem>>[vector<16xi32>, vector<16xi32>], vector<16xf32>,
            %parallel_loop3A_267 = arith.constant 16 : i32
            %parallel_loop3A_268 = arith.muli %parallel_loop3A_257, %parallel_loop3A_267 : i32
            %parallel_loop3A_269 = arith.constant 0 : i32
            %parallel_loop3A_270 = arith.index_cast %parallel_loop3A_269 : i32 to index
            %parallel_loop3A_271 = arith.index_cast %parallel_loop3A_268 : i32 to index
            %parallel_loop3A_272 = tpu.vector_load %arg10[%parallel_loop3A_270, %parallel_loop3A_271] {strides = array<i32>} : memref<8x1280xf32, #tpu.memory_space<vmem>>, vector<16xf32>,
            tpu.vector_store %arg10[%parallel_loop3A_270, %parallel_loop3A_271], %parallel_loop3A_266 {strides = array<i32>} : memref<8x1280xf32, #tpu.memory_space<vmem>>, vector<16xf32>,
            %parallel_loop3A_273 = arith.constant 1 : i32
            %parallel_loop3A_274 = vector.broadcast %parallel_loop3A_273 : i32 to vector<16xi32>
            %parallel_loop3A_275 = tpu.vector_load_idx %arg7[%parallel_loop3A_274, %parallel_loop3A_263] : memref<8x10000xf32, #tpu.memory_space<vmem>>[vector<16xi32>, vector<16xi32>], vector<16xf32>,
            %parallel_loop3A_276 = arith.constant 16 : i32
            %parallel_loop3A_277 = arith.muli %parallel_loop3A_257, %parallel_loop3A_276 : i32
            %parallel_loop3A_278 = arith.constant 1 : i32
            %parallel_loop3A_279 = arith.index_cast %parallel_loop3A_278 : i32 to index
            %parallel_loop3A_280 = arith.index_cast %parallel_loop3A_277 : i32 to index
            %parallel_loop3A_281 = tpu.vector_load %arg10[%parallel_loop3A_279, %parallel_loop3A_280] {strides = array<i32>} : memref<8x1280xf32, #tpu.memory_space<vmem>>, vector<16xf32>,
            tpu.vector_store %arg10[%parallel_loop3A_279, %parallel_loop3A_280], %parallel_loop3A_275 {strides = array<i32>} : memref<8x1280xf32, #tpu.memory_space<vmem>>, vector<16xf32>,
            %parallel_loop3A_282 = arith.constant 2 : i32
            %parallel_loop3A_283 = vector.broadcast %parallel_loop3A_282 : i32 to vector<16xi32>
            %parallel_loop3A_284 = tpu.vector_load_idx %arg7[%parallel_loop3A_283, %parallel_loop3A_263] : memref<8x10000xf32, #tpu.memory_space<vmem>>[vector<16xi32>, vector<16xi32>], vector<16xf32>,
            %parallel_loop3A_285 = arith.constant 16 : i32
            %parallel_loop3A_286 = arith.muli %parallel_loop3A_257, %parallel_loop3A_285 : i32
            %parallel_loop3A_287 = arith.constant 2 : i32
            %parallel_loop3A_288 = arith.index_cast %parallel_loop3A_287 : i32 to index
            %parallel_loop3A_289 = arith.index_cast %parallel_loop3A_286 : i32 to index
            %parallel_loop3A_290 = tpu.vector_load %arg10[%parallel_loop3A_288, %parallel_loop3A_289] {strides = array<i32>} : memref<8x1280xf32, #tpu.memory_space<vmem>>, vector<16xf32>,
            tpu.vector_store %arg10[%parallel_loop3A_288, %parallel_loop3A_289], %parallel_loop3A_284 {strides = array<i32>} : memref<8x1280xf32, #tpu.memory_space<vmem>>, vector<16xf32>,
            %parallel_loop3A_291 = arith.constant 3 : i32
            %parallel_loop3A_292 = vector.broadcast %parallel_loop3A_291 : i32 to vector<16xi32>
            %parallel_loop3A_293 = tpu.vector_load_idx %arg7[%parallel_loop3A_292, %parallel_loop3A_263] : memref<8x10000xf32, #tpu.memory_space<vmem>>[vector<16xi32>, vector<16xi32>], vector<16xf32>,
            %parallel_loop3A_294 = arith.constant 16 : i32
            %parallel_loop3A_295 = arith.muli %parallel_loop3A_257, %parallel_loop3A_294 : i32
            %parallel_loop3A_296 = arith.constant 3 : i32
            %parallel_loop3A_297 = arith.index_cast %parallel_loop3A_296 : i32 to index
            %parallel_loop3A_298 = arith.index_cast %parallel_loop3A_295 : i32 to index
            %parallel_loop3A_299 = tpu.vector_load %arg10[%parallel_loop3A_297, %parallel_loop3A_298] {strides = array<i32>} : memref<8x1280xf32, #tpu.memory_space<vmem>>, vector<16xf32>,
            tpu.vector_store %arg10[%parallel_loop3A_297, %parallel_loop3A_298], %parallel_loop3A_293 {strides = array<i32>} : memref<8x1280xf32, #tpu.memory_space<vmem>>, vector<16xf32>,
            %parallel_loop3A_300 = arith.constant 4 : i32
            %parallel_loop3A_301 = vector.broadcast %parallel_loop3A_300 : i32 to vector<16xi32>
            %parallel_loop3A_302 = tpu.vector_load_idx %arg7[%parallel_loop3A_301, %parallel_loop3A_263] : memref<8x10000xf32, #tpu.memory_space<vmem>>[vector<16xi32>, vector<16xi32>], vector<16xf32>,
            %parallel_loop3A_303 = arith.constant 16 : i32
            %parallel_loop3A_304 = arith.muli %parallel_loop3A_257, %parallel_loop3A_303 : i32
            %parallel_loop3A_305 = arith.constant 4 : i32
            %parallel_loop3A_306 = arith.index_cast %parallel_loop3A_305 : i32 to index
            %parallel_loop3A_307 = arith.index_cast %parallel_loop3A_304 : i32 to index
            %parallel_loop3A_308 = tpu.vector_load %arg10[%parallel_loop3A_306, %parallel_loop3A_307] {strides = array<i32>} : memref<8x1280xf32, #tpu.memory_space<vmem>>, vector<16xf32>,
            tpu.vector_store %arg10[%parallel_loop3A_306, %parallel_loop3A_307], %parallel_loop3A_302 {strides = array<i32>} : memref<8x1280xf32, #tpu.memory_space<vmem>>, vector<16xf32>,
            %parallel_loop3A_309 = arith.constant 5 : i32
            %parallel_loop3A_310 = vector.broadcast %parallel_loop3A_309 : i32 to vector<16xi32>
            %parallel_loop3A_311 = tpu.vector_load_idx %arg7[%parallel_loop3A_310, %parallel_loop3A_263] : memref<8x10000xf32, #tpu.memory_space<vmem>>[vector<16xi32>, vector<16xi32>], vector<16xf32>,
            %parallel_loop3A_312 = arith.constant 16 : i32
            %parallel_loop3A_313 = arith.muli %parallel_loop3A_257, %parallel_loop3A_312 : i32
            %parallel_loop3A_314 = arith.constant 5 : i32
            %parallel_loop3A_315 = arith.index_cast %parallel_loop3A_314 : i32 to index
            %parallel_loop3A_316 = arith.index_cast %parallel_loop3A_313 : i32 to index
            %parallel_loop3A_317 = tpu.vector_load %arg10[%parallel_loop3A_315, %parallel_loop3A_316] {strides = array<i32>} : memref<8x1280xf32, #tpu.memory_space<vmem>>, vector<16xf32>,
            tpu.vector_store %arg10[%parallel_loop3A_315, %parallel_loop3A_316], %parallel_loop3A_311 {strides = array<i32>} : memref<8x1280xf32, #tpu.memory_space<vmem>>, vector<16xf32>,
            %parallel_loop3A_318 = arith.constant 6 : i32
            %parallel_loop3A_319 = vector.broadcast %parallel_loop3A_318 : i32 to vector<16xi32>
            %parallel_loop3A_320 = tpu.vector_load_idx %arg7[%parallel_loop3A_319, %parallel_loop3A_263] : memref<8x10000xf32, #tpu.memory_space<vmem>>[vector<16xi32>, vector<16xi32>], vector<16xf32>,
            %parallel_loop3A_321 = arith.constant 16 : i32
            %parallel_loop3A_322 = arith.muli %parallel_loop3A_257, %parallel_loop3A_321 : i32
            %parallel_loop3A_323 = arith.constant 6 : i32
            %parallel_loop3A_324 = arith.index_cast %parallel_loop3A_323 : i32 to index
            %parallel_loop3A_325 = arith.index_cast %parallel_loop3A_322 : i32 to index
            %parallel_loop3A_326 = tpu.vector_load %arg10[%parallel_loop3A_324, %parallel_loop3A_325] {strides = array<i32>} : memref<8x1280xf32, #tpu.memory_space<vmem>>, vector<16xf32>,
            tpu.vector_store %arg10[%parallel_loop3A_324, %parallel_loop3A_325], %parallel_loop3A_320 {strides = array<i32>} : memref<8x1280xf32, #tpu.memory_space<vmem>>, vector<16xf32>,
            %parallel_loop3A_327 = arith.constant 7 : i32
            %parallel_loop3A_328 = vector.broadcast %parallel_loop3A_327 : i32 to vector<16xi32>
            %parallel_loop3A_329 = tpu.vector_load_idx %arg7[%parallel_loop3A_328, %parallel_loop3A_263] : memref<8x10000xf32, #tpu.memory_space<vmem>>[vector<16xi32>, vector<16xi32>], vector<16xf32>,
            %parallel_loop3A_330 = arith.constant 16 : i32
            %parallel_loop3A_331 = arith.muli %parallel_loop3A_257, %parallel_loop3A_330 : i32
            %parallel_loop3A_332 = arith.constant 7 : i32
            %parallel_loop3A_333 = arith.index_cast %parallel_loop3A_332 : i32 to index
            %parallel_loop3A_334 = arith.index_cast %parallel_loop3A_331 : i32 to index
            %parallel_loop3A_335 = tpu.vector_load %arg10[%parallel_loop3A_333, %parallel_loop3A_334] {strides = array<i32>} : memref<8x1280xf32, #tpu.memory_space<vmem>>, vector<16xf32>,
            tpu.vector_store %arg10[%parallel_loop3A_333, %parallel_loop3A_334], %parallel_loop3A_329 {strides = array<i32>} : memref<8x1280xf32, #tpu.memory_space<vmem>>, vector<16xf32>,
          } {sc.loop_unroll_factor = 2 : i64, sc.parallel_access}
        } else {
        }
        %dma_start3A_222 = tpu.memref_slice %arg6[%add3A_42, %multiple_of3A_207] : memref<272x320000xf32, #tpu.memory_space<hbm>> -> memref<8x1280xf32, #tpu.memory_space<hbm>>
        %dma_start3A_223 = tpu.memref_slice %arg6[%add3A_42, %multiple_of3A_207] : memref<272x320000xf32, #tpu.memory_space<hbm>> -> memref<8x1280xf32, #tpu.memory_space<hbm>>
        tpu.enqueue_dma source(%arg10 : memref<8x1280xf32, #tpu.memory_space<vmem>>) target(%dma_start3A_223 : memref<8x1280xf32, #tpu.memory_space<hbm>>) target_semaphore(%arg13 : memref<!tpu.dma_semaphore, #tpu.memory_space<semaphore_mem>>)
        %mul3A_224 = arith.constant 2 : i32
        %mul3A_225 = arith.muli %mul3A_224, %scan3A_99 : i32
        %add3A_226 = arith.constant 1 : i32
        %add3A_227 = arith.addi %mul3A_225, %add3A_226 : i32
        %mul3A_228 = arith.constant 1280 : i32
        %mul3A_229 = arith.muli %add3A_227, %mul3A_228 : i32
        %multiple_of3A_230 = tpu.assume_multiple %mul3A_229, 128 : i32
        %gt3A_231 = arith.constant 0 : i32
        %gt3A_232 = arith.cmpi sgt, %scan3A_99, %gt3A_231 : i32
        %convert_element_type3A_233 = arith.extui %gt3A_232 : i1 to i32
        %cond3A_234 = arith.constant 0 : i32
        %cond3A_235 = arith.cmpi ne, %convert_element_type3A_233, %cond3A_234 : i32
        scf.if %cond3A_235 {
          %sub3A_255 = arith.constant 2 : i32
          %sub3A_256 = arith.subi %add3A_227, %sub3A_255 : i32
          %mul3A_257 = arith.constant 1280 : i32
          %mul3A_258 = arith.muli %sub3A_256, %mul3A_257 : i32
          %multiple_of3A_259 = tpu.assume_multiple %mul3A_258, 128 : i32
          %dma_wait3A_260 = tpu.memref_slice %arg6[%add3A_42, %multiple_of3A_259] : memref<272x320000xf32, #tpu.memory_space<hbm>> -> memref<8x1280xf32, #tpu.memory_space<hbm>>
          %dma_wait3A_261 = tpu.memref_slice %arg6[%add3A_42, %multiple_of3A_259] : memref<272x320000xf32, #tpu.memory_space<hbm>> -> memref<8x1280xf32, #tpu.memory_space<hbm>>
          tpu.wait_dma2 semaphore(%arg14 : memref<!tpu.dma_semaphore, #tpu.memory_space<semaphore_mem>>) src(%arg11 : memref<8x1280xf32, #tpu.memory_space<vmem>>) dst(%dma_wait3A_261 : memref<8x1280xf32, #tpu.memory_space<hbm>>)
        } else {
        }
        %eq3A_236 = arith.constant 0 : i32
        %eq3A_237 = arith.cmpi eq, %select_n3A_190, %eq3A_236 : i32
        %convert_element_type3A_238 = arith.extui %eq3A_237 : i1 to i32
        %cond3A_239 = arith.constant 0 : i32
        %cond3A_240 = arith.cmpi ne, %convert_element_type3A_238, %cond3A_239 : i32
        scf.if %cond3A_240 {
          %parallel_loop3A = arith.constant 0 : i32
          %parallel_loop3A_255 = arith.constant 80 : i32
          %parallel_loop3A_256 = arith.constant 1 : i32
          scf.for %parallel_loop3A_257 = %parallel_loop3A to %parallel_loop3A_255 step %parallel_loop3A_256  : i32 {
            %parallel_loop3A_258 = arith.constant 16 : i32
            %parallel_loop3A_259 = arith.muli %parallel_loop3A_257, %parallel_loop3A_258 : i32
            %parallel_loop3A_260 = arith.constant 1280 : i32
            %parallel_loop3A_261 = arith.addi %parallel_loop3A_260, %parallel_loop3A_259 : i32
            %parallel_loop3A_262 = arith.index_cast %parallel_loop3A_261 : i32 to index
            %parallel_loop3A_263 = tpu.vector_load %arg8[%parallel_loop3A_262] {strides = array<i32>} : memref<2560xi32, #tpu.memory_space<vmem>>, vector<16xi32>,
            %parallel_loop3A_264 = arith.constant 0 : i32
            %parallel_loop3A_265 = vector.broadcast %parallel_loop3A_264 : i32 to vector<16xi32>
            %parallel_loop3A_266 = tpu.vector_load_idx %arg7[%parallel_loop3A_265, %parallel_loop3A_263] : memref<8x10000xf32, #tpu.memory_space<vmem>>[vector<16xi32>, vector<16xi32>], vector<16xf32>,
            %parallel_loop3A_267 = arith.constant 16 : i32
            %parallel_loop3A_268 = arith.muli %parallel_loop3A_257, %parallel_loop3A_267 : i32
            %parallel_loop3A_269 = arith.constant 0 : i32
            %parallel_loop3A_270 = arith.index_cast %parallel_loop3A_269 : i32 to index
            %parallel_loop3A_271 = arith.index_cast %parallel_loop3A_268 : i32 to index
            %parallel_loop3A_272 = tpu.vector_load %arg11[%parallel_loop3A_270, %parallel_loop3A_271] {strides = array<i32>} : memref<8x1280xf32, #tpu.memory_space<vmem>>, vector<16xf32>,
            tpu.vector_store %arg11[%parallel_loop3A_270, %parallel_loop3A_271], %parallel_loop3A_266 {strides = array<i32>} : memref<8x1280xf32, #tpu.memory_space<vmem>>, vector<16xf32>,
            %parallel_loop3A_273 = arith.constant 1 : i32
            %parallel_loop3A_274 = vector.broadcast %parallel_loop3A_273 : i32 to vector<16xi32>
            %parallel_loop3A_275 = tpu.vector_load_idx %arg7[%parallel_loop3A_274, %parallel_loop3A_263] : memref<8x10000xf32, #tpu.memory_space<vmem>>[vector<16xi32>, vector<16xi32>], vector<16xf32>,
            %parallel_loop3A_276 = arith.constant 16 : i32
            %parallel_loop3A_277 = arith.muli %parallel_loop3A_257, %parallel_loop3A_276 : i32
            %parallel_loop3A_278 = arith.constant 1 : i32
            %parallel_loop3A_279 = arith.index_cast %parallel_loop3A_278 : i32 to index
            %parallel_loop3A_280 = arith.index_cast %parallel_loop3A_277 : i32 to index
            %parallel_loop3A_281 = tpu.vector_load %arg11[%parallel_loop3A_279, %parallel_loop3A_280] {strides = array<i32>} : memref<8x1280xf32, #tpu.memory_space<vmem>>, vector<16xf32>,
            tpu.vector_store %arg11[%parallel_loop3A_279, %parallel_loop3A_280], %parallel_loop3A_275 {strides = array<i32>} : memref<8x1280xf32, #tpu.memory_space<vmem>>, vector<16xf32>,
            %parallel_loop3A_282 = arith.constant 2 : i32
            %parallel_loop3A_283 = vector.broadcast %parallel_loop3A_282 : i32 to vector<16xi32>
            %parallel_loop3A_284 = tpu.vector_load_idx %arg7[%parallel_loop3A_283, %parallel_loop3A_263] : memref<8x10000xf32, #tpu.memory_space<vmem>>[vector<16xi32>, vector<16xi32>], vector<16xf32>,
            %parallel_loop3A_285 = arith.constant 16 : i32
            %parallel_loop3A_286 = arith.muli %parallel_loop3A_257, %parallel_loop3A_285 : i32
            %parallel_loop3A_287 = arith.constant 2 : i32
            %parallel_loop3A_288 = arith.index_cast %parallel_loop3A_287 : i32 to index
            %parallel_loop3A_289 = arith.index_cast %parallel_loop3A_286 : i32 to index
            %parallel_loop3A_290 = tpu.vector_load %arg11[%parallel_loop3A_288, %parallel_loop3A_289] {strides = array<i32>} : memref<8x1280xf32, #tpu.memory_space<vmem>>, vector<16xf32>,
            tpu.vector_store %arg11[%parallel_loop3A_288, %parallel_loop3A_289], %parallel_loop3A_284 {strides = array<i32>} : memref<8x1280xf32, #tpu.memory_space<vmem>>, vector<16xf32>,
            %parallel_loop3A_291 = arith.constant 3 : i32
            %parallel_loop3A_292 = vector.broadcast %parallel_loop3A_291 : i32 to vector<16xi32>
            %parallel_loop3A_293 = tpu.vector_load_idx %arg7[%parallel_loop3A_292, %parallel_loop3A_263] : memref<8x10000xf32, #tpu.memory_space<vmem>>[vector<16xi32>, vector<16xi32>], vector<16xf32>,
            %parallel_loop3A_294 = arith.constant 16 : i32
            %parallel_loop3A_295 = arith.muli %parallel_loop3A_257, %parallel_loop3A_294 : i32
            %parallel_loop3A_296 = arith.constant 3 : i32
            %parallel_loop3A_297 = arith.index_cast %parallel_loop3A_296 : i32 to index
            %parallel_loop3A_298 = arith.index_cast %parallel_loop3A_295 : i32 to index
            %parallel_loop3A_299 = tpu.vector_load %arg11[%parallel_loop3A_297, %parallel_loop3A_298] {strides = array<i32>} : memref<8x1280xf32, #tpu.memory_space<vmem>>, vector<16xf32>,
            tpu.vector_store %arg11[%parallel_loop3A_297, %parallel_loop3A_298], %parallel_loop3A_293 {strides = array<i32>} : memref<8x1280xf32, #tpu.memory_space<vmem>>, vector<16xf32>,
            %parallel_loop3A_300 = arith.constant 4 : i32
            %parallel_loop3A_301 = vector.broadcast %parallel_loop3A_300 : i32 to vector<16xi32>
            %parallel_loop3A_302 = tpu.vector_load_idx %arg7[%parallel_loop3A_301, %parallel_loop3A_263] : memref<8x10000xf32, #tpu.memory_space<vmem>>[vector<16xi32>, vector<16xi32>], vector<16xf32>,
            %parallel_loop3A_303 = arith.constant 16 : i32
            %parallel_loop3A_304 = arith.muli %parallel_loop3A_257, %parallel_loop3A_303 : i32
            %parallel_loop3A_305 = arith.constant 4 : i32
            %parallel_loop3A_306 = arith.index_cast %parallel_loop3A_305 : i32 to index
            %parallel_loop3A_307 = arith.index_cast %parallel_loop3A_304 : i32 to index
            %parallel_loop3A_308 = tpu.vector_load %arg11[%parallel_loop3A_306, %parallel_loop3A_307] {strides = array<i32>} : memref<8x1280xf32, #tpu.memory_space<vmem>>, vector<16xf32>,
            tpu.vector_store %arg11[%parallel_loop3A_306, %parallel_loop3A_307], %parallel_loop3A_302 {strides = array<i32>} : memref<8x1280xf32, #tpu.memory_space<vmem>>, vector<16xf32>,
            %parallel_loop3A_309 = arith.constant 5 : i32
            %parallel_loop3A_310 = vector.broadcast %parallel_loop3A_309 : i32 to vector<16xi32>
            %parallel_loop3A_311 = tpu.vector_load_idx %arg7[%parallel_loop3A_310, %parallel_loop3A_263] : memref<8x10000xf32, #tpu.memory_space<vmem>>[vector<16xi32>, vector<16xi32>], vector<16xf32>,
            %parallel_loop3A_312 = arith.constant 16 : i32
            %parallel_loop3A_313 = arith.muli %parallel_loop3A_257, %parallel_loop3A_312 : i32
            %parallel_loop3A_314 = arith.constant 5 : i32
            %parallel_loop3A_315 = arith.index_cast %parallel_loop3A_314 : i32 to index
            %parallel_loop3A_316 = arith.index_cast %parallel_loop3A_313 : i32 to index
            %parallel_loop3A_317 = tpu.vector_load %arg11[%parallel_loop3A_315, %parallel_loop3A_316] {strides = array<i32>} : memref<8x1280xf32, #tpu.memory_space<vmem>>, vector<16xf32>,
            tpu.vector_store %arg11[%parallel_loop3A_315, %parallel_loop3A_316], %parallel_loop3A_311 {strides = array<i32>} : memref<8x1280xf32, #tpu.memory_space<vmem>>, vector<16xf32>,
            %parallel_loop3A_318 = arith.constant 6 : i32
            %parallel_loop3A_319 = vector.broadcast %parallel_loop3A_318 : i32 to vector<16xi32>
            %parallel_loop3A_320 = tpu.vector_load_idx %arg7[%parallel_loop3A_319, %parallel_loop3A_263] : memref<8x10000xf32, #tpu.memory_space<vmem>>[vector<16xi32>, vector<16xi32>], vector<16xf32>,
            %parallel_loop3A_321 = arith.constant 16 : i32
            %parallel_loop3A_322 = arith.muli %parallel_loop3A_257, %parallel_loop3A_321 : i32
            %parallel_loop3A_323 = arith.constant 6 : i32
            %parallel_loop3A_324 = arith.index_cast %parallel_loop3A_323 : i32 to index
            %parallel_loop3A_325 = arith.index_cast %parallel_loop3A_322 : i32 to index
            %parallel_loop3A_326 = tpu.vector_load %arg11[%parallel_loop3A_324, %parallel_loop3A_325] {strides = array<i32>} : memref<8x1280xf32, #tpu.memory_space<vmem>>, vector<16xf32>,
            tpu.vector_store %arg11[%parallel_loop3A_324, %parallel_loop3A_325], %parallel_loop3A_320 {strides = array<i32>} : memref<8x1280xf32, #tpu.memory_space<vmem>>, vector<16xf32>,
            %parallel_loop3A_327 = arith.constant 7 : i32
            %parallel_loop3A_328 = vector.broadcast %parallel_loop3A_327 : i32 to vector<16xi32>
            %parallel_loop3A_329 = tpu.vector_load_idx %arg7[%parallel_loop3A_328, %parallel_loop3A_263] : memref<8x10000xf32, #tpu.memory_space<vmem>>[vector<16xi32>, vector<16xi32>], vector<16xf32>,
            %parallel_loop3A_330 = arith.constant 16 : i32
            %parallel_loop3A_331 = arith.muli %parallel_loop3A_257, %parallel_loop3A_330 : i32
            %parallel_loop3A_332 = arith.constant 7 : i32
            %parallel_loop3A_333 = arith.index_cast %parallel_loop3A_332 : i32 to index
            %parallel_loop3A_334 = arith.index_cast %parallel_loop3A_331 : i32 to index
            %parallel_loop3A_335 = tpu.vector_load %arg11[%parallel_loop3A_333, %parallel_loop3A_334] {strides = array<i32>} : memref<8x1280xf32, #tpu.memory_space<vmem>>, vector<16xf32>,
            tpu.vector_store %arg11[%parallel_loop3A_333, %parallel_loop3A_334], %parallel_loop3A_329 {strides = array<i32>} : memref<8x1280xf32, #tpu.memory_space<vmem>>, vector<16xf32>,
          } {sc.loop_unroll_factor = 2 : i64, sc.parallel_access}
        } else {
        }
        %eq3A_241 = arith.constant 1 : i32
        %eq3A_242 = arith.cmpi eq, %select_n3A_190, %eq3A_241 : i32
        %convert_element_type3A_243 = arith.extui %eq3A_242 : i1 to i32
        %cond3A_244 = arith.constant 0 : i32
        %cond3A_245 = arith.cmpi ne, %convert_element_type3A_243, %cond3A_244 : i32
        scf.if %cond3A_245 {
          %parallel_loop3A = arith.constant 0 : i32
          %parallel_loop3A_255 = arith.constant 80 : i32
          %parallel_loop3A_256 = arith.constant 1 : i32
          scf.for %parallel_loop3A_257 = %parallel_loop3A to %parallel_loop3A_255 step %parallel_loop3A_256  : i32 {
            %parallel_loop3A_258 = arith.constant 16 : i32
            %parallel_loop3A_259 = arith.muli %parallel_loop3A_257, %parallel_loop3A_258 : i32
            %parallel_loop3A_260 = arith.constant 1280 : i32
            %parallel_loop3A_261 = arith.addi %parallel_loop3A_260, %parallel_loop3A_259 : i32
            %parallel_loop3A_262 = arith.index_cast %parallel_loop3A_261 : i32 to index
            %parallel_loop3A_263 = tpu.vector_load %arg9[%parallel_loop3A_262] {strides = array<i32>} : memref<2560xi32, #tpu.memory_space<vmem>>, vector<16xi32>,
            %parallel_loop3A_264 = arith.constant 0 : i32
            %parallel_loop3A_265 = vector.broadcast %parallel_loop3A_264 : i32 to vector<16xi32>
            %parallel_loop3A_266 = tpu.vector_load_idx %arg7[%parallel_loop3A_265, %parallel_loop3A_263] : memref<8x10000xf32, #tpu.memory_space<vmem>>[vector<16xi32>, vector<16xi32>], vector<16xf32>,
            %parallel_loop3A_267 = arith.constant 16 : i32
            %parallel_loop3A_268 = arith.muli %parallel_loop3A_257, %parallel_loop3A_267 : i32
            %parallel_loop3A_269 = arith.constant 0 : i32
            %parallel_loop3A_270 = arith.index_cast %parallel_loop3A_269 : i32 to index
            %parallel_loop3A_271 = arith.index_cast %parallel_loop3A_268 : i32 to index
            %parallel_loop3A_272 = tpu.vector_load %arg11[%parallel_loop3A_270, %parallel_loop3A_271] {strides = array<i32>} : memref<8x1280xf32, #tpu.memory_space<vmem>>, vector<16xf32>,
            tpu.vector_store %arg11[%parallel_loop3A_270, %parallel_loop3A_271], %parallel_loop3A_266 {strides = array<i32>} : memref<8x1280xf32, #tpu.memory_space<vmem>>, vector<16xf32>,
            %parallel_loop3A_273 = arith.constant 1 : i32
            %parallel_loop3A_274 = vector.broadcast %parallel_loop3A_273 : i32 to vector<16xi32>
            %parallel_loop3A_275 = tpu.vector_load_idx %arg7[%parallel_loop3A_274, %parallel_loop3A_263] : memref<8x10000xf32, #tpu.memory_space<vmem>>[vector<16xi32>, vector<16xi32>], vector<16xf32>,
            %parallel_loop3A_276 = arith.constant 16 : i32
            %parallel_loop3A_277 = arith.muli %parallel_loop3A_257, %parallel_loop3A_276 : i32
            %parallel_loop3A_278 = arith.constant 1 : i32
            %parallel_loop3A_279 = arith.index_cast %parallel_loop3A_278 : i32 to index
            %parallel_loop3A_280 = arith.index_cast %parallel_loop3A_277 : i32 to index
            %parallel_loop3A_281 = tpu.vector_load %arg11[%parallel_loop3A_279, %parallel_loop3A_280] {strides = array<i32>} : memref<8x1280xf32, #tpu.memory_space<vmem>>, vector<16xf32>,
            tpu.vector_store %arg11[%parallel_loop3A_279, %parallel_loop3A_280], %parallel_loop3A_275 {strides = array<i32>} : memref<8x1280xf32, #tpu.memory_space<vmem>>, vector<16xf32>,
            %parallel_loop3A_282 = arith.constant 2 : i32
            %parallel_loop3A_283 = vector.broadcast %parallel_loop3A_282 : i32 to vector<16xi32>
            %parallel_loop3A_284 = tpu.vector_load_idx %arg7[%parallel_loop3A_283, %parallel_loop3A_263] : memref<8x10000xf32, #tpu.memory_space<vmem>>[vector<16xi32>, vector<16xi32>], vector<16xf32>,
            %parallel_loop3A_285 = arith.constant 16 : i32
            %parallel_loop3A_286 = arith.muli %parallel_loop3A_257, %parallel_loop3A_285 : i32
            %parallel_loop3A_287 = arith.constant 2 : i32
            %parallel_loop3A_288 = arith.index_cast %parallel_loop3A_287 : i32 to index
            %parallel_loop3A_289 = arith.index_cast %parallel_loop3A_286 : i32 to index
            %parallel_loop3A_290 = tpu.vector_load %arg11[%parallel_loop3A_288, %parallel_loop3A_289] {strides = array<i32>} : memref<8x1280xf32, #tpu.memory_space<vmem>>, vector<16xf32>,
            tpu.vector_store %arg11[%parallel_loop3A_288, %parallel_loop3A_289], %parallel_loop3A_284 {strides = array<i32>} : memref<8x1280xf32, #tpu.memory_space<vmem>>, vector<16xf32>,
            %parallel_loop3A_291 = arith.constant 3 : i32
            %parallel_loop3A_292 = vector.broadcast %parallel_loop3A_291 : i32 to vector<16xi32>
            %parallel_loop3A_293 = tpu.vector_load_idx %arg7[%parallel_loop3A_292, %parallel_loop3A_263] : memref<8x10000xf32, #tpu.memory_space<vmem>>[vector<16xi32>, vector<16xi32>], vector<16xf32>,
            %parallel_loop3A_294 = arith.constant 16 : i32
            %parallel_loop3A_295 = arith.muli %parallel_loop3A_257, %parallel_loop3A_294 : i32
            %parallel_loop3A_296 = arith.constant 3 : i32
            %parallel_loop3A_297 = arith.index_cast %parallel_loop3A_296 : i32 to index
            %parallel_loop3A_298 = arith.index_cast %parallel_loop3A_295 : i32 to index
            %parallel_loop3A_299 = tpu.vector_load %arg11[%parallel_loop3A_297, %parallel_loop3A_298] {strides = array<i32>} : memref<8x1280xf32, #tpu.memory_space<vmem>>, vector<16xf32>,
            tpu.vector_store %arg11[%parallel_loop3A_297, %parallel_loop3A_298], %parallel_loop3A_293 {strides = array<i32>} : memref<8x1280xf32, #tpu.memory_space<vmem>>, vector<16xf32>,
            %parallel_loop3A_300 = arith.constant 4 : i32
            %parallel_loop3A_301 = vector.broadcast %parallel_loop3A_300 : i32 to vector<16xi32>
            %parallel_loop3A_302 = tpu.vector_load_idx %arg7[%parallel_loop3A_301, %parallel_loop3A_263] : memref<8x10000xf32, #tpu.memory_space<vmem>>[vector<16xi32>, vector<16xi32>], vector<16xf32>,
            %parallel_loop3A_303 = arith.constant 16 : i32
            %parallel_loop3A_304 = arith.muli %parallel_loop3A_257, %parallel_loop3A_303 : i32
            %parallel_loop3A_305 = arith.constant 4 : i32
            %parallel_loop3A_306 = arith.index_cast %parallel_loop3A_305 : i32 to index
            %parallel_loop3A_307 = arith.index_cast %parallel_loop3A_304 : i32 to index
            %parallel_loop3A_308 = tpu.vector_load %arg11[%parallel_loop3A_306, %parallel_loop3A_307] {strides = array<i32>} : memref<8x1280xf32, #tpu.memory_space<vmem>>, vector<16xf32>,
            tpu.vector_store %arg11[%parallel_loop3A_306, %parallel_loop3A_307], %parallel_loop3A_302 {strides = array<i32>} : memref<8x1280xf32, #tpu.memory_space<vmem>>, vector<16xf32>,
            %parallel_loop3A_309 = arith.constant 5 : i32
            %parallel_loop3A_310 = vector.broadcast %parallel_loop3A_309 : i32 to vector<16xi32>
            %parallel_loop3A_311 = tpu.vector_load_idx %arg7[%parallel_loop3A_310, %parallel_loop3A_263] : memref<8x10000xf32, #tpu.memory_space<vmem>>[vector<16xi32>, vector<16xi32>], vector<16xf32>,
            %parallel_loop3A_312 = arith.constant 16 : i32
            %parallel_loop3A_313 = arith.muli %parallel_loop3A_257, %parallel_loop3A_312 : i32
            %parallel_loop3A_314 = arith.constant 5 : i32
            %parallel_loop3A_315 = arith.index_cast %parallel_loop3A_314 : i32 to index
            %parallel_loop3A_316 = arith.index_cast %parallel_loop3A_313 : i32 to index
            %parallel_loop3A_317 = tpu.vector_load %arg11[%parallel_loop3A_315, %parallel_loop3A_316] {strides = array<i32>} : memref<8x1280xf32, #tpu.memory_space<vmem>>, vector<16xf32>,
            tpu.vector_store %arg11[%parallel_loop3A_315, %parallel_loop3A_316], %parallel_loop3A_311 {strides = array<i32>} : memref<8x1280xf32, #tpu.memory_space<vmem>>, vector<16xf32>,
            %parallel_loop3A_318 = arith.constant 6 : i32
            %parallel_loop3A_319 = vector.broadcast %parallel_loop3A_318 : i32 to vector<16xi32>
            %parallel_loop3A_320 = tpu.vector_load_idx %arg7[%parallel_loop3A_319, %parallel_loop3A_263] : memref<8x10000xf32, #tpu.memory_space<vmem>>[vector<16xi32>, vector<16xi32>], vector<16xf32>,
            %parallel_loop3A_321 = arith.constant 16 : i32
            %parallel_loop3A_322 = arith.muli %parallel_loop3A_257, %parallel_loop3A_321 : i32
            %parallel_loop3A_323 = arith.constant 6 : i32
            %parallel_loop3A_324 = arith.index_cast %parallel_loop3A_323 : i32 to index
            %parallel_loop3A_325 = arith.index_cast %parallel_loop3A_322 : i32 to index
            %parallel_loop3A_326 = tpu.vector_load %arg11[%parallel_loop3A_324, %parallel_loop3A_325] {strides = array<i32>} : memref<8x1280xf32, #tpu.memory_space<vmem>>, vector<16xf32>,
            tpu.vector_store %arg11[%parallel_loop3A_324, %parallel_loop3A_325], %parallel_loop3A_320 {strides = array<i32>} : memref<8x1280xf32, #tpu.memory_space<vmem>>, vector<16xf32>,
            %parallel_loop3A_327 = arith.constant 7 : i32
            %parallel_loop3A_328 = vector.broadcast %parallel_loop3A_327 : i32 to vector<16xi32>
            %parallel_loop3A_329 = tpu.vector_load_idx %arg7[%parallel_loop3A_328, %parallel_loop3A_263] : memref<8x10000xf32, #tpu.memory_space<vmem>>[vector<16xi32>, vector<16xi32>], vector<16xf32>,
            %parallel_loop3A_330 = arith.constant 16 : i32
            %parallel_loop3A_331 = arith.muli %parallel_loop3A_257, %parallel_loop3A_330 : i32
            %parallel_loop3A_332 = arith.constant 7 : i32
            %parallel_loop3A_333 = arith.index_cast %parallel_loop3A_332 : i32 to index
            %parallel_loop3A_334 = arith.index_cast %parallel_loop3A_331 : i32 to index
            %parallel_loop3A_335 = tpu.vector_load %arg11[%parallel_loop3A_333, %parallel_loop3A_334] {strides = array<i32>} : memref<8x1280xf32, #tpu.memory_space<vmem>>, vector<16xf32>,
            tpu.vector_store %arg11[%parallel_loop3A_333, %parallel_loop3A_334], %parallel_loop3A_329 {strides = array<i32>} : memref<8x1280xf32, #tpu.memory_space<vmem>>, vector<16xf32>,
          } {sc.loop_unroll_factor = 2 : i64, sc.parallel_access}
        } else {
        }
        %dma_start3A_246 = tpu.memref_slice %arg6[%add3A_42, %multiple_of3A_230] : memref<272x320000xf32, #tpu.memory_space<hbm>> -> memref<8x1280xf32, #tpu.memory_space<hbm>>
        %dma_start3A_247 = tpu.memref_slice %arg6[%add3A_42, %multiple_of3A_230] : memref<272x320000xf32, #tpu.memory_space<hbm>> -> memref<8x1280xf32, #tpu.memory_space<hbm>>
        tpu.enqueue_dma source(%arg11 : memref<8x1280xf32, #tpu.memory_space<vmem>>) target(%dma_start3A_247 : memref<8x1280xf32, #tpu.memory_space<hbm>>) target_semaphore(%arg14 : memref<!tpu.dma_semaphore, #tpu.memory_space<semaphore_mem>>)
        %add3A_248 = arith.constant 2 : i32
        %add3A_249 = arith.addi %scan3A_99, %add3A_248 : i32
        %lt3A_250 = arith.constant 125 : i32
        %lt3A_251 = arith.cmpi slt, %add3A_249, %lt3A_250 : i32
        %convert_element_type3A_252 = arith.extui %lt3A_251 : i1 to i32
        %cond3A_253 = arith.constant 0 : i32
        %cond3A_254 = arith.cmpi ne, %convert_element_type3A_252, %cond3A_253 : i32
        scf.if %cond3A_254 {
          %add3A_255 = arith.constant 2 : i32
          %add3A_256 = arith.addi %scan3A_99, %add3A_255 : i32
          %mul3A_257 = arith.constant 2 : i32
          %mul3A_258 = arith.muli %add3A_256, %mul3A_257 : i32
          %mul3A_259 = arith.constant 1280 : i32
          %mul3A_260 = arith.muli %mul3A_258, %mul3A_259 : i32
          %multiple_of3A_261 = tpu.assume_multiple %mul3A_260, 128 : i32
          %eq3A_262 = arith.constant 0 : i32
          %eq3A_263 = arith.cmpi eq, %select_n3A_190, %eq3A_262 : i32
          %convert_element_type3A_264 = arith.extui %eq3A_263 : i1 to i32
          %cond3A_265 = arith.constant 0 : i32
          %cond3A_266 = arith.cmpi ne, %convert_element_type3A_264, %cond3A_265 : i32
          scf.if %cond3A_266 {
            %dma_start3A_272 = tpu.memref_slice %arg4[%multiple_of3A_261] : memref<320000xi32, #tpu.memory_space<hbm>> -> memref<2560xi32, #tpu.memory_space<hbm>>
            %dma_start3A_273 = tpu.memref_slice %arg4[%multiple_of3A_261] : memref<320000xi32, #tpu.memory_space<hbm>> -> memref<2560xi32, #tpu.memory_space<hbm>>
            tpu.enqueue_dma source(%dma_start3A_273 : memref<2560xi32, #tpu.memory_space<hbm>>) target(%arg8 : memref<2560xi32, #tpu.memory_space<vmem>>) target_semaphore(%arg15 : memref<!tpu.dma_semaphore, #tpu.memory_space<semaphore_mem>>)
          } else {
          }
          %eq3A_267 = arith.constant 1 : i32
          %eq3A_268 = arith.cmpi eq, %select_n3A_190, %eq3A_267 : i32
          %convert_element_type3A_269 = arith.extui %eq3A_268 : i1 to i32
          %cond3A_270 = arith.constant 0 : i32
          %cond3A_271 = arith.cmpi ne, %convert_element_type3A_269, %cond3A_270 : i32
          scf.if %cond3A_271 {
            %dma_start3A_272 = tpu.memref_slice %arg4[%multiple_of3A_261] : memref<320000xi32, #tpu.memory_space<hbm>> -> memref<2560xi32, #tpu.memory_space<hbm>>
            %dma_start3A_273 = tpu.memref_slice %arg4[%multiple_of3A_261] : memref<320000xi32, #tpu.memory_space<hbm>> -> memref<2560xi32, #tpu.memory_space<hbm>>
            tpu.enqueue_dma source(%dma_start3A_273 : memref<2560xi32, #tpu.memory_space<hbm>>) target(%arg9 : memref<2560xi32, #tpu.memory_space<vmem>>) target_semaphore(%arg16 : memref<!tpu.dma_semaphore, #tpu.memory_space<semaphore_mem>>)
          } else {
          }
        } else {
        }
      }
      %scan3A_68 = arith.constant 125 : i32
      %dma_wait3A_69 = arith.constant 317440 : i32
      %dma_wait3A_70 = tpu.memref_slice %arg6[%add3A_42, %dma_wait3A_69] : memref<272x320000xf32, #tpu.memory_space<hbm>> -> memref<8x1280xf32, #tpu.memory_space<hbm>>
      %dma_wait3A_71 = arith.constant 317440 : i32
      %dma_wait3A_72 = tpu.memref_slice %arg6[%add3A_42, %dma_wait3A_71] : memref<272x320000xf32, #tpu.memory_space<hbm>> -> memref<8x1280xf32, #tpu.memory_space<hbm>>
      tpu.wait_dma2 semaphore(%arg13 : memref<!tpu.dma_semaphore, #tpu.memory_space<semaphore_mem>>) src(%arg10 : memref<8x1280xf32, #tpu.memory_space<vmem>>) dst(%dma_wait3A_72 : memref<8x1280xf32, #tpu.memory_space<hbm>>)
      %dma_wait3A_73 = arith.constant 318720 : i32
      %dma_wait3A_74 = tpu.memref_slice %arg6[%add3A_42, %dma_wait3A_73] : memref<272x320000xf32, #tpu.memory_space<hbm>> -> memref<8x1280xf32, #tpu.memory_space<hbm>>
      %dma_wait3A_75 = arith.constant 318720 : i32
      %dma_wait3A_76 = tpu.memref_slice %arg6[%add3A_42, %dma_wait3A_75] : memref<272x320000xf32, #tpu.memory_space<hbm>> -> memref<8x1280xf32, #tpu.memory_space<hbm>>
      tpu.wait_dma2 semaphore(%arg14 : memref<!tpu.dma_semaphore, #tpu.memory_space<semaphore_mem>>) src(%arg11 : memref<8x1280xf32, #tpu.memory_space<vmem>>) dst(%dma_wait3A_76 : memref<8x1280xf32, #tpu.memory_space<hbm>>)
      %add3A_77 = arith.constant 480 : i32
      %add3A_78 = arith.addi %add3A, %add3A_77 : i32
      %lt3A_79 = arith.constant 500 : i32
      %lt3A_80 = arith.cmpi slt, %add3A_78, %lt3A_79 : i32
      %sub3A_81 = arith.constant 32 : i32
      %sub3A_82 = arith.subi %add3A_78, %sub3A_81 : i32
      %select_n3A_83 = arith.select %lt3A_80, %add3A_78, %sub3A_82 : i32
      %lt3A_84 = arith.constant 250 : i32
      %lt3A_85 = arith.cmpi slt, %select_n3A_83, %lt3A_84 : i32
      %jit3A_86 = arith.constant 0 : i32
      %jit3A_87 = arith.constant 8 : i32
      %select_n3A_88 = arith.select %lt3A_85, %jit3A_86, %jit3A_87 : i32
      %multiple_of3A = tpu.assume_multiple %select_n3A_88, 8 : i32
      %lt3A_89 = arith.constant 250 : i32
      %lt3A_90 = arith.cmpi slt, %select_n3A_83, %lt3A_89 : i32
      %sub3A_91 = arith.constant 250 : i32
      %sub3A_92 = arith.subi %select_n3A_83, %sub3A_91 : i32
      %select_n3A_93 = arith.select %lt3A_90, %select_n3A_83, %sub3A_92 : i32
      %mul3A_94 = arith.constant 1280 : i32
      %mul3A_95 = arith.muli %select_n3A_93, %mul3A_94 : i32
      %multiple_of3A_96 = tpu.assume_multiple %mul3A_95, 128 : i32
      %dma_wait3A_97 = tpu.memref_slice %arg6[%multiple_of3A, %multiple_of3A_96] : memref<272x320000xf32, #tpu.memory_space<hbm>> -> memref<8x1280xf32, #tpu.memory_space<hbm>>
      %dma_wait3A_98 = tpu.memref_slice %arg6[%multiple_of3A, %multiple_of3A_96] : memref<272x320000xf32, #tpu.memory_space<hbm>> -> memref<8x1280xf32, #tpu.memory_space<hbm>>
      tpu.wait_dma2 semaphore(%arg19 : memref<!tpu.dma_semaphore, #tpu.memory_space<semaphore_mem>>) src(%arg12 : memref<8x1280xf32, #tpu.memory_space<vmem>>) dst(%dma_wait3A_98 : memref<8x1280xf32, #tpu.memory_space<hbm>>)
    } else {
    }
    %eq3A_46 = arith.constant 1 : i32
    %eq3A_47 = arith.cmpi eq, %select_n3A, %eq3A_46 : i32
    %convert_element_type3A_48 = arith.extui %eq3A_47 : i1 to i32
    %cond3A_49 = arith.constant 0 : i32
    %cond3A_50 = arith.cmpi ne, %convert_element_type3A_48, %cond3A_49 : i32
    scf.if %cond3A_50 {
      %dma_start3A_51 = arith.constant 0 : i32
      %dma_start3A_52 = tpu.memref_slice %arg5[%dma_start3A_51] : memref<320000xi32, #tpu.memory_space<hbm>> -> memref<2560xi32, #tpu.memory_space<hbm>>
      %dma_start3A_53 = arith.constant 0 : i32
      %dma_start3A_54 = tpu.memref_slice %arg5[%dma_start3A_53] : memref<320000xi32, #tpu.memory_space<hbm>> -> memref<2560xi32, #tpu.memory_space<hbm>>
      tpu.enqueue_dma source(%dma_start3A_54 : memref<2560xi32, #tpu.memory_space<hbm>>) target(%arg8 : memref<2560xi32, #tpu.memory_space<vmem>>) target_semaphore(%arg15 : memref<!tpu.dma_semaphore, #tpu.memory_space<semaphore_mem>>)
      %dma_start3A_55 = arith.constant 2560 : i32
      %dma_start3A_56 = tpu.memref_slice %arg5[%dma_start3A_55] : memref<320000xi32, #tpu.memory_space<hbm>> -> memref<2560xi32, #tpu.memory_space<hbm>>
      %dma_start3A_57 = arith.constant 2560 : i32
      %dma_start3A_58 = tpu.memref_slice %arg5[%dma_start3A_57] : memref<320000xi32, #tpu.memory_space<hbm>> -> memref<2560xi32, #tpu.memory_space<hbm>>
      tpu.enqueue_dma source(%dma_start3A_58 : memref<2560xi32, #tpu.memory_space<hbm>>) target(%arg9 : memref<2560xi32, #tpu.memory_space<vmem>>) target_semaphore(%arg16 : memref<!tpu.dma_semaphore, #tpu.memory_space<semaphore_mem>>)
      %mul3A_59 = arith.constant 8 : i32
      %mul3A_60 = arith.muli %select_n3A_30, %mul3A_59 : i32
      %dma_wait3A = arith.constant 0 : i32
      %dma_wait3A_61 = tpu.memref_slice %arg2[%mul3A_60, %dma_wait3A] : memref<128x10000xf32, #tpu.memory_space<hbm>> -> memref<8x10000xf32, #tpu.memory_space<hbm>>
      %dma_wait3A_62 = arith.constant 0 : i32
      %dma_wait3A_63 = tpu.memref_slice %arg2[%mul3A_60, %dma_wait3A_62] : memref<128x10000xf32, #tpu.memory_space<hbm>> -> memref<8x10000xf32, #tpu.memory_space<hbm>>
      tpu.wait_dma2 semaphore(%arg17 : memref<!tpu.dma_semaphore, #tpu.memory_space<semaphore_mem>>) src(%dma_wait3A_63 : memref<8x10000xf32, #tpu.memory_space<hbm>>) dst(%arg7 : memref<8x10000xf32, #tpu.memory_space<vmem>>)
      %scan3A = arith.constant 0 : i32
      %scan3A_64 = arith.constant 0 : i32
      %scan3A_65 = arith.constant 125 : i32
      %scan3A_66 = arith.addi %scan3A_64, %scan3A_65 : i32
      %scan3A_67 = arith.constant 1 : i32
      scf.for %scan3A_99 = %scan3A_64 to %scan3A_66 step %scan3A_67  : i32 {
        %jit3A_100 = arith.constant 2 : i32
        %div3A_101 = arith.divsi %scan3A_99, %jit3A_100 : i32
        %sign3A_102 = arith.constant 0 : i32
        %sign3A_103 = arith.cmpi sgt, %scan3A_99, %sign3A_102 : i32
        %sign3A_104 = arith.extui %sign3A_103 : i1 to i32
        %sign3A_105 = arith.constant 0 : i32
        %sign3A_106 = arith.cmpi slt, %scan3A_99, %sign3A_105 : i32
        %sign3A_107 = arith.extui %sign3A_106 : i1 to i32
        %sign3A_108 = arith.subi %sign3A_104, %sign3A_107 : i32
        %sign3A_109 = arith.constant 0 : i32
        %sign3A_110 = arith.cmpi sgt, %jit3A_100, %sign3A_109 : i32
        %sign3A_111 = arith.extui %sign3A_110 : i1 to i32
        %sign3A_112 = arith.constant 0 : i32
        %sign3A_113 = arith.cmpi slt, %jit3A_100, %sign3A_112 : i32
        %sign3A_114 = arith.extui %sign3A_113 : i1 to i32
        %sign3A_115 = arith.subi %sign3A_111, %sign3A_114 : i32
        %ne3A_116 = arith.cmpi ne, %sign3A_108, %sign3A_115 : i32
        %rem3A_117 = arith.remsi %scan3A_99, %jit3A_100 : i32
        %ne3A_118 = arith.constant 0 : i32
        %ne3A_119 = arith.cmpi ne, %rem3A_117, %ne3A_118 : i32
        %and3A_120 = arith.andi %ne3A_116, %ne3A_119 : i1
        %sub3A_121 = arith.constant 1 : i32
        %sub3A_122 = arith.subi %div3A_101, %sub3A_121 : i32
        %select_n3A_123 = arith.select %and3A_120, %sub3A_122, %div3A_101 : i32
        %mul3A_124 = arith.constant 32 : i32
        %mul3A_125 = arith.muli %mul3A_124, %select_n3A_123 : i32
        %add3A_126 = arith.addi %add3A, %mul3A_125 : i32
        %jit3A_127 = arith.constant 2 : i32
        %eq3A_128 = arith.constant 0 : i32
        %eq3A_129 = arith.cmpi eq, %jit3A_127, %eq3A_128 : i32
        %jit3A_130 = arith.constant 1 : i32
        %select_n3A_131 = arith.select %eq3A_129, %jit3A_130, %jit3A_127 : i32
        %rem3A_132 = arith.remsi %scan3A_99, %select_n3A_131 : i32
        %ne3A_133 = arith.constant 0 : i32
        %ne3A_134 = arith.cmpi ne, %rem3A_132, %ne3A_133 : i32
        %lt3A_135 = arith.constant 0 : i32
        %lt3A_136 = arith.cmpi slt, %rem3A_132, %lt3A_135 : i32
        %lt3A_137 = arith.constant 0 : i32
        %lt3A_138 = arith.cmpi slt, %select_n3A_131, %lt3A_137 : i32
        %ne3A_139 = arith.xori %lt3A_136, %lt3A_138 : i1
        %and3A_140 = arith.andi %ne3A_139, %ne3A_134 : i1
        %add3A_141 = arith.addi %rem3A_132, %select_n3A_131 : i32
        %select_n3A_142 = arith.select %and3A_140, %add3A_141, %rem3A_132 : i32
        %eq3A_143 = arith.constant 0 : i32
        %eq3A_144 = arith.cmpi eq, %select_n3A_142, %eq3A_143 : i32
        %lt3A_145 = arith.constant 500 : i32
        %lt3A_146 = arith.cmpi slt, %add3A_126, %lt3A_145 : i32
        %and3A_147 = arith.andi %eq3A_144, %lt3A_146 : i1
        %convert_element_type3A_148 = arith.extui %and3A_147 : i1 to i32
        %cond3A_149 = arith.constant 0 : i32
        %cond3A_150 = arith.cmpi ne, %convert_element_type3A_148, %cond3A_149 : i32
        scf.if %cond3A_150 {
          %gt3A_255 = arith.constant 0 : i32
          %gt3A_256 = arith.cmpi sgt, %select_n3A_123, %gt3A_255 : i32
          %convert_element_type3A_257 = arith.extui %gt3A_256 : i1 to i32
          %cond3A_258 = arith.constant 0 : i32
          %cond3A_259 = arith.cmpi ne, %convert_element_type3A_257, %cond3A_258 : i32
          scf.if %cond3A_259 {
            %sub3A_276 = arith.constant 32 : i32
            %sub3A_277 = arith.subi %add3A_126, %sub3A_276 : i32
            %lt3A_278 = arith.constant 250 : i32
            %lt3A_279 = arith.cmpi slt, %sub3A_277, %lt3A_278 : i32
            %jit3A_280 = arith.constant 0 : i32
            %jit3A_281 = arith.constant 8 : i32
            %select_n3A_282 = arith.select %lt3A_279, %jit3A_280, %jit3A_281 : i32
            %multiple_of3A_283 = tpu.assume_multiple %select_n3A_282, 8 : i32
            %lt3A_284 = arith.constant 250 : i32
            %lt3A_285 = arith.cmpi slt, %sub3A_277, %lt3A_284 : i32
            %sub3A_286 = arith.constant 250 : i32
            %sub3A_287 = arith.subi %sub3A_277, %sub3A_286 : i32
            %select_n3A_288 = arith.select %lt3A_285, %sub3A_277, %sub3A_287 : i32
            %mul3A_289 = arith.constant 1280 : i32
            %mul3A_290 = arith.muli %select_n3A_288, %mul3A_289 : i32
            %multiple_of3A_291 = tpu.assume_multiple %mul3A_290, 128 : i32
            %dma_wait3A_292 = tpu.memref_slice %arg6[%multiple_of3A_283, %multiple_of3A_291] : memref<272x320000xf32, #tpu.memory_space<hbm>> -> memref<8x1280xf32, #tpu.memory_space<hbm>>
            %dma_wait3A_293 = tpu.memref_slice %arg6[%multiple_of3A_283, %multiple_of3A_291] : memref<272x320000xf32, #tpu.memory_space<hbm>> -> memref<8x1280xf32, #tpu.memory_space<hbm>>
            tpu.wait_dma2 semaphore(%arg19 : memref<!tpu.dma_semaphore, #tpu.memory_space<semaphore_mem>>) src(%arg12 : memref<8x1280xf32, #tpu.memory_space<vmem>>) dst(%dma_wait3A_293 : memref<8x1280xf32, #tpu.memory_space<hbm>>)
          } else {
          }
          %lt3A_260 = arith.constant 250 : i32
          %lt3A_261 = arith.cmpi slt, %add3A_126, %lt3A_260 : i32
          %jit3A_262 = arith.constant 0 : i32
          %jit3A_263 = arith.constant 8 : i32
          %select_n3A_264 = arith.select %lt3A_261, %jit3A_262, %jit3A_263 : i32
          %multiple_of3A_265 = tpu.assume_multiple %select_n3A_264, 8 : i32
          %lt3A_266 = arith.constant 250 : i32
          %lt3A_267 = arith.cmpi slt, %add3A_126, %lt3A_266 : i32
          %sub3A_268 = arith.constant 250 : i32
          %sub3A_269 = arith.subi %add3A_126, %sub3A_268 : i32
          %select_n3A_270 = arith.select %lt3A_267, %add3A_126, %sub3A_269 : i32
          %mul3A_271 = arith.constant 1280 : i32
          %mul3A_272 = arith.muli %select_n3A_270, %mul3A_271 : i32
          %multiple_of3A_273 = tpu.assume_multiple %mul3A_272, 128 : i32
          %dma_start3A_274 = tpu.memref_slice %arg3[%multiple_of3A_265, %multiple_of3A_273] : memref<16x320000xf32, #tpu.memory_space<hbm>> -> memref<8x1280xf32, #tpu.memory_space<hbm>>
          %dma_start3A_275 = tpu.memref_slice %arg3[%multiple_of3A_265, %multiple_of3A_273] : memref<16x320000xf32, #tpu.memory_space<hbm>> -> memref<8x1280xf32, #tpu.memory_space<hbm>>
          tpu.enqueue_dma source(%dma_start3A_275 : memref<8x1280xf32, #tpu.memory_space<hbm>>) target(%arg12 : memref<8x1280xf32, #tpu.memory_space<vmem>>) target_semaphore(%arg18 : memref<!tpu.dma_semaphore, #tpu.memory_space<semaphore_mem>>)
        } else {
        }
        %jit3A_151 = arith.constant 2 : i32
        %eq3A_152 = arith.constant 0 : i32
        %eq3A_153 = arith.cmpi eq, %jit3A_151, %eq3A_152 : i32
        %jit3A_154 = arith.constant 1 : i32
        %select_n3A_155 = arith.select %eq3A_153, %jit3A_154, %jit3A_151 : i32
        %rem3A_156 = arith.remsi %scan3A_99, %select_n3A_155 : i32
        %ne3A_157 = arith.constant 0 : i32
        %ne3A_158 = arith.cmpi ne, %rem3A_156, %ne3A_157 : i32
        %lt3A_159 = arith.constant 0 : i32
        %lt3A_160 = arith.cmpi slt, %rem3A_156, %lt3A_159 : i32
        %lt3A_161 = arith.constant 0 : i32
        %lt3A_162 = arith.cmpi slt, %select_n3A_155, %lt3A_161 : i32
        %ne3A_163 = arith.xori %lt3A_160, %lt3A_162 : i1
        %and3A_164 = arith.andi %ne3A_163, %ne3A_158 : i1
        %add3A_165 = arith.addi %rem3A_156, %select_n3A_155 : i32
        %select_n3A_166 = arith.select %and3A_164, %add3A_165, %rem3A_156 : i32
        %eq3A_167 = arith.constant 1 : i32
        %eq3A_168 = arith.cmpi eq, %select_n3A_166, %eq3A_167 : i32
        %lt3A_169 = arith.constant 500 : i32
        %lt3A_170 = arith.cmpi slt, %add3A_126, %lt3A_169 : i32
        %and3A_171 = arith.andi %eq3A_168, %lt3A_170 : i1
        %convert_element_type3A_172 = arith.extui %and3A_171 : i1 to i32
        %cond3A_173 = arith.constant 0 : i32
        %cond3A_174 = arith.cmpi ne, %convert_element_type3A_172, %cond3A_173 : i32
        scf.if %cond3A_174 {
          %lt3A_255 = arith.constant 250 : i32
          %lt3A_256 = arith.cmpi slt, %add3A_126, %lt3A_255 : i32
          %jit3A_257 = arith.constant 0 : i32
          %jit3A_258 = arith.constant 8 : i32
          %select_n3A_259 = arith.select %lt3A_256, %jit3A_257, %jit3A_258 : i32
          %multiple_of3A_260 = tpu.assume_multiple %select_n3A_259, 8 : i32
          %lt3A_261 = arith.constant 250 : i32
          %lt3A_262 = arith.cmpi slt, %add3A_126, %lt3A_261 : i32
          %sub3A_263 = arith.constant 250 : i32
          %sub3A_264 = arith.subi %add3A_126, %sub3A_263 : i32
          %select_n3A_265 = arith.select %lt3A_262, %add3A_126, %sub3A_264 : i32
          %mul3A_266 = arith.constant 1280 : i32
          %mul3A_267 = arith.muli %select_n3A_265, %mul3A_266 : i32
          %multiple_of3A_268 = tpu.assume_multiple %mul3A_267, 128 : i32
          %dma_wait3A_269 = tpu.memref_slice %arg3[%multiple_of3A_260, %multiple_of3A_268] : memref<16x320000xf32, #tpu.memory_space<hbm>> -> memref<8x1280xf32, #tpu.memory_space<hbm>>
          %dma_wait3A_270 = tpu.memref_slice %arg3[%multiple_of3A_260, %multiple_of3A_268] : memref<16x320000xf32, #tpu.memory_space<hbm>> -> memref<8x1280xf32, #tpu.memory_space<hbm>>
          tpu.wait_dma2 semaphore(%arg18 : memref<!tpu.dma_semaphore, #tpu.memory_space<semaphore_mem>>) src(%dma_wait3A_270 : memref<8x1280xf32, #tpu.memory_space<hbm>>) dst(%arg12 : memref<8x1280xf32, #tpu.memory_space<vmem>>)
          %dma_start3A_271 = tpu.memref_slice %arg6[%multiple_of3A_260, %multiple_of3A_268] : memref<272x320000xf32, #tpu.memory_space<hbm>> -> memref<8x1280xf32, #tpu.memory_space<hbm>>
          %dma_start3A_272 = tpu.memref_slice %arg6[%multiple_of3A_260, %multiple_of3A_268] : memref<272x320000xf32, #tpu.memory_space<hbm>> -> memref<8x1280xf32, #tpu.memory_space<hbm>>
          tpu.enqueue_dma source(%arg12 : memref<8x1280xf32, #tpu.memory_space<vmem>>) target(%dma_start3A_272 : memref<8x1280xf32, #tpu.memory_space<hbm>>) target_semaphore(%arg19 : memref<!tpu.dma_semaphore, #tpu.memory_space<semaphore_mem>>)
        } else {
        }
        %jit3A_175 = arith.constant 2 : i32
        %eq3A_176 = arith.constant 0 : i32
        %eq3A_177 = arith.cmpi eq, %jit3A_175, %eq3A_176 : i32
        %jit3A_178 = arith.constant 1 : i32
        %select_n3A_179 = arith.select %eq3A_177, %jit3A_178, %jit3A_175 : i32
        %rem3A_180 = arith.remsi %scan3A_99, %select_n3A_179 : i32
        %ne3A_181 = arith.constant 0 : i32
        %ne3A_182 = arith.cmpi ne, %rem3A_180, %ne3A_181 : i32
        %lt3A_183 = arith.constant 0 : i32
        %lt3A_184 = arith.cmpi slt, %rem3A_180, %lt3A_183 : i32
        %lt3A_185 = arith.constant 0 : i32
        %lt3A_186 = arith.cmpi slt, %select_n3A_179, %lt3A_185 : i32
        %ne3A_187 = arith.xori %lt3A_184, %lt3A_186 : i1
        %and3A_188 = arith.andi %ne3A_187, %ne3A_182 : i1
        %add3A_189 = arith.addi %rem3A_180, %select_n3A_179 : i32
        %select_n3A_190 = arith.select %and3A_188, %add3A_189, %rem3A_180 : i32
        %eq3A_191 = arith.constant 0 : i32
        %eq3A_192 = arith.cmpi eq, %select_n3A_190, %eq3A_191 : i32
        %convert_element_type3A_193 = arith.extui %eq3A_192 : i1 to i32
        %cond3A_194 = arith.constant 0 : i32
        %cond3A_195 = arith.cmpi ne, %convert_element_type3A_193, %cond3A_194 : i32
        scf.if %cond3A_195 {
          %dma_wait3A_255 = arith.constant 0 : i32
          %dma_wait3A_256 = tpu.memref_slice %arg5[%dma_wait3A_255] : memref<320000xi32, #tpu.memory_space<hbm>> -> memref<2560xi32, #tpu.memory_space<hbm>>
          %dma_wait3A_257 = arith.constant 0 : i32
          %dma_wait3A_258 = tpu.memref_slice %arg5[%dma_wait3A_257] : memref<320000xi32, #tpu.memory_space<hbm>> -> memref<2560xi32, #tpu.memory_space<hbm>>
          tpu.wait_dma2 semaphore(%arg15 : memref<!tpu.dma_semaphore, #tpu.memory_space<semaphore_mem>>) src(%dma_wait3A_258 : memref<2560xi32, #tpu.memory_space<hbm>>) dst(%arg8 : memref<2560xi32, #tpu.memory_space<vmem>>)
        } else {
        }
        %eq3A_196 = arith.constant 1 : i32
        %eq3A_197 = arith.cmpi eq, %select_n3A_190, %eq3A_196 : i32
        %convert_element_type3A_198 = arith.extui %eq3A_197 : i1 to i32
        %cond3A_199 = arith.constant 0 : i32
        %cond3A_200 = arith.cmpi ne, %convert_element_type3A_198, %cond3A_199 : i32
        scf.if %cond3A_200 {
          %dma_wait3A_255 = arith.constant 0 : i32
          %dma_wait3A_256 = tpu.memref_slice %arg5[%dma_wait3A_255] : memref<320000xi32, #tpu.memory_space<hbm>> -> memref<2560xi32, #tpu.memory_space<hbm>>
          %dma_wait3A_257 = arith.constant 0 : i32
          %dma_wait3A_258 = tpu.memref_slice %arg5[%dma_wait3A_257] : memref<320000xi32, #tpu.memory_space<hbm>> -> memref<2560xi32, #tpu.memory_space<hbm>>
          tpu.wait_dma2 semaphore(%arg16 : memref<!tpu.dma_semaphore, #tpu.memory_space<semaphore_mem>>) src(%dma_wait3A_258 : memref<2560xi32, #tpu.memory_space<hbm>>) dst(%arg9 : memref<2560xi32, #tpu.memory_space<vmem>>)
        } else {
        }
        %mul3A_201 = arith.constant 2 : i32
        %mul3A_202 = arith.muli %mul3A_201, %scan3A_99 : i32
        %add3A_203 = arith.constant 0 : i32
        %add3A_204 = arith.addi %mul3A_202, %add3A_203 : i32
        %mul3A_205 = arith.constant 1280 : i32
        %mul3A_206 = arith.muli %add3A_204, %mul3A_205 : i32
        %multiple_of3A_207 = tpu.assume_multiple %mul3A_206, 128 : i32
        %gt3A = arith.constant 0 : i32
        %gt3A_208 = arith.cmpi sgt, %scan3A_99, %gt3A : i32
        %convert_element_type3A_209 = arith.extui %gt3A_208 : i1 to i32
        %cond3A_210 = arith.constant 0 : i32
        %cond3A_211 = arith.cmpi ne, %convert_element_type3A_209, %cond3A_210 : i32
        scf.if %cond3A_211 {
          %sub3A_255 = arith.constant 2 : i32
          %sub3A_256 = arith.subi %add3A_204, %sub3A_255 : i32
          %mul3A_257 = arith.constant 1280 : i32
          %mul3A_258 = arith.muli %sub3A_256, %mul3A_257 : i32
          %multiple_of3A_259 = tpu.assume_multiple %mul3A_258, 128 : i32
          %dma_wait3A_260 = tpu.memref_slice %arg6[%add3A_42, %multiple_of3A_259] : memref<272x320000xf32, #tpu.memory_space<hbm>> -> memref<8x1280xf32, #tpu.memory_space<hbm>>
          %dma_wait3A_261 = tpu.memref_slice %arg6[%add3A_42, %multiple_of3A_259] : memref<272x320000xf32, #tpu.memory_space<hbm>> -> memref<8x1280xf32, #tpu.memory_space<hbm>>
          tpu.wait_dma2 semaphore(%arg13 : memref<!tpu.dma_semaphore, #tpu.memory_space<semaphore_mem>>) src(%arg10 : memref<8x1280xf32, #tpu.memory_space<vmem>>) dst(%dma_wait3A_261 : memref<8x1280xf32, #tpu.memory_space<hbm>>)
        } else {
        }
        %eq3A_212 = arith.constant 0 : i32
        %eq3A_213 = arith.cmpi eq, %select_n3A_190, %eq3A_212 : i32
        %convert_element_type3A_214 = arith.extui %eq3A_213 : i1 to i32
        %cond3A_215 = arith.constant 0 : i32
        %cond3A_216 = arith.cmpi ne, %convert_element_type3A_214, %cond3A_215 : i32
        scf.if %cond3A_216 {
          %parallel_loop3A = arith.constant 0 : i32
          %parallel_loop3A_255 = arith.constant 80 : i32
          %parallel_loop3A_256 = arith.constant 1 : i32
          scf.for %parallel_loop3A_257 = %parallel_loop3A to %parallel_loop3A_255 step %parallel_loop3A_256  : i32 {
            %parallel_loop3A_258 = arith.constant 16 : i32
            %parallel_loop3A_259 = arith.muli %parallel_loop3A_257, %parallel_loop3A_258 : i32
            %parallel_loop3A_260 = arith.constant 0 : i32
            %parallel_loop3A_261 = arith.addi %parallel_loop3A_260, %parallel_loop3A_259 : i32
            %parallel_loop3A_262 = arith.index_cast %parallel_loop3A_261 : i32 to index
            %parallel_loop3A_263 = tpu.vector_load %arg8[%parallel_loop3A_262] {strides = array<i32>} : memref<2560xi32, #tpu.memory_space<vmem>>, vector<16xi32>,
            %parallel_loop3A_264 = arith.constant 0 : i32
            %parallel_loop3A_265 = vector.broadcast %parallel_loop3A_264 : i32 to vector<16xi32>
            %parallel_loop3A_266 = tpu.vector_load_idx %arg7[%parallel_loop3A_265, %parallel_loop3A_263] : memref<8x10000xf32, #tpu.memory_space<vmem>>[vector<16xi32>, vector<16xi32>], vector<16xf32>,
            %parallel_loop3A_267 = arith.constant 16 : i32
            %parallel_loop3A_268 = arith.muli %parallel_loop3A_257, %parallel_loop3A_267 : i32
            %parallel_loop3A_269 = arith.constant 0 : i32
            %parallel_loop3A_270 = arith.index_cast %parallel_loop3A_269 : i32 to index
            %parallel_loop3A_271 = arith.index_cast %parallel_loop3A_268 : i32 to index
            %parallel_loop3A_272 = tpu.vector_load %arg10[%parallel_loop3A_270, %parallel_loop3A_271] {strides = array<i32>} : memref<8x1280xf32, #tpu.memory_space<vmem>>, vector<16xf32>,
            tpu.vector_store %arg10[%parallel_loop3A_270, %parallel_loop3A_271], %parallel_loop3A_266 {strides = array<i32>} : memref<8x1280xf32, #tpu.memory_space<vmem>>, vector<16xf32>,
            %parallel_loop3A_273 = arith.constant 1 : i32
            %parallel_loop3A_274 = vector.broadcast %parallel_loop3A_273 : i32 to vector<16xi32>
            %parallel_loop3A_275 = tpu.vector_load_idx %arg7[%parallel_loop3A_274, %parallel_loop3A_263] : memref<8x10000xf32, #tpu.memory_space<vmem>>[vector<16xi32>, vector<16xi32>], vector<16xf32>,
            %parallel_loop3A_276 = arith.constant 16 : i32
            %parallel_loop3A_277 = arith.muli %parallel_loop3A_257, %parallel_loop3A_276 : i32
            %parallel_loop3A_278 = arith.constant 1 : i32
            %parallel_loop3A_279 = arith.index_cast %parallel_loop3A_278 : i32 to index
            %parallel_loop3A_280 = arith.index_cast %parallel_loop3A_277 : i32 to index
            %parallel_loop3A_281 = tpu.vector_load %arg10[%parallel_loop3A_279, %parallel_loop3A_280] {strides = array<i32>} : memref<8x1280xf32, #tpu.memory_space<vmem>>, vector<16xf32>,
            tpu.vector_store %arg10[%parallel_loop3A_279, %parallel_loop3A_280], %parallel_loop3A_275 {strides = array<i32>} : memref<8x1280xf32, #tpu.memory_space<vmem>>, vector<16xf32>,
            %parallel_loop3A_282 = arith.constant 2 : i32
            %parallel_loop3A_283 = vector.broadcast %parallel_loop3A_282 : i32 to vector<16xi32>
            %parallel_loop3A_284 = tpu.vector_load_idx %arg7[%parallel_loop3A_283, %parallel_loop3A_263] : memref<8x10000xf32, #tpu.memory_space<vmem>>[vector<16xi32>, vector<16xi32>], vector<16xf32>,
            %parallel_loop3A_285 = arith.constant 16 : i32
            %parallel_loop3A_286 = arith.muli %parallel_loop3A_257, %parallel_loop3A_285 : i32
            %parallel_loop3A_287 = arith.constant 2 : i32
            %parallel_loop3A_288 = arith.index_cast %parallel_loop3A_287 : i32 to index
            %parallel_loop3A_289 = arith.index_cast %parallel_loop3A_286 : i32 to index
            %parallel_loop3A_290 = tpu.vector_load %arg10[%parallel_loop3A_288, %parallel_loop3A_289] {strides = array<i32>} : memref<8x1280xf32, #tpu.memory_space<vmem>>, vector<16xf32>,
            tpu.vector_store %arg10[%parallel_loop3A_288, %parallel_loop3A_289], %parallel_loop3A_284 {strides = array<i32>} : memref<8x1280xf32, #tpu.memory_space<vmem>>, vector<16xf32>,
            %parallel_loop3A_291 = arith.constant 3 : i32
            %parallel_loop3A_292 = vector.broadcast %parallel_loop3A_291 : i32 to vector<16xi32>
            %parallel_loop3A_293 = tpu.vector_load_idx %arg7[%parallel_loop3A_292, %parallel_loop3A_263] : memref<8x10000xf32, #tpu.memory_space<vmem>>[vector<16xi32>, vector<16xi32>], vector<16xf32>,
            %parallel_loop3A_294 = arith.constant 16 : i32
            %parallel_loop3A_295 = arith.muli %parallel_loop3A_257, %parallel_loop3A_294 : i32
            %parallel_loop3A_296 = arith.constant 3 : i32
            %parallel_loop3A_297 = arith.index_cast %parallel_loop3A_296 : i32 to index
            %parallel_loop3A_298 = arith.index_cast %parallel_loop3A_295 : i32 to index
            %parallel_loop3A_299 = tpu.vector_load %arg10[%parallel_loop3A_297, %parallel_loop3A_298] {strides = array<i32>} : memref<8x1280xf32, #tpu.memory_space<vmem>>, vector<16xf32>,
            tpu.vector_store %arg10[%parallel_loop3A_297, %parallel_loop3A_298], %parallel_loop3A_293 {strides = array<i32>} : memref<8x1280xf32, #tpu.memory_space<vmem>>, vector<16xf32>,
            %parallel_loop3A_300 = arith.constant 4 : i32
            %parallel_loop3A_301 = vector.broadcast %parallel_loop3A_300 : i32 to vector<16xi32>
            %parallel_loop3A_302 = tpu.vector_load_idx %arg7[%parallel_loop3A_301, %parallel_loop3A_263] : memref<8x10000xf32, #tpu.memory_space<vmem>>[vector<16xi32>, vector<16xi32>], vector<16xf32>,
            %parallel_loop3A_303 = arith.constant 16 : i32
            %parallel_loop3A_304 = arith.muli %parallel_loop3A_257, %parallel_loop3A_303 : i32
            %parallel_loop3A_305 = arith.constant 4 : i32
            %parallel_loop3A_306 = arith.index_cast %parallel_loop3A_305 : i32 to index
            %parallel_loop3A_307 = arith.index_cast %parallel_loop3A_304 : i32 to index
            %parallel_loop3A_308 = tpu.vector_load %arg10[%parallel_loop3A_306, %parallel_loop3A_307] {strides = array<i32>} : memref<8x1280xf32, #tpu.memory_space<vmem>>, vector<16xf32>,
            tpu.vector_store %arg10[%parallel_loop3A_306, %parallel_loop3A_307], %parallel_loop3A_302 {strides = array<i32>} : memref<8x1280xf32, #tpu.memory_space<vmem>>, vector<16xf32>,
            %parallel_loop3A_309 = arith.constant 5 : i32
            %parallel_loop3A_310 = vector.broadcast %parallel_loop3A_309 : i32 to vector<16xi32>
            %parallel_loop3A_311 = tpu.vector_load_idx %arg7[%parallel_loop3A_310, %parallel_loop3A_263] : memref<8x10000xf32, #tpu.memory_space<vmem>>[vector<16xi32>, vector<16xi32>], vector<16xf32>,
            %parallel_loop3A_312 = arith.constant 16 : i32
            %parallel_loop3A_313 = arith.muli %parallel_loop3A_257, %parallel_loop3A_312 : i32
            %parallel_loop3A_314 = arith.constant 5 : i32
            %parallel_loop3A_315 = arith.index_cast %parallel_loop3A_314 : i32 to index
            %parallel_loop3A_316 = arith.index_cast %parallel_loop3A_313 : i32 to index
            %parallel_loop3A_317 = tpu.vector_load %arg10[%parallel_loop3A_315, %parallel_loop3A_316] {strides = array<i32>} : memref<8x1280xf32, #tpu.memory_space<vmem>>, vector<16xf32>,
            tpu.vector_store %arg10[%parallel_loop3A_315, %parallel_loop3A_316], %parallel_loop3A_311 {strides = array<i32>} : memref<8x1280xf32, #tpu.memory_space<vmem>>, vector<16xf32>,
            %parallel_loop3A_318 = arith.constant 6 : i32
            %parallel_loop3A_319 = vector.broadcast %parallel_loop3A_318 : i32 to vector<16xi32>
            %parallel_loop3A_320 = tpu.vector_load_idx %arg7[%parallel_loop3A_319, %parallel_loop3A_263] : memref<8x10000xf32, #tpu.memory_space<vmem>>[vector<16xi32>, vector<16xi32>], vector<16xf32>,
            %parallel_loop3A_321 = arith.constant 16 : i32
            %parallel_loop3A_322 = arith.muli %parallel_loop3A_257, %parallel_loop3A_321 : i32
            %parallel_loop3A_323 = arith.constant 6 : i32
            %parallel_loop3A_324 = arith.index_cast %parallel_loop3A_323 : i32 to index
            %parallel_loop3A_325 = arith.index_cast %parallel_loop3A_322 : i32 to index
            %parallel_loop3A_326 = tpu.vector_load %arg10[%parallel_loop3A_324, %parallel_loop3A_325] {strides = array<i32>} : memref<8x1280xf32, #tpu.memory_space<vmem>>, vector<16xf32>,
            tpu.vector_store %arg10[%parallel_loop3A_324, %parallel_loop3A_325], %parallel_loop3A_320 {strides = array<i32>} : memref<8x1280xf32, #tpu.memory_space<vmem>>, vector<16xf32>,
            %parallel_loop3A_327 = arith.constant 7 : i32
            %parallel_loop3A_328 = vector.broadcast %parallel_loop3A_327 : i32 to vector<16xi32>
            %parallel_loop3A_329 = tpu.vector_load_idx %arg7[%parallel_loop3A_328, %parallel_loop3A_263] : memref<8x10000xf32, #tpu.memory_space<vmem>>[vector<16xi32>, vector<16xi32>], vector<16xf32>,
            %parallel_loop3A_330 = arith.constant 16 : i32
            %parallel_loop3A_331 = arith.muli %parallel_loop3A_257, %parallel_loop3A_330 : i32
            %parallel_loop3A_332 = arith.constant 7 : i32
            %parallel_loop3A_333 = arith.index_cast %parallel_loop3A_332 : i32 to index
            %parallel_loop3A_334 = arith.index_cast %parallel_loop3A_331 : i32 to index
            %parallel_loop3A_335 = tpu.vector_load %arg10[%parallel_loop3A_333, %parallel_loop3A_334] {strides = array<i32>} : memref<8x1280xf32, #tpu.memory_space<vmem>>, vector<16xf32>,
            tpu.vector_store %arg10[%parallel_loop3A_333, %parallel_loop3A_334], %parallel_loop3A_329 {strides = array<i32>} : memref<8x1280xf32, #tpu.memory_space<vmem>>, vector<16xf32>,
          } {sc.loop_unroll_factor = 2 : i64, sc.parallel_access}
        } else {
        }
        %eq3A_217 = arith.constant 1 : i32
        %eq3A_218 = arith.cmpi eq, %select_n3A_190, %eq3A_217 : i32
        %convert_element_type3A_219 = arith.extui %eq3A_218 : i1 to i32
        %cond3A_220 = arith.constant 0 : i32
        %cond3A_221 = arith.cmpi ne, %convert_element_type3A_219, %cond3A_220 : i32
        scf.if %cond3A_221 {
          %parallel_loop3A = arith.constant 0 : i32
          %parallel_loop3A_255 = arith.constant 80 : i32
          %parallel_loop3A_256 = arith.constant 1 : i32
          scf.for %parallel_loop3A_257 = %parallel_loop3A to %parallel_loop3A_255 step %parallel_loop3A_256  : i32 {
            %parallel_loop3A_258 = arith.constant 16 : i32
            %parallel_loop3A_259 = arith.muli %parallel_loop3A_257, %parallel_loop3A_258 : i32
            %parallel_loop3A_260 = arith.constant 0 : i32
            %parallel_loop3A_261 = arith.addi %parallel_loop3A_260, %parallel_loop3A_259 : i32
            %parallel_loop3A_262 = arith.index_cast %parallel_loop3A_261 : i32 to index
            %parallel_loop3A_263 = tpu.vector_load %arg9[%parallel_loop3A_262] {strides = array<i32>} : memref<2560xi32, #tpu.memory_space<vmem>>, vector<16xi32>,
            %parallel_loop3A_264 = arith.constant 0 : i32
            %parallel_loop3A_265 = vector.broadcast %parallel_loop3A_264 : i32 to vector<16xi32>
            %parallel_loop3A_266 = tpu.vector_load_idx %arg7[%parallel_loop3A_265, %parallel_loop3A_263] : memref<8x10000xf32, #tpu.memory_space<vmem>>[vector<16xi32>, vector<16xi32>], vector<16xf32>,
            %parallel_loop3A_267 = arith.constant 16 : i32
            %parallel_loop3A_268 = arith.muli %parallel_loop3A_257, %parallel_loop3A_267 : i32
            %parallel_loop3A_269 = arith.constant 0 : i32
            %parallel_loop3A_270 = arith.index_cast %parallel_loop3A_269 : i32 to index
            %parallel_loop3A_271 = arith.index_cast %parallel_loop3A_268 : i32 to index
            %parallel_loop3A_272 = tpu.vector_load %arg10[%parallel_loop3A_270, %parallel_loop3A_271] {strides = array<i32>} : memref<8x1280xf32, #tpu.memory_space<vmem>>, vector<16xf32>,
            tpu.vector_store %arg10[%parallel_loop3A_270, %parallel_loop3A_271], %parallel_loop3A_266 {strides = array<i32>} : memref<8x1280xf32, #tpu.memory_space<vmem>>, vector<16xf32>,
            %parallel_loop3A_273 = arith.constant 1 : i32
            %parallel_loop3A_274 = vector.broadcast %parallel_loop3A_273 : i32 to vector<16xi32>
            %parallel_loop3A_275 = tpu.vector_load_idx %arg7[%parallel_loop3A_274, %parallel_loop3A_263] : memref<8x10000xf32, #tpu.memory_space<vmem>>[vector<16xi32>, vector<16xi32>], vector<16xf32>,
            %parallel_loop3A_276 = arith.constant 16 : i32
            %parallel_loop3A_277 = arith.muli %parallel_loop3A_257, %parallel_loop3A_276 : i32
            %parallel_loop3A_278 = arith.constant 1 : i32
            %parallel_loop3A_279 = arith.index_cast %parallel_loop3A_278 : i32 to index
            %parallel_loop3A_280 = arith.index_cast %parallel_loop3A_277 : i32 to index
            %parallel_loop3A_281 = tpu.vector_load %arg10[%parallel_loop3A_279, %parallel_loop3A_280] {strides = array<i32>} : memref<8x1280xf32, #tpu.memory_space<vmem>>, vector<16xf32>,
            tpu.vector_store %arg10[%parallel_loop3A_279, %parallel_loop3A_280], %parallel_loop3A_275 {strides = array<i32>} : memref<8x1280xf32, #tpu.memory_space<vmem>>, vector<16xf32>,
            %parallel_loop3A_282 = arith.constant 2 : i32
            %parallel_loop3A_283 = vector.broadcast %parallel_loop3A_282 : i32 to vector<16xi32>
            %parallel_loop3A_284 = tpu.vector_load_idx %arg7[%parallel_loop3A_283, %parallel_loop3A_263] : memref<8x10000xf32, #tpu.memory_space<vmem>>[vector<16xi32>, vector<16xi32>], vector<16xf32>,
            %parallel_loop3A_285 = arith.constant 16 : i32
            %parallel_loop3A_286 = arith.muli %parallel_loop3A_257, %parallel_loop3A_285 : i32
            %parallel_loop3A_287 = arith.constant 2 : i32
            %parallel_loop3A_288 = arith.index_cast %parallel_loop3A_287 : i32 to index
            %parallel_loop3A_289 = arith.index_cast %parallel_loop3A_286 : i32 to index
            %parallel_loop3A_290 = tpu.vector_load %arg10[%parallel_loop3A_288, %parallel_loop3A_289] {strides = array<i32>} : memref<8x1280xf32, #tpu.memory_space<vmem>>, vector<16xf32>,
            tpu.vector_store %arg10[%parallel_loop3A_288, %parallel_loop3A_289], %parallel_loop3A_284 {strides = array<i32>} : memref<8x1280xf32, #tpu.memory_space<vmem>>, vector<16xf32>,
            %parallel_loop3A_291 = arith.constant 3 : i32
            %parallel_loop3A_292 = vector.broadcast %parallel_loop3A_291 : i32 to vector<16xi32>
            %parallel_loop3A_293 = tpu.vector_load_idx %arg7[%parallel_loop3A_292, %parallel_loop3A_263] : memref<8x10000xf32, #tpu.memory_space<vmem>>[vector<16xi32>, vector<16xi32>], vector<16xf32>,
            %parallel_loop3A_294 = arith.constant 16 : i32
            %parallel_loop3A_295 = arith.muli %parallel_loop3A_257, %parallel_loop3A_294 : i32
            %parallel_loop3A_296 = arith.constant 3 : i32
            %parallel_loop3A_297 = arith.index_cast %parallel_loop3A_296 : i32 to index
            %parallel_loop3A_298 = arith.index_cast %parallel_loop3A_295 : i32 to index
            %parallel_loop3A_299 = tpu.vector_load %arg10[%parallel_loop3A_297, %parallel_loop3A_298] {strides = array<i32>} : memref<8x1280xf32, #tpu.memory_space<vmem>>, vector<16xf32>,
            tpu.vector_store %arg10[%parallel_loop3A_297, %parallel_loop3A_298], %parallel_loop3A_293 {strides = array<i32>} : memref<8x1280xf32, #tpu.memory_space<vmem>>, vector<16xf32>,
            %parallel_loop3A_300 = arith.constant 4 : i32
            %parallel_loop3A_301 = vector.broadcast %parallel_loop3A_300 : i32 to vector<16xi32>
            %parallel_loop3A_302 = tpu.vector_load_idx %arg7[%parallel_loop3A_301, %parallel_loop3A_263] : memref<8x10000xf32, #tpu.memory_space<vmem>>[vector<16xi32>, vector<16xi32>], vector<16xf32>,
            %parallel_loop3A_303 = arith.constant 16 : i32
            %parallel_loop3A_304 = arith.muli %parallel_loop3A_257, %parallel_loop3A_303 : i32
            %parallel_loop3A_305 = arith.constant 4 : i32
            %parallel_loop3A_306 = arith.index_cast %parallel_loop3A_305 : i32 to index
            %parallel_loop3A_307 = arith.index_cast %parallel_loop3A_304 : i32 to index
            %parallel_loop3A_308 = tpu.vector_load %arg10[%parallel_loop3A_306, %parallel_loop3A_307] {strides = array<i32>} : memref<8x1280xf32, #tpu.memory_space<vmem>>, vector<16xf32>,
            tpu.vector_store %arg10[%parallel_loop3A_306, %parallel_loop3A_307], %parallel_loop3A_302 {strides = array<i32>} : memref<8x1280xf32, #tpu.memory_space<vmem>>, vector<16xf32>,
            %parallel_loop3A_309 = arith.constant 5 : i32
            %parallel_loop3A_310 = vector.broadcast %parallel_loop3A_309 : i32 to vector<16xi32>
            %parallel_loop3A_311 = tpu.vector_load_idx %arg7[%parallel_loop3A_310, %parallel_loop3A_263] : memref<8x10000xf32, #tpu.memory_space<vmem>>[vector<16xi32>, vector<16xi32>], vector<16xf32>,
            %parallel_loop3A_312 = arith.constant 16 : i32
            %parallel_loop3A_313 = arith.muli %parallel_loop3A_257, %parallel_loop3A_312 : i32
            %parallel_loop3A_314 = arith.constant 5 : i32
            %parallel_loop3A_315 = arith.index_cast %parallel_loop3A_314 : i32 to index
            %parallel_loop3A_316 = arith.index_cast %parallel_loop3A_313 : i32 to index
            %parallel_loop3A_317 = tpu.vector_load %arg10[%parallel_loop3A_315, %parallel_loop3A_316] {strides = array<i32>} : memref<8x1280xf32, #tpu.memory_space<vmem>>, vector<16xf32>,
            tpu.vector_store %arg10[%parallel_loop3A_315, %parallel_loop3A_316], %parallel_loop3A_311 {strides = array<i32>} : memref<8x1280xf32, #tpu.memory_space<vmem>>, vector<16xf32>,
            %parallel_loop3A_318 = arith.constant 6 : i32
            %parallel_loop3A_319 = vector.broadcast %parallel_loop3A_318 : i32 to vector<16xi32>
            %parallel_loop3A_320 = tpu.vector_load_idx %arg7[%parallel_loop3A_319, %parallel_loop3A_263] : memref<8x10000xf32, #tpu.memory_space<vmem>>[vector<16xi32>, vector<16xi32>], vector<16xf32>,
            %parallel_loop3A_321 = arith.constant 16 : i32
            %parallel_loop3A_322 = arith.muli %parallel_loop3A_257, %parallel_loop3A_321 : i32
            %parallel_loop3A_323 = arith.constant 6 : i32
            %parallel_loop3A_324 = arith.index_cast %parallel_loop3A_323 : i32 to index
            %parallel_loop3A_325 = arith.index_cast %parallel_loop3A_322 : i32 to index
            %parallel_loop3A_326 = tpu.vector_load %arg10[%parallel_loop3A_324, %parallel_loop3A_325] {strides = array<i32>} : memref<8x1280xf32, #tpu.memory_space<vmem>>, vector<16xf32>,
            tpu.vector_store %arg10[%parallel_loop3A_324, %parallel_loop3A_325], %parallel_loop3A_320 {strides = array<i32>} : memref<8x1280xf32, #tpu.memory_space<vmem>>, vector<16xf32>,
            %parallel_loop3A_327 = arith.constant 7 : i32
            %parallel_loop3A_328 = vector.broadcast %parallel_loop3A_327 : i32 to vector<16xi32>
            %parallel_loop3A_329 = tpu.vector_load_idx %arg7[%parallel_loop3A_328, %parallel_loop3A_263] : memref<8x10000xf32, #tpu.memory_space<vmem>>[vector<16xi32>, vector<16xi32>], vector<16xf32>,
            %parallel_loop3A_330 = arith.constant 16 : i32
            %parallel_loop3A_331 = arith.muli %parallel_loop3A_257, %parallel_loop3A_330 : i32
            %parallel_loop3A_332 = arith.constant 7 : i32
            %parallel_loop3A_333 = arith.index_cast %parallel_loop3A_332 : i32 to index
            %parallel_loop3A_334 = arith.index_cast %parallel_loop3A_331 : i32 to index
            %parallel_loop3A_335 = tpu.vector_load %arg10[%parallel_loop3A_333, %parallel_loop3A_334] {strides = array<i32>} : memref<8x1280xf32, #tpu.memory_space<vmem>>, vector<16xf32>,
            tpu.vector_store %arg10[%parallel_loop3A_333, %parallel_loop3A_334], %parallel_loop3A_329 {strides = array<i32>} : memref<8x1280xf32, #tpu.memory_space<vmem>>, vector<16xf32>,
          } {sc.loop_unroll_factor = 2 : i64, sc.parallel_access}
        } else {
        }
        %dma_start3A_222 = tpu.memref_slice %arg6[%add3A_42, %multiple_of3A_207] : memref<272x320000xf32, #tpu.memory_space<hbm>> -> memref<8x1280xf32, #tpu.memory_space<hbm>>
        %dma_start3A_223 = tpu.memref_slice %arg6[%add3A_42, %multiple_of3A_207] : memref<272x320000xf32, #tpu.memory_space<hbm>> -> memref<8x1280xf32, #tpu.memory_space<hbm>>
        tpu.enqueue_dma source(%arg10 : memref<8x1280xf32, #tpu.memory_space<vmem>>) target(%dma_start3A_223 : memref<8x1280xf32, #tpu.memory_space<hbm>>) target_semaphore(%arg13 : memref<!tpu.dma_semaphore, #tpu.memory_space<semaphore_mem>>)
        %mul3A_224 = arith.constant 2 : i32
        %mul3A_225 = arith.muli %mul3A_224, %scan3A_99 : i32
        %add3A_226 = arith.constant 1 : i32
        %add3A_227 = arith.addi %mul3A_225, %add3A_226 : i32
        %mul3A_228 = arith.constant 1280 : i32
        %mul3A_229 = arith.muli %add3A_227, %mul3A_228 : i32
        %multiple_of3A_230 = tpu.assume_multiple %mul3A_229, 128 : i32
        %gt3A_231 = arith.constant 0 : i32
        %gt3A_232 = arith.cmpi sgt, %scan3A_99, %gt3A_231 : i32
        %convert_element_type3A_233 = arith.extui %gt3A_232 : i1 to i32
        %cond3A_234 = arith.constant 0 : i32
        %cond3A_235 = arith.cmpi ne, %convert_element_type3A_233, %cond3A_234 : i32
        scf.if %cond3A_235 {
          %sub3A_255 = arith.constant 2 : i32
          %sub3A_256 = arith.subi %add3A_227, %sub3A_255 : i32
          %mul3A_257 = arith.constant 1280 : i32
          %mul3A_258 = arith.muli %sub3A_256, %mul3A_257 : i32
          %multiple_of3A_259 = tpu.assume_multiple %mul3A_258, 128 : i32
          %dma_wait3A_260 = tpu.memref_slice %arg6[%add3A_42, %multiple_of3A_259] : memref<272x320000xf32, #tpu.memory_space<hbm>> -> memref<8x1280xf32, #tpu.memory_space<hbm>>
          %dma_wait3A_261 = tpu.memref_slice %arg6[%add3A_42, %multiple_of3A_259] : memref<272x320000xf32, #tpu.memory_space<hbm>> -> memref<8x1280xf32, #tpu.memory_space<hbm>>
          tpu.wait_dma2 semaphore(%arg14 : memref<!tpu.dma_semaphore, #tpu.memory_space<semaphore_mem>>) src(%arg11 : memref<8x1280xf32, #tpu.memory_space<vmem>>) dst(%dma_wait3A_261 : memref<8x1280xf32, #tpu.memory_space<hbm>>)
        } else {
        }
        %eq3A_236 = arith.constant 0 : i32
        %eq3A_237 = arith.cmpi eq, %select_n3A_190, %eq3A_236 : i32
        %convert_element_type3A_238 = arith.extui %eq3A_237 : i1 to i32
        %cond3A_239 = arith.constant 0 : i32
        %cond3A_240 = arith.cmpi ne, %convert_element_type3A_238, %cond3A_239 : i32
        scf.if %cond3A_240 {
          %parallel_loop3A = arith.constant 0 : i32
          %parallel_loop3A_255 = arith.constant 80 : i32
          %parallel_loop3A_256 = arith.constant 1 : i32
          scf.for %parallel_loop3A_257 = %parallel_loop3A to %parallel_loop3A_255 step %parallel_loop3A_256  : i32 {
            %parallel_loop3A_258 = arith.constant 16 : i32
            %parallel_loop3A_259 = arith.muli %parallel_loop3A_257, %parallel_loop3A_258 : i32
            %parallel_loop3A_260 = arith.constant 1280 : i32
            %parallel_loop3A_261 = arith.addi %parallel_loop3A_260, %parallel_loop3A_259 : i32
            %parallel_loop3A_262 = arith.index_cast %parallel_loop3A_261 : i32 to index
            %parallel_loop3A_263 = tpu.vector_load %arg8[%parallel_loop3A_262] {strides = array<i32>} : memref<2560xi32, #tpu.memory_space<vmem>>, vector<16xi32>,
            %parallel_loop3A_264 = arith.constant 0 : i32
            %parallel_loop3A_265 = vector.broadcast %parallel_loop3A_264 : i32 to vector<16xi32>
            %parallel_loop3A_266 = tpu.vector_load_idx %arg7[%parallel_loop3A_265, %parallel_loop3A_263] : memref<8x10000xf32, #tpu.memory_space<vmem>>[vector<16xi32>, vector<16xi32>], vector<16xf32>,
            %parallel_loop3A_267 = arith.constant 16 : i32
            %parallel_loop3A_268 = arith.muli %parallel_loop3A_257, %parallel_loop3A_267 : i32
            %parallel_loop3A_269 = arith.constant 0 : i32
            %parallel_loop3A_270 = arith.index_cast %parallel_loop3A_269 : i32 to index
            %parallel_loop3A_271 = arith.index_cast %parallel_loop3A_268 : i32 to index
            %parallel_loop3A_272 = tpu.vector_load %arg11[%parallel_loop3A_270, %parallel_loop3A_271] {strides = array<i32>} : memref<8x1280xf32, #tpu.memory_space<vmem>>, vector<16xf32>,
            tpu.vector_store %arg11[%parallel_loop3A_270, %parallel_loop3A_271], %parallel_loop3A_266 {strides = array<i32>} : memref<8x1280xf32, #tpu.memory_space<vmem>>, vector<16xf32>,
            %parallel_loop3A_273 = arith.constant 1 : i32
            %parallel_loop3A_274 = vector.broadcast %parallel_loop3A_273 : i32 to vector<16xi32>
            %parallel_loop3A_275 = tpu.vector_load_idx %arg7[%parallel_loop3A_274, %parallel_loop3A_263] : memref<8x10000xf32, #tpu.memory_space<vmem>>[vector<16xi32>, vector<16xi32>], vector<16xf32>,
            %parallel_loop3A_276 = arith.constant 16 : i32
            %parallel_loop3A_277 = arith.muli %parallel_loop3A_257, %parallel_loop3A_276 : i32
            %parallel_loop3A_278 = arith.constant 1 : i32
            %parallel_loop3A_279 = arith.index_cast %parallel_loop3A_278 : i32 to index
            %parallel_loop3A_280 = arith.index_cast %parallel_loop3A_277 : i32 to index
            %parallel_loop3A_281 = tpu.vector_load %arg11[%parallel_loop3A_279, %parallel_loop3A_280] {strides = array<i32>} : memref<8x1280xf32, #tpu.memory_space<vmem>>, vector<16xf32>,
            tpu.vector_store %arg11[%parallel_loop3A_279, %parallel_loop3A_280], %parallel_loop3A_275 {strides = array<i32>} : memref<8x1280xf32, #tpu.memory_space<vmem>>, vector<16xf32>,
            %parallel_loop3A_282 = arith.constant 2 : i32
            %parallel_loop3A_283 = vector.broadcast %parallel_loop3A_282 : i32 to vector<16xi32>
            %parallel_loop3A_284 = tpu.vector_load_idx %arg7[%parallel_loop3A_283, %parallel_loop3A_263] : memref<8x10000xf32, #tpu.memory_space<vmem>>[vector<16xi32>, vector<16xi32>], vector<16xf32>,
            %parallel_loop3A_285 = arith.constant 16 : i32
            %parallel_loop3A_286 = arith.muli %parallel_loop3A_257, %parallel_loop3A_285 : i32
            %parallel_loop3A_287 = arith.constant 2 : i32
            %parallel_loop3A_288 = arith.index_cast %parallel_loop3A_287 : i32 to index
            %parallel_loop3A_289 = arith.index_cast %parallel_loop3A_286 : i32 to index
            %parallel_loop3A_290 = tpu.vector_load %arg11[%parallel_loop3A_288, %parallel_loop3A_289] {strides = array<i32>} : memref<8x1280xf32, #tpu.memory_space<vmem>>, vector<16xf32>,
            tpu.vector_store %arg11[%parallel_loop3A_288, %parallel_loop3A_289], %parallel_loop3A_284 {strides = array<i32>} : memref<8x1280xf32, #tpu.memory_space<vmem>>, vector<16xf32>,
            %parallel_loop3A_291 = arith.constant 3 : i32
            %parallel_loop3A_292 = vector.broadcast %parallel_loop3A_291 : i32 to vector<16xi32>
            %parallel_loop3A_293 = tpu.vector_load_idx %arg7[%parallel_loop3A_292, %parallel_loop3A_263] : memref<8x10000xf32, #tpu.memory_space<vmem>>[vector<16xi32>, vector<16xi32>], vector<16xf32>,
            %parallel_loop3A_294 = arith.constant 16 : i32
            %parallel_loop3A_295 = arith.muli %parallel_loop3A_257, %parallel_loop3A_294 : i32
            %parallel_loop3A_296 = arith.constant 3 : i32
            %parallel_loop3A_297 = arith.index_cast %parallel_loop3A_296 : i32 to index
            %parallel_loop3A_298 = arith.index_cast %parallel_loop3A_295 : i32 to index
            %parallel_loop3A_299 = tpu.vector_load %arg11[%parallel_loop3A_297, %parallel_loop3A_298] {strides = array<i32>} : memref<8x1280xf32, #tpu.memory_space<vmem>>, vector<16xf32>,
            tpu.vector_store %arg11[%parallel_loop3A_297, %parallel_loop3A_298], %parallel_loop3A_293 {strides = array<i32>} : memref<8x1280xf32, #tpu.memory_space<vmem>>, vector<16xf32>,
            %parallel_loop3A_300 = arith.constant 4 : i32
            %parallel_loop3A_301 = vector.broadcast %parallel_loop3A_300 : i32 to vector<16xi32>
            %parallel_loop3A_302 = tpu.vector_load_idx %arg7[%parallel_loop3A_301, %parallel_loop3A_263] : memref<8x10000xf32, #tpu.memory_space<vmem>>[vector<16xi32>, vector<16xi32>], vector<16xf32>,
            %parallel_loop3A_303 = arith.constant 16 : i32
            %parallel_loop3A_304 = arith.muli %parallel_loop3A_257, %parallel_loop3A_303 : i32
            %parallel_loop3A_305 = arith.constant 4 : i32
            %parallel_loop3A_306 = arith.index_cast %parallel_loop3A_305 : i32 to index
            %parallel_loop3A_307 = arith.index_cast %parallel_loop3A_304 : i32 to index
            %parallel_loop3A_308 = tpu.vector_load %arg11[%parallel_loop3A_306, %parallel_loop3A_307] {strides = array<i32>} : memref<8x1280xf32, #tpu.memory_space<vmem>>, vector<16xf32>,
            tpu.vector_store %arg11[%parallel_loop3A_306, %parallel_loop3A_307], %parallel_loop3A_302 {strides = array<i32>} : memref<8x1280xf32, #tpu.memory_space<vmem>>, vector<16xf32>,
            %parallel_loop3A_309 = arith.constant 5 : i32
            %parallel_loop3A_310 = vector.broadcast %parallel_loop3A_309 : i32 to vector<16xi32>
            %parallel_loop3A_311 = tpu.vector_load_idx %arg7[%parallel_loop3A_310, %parallel_loop3A_263] : memref<8x10000xf32, #tpu.memory_space<vmem>>[vector<16xi32>, vector<16xi32>], vector<16xf32>,
            %parallel_loop3A_312 = arith.constant 16 : i32
            %parallel_loop3A_313 = arith.muli %parallel_loop3A_257, %parallel_loop3A_312 : i32
            %parallel_loop3A_314 = arith.constant 5 : i32
            %parallel_loop3A_315 = arith.index_cast %parallel_loop3A_314 : i32 to index
            %parallel_loop3A_316 = arith.index_cast %parallel_loop3A_313 : i32 to index
            %parallel_loop3A_317 = tpu.vector_load %arg11[%parallel_loop3A_315, %parallel_loop3A_316] {strides = array<i32>} : memref<8x1280xf32, #tpu.memory_space<vmem>>, vector<16xf32>,
            tpu.vector_store %arg11[%parallel_loop3A_315, %parallel_loop3A_316], %parallel_loop3A_311 {strides = array<i32>} : memref<8x1280xf32, #tpu.memory_space<vmem>>, vector<16xf32>,
            %parallel_loop3A_318 = arith.constant 6 : i32
            %parallel_loop3A_319 = vector.broadcast %parallel_loop3A_318 : i32 to vector<16xi32>
            %parallel_loop3A_320 = tpu.vector_load_idx %arg7[%parallel_loop3A_319, %parallel_loop3A_263] : memref<8x10000xf32, #tpu.memory_space<vmem>>[vector<16xi32>, vector<16xi32>], vector<16xf32>,
            %parallel_loop3A_321 = arith.constant 16 : i32
            %parallel_loop3A_322 = arith.muli %parallel_loop3A_257, %parallel_loop3A_321 : i32
            %parallel_loop3A_323 = arith.constant 6 : i32
            %parallel_loop3A_324 = arith.index_cast %parallel_loop3A_323 : i32 to index
            %parallel_loop3A_325 = arith.index_cast %parallel_loop3A_322 : i32 to index
            %parallel_loop3A_326 = tpu.vector_load %arg11[%parallel_loop3A_324, %parallel_loop3A_325] {strides = array<i32>} : memref<8x1280xf32, #tpu.memory_space<vmem>>, vector<16xf32>,
            tpu.vector_store %arg11[%parallel_loop3A_324, %parallel_loop3A_325], %parallel_loop3A_320 {strides = array<i32>} : memref<8x1280xf32, #tpu.memory_space<vmem>>, vector<16xf32>,
            %parallel_loop3A_327 = arith.constant 7 : i32
            %parallel_loop3A_328 = vector.broadcast %parallel_loop3A_327 : i32 to vector<16xi32>
            %parallel_loop3A_329 = tpu.vector_load_idx %arg7[%parallel_loop3A_328, %parallel_loop3A_263] : memref<8x10000xf32, #tpu.memory_space<vmem>>[vector<16xi32>, vector<16xi32>], vector<16xf32>,
            %parallel_loop3A_330 = arith.constant 16 : i32
            %parallel_loop3A_331 = arith.muli %parallel_loop3A_257, %parallel_loop3A_330 : i32
            %parallel_loop3A_332 = arith.constant 7 : i32
            %parallel_loop3A_333 = arith.index_cast %parallel_loop3A_332 : i32 to index
            %parallel_loop3A_334 = arith.index_cast %parallel_loop3A_331 : i32 to index
            %parallel_loop3A_335 = tpu.vector_load %arg11[%parallel_loop3A_333, %parallel_loop3A_334] {strides = array<i32>} : memref<8x1280xf32, #tpu.memory_space<vmem>>, vector<16xf32>,
            tpu.vector_store %arg11[%parallel_loop3A_333, %parallel_loop3A_334], %parallel_loop3A_329 {strides = array<i32>} : memref<8x1280xf32, #tpu.memory_space<vmem>>, vector<16xf32>,
          } {sc.loop_unroll_factor = 2 : i64, sc.parallel_access}
        } else {
        }
        %eq3A_241 = arith.constant 1 : i32
        %eq3A_242 = arith.cmpi eq, %select_n3A_190, %eq3A_241 : i32
        %convert_element_type3A_243 = arith.extui %eq3A_242 : i1 to i32
        %cond3A_244 = arith.constant 0 : i32
        %cond3A_245 = arith.cmpi ne, %convert_element_type3A_243, %cond3A_244 : i32
        scf.if %cond3A_245 {
          %parallel_loop3A = arith.constant 0 : i32
          %parallel_loop3A_255 = arith.constant 80 : i32
          %parallel_loop3A_256 = arith.constant 1 : i32
          scf.for %parallel_loop3A_257 = %parallel_loop3A to %parallel_loop3A_255 step %parallel_loop3A_256  : i32 {
            %parallel_loop3A_258 = arith.constant 16 : i32
            %parallel_loop3A_259 = arith.muli %parallel_loop3A_257, %parallel_loop3A_258 : i32
            %parallel_loop3A_260 = arith.constant 1280 : i32
            %parallel_loop3A_261 = arith.addi %parallel_loop3A_260, %parallel_loop3A_259 : i32
            %parallel_loop3A_262 = arith.index_cast %parallel_loop3A_261 : i32 to index
            %parallel_loop3A_263 = tpu.vector_load %arg9[%parallel_loop3A_262] {strides = array<i32>} : memref<2560xi32, #tpu.memory_space<vmem>>, vector<16xi32>,
            %parallel_loop3A_264 = arith.constant 0 : i32
            %parallel_loop3A_265 = vector.broadcast %parallel_loop3A_264 : i32 to vector<16xi32>
            %parallel_loop3A_266 = tpu.vector_load_idx %arg7[%parallel_loop3A_265, %parallel_loop3A_263] : memref<8x10000xf32, #tpu.memory_space<vmem>>[vector<16xi32>, vector<16xi32>], vector<16xf32>,
            %parallel_loop3A_267 = arith.constant 16 : i32
            %parallel_loop3A_268 = arith.muli %parallel_loop3A_257, %parallel_loop3A_267 : i32
            %parallel_loop3A_269 = arith.constant 0 : i32
            %parallel_loop3A_270 = arith.index_cast %parallel_loop3A_269 : i32 to index
            %parallel_loop3A_271 = arith.index_cast %parallel_loop3A_268 : i32 to index
            %parallel_loop3A_272 = tpu.vector_load %arg11[%parallel_loop3A_270, %parallel_loop3A_271] {strides = array<i32>} : memref<8x1280xf32, #tpu.memory_space<vmem>>, vector<16xf32>,
            tpu.vector_store %arg11[%parallel_loop3A_270, %parallel_loop3A_271], %parallel_loop3A_266 {strides = array<i32>} : memref<8x1280xf32, #tpu.memory_space<vmem>>, vector<16xf32>,
            %parallel_loop3A_273 = arith.constant 1 : i32
            %parallel_loop3A_274 = vector.broadcast %parallel_loop3A_273 : i32 to vector<16xi32>
            %parallel_loop3A_275 = tpu.vector_load_idx %arg7[%parallel_loop3A_274, %parallel_loop3A_263] : memref<8x10000xf32, #tpu.memory_space<vmem>>[vector<16xi32>, vector<16xi32>], vector<16xf32>,
            %parallel_loop3A_276 = arith.constant 16 : i32
            %parallel_loop3A_277 = arith.muli %parallel_loop3A_257, %parallel_loop3A_276 : i32
            %parallel_loop3A_278 = arith.constant 1 : i32
            %parallel_loop3A_279 = arith.index_cast %parallel_loop3A_278 : i32 to index
            %parallel_loop3A_280 = arith.index_cast %parallel_loop3A_277 : i32 to index
            %parallel_loop3A_281 = tpu.vector_load %arg11[%parallel_loop3A_279, %parallel_loop3A_280] {strides = array<i32>} : memref<8x1280xf32, #tpu.memory_space<vmem>>, vector<16xf32>,
            tpu.vector_store %arg11[%parallel_loop3A_279, %parallel_loop3A_280], %parallel_loop3A_275 {strides = array<i32>} : memref<8x1280xf32, #tpu.memory_space<vmem>>, vector<16xf32>,
            %parallel_loop3A_282 = arith.constant 2 : i32
            %parallel_loop3A_283 = vector.broadcast %parallel_loop3A_282 : i32 to vector<16xi32>
            %parallel_loop3A_284 = tpu.vector_load_idx %arg7[%parallel_loop3A_283, %parallel_loop3A_263] : memref<8x10000xf32, #tpu.memory_space<vmem>>[vector<16xi32>, vector<16xi32>], vector<16xf32>,
            %parallel_loop3A_285 = arith.constant 16 : i32
            %parallel_loop3A_286 = arith.muli %parallel_loop3A_257, %parallel_loop3A_285 : i32
            %parallel_loop3A_287 = arith.constant 2 : i32
            %parallel_loop3A_288 = arith.index_cast %parallel_loop3A_287 : i32 to index
            %parallel_loop3A_289 = arith.index_cast %parallel_loop3A_286 : i32 to index
            %parallel_loop3A_290 = tpu.vector_load %arg11[%parallel_loop3A_288, %parallel_loop3A_289] {strides = array<i32>} : memref<8x1280xf32, #tpu.memory_space<vmem>>, vector<16xf32>,
            tpu.vector_store %arg11[%parallel_loop3A_288, %parallel_loop3A_289], %parallel_loop3A_284 {strides = array<i32>} : memref<8x1280xf32, #tpu.memory_space<vmem>>, vector<16xf32>,
            %parallel_loop3A_291 = arith.constant 3 : i32
            %parallel_loop3A_292 = vector.broadcast %parallel_loop3A_291 : i32 to vector<16xi32>
            %parallel_loop3A_293 = tpu.vector_load_idx %arg7[%parallel_loop3A_292, %parallel_loop3A_263] : memref<8x10000xf32, #tpu.memory_space<vmem>>[vector<16xi32>, vector<16xi32>], vector<16xf32>,
            %parallel_loop3A_294 = arith.constant 16 : i32
            %parallel_loop3A_295 = arith.muli %parallel_loop3A_257, %parallel_loop3A_294 : i32
            %parallel_loop3A_296 = arith.constant 3 : i32
            %parallel_loop3A_297 = arith.index_cast %parallel_loop3A_296 : i32 to index
            %parallel_loop3A_298 = arith.index_cast %parallel_loop3A_295 : i32 to index
            %parallel_loop3A_299 = tpu.vector_load %arg11[%parallel_loop3A_297, %parallel_loop3A_298] {strides = array<i32>} : memref<8x1280xf32, #tpu.memory_space<vmem>>, vector<16xf32>,
            tpu.vector_store %arg11[%parallel_loop3A_297, %parallel_loop3A_298], %parallel_loop3A_293 {strides = array<i32>} : memref<8x1280xf32, #tpu.memory_space<vmem>>, vector<16xf32>,
            %parallel_loop3A_300 = arith.constant 4 : i32
            %parallel_loop3A_301 = vector.broadcast %parallel_loop3A_300 : i32 to vector<16xi32>
            %parallel_loop3A_302 = tpu.vector_load_idx %arg7[%parallel_loop3A_301, %parallel_loop3A_263] : memref<8x10000xf32, #tpu.memory_space<vmem>>[vector<16xi32>, vector<16xi32>], vector<16xf32>,
            %parallel_loop3A_303 = arith.constant 16 : i32
            %parallel_loop3A_304 = arith.muli %parallel_loop3A_257, %parallel_loop3A_303 : i32
            %parallel_loop3A_305 = arith.constant 4 : i32
            %parallel_loop3A_306 = arith.index_cast %parallel_loop3A_305 : i32 to index
            %parallel_loop3A_307 = arith.index_cast %parallel_loop3A_304 : i32 to index
            %parallel_loop3A_308 = tpu.vector_load %arg11[%parallel_loop3A_306, %parallel_loop3A_307] {strides = array<i32>} : memref<8x1280xf32, #tpu.memory_space<vmem>>, vector<16xf32>,
            tpu.vector_store %arg11[%parallel_loop3A_306, %parallel_loop3A_307], %parallel_loop3A_302 {strides = array<i32>} : memref<8x1280xf32, #tpu.memory_space<vmem>>, vector<16xf32>,
            %parallel_loop3A_309 = arith.constant 5 : i32
            %parallel_loop3A_310 = vector.broadcast %parallel_loop3A_309 : i32 to vector<16xi32>
            %parallel_loop3A_311 = tpu.vector_load_idx %arg7[%parallel_loop3A_310, %parallel_loop3A_263] : memref<8x10000xf32, #tpu.memory_space<vmem>>[vector<16xi32>, vector<16xi32>], vector<16xf32>,
            %parallel_loop3A_312 = arith.constant 16 : i32
            %parallel_loop3A_313 = arith.muli %parallel_loop3A_257, %parallel_loop3A_312 : i32
            %parallel_loop3A_314 = arith.constant 5 : i32
            %parallel_loop3A_315 = arith.index_cast %parallel_loop3A_314 : i32 to index
            %parallel_loop3A_316 = arith.index_cast %parallel_loop3A_313 : i32 to index
            %parallel_loop3A_317 = tpu.vector_load %arg11[%parallel_loop3A_315, %parallel_loop3A_316] {strides = array<i32>} : memref<8x1280xf32, #tpu.memory_space<vmem>>, vector<16xf32>,
            tpu.vector_store %arg11[%parallel_loop3A_315, %parallel_loop3A_316], %parallel_loop3A_311 {strides = array<i32>} : memref<8x1280xf32, #tpu.memory_space<vmem>>, vector<16xf32>,
            %parallel_loop3A_318 = arith.constant 6 : i32
            %parallel_loop3A_319 = vector.broadcast %parallel_loop3A_318 : i32 to vector<16xi32>
            %parallel_loop3A_320 = tpu.vector_load_idx %arg7[%parallel_loop3A_319, %parallel_loop3A_263] : memref<8x10000xf32, #tpu.memory_space<vmem>>[vector<16xi32>, vector<16xi32>], vector<16xf32>,
            %parallel_loop3A_321 = arith.constant 16 : i32
            %parallel_loop3A_322 = arith.muli %parallel_loop3A_257, %parallel_loop3A_321 : i32
            %parallel_loop3A_323 = arith.constant 6 : i32
            %parallel_loop3A_324 = arith.index_cast %parallel_loop3A_323 : i32 to index
            %parallel_loop3A_325 = arith.index_cast %parallel_loop3A_322 : i32 to index
            %parallel_loop3A_326 = tpu.vector_load %arg11[%parallel_loop3A_324, %parallel_loop3A_325] {strides = array<i32>} : memref<8x1280xf32, #tpu.memory_space<vmem>>, vector<16xf32>,
            tpu.vector_store %arg11[%parallel_loop3A_324, %parallel_loop3A_325], %parallel_loop3A_320 {strides = array<i32>} : memref<8x1280xf32, #tpu.memory_space<vmem>>, vector<16xf32>,
            %parallel_loop3A_327 = arith.constant 7 : i32
            %parallel_loop3A_328 = vector.broadcast %parallel_loop3A_327 : i32 to vector<16xi32>
            %parallel_loop3A_329 = tpu.vector_load_idx %arg7[%parallel_loop3A_328, %parallel_loop3A_263] : memref<8x10000xf32, #tpu.memory_space<vmem>>[vector<16xi32>, vector<16xi32>], vector<16xf32>,
            %parallel_loop3A_330 = arith.constant 16 : i32
            %parallel_loop3A_331 = arith.muli %parallel_loop3A_257, %parallel_loop3A_330 : i32
            %parallel_loop3A_332 = arith.constant 7 : i32
            %parallel_loop3A_333 = arith.index_cast %parallel_loop3A_332 : i32 to index
            %parallel_loop3A_334 = arith.index_cast %parallel_loop3A_331 : i32 to index
            %parallel_loop3A_335 = tpu.vector_load %arg11[%parallel_loop3A_333, %parallel_loop3A_334] {strides = array<i32>} : memref<8x1280xf32, #tpu.memory_space<vmem>>, vector<16xf32>,
            tpu.vector_store %arg11[%parallel_loop3A_333, %parallel_loop3A_334], %parallel_loop3A_329 {strides = array<i32>} : memref<8x1280xf32, #tpu.memory_space<vmem>>, vector<16xf32>,
          } {sc.loop_unroll_factor = 2 : i64, sc.parallel_access}
        } else {
        }
        %dma_start3A_246 = tpu.memref_slice %arg6[%add3A_42, %multiple_of3A_230] : memref<272x320000xf32, #tpu.memory_space<hbm>> -> memref<8x1280xf32, #tpu.memory_space<hbm>>
        %dma_start3A_247 = tpu.memref_slice %arg6[%add3A_42, %multiple_of3A_230] : memref<272x320000xf32, #tpu.memory_space<hbm>> -> memref<8x1280xf32, #tpu.memory_space<hbm>>
        tpu.enqueue_dma source(%arg11 : memref<8x1280xf32, #tpu.memory_space<vmem>>) target(%dma_start3A_247 : memref<8x1280xf32, #tpu.memory_space<hbm>>) target_semaphore(%arg14 : memref<!tpu.dma_semaphore, #tpu.memory_space<semaphore_mem>>)
        %add3A_248 = arith.constant 2 : i32
        %add3A_249 = arith.addi %scan3A_99, %add3A_248 : i32
        %lt3A_250 = arith.constant 125 : i32
        %lt3A_251 = arith.cmpi slt, %add3A_249, %lt3A_250 : i32
        %convert_element_type3A_252 = arith.extui %lt3A_251 : i1 to i32
        %cond3A_253 = arith.constant 0 : i32
        %cond3A_254 = arith.cmpi ne, %convert_element_type3A_252, %cond3A_253 : i32
        scf.if %cond3A_254 {
          %add3A_255 = arith.constant 2 : i32
          %add3A_256 = arith.addi %scan3A_99, %add3A_255 : i32
          %mul3A_257 = arith.constant 2 : i32
          %mul3A_258 = arith.muli %add3A_256, %mul3A_257 : i32
          %mul3A_259 = arith.constant 1280 : i32
          %mul3A_260 = arith.muli %mul3A_258, %mul3A_259 : i32
          %multiple_of3A_261 = tpu.assume_multiple %mul3A_260, 128 : i32
          %eq3A_262 = arith.constant 0 : i32
          %eq3A_263 = arith.cmpi eq, %select_n3A_190, %eq3A_262 : i32
          %convert_element_type3A_264 = arith.extui %eq3A_263 : i1 to i32
          %cond3A_265 = arith.constant 0 : i32
          %cond3A_266 = arith.cmpi ne, %convert_element_type3A_264, %cond3A_265 : i32
          scf.if %cond3A_266 {
            %dma_start3A_272 = tpu.memref_slice %arg5[%multiple_of3A_261] : memref<320000xi32, #tpu.memory_space<hbm>> -> memref<2560xi32, #tpu.memory_space<hbm>>
            %dma_start3A_273 = tpu.memref_slice %arg5[%multiple_of3A_261] : memref<320000xi32, #tpu.memory_space<hbm>> -> memref<2560xi32, #tpu.memory_space<hbm>>
            tpu.enqueue_dma source(%dma_start3A_273 : memref<2560xi32, #tpu.memory_space<hbm>>) target(%arg8 : memref<2560xi32, #tpu.memory_space<vmem>>) target_semaphore(%arg15 : memref<!tpu.dma_semaphore, #tpu.memory_space<semaphore_mem>>)
          } else {
          }
          %eq3A_267 = arith.constant 1 : i32
          %eq3A_268 = arith.cmpi eq, %select_n3A_190, %eq3A_267 : i32
          %convert_element_type3A_269 = arith.extui %eq3A_268 : i1 to i32
          %cond3A_270 = arith.constant 0 : i32
          %cond3A_271 = arith.cmpi ne, %convert_element_type3A_269, %cond3A_270 : i32
          scf.if %cond3A_271 {
            %dma_start3A_272 = tpu.memref_slice %arg5[%multiple_of3A_261] : memref<320000xi32, #tpu.memory_space<hbm>> -> memref<2560xi32, #tpu.memory_space<hbm>>
            %dma_start3A_273 = tpu.memref_slice %arg5[%multiple_of3A_261] : memref<320000xi32, #tpu.memory_space<hbm>> -> memref<2560xi32, #tpu.memory_space<hbm>>
            tpu.enqueue_dma source(%dma_start3A_273 : memref<2560xi32, #tpu.memory_space<hbm>>) target(%arg9 : memref<2560xi32, #tpu.memory_space<vmem>>) target_semaphore(%arg16 : memref<!tpu.dma_semaphore, #tpu.memory_space<semaphore_mem>>)
          } else {
          }
        } else {
        }
      }
      %scan3A_68 = arith.constant 125 : i32
      %dma_wait3A_69 = arith.constant 317440 : i32
      %dma_wait3A_70 = tpu.memref_slice %arg6[%add3A_42, %dma_wait3A_69] : memref<272x320000xf32, #tpu.memory_space<hbm>> -> memref<8x1280xf32, #tpu.memory_space<hbm>>
      %dma_wait3A_71 = arith.constant 317440 : i32
      %dma_wait3A_72 = tpu.memref_slice %arg6[%add3A_42, %dma_wait3A_71] : memref<272x320000xf32, #tpu.memory_space<hbm>> -> memref<8x1280xf32, #tpu.memory_space<hbm>>
      tpu.wait_dma2 semaphore(%arg13 : memref<!tpu.dma_semaphore, #tpu.memory_space<semaphore_mem>>) src(%arg10 : memref<8x1280xf32, #tpu.memory_space<vmem>>) dst(%dma_wait3A_72 : memref<8x1280xf32, #tpu.memory_space<hbm>>)
      %dma_wait3A_73 = arith.constant 318720 : i32
      %dma_wait3A_74 = tpu.memref_slice %arg6[%add3A_42, %dma_wait3A_73] : memref<272x320000xf32, #tpu.memory_space<hbm>> -> memref<8x1280xf32, #tpu.memory_space<hbm>>
      %dma_wait3A_75 = arith.constant 318720 : i32
      %dma_wait3A_76 = tpu.memref_slice %arg6[%add3A_42, %dma_wait3A_75] : memref<272x320000xf32, #tpu.memory_space<hbm>> -> memref<8x1280xf32, #tpu.memory_space<hbm>>
      tpu.wait_dma2 semaphore(%arg14 : memref<!tpu.dma_semaphore, #tpu.memory_space<semaphore_mem>>) src(%arg11 : memref<8x1280xf32, #tpu.memory_space<vmem>>) dst(%dma_wait3A_76 : memref<8x1280xf32, #tpu.memory_space<hbm>>)
      %add3A_77 = arith.constant 480 : i32
      %add3A_78 = arith.addi %add3A, %add3A_77 : i32
      %lt3A_79 = arith.constant 500 : i32
      %lt3A_80 = arith.cmpi slt, %add3A_78, %lt3A_79 : i32
      %sub3A_81 = arith.constant 32 : i32
      %sub3A_82 = arith.subi %add3A_78, %sub3A_81 : i32
      %select_n3A_83 = arith.select %lt3A_80, %add3A_78, %sub3A_82 : i32
      %lt3A_84 = arith.constant 250 : i32
      %lt3A_85 = arith.cmpi slt, %select_n3A_83, %lt3A_84 : i32
      %jit3A_86 = arith.constant 0 : i32
      %jit3A_87 = arith.constant 8 : i32
      %select_n3A_88 = arith.select %lt3A_85, %jit3A_86, %jit3A_87 : i32
      %multiple_of3A = tpu.assume_multiple %select_n3A_88, 8 : i32
      %lt3A_89 = arith.constant 250 : i32
      %lt3A_90 = arith.cmpi slt, %select_n3A_83, %lt3A_89 : i32
      %sub3A_91 = arith.constant 250 : i32
      %sub3A_92 = arith.subi %select_n3A_83, %sub3A_91 : i32
      %select_n3A_93 = arith.select %lt3A_90, %select_n3A_83, %sub3A_92 : i32
      %mul3A_94 = arith.constant 1280 : i32
      %mul3A_95 = arith.muli %select_n3A_93, %mul3A_94 : i32
      %multiple_of3A_96 = tpu.assume_multiple %mul3A_95, 128 : i32
      %dma_wait3A_97 = tpu.memref_slice %arg6[%multiple_of3A, %multiple_of3A_96] : memref<272x320000xf32, #tpu.memory_space<hbm>> -> memref<8x1280xf32, #tpu.memory_space<hbm>>
      %dma_wait3A_98 = tpu.memref_slice %arg6[%multiple_of3A, %multiple_of3A_96] : memref<272x320000xf32, #tpu.memory_space<hbm>> -> memref<8x1280xf32, #tpu.memory_space<hbm>>
      tpu.wait_dma2 semaphore(%arg19 : memref<!tpu.dma_semaphore, #tpu.memory_space<semaphore_mem>>) src(%arg12 : memref<8x1280xf32, #tpu.memory_space<vmem>>) dst(%dma_wait3A_98 : memref<8x1280xf32, #tpu.memory_space<hbm>>)
    } else {
    }
    return
  }
}

</mosaic_0001>

<sc_bundles>
// kernel: _run.3.cloned.1.call-start
scs
__scs_entry_jumppad:
0x0: {  	(pc) =	sbr.rel $0x88, $3  }
0x1: {  	(tag) =	ssettag $0x0;
	lr =	simm.s32 $0x1  }
0x2: {  	[smem:$0x3F9D] =	sst lr;
	_ =	strace $0xD0000000  }
0x3: {  	_ = 	snop  }
0x4: {  	_ = 	snop  }
0x5: {  	_ = 	snop  }
0x6: {  	_ = 	snop  }
0x7: {  	_ = 	snop  }
__scs_overlays_trampoline_lowered:
0x8: {  	[smem:$0x3FAC] =	sst s0  }
0x9: {  	[smem:$0x3FAD] =	sst s1  }
0xa: {  	[smem:$0x3FAE] =	sst s2  }
0xb: {  	[smem:$0x3FAF] =	sst s3  }
0xc: {  	[smem:$0x3FB0] =	sst s4  }
0xd: {  	[smem:$0x3FB1] =	sst s5  }
0xe: {  	[smem:$0x3FB2] =	sst s6  }
0xf: {  	[smem:$0x3FB3] =	sst s7  }
0x10: {  	[smem:$0x3FB4] =	sst s8  }
0x11: {  	[smem:$0x3FB5] =	sst s9;
	s0 =	simm.s32 @!p0 $0x0  }
0x12: {  	s1 =	sld [smem:$0x3F9B];
	s0 =	simm.s32 @p0 $0x1  }
0x13: {  	[smem:$0x3FB6] =	sst s0;
	s0 =	simm.s32 @!p1 $0x0  }
0x14: {  	s2 =	sld [smem:$0x3F9A];
	s0 =	simm.s32 @p1 $0x1  }
0x15: {  	[smem:$0x3FB7] =	sst s0;
	s0 =	simm.s32 @!p2 $0x0  }
0x16: {  	s3 =	sld [smem:$0x3FDB];
	s0 =	simm.s32 @p2 $0x1  }
0x17: {  	s4 =	simm.s32 $0x1BF5;
	[smem:$0x3FB9] =	sst s0  }
0x18: {  	s0 =	sld [smem:$0x3F9C];
	_ =	swait.ge [sflag:s4], $0x0  }
0x19: {  	s7 =	sld [smem:$0x3F9D]  }
0x1a: {  	s8 =	sadd.s32 $0xFFFFE003, lr  }
0x1b: {  	s9 =	sadd.s32 $0xFFFFFEF7, lr;
	s5 =	simm.s32 $0xFFFFFFFF;
	p2 =	slt.u32 s8, $0xFFFFF086  }
0x1c: {  	p1 =	slt.u32 s9, $0xF7A;
	s5 =	simm.s32 @!p2 $0x0  }
0x1d: {  	s5 =	simm.s32 @p1 $0x1;
	p0 =	seq.s32 s7, s2  }
0x1e: {  	s7 =	smul.u32 @!p0 $0xF7A, s2;
	p2 =	seq.s32 @!p0 s5, $0x0  }
0x1f: {  	s9 =	smul.u32 $0xF7A, s1;
	s8 =	simm.s32 @!p0 $0x1BF5;
	p2 =	por !p2, p0  }
0x20: {  	[sflag:s8] =	ssyncset.s32 @!p0 $0xFFFFF086;
	s6 =	sadd.s32 @!p0 s3, s7;
	s7 =	simm.s32 @!p0 $0x108  }
0x21: {  	s3 =	sadd.s32 s3, s9;
	s6 =	sadd.s32 @!p0 $0x88, s6;
	s7 =	simm.s32 @p2 $0x1082  }
0x22: {  	[simem:s7], [sflag:s8] =	dma.local @!p0 [hbm:s6], $0xF7A  }
0x23: {  	s9 =	sor.u32 $0xD0000000, s2;
	s6 =	simm.s32 $0x108;
	_ =	swait.ge @!p0 [sflag:s8], $0x0  }
0x24: {  	s3 =	sadd.s32 $0x88, s3;
	s6 =	simm.s32 @!p1 $0x1082;
	[sflag:s4] =	ssyncset.s32 $0xFFFFF086  }
0x25: {  	[simem:s6], [sflag:s4] =	dma.local [hbm:s3], $0xF7A  }
0x26: {  	[smem:$0x3F9D] =	sst s1;
	(tag) =	ssettag s2;
	_ =	strace s9  }
0x27: {  	s1 =	sld [smem:$0x3FAD]  }
0x28: {  	s2 =	sld [smem:$0x3FAE]  }
0x29: {  	s4 =	sld [smem:$0x3FB0]  }
0x2a: {  	p0 =	seq.s32 s5, $0x0;
	s5 =	sld [smem:$0x3FB1]  }
0x2b: {  	s6 =	sld [smem:$0x3FB2]  }
0x2c: {  	s7 =	sld [smem:$0x3FB3]  }
0x2d: {  	s3 =	simm.s32 $0x108;
	s8 =	sld [smem:$0x3FB4]  }
0x2e: {  	s3 =	simm.s32 @!p0 $0x1082;
	s9 =	sld [smem:$0x3FB5]  }
0x2f: {  	lr =	sadd.s32 s0, s3;
	s0 =	sld [smem:$0x3FAC]  }
0x30: {  	s3 =	sld [smem:$0x3FAF]  }
0x31: {  	[smem:$0x3FB8] =	sst s10  }
0x32: {  	s10 =	sld [smem:$0x3FB6];
	_ =	sdelay $0x3  }
0x33: {  	p0 =	seq.s32 s10, $0x1;
	s10 =	sld [smem:$0x3FB8];
	_ =	sdelay $0x3  }
0x34: {  	[smem:$0x3FB8] =	sst s10  }
0x35: {  	s10 =	sld [smem:$0x3FB7];
	_ =	sdelay $0x3  }
0x36: {  	p1 =	seq.s32 s10, $0x1;
	s10 =	sld [smem:$0x3FB8];
	_ =	sdelay $0x3  }
0x37: {  	[smem:$0x3FB8] =	sst s10  }
0x38: {  	s10 =	sld [smem:$0x3FB9]  }
0x39: {  	_ = 	snop;
	(pc) =	sbr.ind lr, $3  }
0x3a: {  	_ = 	snop  }
0x3b: {  	_ = 	snop  }
0x3c: {  	p2 =	seq.s32 s10, $0x1;
	s10 =	sld [smem:$0x3FB8]  }
0x3d: {  	_ =	shalt  }
0x3e: {  	_ =	shalt  }
0x3f: {  	_ =	shalt  }
0x40: {  	_ =	shalt  }
0x41: {  	_ =	shalt  }
0x42: {  	_ =	shalt  }
0x43: {  	_ =	shalt  }
0x44: {  	_ =	shalt  }
0x45: {  	_ =	shalt  }
0x46: {  	_ =	shalt  }
0x47: {  	_ =	shalt  }
0x48: {  	_ =	shalt  }
0x49: {  	_ =	shalt  }
0x4a: {  	_ =	shalt  }
0x4b: {  	_ =	shalt  }
0x4c: {  	_ =	shalt  }
0x4d: {  	_ =	shalt  }
0x4e: {  	_ =	shalt  }
0x4f: {  	_ =	shalt  }
0x50: {  	_ =	shalt  }
0x51: {  	_ =	shalt  }
0x52: {  	_ =	shalt  }
0x53: {  	_ =	shalt  }
0x54: {  	_ =	shalt  }
0x55: {  	_ =	shalt  }
0x56: {  	_ =	shalt  }
0x57: {  	_ =	shalt  }
0x58: {  	_ =	shalt  }
0x59: {  	_ =	shalt  }
0x5a: {  	_ =	shalt  }
0x5b: {  	_ =	shalt  }
0x5c: {  	_ =	shalt  }
0x5d: {  	_ =	shalt  }
0x5e: {  	_ =	shalt  }
0x5f: {  	_ =	shalt  }
0x60: {  	_ =	shalt  }
0x61: {  	_ =	shalt  }
0x62: {  	_ =	shalt  }
0x63: {  	_ =	shalt  }
0x64: {  	_ =	shalt  }
0x65: {  	_ =	shalt  }
0x66: {  	_ =	shalt  }
0x67: {  	_ =	shalt  }
0x68: {  	_ =	shalt  }
0x69: {  	_ =	shalt  }
0x6a: {  	_ =	shalt  }
0x6b: {  	_ =	shalt  }
0x6c: {  	_ =	shalt  }
0x6d: {  	_ =	shalt  }
0x6e: {  	_ =	shalt  }
0x6f: {  	_ =	shalt  }
0x70: {  	_ =	shalt  }
0x71: {  	_ =	shalt  }
0x72: {  	_ =	shalt  }
0x73: {  	_ =	shalt  }
0x74: {  	_ =	shalt  }
0x75: {  	_ =	shalt  }
0x76: {  	_ =	shalt  }
0x77: {  	_ =	shalt  }
0x78: {  	_ =	shalt  }
0x79: {  	_ =	shalt  }
0x7a: {  	_ =	shalt  }
0x7b: {  	_ =	shalt  }
0x7c: {  	_ =	shalt  }
0x7d: {  	_ =	shalt  }
0x7e: {  	_ =	shalt  }
0x7f: {  	_ =	shalt  }
0x80: {  	_ =	shalt  }
0x81: {  	_ =	shalt  }
0x82: {  	_ =	shalt  }
0x83: {  	_ =	shalt  }
0x84: {  	_ =	shalt  }
0x85: {  	_ =	shalt  }
0x86: {  	_ =	shalt  }
0x87: {  	_ =	shalt  }
.Lfunc_end0:
.L_simem_size_0:
called_computation_lowered:
.L_overlay_start_0:
0x88: {  	s2 =	sld [smem:$0x3FD9]  }
0x89: {  	s3 =	sld [smem:$0x3FFE];
	_ =	sdelay $0x1  }
0x8a: {  	s1 =	srdreg.scid  }
0x8b: {  	s0 =	sand.u32 $0x1, s1  }
0x8c: {  	s17 =	sshll.u32 s0, $0xA;
	s2 =	sadd.s32 s3, s2  }
0x8d: {  	s2 =	sadd.s32 s2, s17  }
0x8e: {  	[smem:$0x3FC4] =	sst s2  }
0x8f: {  	_ = 	snop  }
0x90: {  	s2 =	sld [smem:$0x3FC8]  }
0x91: {  	s18 =	sld [smem:$0x3FC7]  }
0x92: {  	s4 =	sld [smem:$0x3FC6]  }
0x93: {  	s5 =	sld [smem:$0x3FD0];
	(tm) =	ssettm $0x1  }
0x94: {  	s6 =	sld [smem:$0x3FFB];
	_ =	sdelay $0x3  }
0x95: {  	_ =	strace s6  }
0x96: {  	s6 =	sld [smem:$0x3FFC];
	_ =	sdelay $0x3  }
0x97: {  	_ =	strace s6  }
0x98: {  	s6 =	sld [smem:$0x3FFD];
	_ =	sdelay $0x3  }
0x99: {  	_ =	strace s6  }
0x9a: {  	_ =	strace $0x8FFFFFFF  }
0x9b: {  	s19 =	sld [smem:$0x3FDB];
	_ =	sdelay $0x1  }
0x9c: {  	s7 =	simm.s32 $_scs_section_size  }
0x9d: {  	s8 =	simm.s32 $_size__tile_overlayer_lowered;
	s9 =	simm.s32 $_tile_overlayer_lowered  }
0x9e: {  	s22 =	simm.s32 $0x1BFF;
	s21 =	sshll.u32 s9, $0x1;
	s6 =	sadd.s32 s7, s19  }
0x9f: {  	s10 =	simm.s32 $0x0;
	s20 =	sshll.u32 s8, $0x1;
	s8 =	sadd.s32 s21, s6  }
0xa0: {  	[timem:s10], [sflag:s22] =	dma.local [hbm:s8], s20  }
0xa1: {  	_ =	swait.ge [sflag:s22], s20  }
0xa2: {  	s7 =	ssub.s32 $0x0, s20;
	[sflag:s22] =	ssyncset.done $0x0  }
0xa3: {  	[sflag:s22] =	ssyncadd.s32 s7;
	_ =	sdelay $0x1  }
0xa4: {  	s23 =	simm.s32 $0x1B8B  }
0xa5: {  	_ =	swait.ge [sflag:s23], $0x1  }
0xa6: {  	[sflag:s23] =	ssyncset.done $0x0  }
0xa7: {  	s25 =	simm.s32 $0x1B8E;
	s24 =	sld [smem:$0x3FFE];
	[sflag:s23] =	ssyncadd.s32 $0xFFFFFFFF  }
0xa8: {  	s26 =	simm.s32 $execute0_lowered;
	[smem:$0x3FD2] =	sst s25  }
0xa9: {  	s8 =	sshll.u32 s26, $0x1;
	_ =	strace $0x80000046;
	[dreg:$0x1] =	wrdreg $0xFFFFFFFF  }
0xaa: {  	s28 =	simm.s32 $_size_execute0_lowered;
	s6 =	sadd.s32 s6, s8;
	[dreg:$0x0] =	wrdreg $0x0  }
0xab: {  	s8 =	sshll.u32 s28, $0x1;
	[dreg:$0x2] =	wrdreg s6  }
0xac: {  	[dreg:$0x3] =	wrdreg s8  }
0xad: {  	[dreg:$0x4] =	wrdreg $0xC0  }
0xae: {  	_ =	task [dreg:s10], $0x5FFFF  }
0xaf: {  	[dreg:$0x1] =	wrdreg $0xFFFFFFFF  }
0xb0: {  	[dreg:$0x0] =	wrdreg $0x60  }
0xb1: {  	[dreg:$0x2] =	wrdreg s24  }
0xb2: {  	[dreg:$0x3] =	wrdreg s2  }
0xb3: {  	[dreg:$0x4] =	wrdreg s18  }
0xb4: {  	[dreg:$0x5] =	wrdreg s4  }
0xb5: {  	[dreg:$0x6] =	wrdreg s5  }
0xb6: {  	[dreg:$0x7] =	wrdreg $0x9  }
0xb7: {  	_ =	task.clear_ibuf [dreg:s10], $0x8FFFF;
	_ =	strace $0x90000046  }
0xb8: {  	s29 =	simm.s32 $0x9;
	_ =	strace $0x80000048  }
0xb9: {  	_ =	swait.ge [sflag:s29], $0x1  }
0xba: {  	[sflag:s29] =	ssyncadd.s32 $0xFFFFFFFF  }
0xbb: {  	_ =	strace $0x90000048  }
0xbc: {  	_ =	sfence  }
0xbd: {  	s30 =	sld [smem:$0x0];
	_ =	sdelay $0x2  }
0xbe: {  	s31 =	sshll.u32 s1, $0xD;
	s1 =	sshrl.u32 s1, $0x2  }
0xbf: {  	s3 =	sand.u32 $0x4000, s31;
	s1 =	sadd.s32 s1, s30  }
0xc0: {  	s0 =	sor.u32 s3, s0;
	s1 =	sshll.u32 s1, $0x11  }
0xc1: {  	s0 =	sor.u32 s1, s0  }
0xc2: {  	s0 =	sadd.s32 $0x8F2B, s0  }
0xc3: {  	[sflag:s0] =	ssyncadd.remote.s32 $0x1  }
0xc4: {  	_ =	sfence.sel $0xFFFF  }
0xc5: {  	[dreg:$0x0] =	wrdreg $0xFFFFFFFF;
	(pc) =	sbr.abs _section_cstart, $3  }
0xc6: {  	[dreg:$0x1] =	wrdreg $0xFFFFFFFF  }
0xc7: {  	_ =	task.clear_ibuf [dreg:s10], $0x2FFFF;
	_ =	strace $0x9FFFFFFF  }
0xc8: {  	(tm) =	ssettm $0x7FFFFFFF  }
0xc9: {  	_ =	shalt  }
tec
execute0_lowered:
.L_overlay_start_1:
0x0: {  	(tag) =	ssettag $0x1  }
0x1: {  	s0 =	rddreg [dreg:$0x0]  }
0x2: {  	s6 =	rddreg [dreg:$0x2];
	s1 =	srdreg.scid  }
0x3: {  	s4 =	stileid.u32;
	s9 =	rddreg [dreg:$0x3]  }
0x4: {  	s5 =	rddreg [dreg:$0x4];
	s7 =	simm.s32 $0x0;
	s1 =	sand.u32 $0x1, s1  }
0x5: {  	s2 =	sshll.u32 s4, $0x1;
	[smem:$0x7FF] =	sst s7;
	s4 =	sshrl.u32 s4, $0x3  }
0x6: {  	s26 =	sadd.s32 $0x140, s6;
	s30 =	sadd.s32 $0x140, s9;
	s2 =	sor.u32 s1, s2  }
0x7: {  	_ =	strace $0x80000047;
	s8 =	sshll.u32 s4, $0x4;
	s1 =	ssub.s32 $0x2, s1  }
0x8: {  	[dreg:$0x7] =	wrdreg s26;
	s11 =	smov.u32 s2;
	s2 =	sand.u32 $0xF, s2  }
0x9: {  	s25 =	sshrl.u32 s1, $0x1;
	s3 =	smul.u32 $0x2780, s2;
	s2 =	sor.u32 s8, s2  }
0xa: {  	[dreg:$0xa] =	wrdreg s30;
	s1 =	ssub.s32 s1, s25;
	s2 =	smul.u32 $0x271000, s2  }
.Ltmp0:
0xb: {  	s31 =	smax.u32 s1, $0x1;
	s0 =	sadd.s32 s3, s0;
	(pc) =	sbr.rel .LBB2_1-.Ltmp0, $4  }
0xc: {  	[dreg:$0xb] =	wrdreg s31;
	s0 =	sadd.s32 $0x400, s0  }
0xd: {  	s18 =	simm.s32 $0x1;
	s28 =	sadd.s32 $0x4E2000, s2;
	[dreg:$0x6] =	wrdreg s0  }
0xe: {  	s4 =	sand.u32 $0x1, s4;
	s29 =	sadd.s32 $0x4E4800, s2;
	[dreg:$0x8] =	wrdreg s28  }
0xf: {  	p0 =	seq.s32 s4, $0x1;
	s2 =	simm.s32 $0x0;
	[dreg:$0x9] =	wrdreg s29  }
.LBB2_44:
0x10: {  	_ =	swait.ge [sflag:s18], $0x2800  }
0x11: {  	[sflag:s18] =	ssyncset.done $0x0  }
0x12: {  	s0 =	simm.s32 $0x2;
	[sflag:s18] =	ssyncadd.s32 $0xFFFFD800  }
0x13: {  	_ =	swait.ge [sflag:s0], $0x2800  }
0x14: {  	[sflag:s0] =	ssyncset.done $0x0  }
0x15: {  	s1 =	simm.s32 $0x7;
	[sflag:s0] =	ssyncadd.s32 $0xFFFFD800  }
0x16: {  	_ =	swait.ge [sflag:s1], $0x2800  }
0x17: {  	s2 =	rddreg [dreg:$0xc]  }
0x18: {  	s31 =	rddreg [dreg:$0xb];
	s2 =	sadd.s32 $0x1, s2  }
0x19: {  	p1 =	sne.s32 s2, s31  }
.Ltmp1:
0x1a: {  	_ = 	snop;
	(pc) =	sbr.rel @!p1 .LBB2_45-.Ltmp1, $3  }
0x1b: {  	_ =	sdelay $0x1  }
0x1c: {  	[sflag:s1] =	ssyncset.done $0x0  }
0x1d: {  	[sflag:s1] =	ssyncadd.s32 $0xFFFFD800  }
.LBB2_1:
.Ltmp2:
0x1e: {  	(pc) =	sbr.rel @!p0 .LBB2_2-.Ltmp2, $4  }
0x1f: {  	_ = 	snop  }
0x20: {  	[dreg:$0xc] =	wrdreg s2  }
0x21: {  	s0 =	rddreg [dreg:$0x6];
	s24 =	simm.s32 $0x0  }
0x22: {  	[tilespmem:s7], [sflag:$0x5] =	stream.linear.gather [hbm4b:s0+s7], $0x13C00, $0x38;
	[tilespmem:$0x1C800] =	vst v63  }
0x23: {  	s0 =	rddreg [dreg:$0x3]  }
0x24: {  	s1 =	simm.s32 $0x13C00;
	s29 =	rddreg [dreg:$0xa]  }
0x25: {  	[tilespmem:s1], [sflag:$0x3] =	stream.linear.gather [hbm4b:s0+s24], $0xA00, $0x38;
	[tilespmem:$0x1C800] =	vst v63  }
.Ltmp3:
0x26: {  	s30 =	simm.s32 $0x14600;
	s31 =	simm.s32 $0x5;
	(pc) =	sbr.rel .LBB2_24-.Ltmp3, $4  }
0x27: {  	[tilespmem:s30], [sflag:$0x4] =	stream.linear.gather [hbm4b:s29+s24], $0xA00, $0x38;
	[tilespmem:$0x1C800] =	vst v63  }
0x28: {  	_ =	swait.ge [sflag:s31], $0x13C00  }
0x29: {  	[sflag:s31] =	ssyncset.done $0x0  }
0x2a: {  	[sflag:s31] =	ssyncadd.s32 $0xFFFEC400  }
.LBB2_43:
0x2b: {  	s0 =	rddreg [dreg:$0x9]  }
0x2c: {  	s0 =	sadd.s32 s0, s26  }
0x2d: {  	s0 =	sshrl.u32 s0, $0x3  }
0x2e: {  	s1 =	simm.s32 $0x17800;
	p2 =	sgt.u32 s24, $0x7A;
	s0 =	sadd.s32 s5, s0  }
0x2f: {  	[hbm4b:s0+s7] =	stream.linear.scatter [tilespmem:s1], [sflag:$0x2], $0x2800, $0x38;
	[tilespmem:$0x1C800] =	vst v63  }
0x30: {  	s0 =	smul.u32 @!p2 $0xA00, s24  }
0x31: {  	s4 =	rddreg [dreg:$0x3];
	p3 =	sne.s32 @!p2 s25, $0x0  }
0x32: {  	p1 =	por !p1, p2;
	p3 =	por p3, p2;
	s0 =	sadd.s32 @!p2 $0x1400, s0  }
0x33: {  	s2 =	simm.s32 @!p3 $0x0;
	s3 =	simm.s32 @!p3 $0x13C00;
	s1 =	sshrl.u32 @!p3 s0, $0x3  }
0x34: {  	s24 =	sadd.s32 $0x1, s24;
	s0 =	sshrl.u32 @!p1 s0, $0x3;
	s1 =	sadd.s32 @!p3 s4, s1  }
0x35: {  	[tilespmem:s3], [sflag:$0x3] =	stream.linear.gather @!p3 [hbm4b:s1+s2], $0xA00, $0x38;
	[tilespmem:$0x1C800] =	vst v63  }
0x36: {  	s0 =	sadd.s32 @!p1 s4, s0;
	s1 =	simm.s32 @!p1 $0x0;
	s2 =	simm.s32 @!p1 $0x14600  }
0x37: {  	[tilespmem:s2], [sflag:$0x4] =	stream.linear.gather @!p1 [hbm4b:s0+s1], $0xA00, $0x38;
	[tilespmem:$0x1C800] =	vst v63  }
0x38: {  	p1 =	sne.s32 s24, $0x7D  }
.Ltmp4:
0x39: {  	_ = 	snop;
	(pc) =	sbr.rel @!p1 .LBB2_44-.Ltmp4, $1  }
0x3a: {  	_ =	sdelay $0x3  }
.LBB2_24:
0x3b: {  	s0 =	sshrl.u32 s24, $0x1  }
0x3c: {  	s25 =	sand.u32 $0x1, s24;
	s1 =	sshll.u32 s0, $0x5  }
0x3d: {  	p1 =	seq.s32 s25, $0x1;
	s1 =	sor.u32 s11, s1  }
0x3e: {  	p3 =	sgt.u32 @!p1 s1, $0x1F3  }
0x3f: {  	p2 =	por p3, p1  }
0x40: {  	p4 =	seq.s32 @!p2 s0, $0x0  }
0x41: {  	p5 =	sgt.u32 @!p2 s1, $0xF9;
	p4 =	por @!p1 p4, p3  }
0x42: {  	s0 =	sadd.s32 @!p2 $0xFFFFFF06, s1;
	s3 =	simm.s32 @!p2 $0x271000;
	p4 =	por p4, p1  }
0x43: {  	p3 =	por @!p1 !p5, p3;
	s0 =	smin.u32 @!p2 s0, s1;
	s2 =	simm.s32 @!p4 $0x7  }
0x44: {  	p3 =	por !p3, p1;
	s0 =	smul.u32 @!p2 $0x2800, s0;
	_ =	swait.ge @!p4 [sflag:s2], $0x2800  }
0x45: {  	s3 =	simm.s32 @!p3 $0x0;
	[sflag:s2] =	ssyncset.done @!p4 $0x0  }
0x46: {  	s0 =	sadd.s32 @!p2 s3, s0;
	[sflag:s2] =	ssyncadd.s32 @!p4 $0xFFFFD800  }
0x47: {  	p3 =	sgt.u32 s1, $0x1F3;
	s0 =	sshrl.u32 @!p2 s0, $0x3;
	s2 =	rddreg [dreg:$0x1]  }
0x48: {  	s3 =	simm.s32 @!p2 $0x1A000;
	s0 =	sadd.s32 @!p2 s2, s0;
	s2 =	simm.s32 @!p2 $0x0  }
0x49: {  	[tilespmem:s3], [sflag:$0x6] =	stream.linear.gather @!p2 [hbm4b:s0+s2], $0x2800, $0x38;
	[tilespmem:$0x1C800] =	vst v63  }
0x4a: {  	p2 =	por !p1, p3  }
0x4b: {  	p4 =	sgt.u32 @!p2 s1, $0xF9;
	s0 =	sadd.s32 @!p2 $0xFFFFFF06, s1  }
0x4c: {  	s2 =	simm.s32 @!p2 $0x6;
	p4 =	por @!p3 !p4, !p1;
	s0 =	smin.u32 @!p2 s0, s1  }
0x4d: {  	s1 =	simm.s32 @!p2 $0x271000;
	p3 =	por !p4, p3;
	s0 =	smul.u32 @!p2 $0x2800, s0  }
0x4e: {  	_ =	swait.ge @!p2 [sflag:s2], $0x2800;
	s1 =	simm.s32 @!p3 $0x0  }
0x4f: {  	[sflag:s2] =	ssyncset.done @!p2 $0x0;
	s0 =	sadd.s32 @!p2 s1, s0  }
0x50: {  	[sflag:s2] =	ssyncadd.s32 @!p2 $0xFFFFD800;
	s0 =	sshrl.u32 @!p2 s0, $0x3  }
0x51: {  	s2 =	simm.s32 @!p2 $0x1A000;
	s1 =	simm.s32 @!p2 $0x0;
	s0 =	sadd.s32 @!p2 s5, s0  }
0x52: {  	[hbm4b:s0+s1] =	stream.linear.scatter @!p2 [tilespmem:s2], [sflag:$0x7], $0x2800, $0x38;
	[tilespmem:$0x1C800] =	vst v63  }
.Ltmp5:
0x53: {  	p2 =	sne.s32 s25, $0x0;
	(pc) =	sbr.rel @!p1 .LBB2_26-.Ltmp5, $4  }
0x54: {  	s0 =	simm.s32 @!p2 $0x3  }
0x55: {  	_ =	swait.ge @!p2 [sflag:s0], $0xA00  }
0x56: {  	[sflag:s0] =	ssyncset.done @!p2 $0x0  }
0x57: {  	[sflag:s0] =	ssyncadd.s32 @!p2 $0xFFFFF600  }
.Ltmp6:
0x58: {  	(pc) =	sbr.rel .LBB2_27-.Ltmp6, $4  }
0x59: {  	s0 =	simm.s32 $0x4  }
0x5a: {  	_ =	swait.ge [sflag:s0], $0xA00  }
0x5b: {  	[sflag:s0] =	ssyncset.done $0x0  }
0x5c: {  	[sflag:s0] =	ssyncadd.s32 $0xFFFFF600  }
.LBB2_26:
0x5d: {  	p3 =	seq.s32 s24, $0x0  }
.Ltmp7:
0x5e: {  	_ = 	snop;
	(pc) =	sbr.rel @p3 .LBB2_28-.Ltmp7, $1  }
0x5f: {  	_ =	sdelay $0x3  }
.LBB2_27:
.Ltmp8:
0x60: {  	(pc) =	sbr.rel @p2 .LBB2_31-.Ltmp8, $4  }
0x61: {  	_ = 	snop  }
0x62: {  	_ =	swait.ge [sflag:s18], $0x2800  }
0x63: {  	[sflag:s18] =	ssyncset.done $0x0  }
0x64: {  	[sflag:s18] =	ssyncadd.s32 $0xFFFFD800  }
.LBB2_28:
0x65: {  	s9 =	simm.s32 $0x0  }
0x66: {  	s2 =	sand.u32 $0x60, s9  }
0x67: {  	s0 =	sand.u32 $0x780, s9;
	s1 =	sor.u32 $0x10, s2  }
0x68: {  	s0 =	sor.u32 s1, s0  }
0x69: {  	v0 =	vld [tilespmem:s0+$0x13C00];
	_ =	sdelay $0x2  }
0x6a: {  	s8 =	simm.s32 $0x13C00  }
0x6b: {  	v2 =	vld [tilespmem:s8+$0x0]  }
0x6c: {  	v1 =	vshll.u32 v0, $0x3  }
0x6d: {  	v0 =	vand.u32 $0x7F, v0;
	v1 =	vand.u32 $0xFFFFFC00, v1  }
0x6e: {  	s3 =	simm.s32 $0x20;
	v5 =	vor.u32 v0, v1  }
0x6f: {  	s10 =	sand.u32 $0x60, s3  }
0x70: {  	s3 =	sand.u32 $0x780, s3;
	s6 =	sor.u32 $0x10, s10;
	v0 =	vshll.u32 v2, $0x3  }
0x71: {  	s3 =	sor.u32 s6, s3;
	v1 =	vand.u32 $0x7F, v2;
	v0 =	vand.u32 $0xFFFFFC00, v0  }
0x72: {  	v6 =	vor.u32 v1, v0;
	v0 =	vld [tilespmem:s3+$0x13C00]  }
0x73: {  	v2 =	vld.idx.msk [tilespmem:v5+s7+$0x0], $0xffff  }
0x74: {  	v1 =	vor.u32 $0x80, v5  }
0x75: {  	s12 =	sand.u32 $0x3C00, s9  }
0x76: {  	s3 =	sadd.s32 $0x15000, s12  }
0x77: {  	s1 =	sor.u32 s1, s3;
	v3 =	vld.idx.msk [tilespmem:v6+s7+$0x0], $0xffff  }
0x78: {  	v4 =	vor.u32 $0x80, v6;
	[tilespmem:s1+$0x0] =	vst v2;
	v2 =	vshll.u32 v0, $0x3  }
0x79: {  	s4 =	simm.s32 $0x13C20;
	v0 =	vand.u32 $0x7F, v0;
	v7 =	vld.idx.msk [tilespmem:v1+s7+$0x0], $0xffff;
	v1 =	vand.u32 $0xFFFFFC00, v2  }
0x7a: {  	v1 =	vor.u32 v0, v1;
	v0 =	vld [tilespmem:s4+$0x0]  }
0x7b: {  	s12 =	sor.u32 s2, s3  }
0x7c: {  	s13 =	simm.s32 $0x40;
	v2 =	vor.u32 $0x100, v5;
	[tilespmem:s12+$0x0] =	vst v3  }
0x7d: {  	s8 =	sand.u32 $0x60, s13;
	v3 =	vld.idx.msk [tilespmem:v4+s7+$0x0], $0xffff  }
0x7e: {  	s14 =	sor.u32 $0x10, s8;
	v8 =	vor.u32 $0x100, v6;
	s2 =	sand.u32 $0x780, s13  }
0x7f: {  	s2 =	sor.u32 s14, s2;
	[tilespmem:s1+$0x80] =	vst v7;
	v7 =	vld.idx.msk [tilespmem:v1+s7+$0x0], $0xffff;
	v4 =	vshll.u32 v0, $0x3  }
0x80: {  	s29 =	simm.s32 $0x100;
	v10 =	vld [tilespmem:s2+$0x13C00];
	v9 =	vor.u32 $0x80, v1;
	v0 =	vand.u32 $0x7F, v0;
	v4 =	vand.u32 $0xFFFFFC00, v4  }
0x81: {  	s15 =	sand.u32 $0x3C00, s29;
	v2 =	vld.idx.msk [tilespmem:v2+s7+$0x0], $0xffff;
	v4 =	vor.u32 v0, v4  }
0x82: {  	s2 =	sadd.s32 $0x15000, s15;
	[tilespmem:s12+$0x80] =	vst v3;
	v0 =	vor.u32 $0x180, v5  }
0x83: {  	s3 =	sor.u32 s6, s2;
	v3 =	vld.idx.msk [tilespmem:v8+s7+$0x0], $0xffff  }
0x84: {  	[tilespmem:s3+$0x0] =	vst v7;
	v7 =	vor.u32 $0x180, v6  }
0x85: {  	v8 =	vld.idx.msk [tilespmem:v9+s7+$0x0], $0xffff  }
0x86: {  	v11 =	vor.u32 $0x100, v1;
	[tilespmem:s1+$0x100] =	vst v2;
	v2 =	vshll.u32 v10, $0x3;
	v9 =	vld.idx.msk [tilespmem:v4+s7+$0x0], $0xffff  }
0x87: {  	s16 =	simm.s32 $0x13C40;
	v13 =	vor.u32 $0x80, v4;
	v2 =	vand.u32 $0xFFFFFC00, v2;
	v12 =	vld.idx.msk [tilespmem:v0+s7+$0x0], $0xffff;
	v0 =	vand.u32 $0x7F, v10  }
0x88: {  	[tilespmem:s12+$0x100] =	vst v3;
	v0 =	vor.u32 v0, v2;
	v2 =	vld [tilespmem:s16+$0x0]  }
0x89: {  	v3 =	vor.u32 $0x200, v5;
	v7 =	vld.idx.msk [tilespmem:v7+s7+$0x0], $0xffff  }
0x8a: {  	s0 =	sor.u32 s10, s2;
	[tilespmem:s3+$0x80] =	vst v8;
	v8 =	vor.u32 $0x200, v6  }
0x8b: {  	[tilespmem:s0+$0x0] =	vst v9;
	v9 =	vld.idx.msk [tilespmem:v11+s7+$0x0], $0xffff  }
0x8c: {  	s17 =	simm.s32 $0x60;
	v11 =	vor.u32 $0x180, v1;
	v10 =	vld.idx.msk [tilespmem:v13+s7+$0x0], $0xffff  }
0x8d: {  	s15 =	sand.u32 $0x60, s17;
	v14 =	vor.u32 $0x100, v4;
	[tilespmem:s1+$0x180] =	vst v12;
	v12 =	vld.idx.msk [tilespmem:v0+s7+$0x0], $0xffff;
	v13 =	vshll.u32 v2, $0x3  }
0x8e: {  	s26 =	simm.s32 $0x200;
	s19 =	sor.u32 $0x10, s15;
	s6 =	sand.u32 $0x780, s17;
	v15 =	vor.u32 $0x80, v0;
	v3 =	vld.idx.msk [tilespmem:v3+s7+$0x0], $0xffff;
	v2 =	vand.u32 $0x7F, v2;
	v13 =	vand.u32 $0xFFFFFC00, v13;
	[tilespmem:s12+$0x180] =	vst v7  }
0x8f: {  	s10 =	sand.u32 $0x3C00, s26;
	s6 =	sor.u32 s19, s6;
	v2 =	vor.u32 v2, v13;
	v7 =	vld.idx.msk [tilespmem:v8+s7+$0x0], $0xffff  }
0x90: {  	s22 =	sadd.s32 $0x15000, s10;
	v8 =	vld [tilespmem:s6+$0x13C00];
	[tilespmem:s3+$0x100] =	vst v9;
	v9 =	vor.u32 $0x280, v6  }
0x91: {  	s28 =	sor.u32 s14, s22;
	[tilespmem:s0+$0x80] =	vst v10;
	v10 =	vld.idx.msk [tilespmem:v11+s7+$0x0], $0xffff;
	v11 =	vor.u32 $0x280, v5  }
0x92: {  	[tilespmem:s28+$0x0] =	vst v12;
	v12 =	vld.idx.msk [tilespmem:v14+s7+$0x0], $0xffff  }
0x93: {  	v13 =	vor.u32 $0x200, v1;
	v14 =	vld.idx.msk [tilespmem:v15+s7+$0x0], $0xffff  }
0x94: {  	v16 =	vor.u32 $0x180, v4;
	v15 =	vld.idx.msk [tilespmem:v2+s7+$0x0], $0xffff;
	[tilespmem:s12+$0x200] =	vst v7  }
0x95: {  	[tilespmem:s1+$0x200] =	vst v3;
	v3 =	vshll.u32 v8, $0x3;
	v7 =	vor.u32 $0x100, v0;
	v9 =	vld.idx.msk [tilespmem:v9+s7+$0x0], $0xffff  }
0x96: {  	s23 =	simm.s32 $0x13C60;
	v17 =	vor.u32 $0x80, v2;
	v8 =	vand.u32 $0x7F, v8;
	v3 =	vand.u32 $0xFFFFFC00, v3;
	[tilespmem:s3+$0x180] =	vst v10;
	v10 =	vld.idx.msk [tilespmem:v11+s7+$0x0], $0xffff  }
0x97: {  	v3 =	vor.u32 v8, v3;
	v11 =	vld [tilespmem:s23+$0x0]  }
0x98: {  	v8 =	vld.idx.msk [tilespmem:v13+s7+$0x0], $0xffff;
	[tilespmem:s0+$0x100] =	vst v12;
	v12 =	vor.u32 $0x300, v5  }
0x99: {  	s31 =	sor.u32 s8, s22;
	[tilespmem:s28+$0x80] =	vst v14;
	v13 =	vor.u32 $0x300, v6;
	v14 =	vld.idx.msk [tilespmem:v16+s7+$0x0], $0xffff  }
0x9a: {  	[tilespmem:s31+$0x0] =	vst v15;
	v7 =	vld.idx.msk [tilespmem:v7+s7+$0x0], $0xffff  }
0x9b: {  	s6 =	simm.s32 $0x80;
	v16 =	vor.u32 $0x200, v4;
	v15 =	vld.idx.msk [tilespmem:v17+s7+$0x0], $0xffff  }
0x9c: {  	v18 =	vor.u32 $0x180, v0;
	s8 =	sand.u32 $0x60, s6;
	v17 =	vld.idx.msk [tilespmem:v3+s7+$0x0], $0xffff;
	[tilespmem:s1+$0x280] =	vst v10  }
0x9d: {  	s10 =	sand.u32 $0x780, s6;
	s13 =	sor.u32 $0x10, s8;
	[tilespmem:s12+$0x280] =	vst v9;
	v9 =	vor.u32 $0x100, v2;
	v10 =	vld.idx.msk [tilespmem:v12+s7+$0x0], $0xffff  }
0x9e: {  	s30 =	simm.s32 $0x300;
	s14 =	sand.u32 $0x3, s9;
	s1 =	sor.u32 s13, s10;
	v12 =	vor.u32 $0x80, v3;
	v19 =	vld.idx.msk [tilespmem:v13+s7+$0x0], $0xffff  }
0x9f: {  	s4 =	sshll.u32 s14, $0x5;
	s16 =	sand.u32 $0x3C00, s30;
	v13 =	vshll.u32 v11, $0x3;
	v20 =	vld [tilespmem:s1+$0x13C00];
	[tilespmem:s0+$0x180] =	vst v14;
	v14 =	vor.u32 $0x380, v5  }
0xa0: {  	s20 =	sadd.s32 $0x0, s4;
	s21 =	sadd.s32 $0x15000, s16;
	v6 =	vor.u32 $0x380, v6;
	v11 =	vand.u32 $0x7F, v11;
	v5 =	vand.u32 $0xFFFFFC00, v13;
	[tilespmem:s28+$0x100] =	vst v7;
	v7 =	vld.idx.msk [tilespmem:v16+s7+$0x0], $0xffff  }
0xa1: {  	s2 =	sadd.s32 $0x10, s20;
	s12 =	sor.u32 s19, s21;
	v5 =	vor.u32 v11, v5;
	[tilespmem:s31+$0x80] =	vst v15;
	v16 =	vld.idx.msk [tilespmem:v18+s7+$0x0], $0xffff  }
0xa2: {  	s17 =	sor.u32 $0x300, s2;
	v21 =	vor.u32 $0x280, v4;
	v13 =	vld.idx.msk [tilespmem:v9+s7+$0x0], $0xffff;
	[tilespmem:s12+$0x0] =	vst v17  }
0xa3: {  	s4 =	sor.u32 $0x300, s20;
	v17 =	vor.u32 $0x280, v1;
	v15 =	vld.idx.msk [tilespmem:v12+s7+$0x0], $0xffff;
	[tilespmem:s17+$0x15000] =	vst v10  }
0xa4: {  	v18 =	vor.u32 $0x200, v0;
	[tilespmem:s4+$0x15000] =	vst v19;
	v11 =	vld.idx.msk [tilespmem:v14+s7+$0x0], $0xffff  }
0xa5: {  	s22 =	simm.s32 $0x8;
	s9 =	simm.s32 $0x2;
	[tilespmem:s3+$0x200] =	vst v8;
	v14 =	vld.idx.msk [tilespmem:v6+s7+$0x0], $0xffff  }
0xa6: {  	s14 =	simm.s32 $0x400;
	s23 =	simm.s32 $0x13C80;
	s19 =	simm.s32 $0x1;
	v8 =	vor.u32 $0x80, v5;
	v9 =	vshll.u32 v20, $0x3;
	v10 =	vor.u32 $0x180, v2;
	v12 =	vld.idx.msk [tilespmem:v5+s7+$0x0], $0xffff;
	[tilespmem:s0+$0x200] =	vst v7  }
0xa7: {  	s16 =	sand.u32 $0x3, s19;
	s19 =	simm.s32 $0x13CA0;
	s1 =	simm.s32 $0xA0;
	v6 =	vand.u32 $0x7F, v20;
	v7 =	vand.u32 $0xFFFFFC00, v9;
	v9 =	vor.u32 $0x100, v3;
	[tilespmem:s28+$0x180] =	vst v16;
	v16 =	vld.idx.msk [tilespmem:v21+s7+$0x0], $0xffff  }
.LBB2_29:
0xa8: {  	s6 =	sand.u32 $0x60, s1;
	s22 =	sadd.s32 $0x2, s22;
	[tilespmem:s31+$0x100] =	vst v13;
	v13 =	vld.idx.msk [tilespmem:v17+s7+$0x0], $0xffff;
	s10 =	sor.u32 $0x380, s20  }
0xa9: {  	s17 =	sand.u32 $0x780, s1;
	v6 =	vor.u32 v6, v7;
	s2 =	sor.u32 $0x380, s2;
	s4 =	sor.u32 $0x10, s6;
	[tilespmem:s12+$0x80] =	vst v15;
	v7 =	vld.idx.msk [tilespmem:v18+s7+$0x0], $0xffff  }
0xaa: {  	s20 =	sand.u32 $0x3, s9;
	v17 =	vor.u32 $0x300, v4;
	p2 =	slt.u32 s22, $0x4E;
	v18 =	vor.u32 $0x300, v1;
	s17 =	sor.u32 s4, s17;
	v15 =	vld [tilespmem:s23+$0x0];
	[tilespmem:s2+$0x15000] =	vst v11  }
0xab: {  	s2 =	sor.u32 s15, s21;
	s15 =	smov.u32 s8;
	s8 =	smov.u32 s6;
	v10 =	vld.idx.msk [tilespmem:v10+s7+$0x0], $0xffff;
	[tilespmem:s10+$0x15000] =	vst v14  }
0xac: {  	s23 =	smov.u32 s19;
	[tilespmem:s2+$0x0] =	vst v12;
	v9 =	vld.idx.msk [tilespmem:v9+s7+$0x0], $0xffff  }
0xad: {  	v11 =	vor.u32 $0x200, v2;
	v8 =	vld.idx.msk [tilespmem:v8+s7+$0x0], $0xffff;
	[tilespmem:s0+$0x280] =	vst v16;
	s0 =	smov.u32 s31;
	s31 =	smov.u32 s2  }
0xae: {  	v14 =	vor.u32 $0x180, v3;
	v12 =	vld.idx.msk [tilespmem:v6+s7+$0x0], $0xffff;
	[tilespmem:s3+$0x280] =	vst v13;
	s3 =	smov.u32 s28;
	s28 =	smov.u32 s12  }
0xaf: {  	v16 =	vor.u32 $0x100, v5;
	v13 =	vshll.u32 v15, $0x3;
	[tilespmem:s3+$0x200] =	vst v7;
	v7 =	vld.idx.msk [tilespmem:v18+s7+$0x0], $0xffff  }
0xb0: {  	v18 =	vor.u32 $0x80, v6;
	v13 =	vand.u32 $0xFFFFFC00, v13;
	v19 =	vld.idx.msk [tilespmem:v17+s7+$0x0], $0xffff  }
0xb1: {  	v21 =	vor.u32 $0x380, v1;
	v1 =	vmovc v0;
	v0 =	vmovc v3;
	s6 =	sshll.u32 s16, $0x5;
	s16 =	smov.u32 s20;
	v3 =	vmov v6;
	s2 =	sand.u32 $0x3C00, s14;
	v20 =	vld [tilespmem:s17+$0x13C00];
	[tilespmem:s0+$0x180] =	vst v10;
	v10 =	vor.u32 $0x380, v4  }
0xb2: {  	s20 =	sadd.s32 s6, s29;
	s29 =	smov.u32 s26;
	s21 =	sadd.s32 $0x15000, s2;
	v6 =	vand.u32 $0x7F, v15;
	v4 =	vmov v2;
	v2 =	vmov v5;
	[tilespmem:s28+$0x100] =	vst v9;
	v9 =	vld.idx.msk [tilespmem:v11+s7+$0x0], $0xffff  }
0xb3: {  	s2 =	sadd.s32 $0x10, s20;
	s12 =	sor.u32 s13, s21;
	s13 =	smov.u32 s4;
	v5 =	vor.u32 v6, v13;
	[tilespmem:s31+$0x80] =	vst v8;
	v22 =	vld.idx.msk [tilespmem:v14+s7+$0x0], $0xffff  }
0xb4: {  	s26 =	smov.u32 s30;
	s4 =	sor.u32 $0x300, s20;
	s6 =	sor.u32 $0x300, s2;
	v8 =	vor.u32 $0x80, v5;
	[tilespmem:s12+$0x0] =	vst v12;
	v13 =	vld.idx.msk [tilespmem:v16+s7+$0x0], $0xffff;
	v16 =	vor.u32 $0x280, v4  }
.Ltmp9:
0xb5: {  	s30 =	smov.u32 s14;
	v17 =	vor.u32 $0x280, v1;
	v15 =	vld.idx.msk [tilespmem:v18+s7+$0x0], $0xffff;
	[tilespmem:s6+$0x15000] =	vst v7;
	(pc) =	sbr.rel @p2 .LBB2_29-.Ltmp9, $4  }
0xb6: {  	v18 =	vor.u32 $0x200, v0;
	v6 =	vand.u32 $0x7F, v20;
	v7 =	vshll.u32 v20, $0x3;
	[tilespmem:s4+$0x15000] =	vst v19;
	v11 =	vld.idx.msk [tilespmem:v21+s7+$0x0], $0xffff  }
0xb7: {  	v7 =	vand.u32 $0xFFFFFC00, v7;
	v14 =	vld.idx.msk [tilespmem:v10+s7+$0x0], $0xffff  }
0xb8: {  	s9 =	sadd.s32 $0x1, s9;
	v10 =	vor.u32 $0x180, v2;
	v12 =	vld.idx.msk [tilespmem:v5+s7+$0x0], $0xffff;
	[tilespmem:s0+$0x200] =	vst v9  }
0xb9: {  	s1 =	sadd.s32 $0x20, s1;
	s19 =	sadd.s32 $0x20, s19;
	s14 =	sadd.s32 $0x100, s14;
	v9 =	vor.u32 $0x100, v3;
	[tilespmem:s28+$0x180] =	vst v22;
	v16 =	vld.idx.msk [tilespmem:v16+s7+$0x0], $0xffff  }
0xba: {  	v19 =	vld [tilespmem:s23+$0x0];
	_ =	sdelay $0x4  }
0xbb: {  	v20 =	vshll.u32 v19, $0x3  }
0xbc: {  	v7 =	vor.u32 v6, v7;
	v19 =	vand.u32 $0x7F, v19;
	v60 =	vand.u32 $0xFFFFFC00, v20  }
0xbd: {  	v6 =	vor.u32 v19, v60;
	_ =	sdelay $0x3  }
0xbe: {  	[tilespmem:s31+$0x100] =	vst v13;
	v61 =	vld.idx.msk [tilespmem:v7+s7+$0x0], $0xffff  }
0xbf: {  	[tilespmem:s12+$0x80] =	vst v15;
	s1 =	sor.u32 $0x380, s2;
	v62 =	vor.u32 $0x80, v7;
	v19 =	vld.idx.msk [tilespmem:v6+s7+$0x0], $0xffff  }
0xc0: {  	s22 =	sor.u32 $0x380, s20;
	s23 =	sand.u32 $0x3C00, s14;
	[tilespmem:s1+$0x15000] =	vst v11;
	v63 =	vor.u32 $0x80, v6  }
0xc1: {  	s15 =	sor.u32 s15, s21;
	v21 =	vld.idx.msk [tilespmem:v18+s7+$0x0], $0xffff;
	s1 =	sadd.s32 $0x15000, s23;
	[tilespmem:s22+$0x15000] =	vst v14  }
0xc2: {  	v10 =	vld.idx.msk [tilespmem:v10+s7+$0x0], $0xffff;
	s13 =	sor.u32 s13, s1;
	[tilespmem:s15+$0x0] =	vst v12  }
0xc3: {  	v39 =	vor.u32 $0x280, v0;
	s1 =	sor.u32 s8, s1;
	v8 =	vld.idx.msk [tilespmem:v8+s7+$0x0], $0xffff;
	[tilespmem:s13+$0x0] =	vst v61  }
0xc4: {  	v23 =	vor.u32 $0x100, v5;
	v15 =	vld.idx.msk [tilespmem:v62+s7+$0x0], $0xffff;
	[tilespmem:s1+$0x0] =	vst v19  }
0xc5: {  	v24 =	vor.u32 $0x100, v7;
	[tilespmem:s0+$0x280] =	vst v16;
	v11 =	vld.idx.msk [tilespmem:v63+s7+$0x0], $0xffff  }
0xc6: {  	v9 =	vld.idx.msk [tilespmem:v9+s7+$0x0], $0xffff;
	[tilespmem:s28+$0x200] =	vst v21;
	v25 =	vor.u32 $0x100, v6  }
0xc7: {  	v27 =	vor.u32 $0x200, v2;
	v20 =	vld.idx.msk [tilespmem:v17+s7+$0x0], $0xffff;
	[tilespmem:s31+$0x180] =	vst v10  }
0xc8: {  	v28 =	vor.u32 $0x180, v3;
	v45 =	vld.idx.msk [tilespmem:v39+s7+$0x0], $0xffff;
	[tilespmem:s15+$0x80] =	vst v8  }
0xc9: {  	v22 =	vor.u32 $0x300, v1;
	v13 =	vld.idx.msk [tilespmem:v23+s7+$0x0], $0xffff;
	[tilespmem:s13+$0x80] =	vst v15  }
0xca: {  	v29 =	vor.u32 $0x180, v5;
	v16 =	vld.idx.msk [tilespmem:v24+s7+$0x0], $0xffff;
	[tilespmem:s1+$0x80] =	vst v11  }
0xcb: {  	v30 =	vor.u32 $0x180, v7;
	[tilespmem:s12+$0x100] =	vst v9;
	v11 =	vld.idx.msk [tilespmem:v25+s7+$0x0], $0xffff  }
0xcc: {  	v17 =	vld.idx.msk [tilespmem:v27+s7+$0x0], $0xffff;
	v32 =	vor.u32 $0x180, v6;
	[tilespmem:s3+$0x280] =	vst v20  }
0xcd: {  	v26 =	vor.u32 $0x300, v4;
	v8 =	vld.idx.msk [tilespmem:v28+s7+$0x0], $0xffff;
	[tilespmem:s28+$0x280] =	vst v45  }
0xce: {  	v40 =	vor.u32 $0x280, v2;
	v12 =	vld.idx.msk [tilespmem:v22+s7+$0x0], $0xffff;
	[tilespmem:s15+$0x100] =	vst v13  }
0xcf: {  	v35 =	vor.u32 $0x200, v3;
	s3 =	sshll.u32 s16, $0x5;
	v13 =	vld.idx.msk [tilespmem:v29+s7+$0x0], $0xffff;
	[tilespmem:s13+$0x100] =	vst v16  }
0xd0: {  	v36 =	vor.u32 $0x200, v5;
	s0 =	sadd.s32 s3, s29;
	v10 =	vld.idx.msk [tilespmem:v30+s7+$0x0], $0xffff;
	[tilespmem:s1+$0x100] =	vst v11  }
0xd1: {  	v37 =	vor.u32 $0x200, v7;
	[tilespmem:s31+$0x200] =	vst v17;
	s4 =	sadd.s32 $0x10, s0;
	v9 =	vld.idx.msk [tilespmem:v32+s7+$0x0], $0xffff  }
0xd2: {  	v31 =	vld.idx.msk [tilespmem:v26+s7+$0x0], $0xffff;
	v38 =	vor.u32 $0x200, v6;
	s6 =	sor.u32 $0x300, s4;
	[tilespmem:s12+$0x180] =	vst v8  }
0xd3: {  	v34 =	vor.u32 $0x380, v4;
	v8 =	vld.idx.msk [tilespmem:v40+s7+$0x0], $0xffff;
	[tilespmem:s6+$0x15000] =	vst v12  }
0xd4: {  	v33 =	vor.u32 $0x380, v1;
	v12 =	vld.idx.msk [tilespmem:v35+s7+$0x0], $0xffff;
	[tilespmem:s15+$0x180] =	vst v13  }
0xd5: {  	v41 =	vor.u32 $0x280, v3;
	v13 =	vld.idx.msk [tilespmem:v36+s7+$0x0], $0xffff;
	[tilespmem:s13+$0x180] =	vst v10  }
0xd6: {  	v42 =	vor.u32 $0x280, v5;
	s8 =	sor.u32 $0x300, s0;
	v11 =	vld.idx.msk [tilespmem:v37+s7+$0x0], $0xffff;
	[tilespmem:s1+$0x180] =	vst v9  }
0xd7: {  	v44 =	vor.u32 $0x280, v7;
	[tilespmem:s8+$0x15000] =	vst v31;
	v43 =	vld.idx.msk [tilespmem:v38+s7+$0x0], $0xffff  }
0xd8: {  	v46 =	vor.u32 $0x280, v6;
	v4 =	vld.idx.msk [tilespmem:v34+s7+$0x0], $0xffff;
	[tilespmem:s31+$0x280] =	vst v8  }
0xd9: {  	v47 =	vor.u32 $0x300, v0;
	v1 =	vld.idx.msk [tilespmem:v33+s7+$0x0], $0xffff;
	[tilespmem:s12+$0x200] =	vst v12  }
0xda: {  	v48 =	vor.u32 $0x300, v2;
	v49 =	vld.idx.msk [tilespmem:v41+s7+$0x0], $0xffff;
	[tilespmem:s15+$0x200] =	vst v13  }
0xdb: {  	v50 =	vor.u32 $0x300, v3;
	v10 =	vld.idx.msk [tilespmem:v42+s7+$0x0], $0xffff;
	[tilespmem:s13+$0x200] =	vst v11  }
0xdc: {  	v51 =	vor.u32 $0x300, v5;
	s0 =	sor.u32 $0x380, s0;
	v52 =	vld.idx.msk [tilespmem:v44+s7+$0x0], $0xffff;
	[tilespmem:s1+$0x200] =	vst v43  }
0xdd: {  	v53 =	vor.u32 $0x300, v7;
	s2 =	sor.u32 $0x380, s4;
	[tilespmem:s0+$0x15000] =	vst v4;
	v4 =	vld.idx.msk [tilespmem:v46+s7+$0x0], $0xffff  }
0xde: {  	s10 =	sand.u32 $0x3, s9;
	v55 =	vor.u32 $0x300, v6;
	v54 =	vld.idx.msk [tilespmem:v47+s7+$0x0], $0xffff;
	[tilespmem:s2+$0x15000] =	vst v1  }
0xdf: {  	v56 =	vor.u32 $0x380, v0;
	s16 =	sadd.s32 $0x1, s9;
	s0 =	sshll.u32 s10, $0x5;
	v12 =	vld.idx.msk [tilespmem:v48+s7+$0x0], $0xffff;
	[tilespmem:s12+$0x280] =	vst v49  }
0xe0: {  	v57 =	vor.u32 $0x380, v2;
	s17 =	sand.u32 $0x3, s16;
	s0 =	sadd.s32 s0, s26;
	v58 =	vld.idx.msk [tilespmem:v50+s7+$0x0], $0xffff;
	[tilespmem:s15+$0x280] =	vst v10  }
0xe1: {  	v59 =	vor.u32 $0x380, v3;
	s3 =	sshll.u32 s17, $0x5;
	s4 =	sadd.s32 $0x10, s0;
	s2 =	sadd.s32 $0x1, s16;
	v11 =	vld.idx.msk [tilespmem:v51+s7+$0x0], $0xffff;
	[tilespmem:s13+$0x280] =	vst v52  }
0xe2: {  	v60 =	vor.u32 $0x380, v5;
	s3 =	sadd.s32 s3, s30;
	s6 =	sor.u32 $0x300, s4;
	s2 =	sand.u32 $0x3, s2;
	v61 =	vld.idx.msk [tilespmem:v53+s7+$0x0], $0xffff;
	[tilespmem:s1+$0x280] =	vst v4  }
0xe3: {  	v7 =	vor.u32 $0x380, v7;
	s20 =	sadd.s32 $0x10, s3;
	s19 =	sor.u32 $0x300, s0;
	[tilespmem:s6+$0x15000] =	vst v54;
	s2 =	sshll.u32 s2, $0x5;
	v62 =	vld.idx.msk [tilespmem:v55+s7+$0x0], $0xffff  }
0xe4: {  	v6 =	vor.u32 $0x380, v6;
	s21 =	sor.u32 $0x300, s20;
	v0 =	vld.idx.msk [tilespmem:v56+s7+$0x0], $0xffff;
	s2 =	sadd.s32 s2, s14;
	[tilespmem:s19+$0x15000] =	vst v12  }
0xe5: {  	s22 =	sor.u32 $0x300, s3;
	s23 =	sadd.s32 $0x10, s2;
	v2 =	vld.idx.msk [tilespmem:v57+s7+$0x0], $0xffff;
	[tilespmem:s21+$0x15000] =	vst v58  }
0xe6: {  	s26 =	sor.u32 $0x300, s23;
	v3 =	vld.idx.msk [tilespmem:v59+s7+$0x0], $0xffff;
	[tilespmem:s22+$0x15000] =	vst v11  }
0xe7: {  	s28 =	sor.u32 $0x300, s2;
	v1 =	vld.idx.msk [tilespmem:v60+s7+$0x0], $0xffff;
	[tilespmem:s26+$0x15000] =	vst v61  }
0xe8: {  	s4 =	sor.u32 $0x380, s4;
	v4 =	vld.idx.msk [tilespmem:v7+s7+$0x0], $0xffff;
	[tilespmem:s28+$0x15000] =	vst v62  }
0xe9: {  	s0 =	sor.u32 $0x380, s0;
	[tilespmem:s4+$0x15000] =	vst v0;
	v63 =	vld.idx.msk [tilespmem:v6+s7+$0x0], $0xffff  }
0xea: {  	s29 =	sor.u32 $0x380, s20;
	[tilespmem:s0+$0x15000] =	vst v2  }
0xeb: {  	s3 =	sor.u32 $0x380, s3;
	[tilespmem:s29+$0x15000] =	vst v3  }
0xec: {  	s30 =	sor.u32 $0x380, s23;
	[tilespmem:s3+$0x15000] =	vst v1  }
0xed: {  	s31 =	sor.u32 $0x380, s2;
	[tilespmem:s30+$0x15000] =	vst v4  }
0xee: {  	[tilespmem:s31+$0x15000] =	vst v63  }
.LBB2_31:
.Ltmp10:
0xef: {  	(pc) =	sbr.rel @!p1 .LBB2_35-.Ltmp10, $1  }
0xf0: {  	_ =	sdelay $0x3  }
0xf1: {  	s9 =	simm.s32 $0x0  }
0xf2: {  	s2 =	sand.u32 $0x60, s9  }
0xf3: {  	s0 =	sand.u32 $0x780, s9;
	s1 =	sor.u32 $0x10, s2  }
0xf4: {  	s0 =	sor.u32 s1, s0  }
0xf5: {  	v0 =	vld [tilespmem:s0+$0x14600];
	_ =	sdelay $0x2  }
0xf6: {  	s8 =	simm.s32 $0x14600  }
0xf7: {  	v2 =	vld [tilespmem:s8+$0x0]  }
0xf8: {  	v1 =	vshll.u32 v0, $0x3  }
0xf9: {  	v0 =	vand.u32 $0x7F, v0;
	v1 =	vand.u32 $0xFFFFFC00, v1  }
0xfa: {  	s3 =	simm.s32 $0x20;
	v5 =	vor.u32 v0, v1  }
0xfb: {  	s10 =	sand.u32 $0x60, s3  }
0xfc: {  	s3 =	sand.u32 $0x780, s3;
	s6 =	sor.u32 $0x10, s10;
	v0 =	vshll.u32 v2, $0x3  }
0xfd: {  	s3 =	sor.u32 s6, s3;
	v1 =	vand.u32 $0x7F, v2;
	v0 =	vand.u32 $0xFFFFFC00, v0  }
0xfe: {  	v6 =	vor.u32 v1, v0;
	v0 =	vld [tilespmem:s3+$0x14600]  }
0xff: {  	v2 =	vld.idx.msk [tilespmem:v5+s7+$0x0], $0xffff  }
0x100: {  	v1 =	vor.u32 $0x80, v5  }
0x101: {  	s12 =	sand.u32 $0x3C00, s9  }
0x102: {  	s3 =	sadd.s32 $0x15000, s12  }
0x103: {  	s1 =	sor.u32 s1, s3;
	v3 =	vld.idx.msk [tilespmem:v6+s7+$0x0], $0xffff  }
0x104: {  	v4 =	vor.u32 $0x80, v6;
	[tilespmem:s1+$0x0] =	vst v2;
	v2 =	vshll.u32 v0, $0x3  }
0x105: {  	s4 =	simm.s32 $0x14620;
	v0 =	vand.u32 $0x7F, v0;
	v7 =	vld.idx.msk [tilespmem:v1+s7+$0x0], $0xffff;
	v1 =	vand.u32 $0xFFFFFC00, v2  }
0x106: {  	v1 =	vor.u32 v0, v1;
	v0 =	vld [tilespmem:s4+$0x0]  }
0x107: {  	s12 =	sor.u32 s2, s3  }
0x108: {  	s13 =	simm.s32 $0x40;
	v2 =	vor.u32 $0x100, v5;
	[tilespmem:s12+$0x0] =	vst v3  }
0x109: {  	s8 =	sand.u32 $0x60, s13;
	v3 =	vld.idx.msk [tilespmem:v4+s7+$0x0], $0xffff  }
0x10a: {  	s14 =	sor.u32 $0x10, s8;
	v8 =	vor.u32 $0x100, v6;
	s2 =	sand.u32 $0x780, s13  }
0x10b: {  	s2 =	sor.u32 s14, s2;
	[tilespmem:s1+$0x80] =	vst v7;
	v7 =	vld.idx.msk [tilespmem:v1+s7+$0x0], $0xffff;
	v4 =	vshll.u32 v0, $0x3  }
0x10c: {  	s29 =	simm.s32 $0x100;
	v10 =	vld [tilespmem:s2+$0x14600];
	v9 =	vor.u32 $0x80, v1;
	v0 =	vand.u32 $0x7F, v0;
	v4 =	vand.u32 $0xFFFFFC00, v4  }
0x10d: {  	s15 =	sand.u32 $0x3C00, s29;
	v2 =	vld.idx.msk [tilespmem:v2+s7+$0x0], $0xffff;
	v4 =	vor.u32 v0, v4  }
0x10e: {  	s2 =	sadd.s32 $0x15000, s15;
	[tilespmem:s12+$0x80] =	vst v3;
	v0 =	vor.u32 $0x180, v5  }
0x10f: {  	s3 =	sor.u32 s6, s2;
	v3 =	vld.idx.msk [tilespmem:v8+s7+$0x0], $0xffff  }
0x110: {  	[tilespmem:s3+$0x0] =	vst v7;
	v7 =	vor.u32 $0x180, v6  }
0x111: {  	v8 =	vld.idx.msk [tilespmem:v9+s7+$0x0], $0xffff  }
0x112: {  	v11 =	vor.u32 $0x100, v1;
	[tilespmem:s1+$0x100] =	vst v2;
	v2 =	vshll.u32 v10, $0x3;
	v9 =	vld.idx.msk [tilespmem:v4+s7+$0x0], $0xffff  }
0x113: {  	s16 =	simm.s32 $0x14640;
	v13 =	vor.u32 $0x80, v4;
	v2 =	vand.u32 $0xFFFFFC00, v2;
	v12 =	vld.idx.msk [tilespmem:v0+s7+$0x0], $0xffff;
	v0 =	vand.u32 $0x7F, v10  }
0x114: {  	[tilespmem:s12+$0x100] =	vst v3;
	v0 =	vor.u32 v0, v2;
	v2 =	vld [tilespmem:s16+$0x0]  }
0x115: {  	v3 =	vor.u32 $0x200, v5;
	v7 =	vld.idx.msk [tilespmem:v7+s7+$0x0], $0xffff  }
0x116: {  	s0 =	sor.u32 s10, s2;
	[tilespmem:s3+$0x80] =	vst v8;
	v8 =	vor.u32 $0x200, v6  }
0x117: {  	[tilespmem:s0+$0x0] =	vst v9;
	v9 =	vld.idx.msk [tilespmem:v11+s7+$0x0], $0xffff  }
0x118: {  	s17 =	simm.s32 $0x60;
	v11 =	vor.u32 $0x180, v1;
	v10 =	vld.idx.msk [tilespmem:v13+s7+$0x0], $0xffff  }
0x119: {  	s15 =	sand.u32 $0x60, s17;
	v14 =	vor.u32 $0x100, v4;
	[tilespmem:s1+$0x180] =	vst v12;
	v12 =	vld.idx.msk [tilespmem:v0+s7+$0x0], $0xffff;
	v13 =	vshll.u32 v2, $0x3  }
0x11a: {  	s26 =	simm.s32 $0x200;
	s19 =	sor.u32 $0x10, s15;
	s6 =	sand.u32 $0x780, s17;
	v15 =	vor.u32 $0x80, v0;
	v3 =	vld.idx.msk [tilespmem:v3+s7+$0x0], $0xffff;
	v2 =	vand.u32 $0x7F, v2;
	v13 =	vand.u32 $0xFFFFFC00, v13;
	[tilespmem:s12+$0x180] =	vst v7  }
0x11b: {  	s10 =	sand.u32 $0x3C00, s26;
	s6 =	sor.u32 s19, s6;
	v2 =	vor.u32 v2, v13;
	v7 =	vld.idx.msk [tilespmem:v8+s7+$0x0], $0xffff  }
0x11c: {  	s22 =	sadd.s32 $0x15000, s10;
	v8 =	vld [tilespmem:s6+$0x14600];
	[tilespmem:s3+$0x100] =	vst v9;
	v9 =	vor.u32 $0x280, v6  }
0x11d: {  	s28 =	sor.u32 s14, s22;
	[tilespmem:s0+$0x80] =	vst v10;
	v10 =	vld.idx.msk [tilespmem:v11+s7+$0x0], $0xffff;
	v11 =	vor.u32 $0x280, v5  }
0x11e: {  	[tilespmem:s28+$0x0] =	vst v12;
	v12 =	vld.idx.msk [tilespmem:v14+s7+$0x0], $0xffff  }
0x11f: {  	v13 =	vor.u32 $0x200, v1;
	v14 =	vld.idx.msk [tilespmem:v15+s7+$0x0], $0xffff  }
0x120: {  	v16 =	vor.u32 $0x180, v4;
	v15 =	vld.idx.msk [tilespmem:v2+s7+$0x0], $0xffff;
	[tilespmem:s12+$0x200] =	vst v7  }
0x121: {  	[tilespmem:s1+$0x200] =	vst v3;
	v3 =	vshll.u32 v8, $0x3;
	v7 =	vor.u32 $0x100, v0;
	v9 =	vld.idx.msk [tilespmem:v9+s7+$0x0], $0xffff  }
0x122: {  	s23 =	simm.s32 $0x14660;
	v17 =	vor.u32 $0x80, v2;
	v8 =	vand.u32 $0x7F, v8;
	v3 =	vand.u32 $0xFFFFFC00, v3;
	[tilespmem:s3+$0x180] =	vst v10;
	v10 =	vld.idx.msk [tilespmem:v11+s7+$0x0], $0xffff  }
0x123: {  	v3 =	vor.u32 v8, v3;
	v11 =	vld [tilespmem:s23+$0x0]  }
0x124: {  	v8 =	vld.idx.msk [tilespmem:v13+s7+$0x0], $0xffff;
	[tilespmem:s0+$0x100] =	vst v12;
	v12 =	vor.u32 $0x300, v5  }
0x125: {  	s31 =	sor.u32 s8, s22;
	[tilespmem:s28+$0x80] =	vst v14;
	v13 =	vor.u32 $0x300, v6;
	v14 =	vld.idx.msk [tilespmem:v16+s7+$0x0], $0xffff  }
0x126: {  	[tilespmem:s31+$0x0] =	vst v15;
	v7 =	vld.idx.msk [tilespmem:v7+s7+$0x0], $0xffff  }
0x127: {  	s6 =	simm.s32 $0x80;
	v16 =	vor.u32 $0x200, v4;
	v15 =	vld.idx.msk [tilespmem:v17+s7+$0x0], $0xffff  }
0x128: {  	v18 =	vor.u32 $0x180, v0;
	s8 =	sand.u32 $0x60, s6;
	v17 =	vld.idx.msk [tilespmem:v3+s7+$0x0], $0xffff;
	[tilespmem:s1+$0x280] =	vst v10  }
0x129: {  	s10 =	sand.u32 $0x780, s6;
	s13 =	sor.u32 $0x10, s8;
	[tilespmem:s12+$0x280] =	vst v9;
	v9 =	vor.u32 $0x100, v2;
	v10 =	vld.idx.msk [tilespmem:v12+s7+$0x0], $0xffff  }
0x12a: {  	s30 =	simm.s32 $0x300;
	s14 =	sand.u32 $0x3, s9;
	s1 =	sor.u32 s13, s10;
	v12 =	vor.u32 $0x80, v3;
	v19 =	vld.idx.msk [tilespmem:v13+s7+$0x0], $0xffff  }
0x12b: {  	s4 =	sshll.u32 s14, $0x5;
	s16 =	sand.u32 $0x3C00, s30;
	v13 =	vshll.u32 v11, $0x3;
	v20 =	vld [tilespmem:s1+$0x14600];
	[tilespmem:s0+$0x180] =	vst v14;
	v14 =	vor.u32 $0x380, v5  }
0x12c: {  	s20 =	sadd.s32 $0x0, s4;
	s21 =	sadd.s32 $0x15000, s16;
	v6 =	vor.u32 $0x380, v6;
	v11 =	vand.u32 $0x7F, v11;
	v5 =	vand.u32 $0xFFFFFC00, v13;
	[tilespmem:s28+$0x100] =	vst v7;
	v7 =	vld.idx.msk [tilespmem:v16+s7+$0x0], $0xffff  }
0x12d: {  	s2 =	sadd.s32 $0x10, s20;
	s12 =	sor.u32 s19, s21;
	v5 =	vor.u32 v11, v5;
	[tilespmem:s31+$0x80] =	vst v15;
	v16 =	vld.idx.msk [tilespmem:v18+s7+$0x0], $0xffff  }
0x12e: {  	s17 =	sor.u32 $0x300, s2;
	v21 =	vor.u32 $0x280, v4;
	v13 =	vld.idx.msk [tilespmem:v9+s7+$0x0], $0xffff;
	[tilespmem:s12+$0x0] =	vst v17  }
0x12f: {  	s4 =	sor.u32 $0x300, s20;
	v17 =	vor.u32 $0x280, v1;
	v15 =	vld.idx.msk [tilespmem:v12+s7+$0x0], $0xffff;
	[tilespmem:s17+$0x15000] =	vst v10  }
0x130: {  	v18 =	vor.u32 $0x200, v0;
	[tilespmem:s4+$0x15000] =	vst v19;
	v11 =	vld.idx.msk [tilespmem:v14+s7+$0x0], $0xffff  }
0x131: {  	s22 =	simm.s32 $0x8;
	s9 =	simm.s32 $0x2;
	[tilespmem:s3+$0x200] =	vst v8;
	v14 =	vld.idx.msk [tilespmem:v6+s7+$0x0], $0xffff  }
0x132: {  	s14 =	simm.s32 $0x400;
	s23 =	simm.s32 $0x14680;
	s19 =	simm.s32 $0x1;
	v8 =	vor.u32 $0x80, v5;
	v9 =	vshll.u32 v20, $0x3;
	v10 =	vor.u32 $0x180, v2;
	v12 =	vld.idx.msk [tilespmem:v5+s7+$0x0], $0xffff;
	[tilespmem:s0+$0x200] =	vst v7  }
0x133: {  	s16 =	sand.u32 $0x3, s19;
	s19 =	simm.s32 $0x146A0;
	s1 =	simm.s32 $0xA0;
	v6 =	vand.u32 $0x7F, v20;
	v7 =	vand.u32 $0xFFFFFC00, v9;
	v9 =	vor.u32 $0x100, v3;
	[tilespmem:s28+$0x180] =	vst v16;
	v16 =	vld.idx.msk [tilespmem:v21+s7+$0x0], $0xffff  }
.LBB2_33:
0x134: {  	s6 =	sand.u32 $0x60, s1;
	s22 =	sadd.s32 $0x2, s22;
	[tilespmem:s31+$0x100] =	vst v13;
	v13 =	vld.idx.msk [tilespmem:v17+s7+$0x0], $0xffff;
	s10 =	sor.u32 $0x380, s20  }
0x135: {  	s17 =	sand.u32 $0x780, s1;
	v6 =	vor.u32 v6, v7;
	s2 =	sor.u32 $0x380, s2;
	s4 =	sor.u32 $0x10, s6;
	[tilespmem:s12+$0x80] =	vst v15;
	v7 =	vld.idx.msk [tilespmem:v18+s7+$0x0], $0xffff  }
0x136: {  	s20 =	sand.u32 $0x3, s9;
	v17 =	vor.u32 $0x300, v4;
	p2 =	slt.u32 s22, $0x4E;
	v18 =	vor.u32 $0x300, v1;
	s17 =	sor.u32 s4, s17;
	v15 =	vld [tilespmem:s23+$0x0];
	[tilespmem:s2+$0x15000] =	vst v11  }
0x137: {  	s2 =	sor.u32 s15, s21;
	s15 =	smov.u32 s8;
	s8 =	smov.u32 s6;
	v10 =	vld.idx.msk [tilespmem:v10+s7+$0x0], $0xffff;
	[tilespmem:s10+$0x15000] =	vst v14  }
0x138: {  	s23 =	smov.u32 s19;
	[tilespmem:s2+$0x0] =	vst v12;
	v9 =	vld.idx.msk [tilespmem:v9+s7+$0x0], $0xffff  }
0x139: {  	v11 =	vor.u32 $0x200, v2;
	v8 =	vld.idx.msk [tilespmem:v8+s7+$0x0], $0xffff;
	[tilespmem:s0+$0x280] =	vst v16;
	s0 =	smov.u32 s31;
	s31 =	smov.u32 s2  }
0x13a: {  	v14 =	vor.u32 $0x180, v3;
	v12 =	vld.idx.msk [tilespmem:v6+s7+$0x0], $0xffff;
	[tilespmem:s3+$0x280] =	vst v13;
	s3 =	smov.u32 s28;
	s28 =	smov.u32 s12  }
0x13b: {  	v16 =	vor.u32 $0x100, v5;
	v13 =	vshll.u32 v15, $0x3;
	[tilespmem:s3+$0x200] =	vst v7;
	v7 =	vld.idx.msk [tilespmem:v18+s7+$0x0], $0xffff  }
0x13c: {  	v18 =	vor.u32 $0x80, v6;
	v13 =	vand.u32 $0xFFFFFC00, v13;
	v19 =	vld.idx.msk [tilespmem:v17+s7+$0x0], $0xffff  }
0x13d: {  	v21 =	vor.u32 $0x380, v1;
	v1 =	vmovc v0;
	v0 =	vmovc v3;
	s6 =	sshll.u32 s16, $0x5;
	s16 =	smov.u32 s20;
	v3 =	vmov v6;
	s2 =	sand.u32 $0x3C00, s14;
	v20 =	vld [tilespmem:s17+$0x14600];
	[tilespmem:s0+$0x180] =	vst v10;
	v10 =	vor.u32 $0x380, v4  }
0x13e: {  	s20 =	sadd.s32 s6, s29;
	s29 =	smov.u32 s26;
	s21 =	sadd.s32 $0x15000, s2;
	v6 =	vand.u32 $0x7F, v15;
	v4 =	vmov v2;
	v2 =	vmov v5;
	[tilespmem:s28+$0x100] =	vst v9;
	v9 =	vld.idx.msk [tilespmem:v11+s7+$0x0], $0xffff  }
0x13f: {  	s2 =	sadd.s32 $0x10, s20;
	s12 =	sor.u32 s13, s21;
	s13 =	smov.u32 s4;
	v5 =	vor.u32 v6, v13;
	[tilespmem:s31+$0x80] =	vst v8;
	v22 =	vld.idx.msk [tilespmem:v14+s7+$0x0], $0xffff  }
0x140: {  	s26 =	smov.u32 s30;
	s4 =	sor.u32 $0x300, s20;
	s6 =	sor.u32 $0x300, s2;
	v8 =	vor.u32 $0x80, v5;
	[tilespmem:s12+$0x0] =	vst v12;
	v13 =	vld.idx.msk [tilespmem:v16+s7+$0x0], $0xffff;
	v16 =	vor.u32 $0x280, v4  }
.Ltmp11:
0x141: {  	s30 =	smov.u32 s14;
	v17 =	vor.u32 $0x280, v1;
	v15 =	vld.idx.msk [tilespmem:v18+s7+$0x0], $0xffff;
	[tilespmem:s6+$0x15000] =	vst v7;
	(pc) =	sbr.rel @p2 .LBB2_33-.Ltmp11, $4  }
0x142: {  	v18 =	vor.u32 $0x200, v0;
	v6 =	vand.u32 $0x7F, v20;
	v7 =	vshll.u32 v20, $0x3;
	[tilespmem:s4+$0x15000] =	vst v19;
	v11 =	vld.idx.msk [tilespmem:v21+s7+$0x0], $0xffff  }
0x143: {  	v7 =	vand.u32 $0xFFFFFC00, v7;
	v14 =	vld.idx.msk [tilespmem:v10+s7+$0x0], $0xffff  }
0x144: {  	s9 =	sadd.s32 $0x1, s9;
	v10 =	vor.u32 $0x180, v2;
	v12 =	vld.idx.msk [tilespmem:v5+s7+$0x0], $0xffff;
	[tilespmem:s0+$0x200] =	vst v9  }
0x145: {  	s1 =	sadd.s32 $0x20, s1;
	s19 =	sadd.s32 $0x20, s19;
	s14 =	sadd.s32 $0x100, s14;
	v9 =	vor.u32 $0x100, v3;
	[tilespmem:s28+$0x180] =	vst v22;
	v16 =	vld.idx.msk [tilespmem:v16+s7+$0x0], $0xffff  }
0x146: {  	v19 =	vld [tilespmem:s23+$0x0];
	_ =	sdelay $0x4  }
0x147: {  	v20 =	vshll.u32 v19, $0x3  }
0x148: {  	v7 =	vor.u32 v6, v7;
	v19 =	vand.u32 $0x7F, v19;
	v60 =	vand.u32 $0xFFFFFC00, v20  }
0x149: {  	v6 =	vor.u32 v19, v60;
	_ =	sdelay $0x3  }
0x14a: {  	[tilespmem:s31+$0x100] =	vst v13;
	v61 =	vld.idx.msk [tilespmem:v7+s7+$0x0], $0xffff  }
0x14b: {  	[tilespmem:s12+$0x80] =	vst v15;
	s1 =	sor.u32 $0x380, s2;
	v62 =	vor.u32 $0x80, v7;
	v19 =	vld.idx.msk [tilespmem:v6+s7+$0x0], $0xffff  }
0x14c: {  	s22 =	sor.u32 $0x380, s20;
	s23 =	sand.u32 $0x3C00, s14;
	[tilespmem:s1+$0x15000] =	vst v11;
	v63 =	vor.u32 $0x80, v6  }
0x14d: {  	s15 =	sor.u32 s15, s21;
	v21 =	vld.idx.msk [tilespmem:v18+s7+$0x0], $0xffff;
	s1 =	sadd.s32 $0x15000, s23;
	[tilespmem:s22+$0x15000] =	vst v14  }
0x14e: {  	v10 =	vld.idx.msk [tilespmem:v10+s7+$0x0], $0xffff;
	s13 =	sor.u32 s13, s1;
	[tilespmem:s15+$0x0] =	vst v12  }
0x14f: {  	v39 =	vor.u32 $0x280, v0;
	s1 =	sor.u32 s8, s1;
	v8 =	vld.idx.msk [tilespmem:v8+s7+$0x0], $0xffff;
	[tilespmem:s13+$0x0] =	vst v61  }
0x150: {  	v23 =	vor.u32 $0x100, v5;
	v15 =	vld.idx.msk [tilespmem:v62+s7+$0x0], $0xffff;
	[tilespmem:s1+$0x0] =	vst v19  }
0x151: {  	v24 =	vor.u32 $0x100, v7;
	[tilespmem:s0+$0x280] =	vst v16;
	v11 =	vld.idx.msk [tilespmem:v63+s7+$0x0], $0xffff  }
0x152: {  	v9 =	vld.idx.msk [tilespmem:v9+s7+$0x0], $0xffff;
	[tilespmem:s28+$0x200] =	vst v21;
	v25 =	vor.u32 $0x100, v6  }
0x153: {  	v27 =	vor.u32 $0x200, v2;
	v20 =	vld.idx.msk [tilespmem:v17+s7+$0x0], $0xffff;
	[tilespmem:s31+$0x180] =	vst v10  }
0x154: {  	v28 =	vor.u32 $0x180, v3;
	v45 =	vld.idx.msk [tilespmem:v39+s7+$0x0], $0xffff;
	[tilespmem:s15+$0x80] =	vst v8  }
0x155: {  	v22 =	vor.u32 $0x300, v1;
	v13 =	vld.idx.msk [tilespmem:v23+s7+$0x0], $0xffff;
	[tilespmem:s13+$0x80] =	vst v15  }
0x156: {  	v29 =	vor.u32 $0x180, v5;
	v16 =	vld.idx.msk [tilespmem:v24+s7+$0x0], $0xffff;
	[tilespmem:s1+$0x80] =	vst v11  }
0x157: {  	v30 =	vor.u32 $0x180, v7;
	[tilespmem:s12+$0x100] =	vst v9;
	v11 =	vld.idx.msk [tilespmem:v25+s7+$0x0], $0xffff  }
0x158: {  	v17 =	vld.idx.msk [tilespmem:v27+s7+$0x0], $0xffff;
	v32 =	vor.u32 $0x180, v6;
	[tilespmem:s3+$0x280] =	vst v20  }
0x159: {  	v26 =	vor.u32 $0x300, v4;
	v8 =	vld.idx.msk [tilespmem:v28+s7+$0x0], $0xffff;
	[tilespmem:s28+$0x280] =	vst v45  }
0x15a: {  	v40 =	vor.u32 $0x280, v2;
	v12 =	vld.idx.msk [tilespmem:v22+s7+$0x0], $0xffff;
	[tilespmem:s15+$0x100] =	vst v13  }
0x15b: {  	v35 =	vor.u32 $0x200, v3;
	s3 =	sshll.u32 s16, $0x5;
	v13 =	vld.idx.msk [tilespmem:v29+s7+$0x0], $0xffff;
	[tilespmem:s13+$0x100] =	vst v16  }
0x15c: {  	v36 =	vor.u32 $0x200, v5;
	s0 =	sadd.s32 s3, s29;
	v10 =	vld.idx.msk [tilespmem:v30+s7+$0x0], $0xffff;
	[tilespmem:s1+$0x100] =	vst v11  }
0x15d: {  	v37 =	vor.u32 $0x200, v7;
	[tilespmem:s31+$0x200] =	vst v17;
	s4 =	sadd.s32 $0x10, s0;
	v9 =	vld.idx.msk [tilespmem:v32+s7+$0x0], $0xffff  }
0x15e: {  	v31 =	vld.idx.msk [tilespmem:v26+s7+$0x0], $0xffff;
	v38 =	vor.u32 $0x200, v6;
	s6 =	sor.u32 $0x300, s4;
	[tilespmem:s12+$0x180] =	vst v8  }
0x15f: {  	v34 =	vor.u32 $0x380, v4;
	v8 =	vld.idx.msk [tilespmem:v40+s7+$0x0], $0xffff;
	[tilespmem:s6+$0x15000] =	vst v12  }
0x160: {  	v33 =	vor.u32 $0x380, v1;
	v12 =	vld.idx.msk [tilespmem:v35+s7+$0x0], $0xffff;
	[tilespmem:s15+$0x180] =	vst v13  }
0x161: {  	v41 =	vor.u32 $0x280, v3;
	v13 =	vld.idx.msk [tilespmem:v36+s7+$0x0], $0xffff;
	[tilespmem:s13+$0x180] =	vst v10  }
0x162: {  	v42 =	vor.u32 $0x280, v5;
	s8 =	sor.u32 $0x300, s0;
	v11 =	vld.idx.msk [tilespmem:v37+s7+$0x0], $0xffff;
	[tilespmem:s1+$0x180] =	vst v9  }
0x163: {  	v44 =	vor.u32 $0x280, v7;
	[tilespmem:s8+$0x15000] =	vst v31;
	v43 =	vld.idx.msk [tilespmem:v38+s7+$0x0], $0xffff  }
0x164: {  	v46 =	vor.u32 $0x280, v6;
	v4 =	vld.idx.msk [tilespmem:v34+s7+$0x0], $0xffff;
	[tilespmem:s31+$0x280] =	vst v8  }
0x165: {  	v47 =	vor.u32 $0x300, v0;
	v1 =	vld.idx.msk [tilespmem:v33+s7+$0x0], $0xffff;
	[tilespmem:s12+$0x200] =	vst v12  }
0x166: {  	v48 =	vor.u32 $0x300, v2;
	v49 =	vld.idx.msk [tilespmem:v41+s7+$0x0], $0xffff;
	[tilespmem:s15+$0x200] =	vst v13  }
0x167: {  	v50 =	vor.u32 $0x300, v3;
	v10 =	vld.idx.msk [tilespmem:v42+s7+$0x0], $0xffff;
	[tilespmem:s13+$0x200] =	vst v11  }
0x168: {  	v51 =	vor.u32 $0x300, v5;
	s0 =	sor.u32 $0x380, s0;
	v52 =	vld.idx.msk [tilespmem:v44+s7+$0x0], $0xffff;
	[tilespmem:s1+$0x200] =	vst v43  }
0x169: {  	v53 =	vor.u32 $0x300, v7;
	s2 =	sor.u32 $0x380, s4;
	[tilespmem:s0+$0x15000] =	vst v4;
	v4 =	vld.idx.msk [tilespmem:v46+s7+$0x0], $0xffff  }
0x16a: {  	s10 =	sand.u32 $0x3, s9;
	v55 =	vor.u32 $0x300, v6;
	v54 =	vld.idx.msk [tilespmem:v47+s7+$0x0], $0xffff;
	[tilespmem:s2+$0x15000] =	vst v1  }
0x16b: {  	v56 =	vor.u32 $0x380, v0;
	s16 =	sadd.s32 $0x1, s9;
	s0 =	sshll.u32 s10, $0x5;
	v12 =	vld.idx.msk [tilespmem:v48+s7+$0x0], $0xffff;
	[tilespmem:s12+$0x280] =	vst v49  }
0x16c: {  	v57 =	vor.u32 $0x380, v2;
	s17 =	sand.u32 $0x3, s16;
	s0 =	sadd.s32 s0, s26;
	v58 =	vld.idx.msk [tilespmem:v50+s7+$0x0], $0xffff;
	[tilespmem:s15+$0x280] =	vst v10  }
0x16d: {  	v59 =	vor.u32 $0x380, v3;
	s3 =	sshll.u32 s17, $0x5;
	s4 =	sadd.s32 $0x10, s0;
	s2 =	sadd.s32 $0x1, s16;
	v11 =	vld.idx.msk [tilespmem:v51+s7+$0x0], $0xffff;
	[tilespmem:s13+$0x280] =	vst v52  }
0x16e: {  	v60 =	vor.u32 $0x380, v5;
	s3 =	sadd.s32 s3, s30;
	s6 =	sor.u32 $0x300, s4;
	s2 =	sand.u32 $0x3, s2;
	v61 =	vld.idx.msk [tilespmem:v53+s7+$0x0], $0xffff;
	[tilespmem:s1+$0x280] =	vst v4  }
0x16f: {  	v7 =	vor.u32 $0x380, v7;
	s20 =	sadd.s32 $0x10, s3;
	s19 =	sor.u32 $0x300, s0;
	[tilespmem:s6+$0x15000] =	vst v54;
	s2 =	sshll.u32 s2, $0x5;
	v62 =	vld.idx.msk [tilespmem:v55+s7+$0x0], $0xffff  }
0x170: {  	v6 =	vor.u32 $0x380, v6;
	s21 =	sor.u32 $0x300, s20;
	v0 =	vld.idx.msk [tilespmem:v56+s7+$0x0], $0xffff;
	s2 =	sadd.s32 s2, s14;
	[tilespmem:s19+$0x15000] =	vst v12  }
0x171: {  	s22 =	sor.u32 $0x300, s3;
	s23 =	sadd.s32 $0x10, s2;
	v2 =	vld.idx.msk [tilespmem:v57+s7+$0x0], $0xffff;
	[tilespmem:s21+$0x15000] =	vst v58  }
0x172: {  	s26 =	sor.u32 $0x300, s23;
	v3 =	vld.idx.msk [tilespmem:v59+s7+$0x0], $0xffff;
	[tilespmem:s22+$0x15000] =	vst v11  }
0x173: {  	s28 =	sor.u32 $0x300, s2;
	v1 =	vld.idx.msk [tilespmem:v60+s7+$0x0], $0xffff;
	[tilespmem:s26+$0x15000] =	vst v61  }
0x174: {  	s4 =	sor.u32 $0x380, s4;
	v4 =	vld.idx.msk [tilespmem:v7+s7+$0x0], $0xffff;
	[tilespmem:s28+$0x15000] =	vst v62  }
0x175: {  	s0 =	sor.u32 $0x380, s0;
	[tilespmem:s4+$0x15000] =	vst v0;
	v63 =	vld.idx.msk [tilespmem:v6+s7+$0x0], $0xffff  }
0x176: {  	s29 =	sor.u32 $0x380, s20;
	[tilespmem:s0+$0x15000] =	vst v2  }
0x177: {  	s3 =	sor.u32 $0x380, s3;
	[tilespmem:s29+$0x15000] =	vst v3  }
0x178: {  	s30 =	sor.u32 $0x380, s23;
	[tilespmem:s3+$0x15000] =	vst v1  }
0x179: {  	s31 =	sor.u32 $0x380, s2;
	[tilespmem:s30+$0x15000] =	vst v4  }
0x17a: {  	[tilespmem:s31+$0x15000] =	vst v63  }
.LBB2_35:
0x17b: {  	s26 =	smul.u32 $0x5000, s24  }
0x17c: {  	s0 =	rddreg [dreg:$0x8]  }
0x17d: {  	p2 =	seq.s32 s24, $0x0;
	s0 =	sadd.s32 s0, s26  }
0x17e: {  	p3 =	sne.s32 @!p2 s25, $0x0;
	s0 =	sshrl.u32 s0, $0x3  }
0x17f: {  	s1 =	simm.s32 $0x15000;
	p3 =	por p2, !p3;
	s0 =	sadd.s32 s5, s0  }
0x180: {  	[hbm4b:s0+s7] =	stream.linear.scatter [tilespmem:s1], [sflag:$0x1], $0x2800, $0x38;
	[tilespmem:$0x1C800] =	vst v63  }
.Ltmp12:
0x181: {  	_ = 	snop;
	(pc) =	sbr.rel @!p3 .LBB2_39-.Ltmp12, $4  }
0x182: {  	s0 =	simm.s32 @!p2 $0x2  }
0x183: {  	_ =	swait.ge @!p2 [sflag:s0], $0x2800  }
0x184: {  	[sflag:s0] =	ssyncset.done @!p2 $0x0  }
0x185: {  	[sflag:s0] =	ssyncadd.s32 @!p2 $0xFFFFD800  }
0x186: {  	s3 =	simm.s32 $0x0  }
0x187: {  	s0 =	sand.u32 $0x7E0, s3  }
0x188: {  	v0 =	vld [tilespmem:s0+$0x14100];
	_ =	sdelay $0x4  }
0x189: {  	v1 =	vshll.u32 v0, $0x3  }
0x18a: {  	v0 =	vand.u32 $0x7F, v0;
	v1 =	vand.u32 $0xFFFFFC00, v1  }
0x18b: {  	s22 =	simm.s32 $0x14110;
	v3 =	vor.u32 v0, v1  }
0x18c: {  	v0 =	vld [tilespmem:s22+$0x0];
	_ =	sdelay $0x3  }
0x18d: {  	v1 =	vld.idx.msk [tilespmem:v3+s7+$0x0], $0xffff  }
0x18e: {  	s23 =	simm.s32 $0x20;
	v4 =	vor.u32 $0x80, v3;
	v2 =	vshll.u32 v0, $0x3  }
0x18f: {  	s1 =	sand.u32 $0x7E0, s23;
	v0 =	vand.u32 $0x7F, v0;
	v2 =	vand.u32 $0xFFFFFC00, v2  }
0x190: {  	s2 =	sand.u32 $0x60, s3;
	s4 =	sand.u32 $0x3C00, s3;
	v7 =	vor.u32 v0, v2;
	v0 =	vld [tilespmem:s1+$0x14100]  }
0x191: {  	s29 =	sor.u32 s2, s4  }
0x192: {  	[tilespmem:s29+$0x17800] =	vst v1  }
0x193: {  	v1 =	vld.idx.msk [tilespmem:v4+s7+$0x0], $0xffff  }
0x194: {  	v2 =	vor.u32 $0x100, v3  }
0x195: {  	v4 =	vld.idx.msk [tilespmem:v7+s7+$0x0], $0xffff;
	v6 =	vshll.u32 v0, $0x3  }
0x196: {  	s30 =	simm.s32 $0x14130;
	v5 =	vor.u32 $0x80, v7;
	v0 =	vand.u32 $0x7F, v0;
	v6 =	vand.u32 $0xFFFFFC00, v6  }
0x197: {  	v8 =	vld [tilespmem:s30+$0x0];
	s1 =	sadd.s32 $0x17800, s29;
	v6 =	vor.u32 v0, v6  }
0x198: {  	[tilespmem:s1+$0x80] =	vst v1  }
0x199: {  	v0 =	vld.idx.msk [tilespmem:v2+s7+$0x0], $0xffff  }
0x19a: {  	v1 =	vor.u32 $0x180, v3;
	[tilespmem:s1+$0x10] =	vst v4  }
0x19b: {  	v2 =	vld.idx.msk [tilespmem:v5+s7+$0x0], $0xffff  }
0x19c: {  	v4 =	vor.u32 $0x100, v7;
	v5 =	vshll.u32 v8, $0x3;
	v9 =	vld.idx.msk [tilespmem:v6+s7+$0x0], $0xffff  }
0x19d: {  	s9 =	simm.s32 $0x14150;
	v10 =	vor.u32 $0x80, v6;
	v8 =	vand.u32 $0x7F, v8;
	v5 =	vand.u32 $0xFFFFFC00, v5  }
0x19e: {  	s31 =	simm.s32 $0x40;
	s8 =	simm.s32 $0x100;
	[tilespmem:s1+$0x100] =	vst v0;
	v0 =	vor.u32 v8, v5;
	v8 =	vld [tilespmem:s9+$0x0]  }
0x19f: {  	s6 =	sand.u32 $0x7E0, s31;
	s0 =	sand.u32 $0x60, s23;
	s2 =	sand.u32 $0x3C00, s8;
	v1 =	vld.idx.msk [tilespmem:v1+s7+$0x0], $0xffff  }
0x1a0: {  	s0 =	sor.u32 s0, s2;
	v5 =	vor.u32 $0x200, v3;
	[tilespmem:s1+$0x90] =	vst v2;
	v2 =	vld [tilespmem:s6+$0x14100]  }
0x1a1: {  	v4 =	vld.idx.msk [tilespmem:v4+s7+$0x0], $0xffff;
	[tilespmem:s0+$0x17800] =	vst v9  }
0x1a2: {  	v9 =	vor.u32 $0x180, v7;
	v10 =	vld.idx.msk [tilespmem:v10+s7+$0x0], $0xffff  }
0x1a3: {  	v12 =	vor.u32 $0x100, v6;
	v11 =	vld.idx.msk [tilespmem:v0+s7+$0x0], $0xffff  }
0x1a4: {  	v13 =	vor.u32 $0x80, v0;
	[tilespmem:s1+$0x180] =	vst v1  }
0x1a5: {  	s10 =	simm.s32 $0x14170;
	v1 =	vshll.u32 v2, $0x3;
	v5 =	vld.idx.msk [tilespmem:v5+s7+$0x0], $0xffff  }
0x1a6: {  	v14 =	vld [tilespmem:s10+$0x0];
	s0 =	sadd.s32 $0x17800, s0;
	v2 =	vand.u32 $0x7F, v2;
	[tilespmem:s1+$0x110] =	vst v4;
	v1 =	vand.u32 $0xFFFFFC00, v1;
	v4 =	vor.u32 $0x280, v3  }
0x1a7: {  	v9 =	vld.idx.msk [tilespmem:v9+s7+$0x0], $0xffff;
	v1 =	vor.u32 v2, v1;
	v2 =	vshll.u32 v8, $0x3;
	[tilespmem:s0+$0x80] =	vst v10  }
0x1a8: {  	s12 =	simm.s32 $0x60;
	v8 =	vand.u32 $0x7F, v8;
	v10 =	vor.u32 $0x200, v7;
	v2 =	vand.u32 $0xFFFFFC00, v2;
	v12 =	vld.idx.msk [tilespmem:v12+s7+$0x0], $0xffff;
	[tilespmem:s0+$0x10] =	vst v11  }
0x1a9: {  	s15 =	sand.u32 $0x7E0, s12;
	v2 =	vor.u32 v8, v2;
	v11 =	vor.u32 $0x180, v6;
	v8 =	vld.idx.msk [tilespmem:v13+s7+$0x0], $0xffff  }
0x1aa: {  	v17 =	vld [tilespmem:s15+$0x14100];
	[tilespmem:s1+$0x200] =	vst v5  }
0x1ab: {  	v5 =	vor.u32 $0x100, v0;
	v4 =	vld.idx.msk [tilespmem:v4+s7+$0x0], $0xffff  }
0x1ac: {  	v13 =	vor.u32 $0x300, v3;
	[tilespmem:s1+$0x190] =	vst v9;
	v9 =	vld.idx.msk [tilespmem:v1+s7+$0x0], $0xffff  }
0x1ad: {  	v15 =	vor.u32 $0x80, v1;
	v10 =	vld.idx.msk [tilespmem:v10+s7+$0x0], $0xffff;
	[tilespmem:s0+$0x100] =	vst v12  }
0x1ae: {  	s28 =	simm.s32 $0x200;
	v11 =	vld.idx.msk [tilespmem:v11+s7+$0x0], $0xffff;
	[tilespmem:s0+$0x90] =	vst v8;
	v8 =	vor.u32 $0x280, v7  }
0x1af: {  	s4 =	sand.u32 $0x60, s31;
	s8 =	sand.u32 $0x3C00, s28;
	v12 =	vor.u32 $0x200, v6;
	v16 =	vld.idx.msk [tilespmem:v2+s7+$0x0], $0xffff  }
0x1b0: {  	s16 =	sor.u32 s4, s8;
	v5 =	vld.idx.msk [tilespmem:v5+s7+$0x0], $0xffff;
	[tilespmem:s1+$0x280] =	vst v4  }
0x1b1: {  	v4 =	vor.u32 $0x180, v0;
	[tilespmem:s16+$0x17800] =	vst v9;
	v9 =	vld.idx.msk [tilespmem:v13+s7+$0x0], $0xffff  }
0x1b2: {  	s3 =	sand.u32 $0x3, s3;
	v13 =	vld.idx.msk [tilespmem:v15+s7+$0x0], $0xffff;
	[tilespmem:s1+$0x210] =	vst v10;
	v10 =	vor.u32 $0x380, v3  }
0x1b3: {  	s3 =	sshll.u32 s3, $0x5;
	v15 =	vor.u32 $0x100, v1;
	[tilespmem:s0+$0x180] =	vst v11;
	v8 =	vld.idx.msk [tilespmem:v8+s7+$0x0], $0xffff  }
0x1b4: {  	s19 =	simm.s32 $0x14190;
	s17 =	sadd.s32 $0x0, s3;
	v11 =	vor.u32 $0x80, v2;
	v12 =	vld.idx.msk [tilespmem:v12+s7+$0x0], $0xffff  }
0x1b5: {  	s20 =	sor.u32 $0x300, s17;
	v19 =	vor.u32 $0x300, v7;
	v3 =	vshll.u32 v17, $0x3;
	[tilespmem:s0+$0x110] =	vst v5;
	v5 =	vld [tilespmem:s19+$0x0]  }
0x1b6: {  	s3 =	sadd.s32 $0x17800, s16;
	v3 =	vand.u32 $0xFFFFFC00, v3;
	v18 =	vld.idx.msk [tilespmem:v4+s7+$0x0], $0xffff;
	v4 =	vand.u32 $0x7F, v17;
	v17 =	vor.u32 $0x280, v6;
	[tilespmem:s20+$0x17800] =	vst v9  }
0x1b7: {  	v3 =	vor.u32 v4, v3;
	v4 =	vshll.u32 v14, $0x3;
	[tilespmem:s3+$0x80] =	vst v13;
	v13 =	vld.idx.msk [tilespmem:v10+s7+$0x0], $0xffff  }
0x1b8: {  	[tilespmem:s3+$0x10] =	vst v16;
	v9 =	vand.u32 $0x7F, v14;
	v14 =	vor.u32 $0x200, v0;
	v4 =	vand.u32 $0xFFFFFC00, v4;
	v10 =	vld.idx.msk [tilespmem:v15+s7+$0x0], $0xffff  }
0x1b9: {  	v4 =	vor.u32 v9, v4;
	v9 =	vld.idx.msk [tilespmem:v11+s7+$0x0], $0xffff;
	[tilespmem:s1+$0x290] =	vst v8  }
0x1ba: {  	[tilespmem:s0+$0x200] =	vst v12;
	v12 =	vld.idx.msk [tilespmem:v19+s7+$0x0], $0xffff  }
0x1bb: {  	v11 =	vor.u32 $0x180, v1;
	v16 =	vld.idx.msk [tilespmem:v17+s7+$0x0], $0xffff  }
0x1bc: {  	s14 =	simm.s32 $0x80;
	v15 =	vor.u32 $0x100, v2;
	[tilespmem:s0+$0x190] =	vst v18;
	v17 =	vld.idx.msk [tilespmem:v3+s7+$0x0], $0xffff  }
0x1bd: {  	s21 =	sand.u32 $0x7E0, s14;
	v7 =	vor.u32 $0x380, v7;
	v19 =	vld.idx.msk [tilespmem:v14+s7+$0x0], $0xffff  }
0x1be: {  	v18 =	vor.u32 $0x300, v6;
	v14 =	vld [tilespmem:s21+$0x14100]  }
0x1bf: {  	s23 =	sadd.s32 $0x10, s17;
	v20 =	vor.u32 $0x80, v3;
	[tilespmem:s3+$0x100] =	vst v10;
	v8 =	vld.idx.msk [tilespmem:v4+s7+$0x0], $0xffff  }
0x1c0: {  	s13 =	simm.s32 $0x300;
	s29 =	sor.u32 $0x300, s23;
	v11 =	vld.idx.msk [tilespmem:v11+s7+$0x0], $0xffff;
	[tilespmem:s3+$0x90] =	vst v9;
	v9 =	vor.u32 $0x280, v0  }
0x1c1: {  	s2 =	sand.u32 $0x60, s12;
	s22 =	sand.u32 $0x3C00, s13;
	v22 =	vor.u32 $0x200, v1;
	v21 =	vld.idx.msk [tilespmem:v15+s7+$0x0], $0xffff;
	[tilespmem:s29+$0x17800] =	vst v12  }
0x1c2: {  	v23 =	vor.u32 $0x180, v2;
	s20 =	sor.u32 s2, s22;
	[tilespmem:s0+$0x280] =	vst v16;
	v7 =	vld.idx.msk [tilespmem:v7+s7+$0x0], $0xffff  }
0x1c3: {  	s12 =	simm.s32 $0x1;
	[tilespmem:s20+$0x17800] =	vst v17;
	v16 =	vld.idx.msk [tilespmem:v18+s7+$0x0], $0xffff  }
0x1c4: {  	s30 =	sand.u32 $0x3, s12;
	s4 =	sor.u32 $0x380, s17;
	v6 =	vor.u32 $0x380, v6;
	[tilespmem:s0+$0x210] =	vst v19;
	v10 =	vld.idx.msk [tilespmem:v20+s7+$0x0], $0xffff  }
0x1c5: {  	s31 =	sshll.u32 s30, $0x5;
	s8 =	sor.u32 $0x380, s23;
	s9 =	simm.s32 $0x300;
	v15 =	vor.u32 $0x100, v3;
	v9 =	vld.idx.msk [tilespmem:v9+s7+$0x0], $0xffff;
	[tilespmem:s3+$0x180] =	vst v11  }
0x1c6: {  	s16 =	simm.s32 $0x8;
	s19 =	simm.s32 $0x141B0;
	s1 =	sadd.s32 $0x100, s31;
	v17 =	vor.u32 $0x80, v4;
	v11 =	vld.idx.msk [tilespmem:v22+s7+$0x0], $0xffff;
	[tilespmem:s3+$0x110] =	vst v21  }
0x1c7: {  	s2 =	sor.u32 $0x300, s1;
	s15 =	sadd.s32 $0x10, s1;
	s21 =	simm.s32 $0x80;
	[tilespmem:s4+$0x17800] =	vst v13;
	v12 =	vor.u32 $0x300, v0;
	v18 =	vshll.u32 v14, $0x3;
	v13 =	vld.idx.msk [tilespmem:v23+s7+$0x0], $0xffff  }
.LBB2_37:
0x1c8: {  	v19 =	vld [tilespmem:s19+$0x0];
	v14 =	vand.u32 $0x7F, v14;
	v18 =	vand.u32 $0xFFFFFC00, v18;
	s4 =	sadd.s32 $0x17800, s20;
	v20 =	vor.u32 $0x280, v1;
	[tilespmem:s2+$0x17800] =	vst v16;
	s2 =	sor.u32 $0x300, s15  }
0x1c9: {  	s6 =	sor.u32 $0x380, s15;
	v18 =	vor.u32 v14, v18;
	v14 =	vshll.u32 v5, $0x3;
	[tilespmem:s4+$0x80] =	vst v10;
	v6 =	vld.idx.msk [tilespmem:v6+s7+$0x0], $0xffff  }
0x1ca: {  	v5 =	vand.u32 $0x7F, v5;
	v10 =	vand.u32 $0xFFFFFC00, v14;
	v14 =	vld.idx.msk [tilespmem:v15+s7+$0x0], $0xffff;
	[tilespmem:s4+$0x10] =	vst v8;
	v8 =	vor.u32 $0x200, v2  }
0x1cb: {  	v10 =	vor.u32 v5, v10;
	v15 =	vld.idx.msk [tilespmem:v17+s7+$0x0], $0xffff;
	[tilespmem:s0+$0x290] =	vst v9;
	s0 =	smov.u32 s3;
	s3 =	smov.u32 s4  }
0x1cc: {  	v9 =	vor.u32 $0x180, v3;
	[tilespmem:s0+$0x200] =	vst v11;
	v11 =	vld.idx.msk [tilespmem:v12+s7+$0x0], $0xffff  }
0x1cd: {  	v12 =	vor.u32 $0x100, v4;
	v16 =	vld.idx.msk [tilespmem:v20+s7+$0x0], $0xffff;
	[tilespmem:s0+$0x190] =	vst v13;
	v5 =	vmov v19  }
0x1ce: {  	s1 =	sor.u32 $0x380, s1;
	v13 =	vld.idx.msk [tilespmem:v18+s7+$0x0], $0xffff;
	[tilespmem:s8+$0x17800] =	vst v7;
	s8 =	smov.u32 s6  }
0x1cf: {  	v7 =	vor.u32 $0x300, v1;
	v17 =	vld.idx.msk [tilespmem:v8+s7+$0x0], $0xffff;
	[tilespmem:s1+$0x17800] =	vst v6  }
0x1d0: {  	v6 =	vor.u32 $0x80, v18;
	v8 =	vld.idx.msk [tilespmem:v10+s7+$0x0], $0xffff;
	[tilespmem:s3+$0x100] =	vst v14  }
0x1d1: {  	s14 =	sadd.s32 $0x20, s14;
	s13 =	sadd.s32 $0x100, s13;
	v19 =	vld.idx.msk [tilespmem:v9+s7+$0x0], $0xffff;
	[tilespmem:s3+$0x90] =	vst v15;
	v9 =	vor.u32 $0x280, v2  }
0x1d2: {  	s4 =	sand.u32 $0x60, s21;
	s6 =	sand.u32 $0x3C00, s13;
	s1 =	sand.u32 $0x7E0, s14;
	v12 =	vld.idx.msk [tilespmem:v12+s7+$0x0], $0xffff;
	[tilespmem:s2+$0x17800] =	vst v11;
	v11 =	vor.u32 $0x380, v0;
	v0 =	vmovc v2;
	v2 =	vmov v4;
	v4 =	vmov v10  }
0x1d3: {  	s16 =	sadd.s32 $0x2, s16;
	s21 =	smov.u32 s14;
	v20 =	vor.u32 $0x200, v3;
	s20 =	sor.u32 s4, s6;
	v14 =	vld [tilespmem:s1+$0x14100];
	[tilespmem:s0+$0x280] =	vst v16  }
0x1d4: {  	p2 =	slt.u32 s16, $0x4E;
	[tilespmem:s20+$0x17800] =	vst v13;
	v13 =	vor.u32 $0x180, v2;
	v16 =	vld.idx.msk [tilespmem:v7+s7+$0x0], $0xffff  }
.Ltmp13:
0x1d5: {  	s12 =	sadd.s32 $0x1, s12;
	v10 =	vld.idx.msk [tilespmem:v6+s7+$0x0], $0xffff;
	[tilespmem:s0+$0x210] =	vst v17;
	(pc) =	sbr.rel @p2 .LBB2_37-.Ltmp13, $4  }
0x1d6: {  	s1 =	sand.u32 $0x3, s12;
	v6 =	vor.u32 $0x380, v1;
	v1 =	vmov v3;
	v3 =	vmov v18;
	v9 =	vld.idx.msk [tilespmem:v9+s7+$0x0], $0xffff  }
0x1d7: {  	s1 =	sshll.u32 s1, $0x5;
	v15 =	vor.u32 $0x100, v3;
	[tilespmem:s3+$0x180] =	vst v19;
	v7 =	vld.idx.msk [tilespmem:v11+s7+$0x0], $0xffff  }
0x1d8: {  	v17 =	vor.u32 $0x80, v4;
	s1 =	sadd.s32 s1, s28;
	s28 =	smov.u32 s9;
	s9 =	smov.u32 s13;
	v11 =	vld.idx.msk [tilespmem:v20+s7+$0x0], $0xffff;
	[tilespmem:s3+$0x110] =	vst v12  }
0x1d9: {  	s19 =	sadd.s32 $0x20, s19;
	s2 =	sor.u32 $0x300, s1;
	s15 =	sadd.s32 $0x10, s1;
	v18 =	vshll.u32 v14, $0x3;
	v12 =	vor.u32 $0x300, v0;
	v13 =	vld.idx.msk [tilespmem:v13+s7+$0x0], $0xffff  }
0x1da: {  	v14 =	vand.u32 $0x7F, v14;
	v18 =	vand.u32 $0xFFFFFC00, v18;
	v19 =	vshll.u32 v5, $0x3  }
0x1db: {  	v22 =	vand.u32 $0x7F, v5;
	v14 =	vor.u32 v14, v18;
	v23 =	vand.u32 $0xFFFFFC00, v19  }
0x1dc: {  	v5 =	vor.u32 v22, v23;
	_ =	sdelay $0x3  }
0x1dd: {  	v24 =	vld.idx.msk [tilespmem:v14+s7+$0x0], $0xffff  }
0x1de: {  	v25 =	vor.u32 $0x80, v14;
	v20 =	vld.idx.msk [tilespmem:v5+s7+$0x0], $0xffff  }
0x1df: {  	s13 =	sadd.s32 $0x100, s13;
	v21 =	vor.u32 $0x80, v5  }
0x1e0: {  	[tilespmem:s2+$0x17800] =	vst v16;
	s16 =	sadd.s32 $0x17800, s20;
	s31 =	sand.u32 $0x60, s21;
	s4 =	sand.u32 $0x3C00, s13  }
0x1e1: {  	[tilespmem:s16+$0x10] =	vst v8;
	s2 =	sor.u32 s31, s4  }
0x1e2: {  	v8 =	vld.idx.msk [tilespmem:v17+s7+$0x0], $0xffff;
	s14 =	sadd.s32 $0x17800, s2;
	[tilespmem:s2+$0x17800] =	vst v24  }
0x1e3: {  	v26 =	vor.u32 $0x100, v4;
	v27 =	vld.idx.msk [tilespmem:v25+s7+$0x0], $0xffff;
	[tilespmem:s14+$0x10] =	vst v20  }
0x1e4: {  	[tilespmem:s16+$0x80] =	vst v10;
	v28 =	vor.u32 $0x100, v14;
	v29 =	vld.idx.msk [tilespmem:v21+s7+$0x0], $0xffff  }
0x1e5: {  	[tilespmem:s0+$0x290] =	vst v9;
	v30 =	vor.u32 $0x100, v5  }
0x1e6: {  	v31 =	vld.idx.msk [tilespmem:v15+s7+$0x0], $0xffff;
	[tilespmem:s8+$0x17800] =	vst v7  }
0x1e7: {  	v32 =	vor.u32 $0x180, v3;
	[tilespmem:s16+$0x90] =	vst v8  }
0x1e8: {  	v33 =	vld.idx.msk [tilespmem:v26+s7+$0x0], $0xffff;
	[tilespmem:s14+$0x80] =	vst v27  }
0x1e9: {  	v34 =	vor.u32 $0x180, v4;
	v10 =	vld.idx.msk [tilespmem:v28+s7+$0x0], $0xffff;
	[tilespmem:s14+$0x90] =	vst v29  }
0x1ea: {  	v35 =	vor.u32 $0x180, v14;
	[tilespmem:s3+$0x200] =	vst v11;
	v9 =	vld.idx.msk [tilespmem:v30+s7+$0x0], $0xffff  }
0x1eb: {  	v12 =	vld.idx.msk [tilespmem:v12+s7+$0x0], $0xffff;
	v36 =	vor.u32 $0x180, v5;
	[tilespmem:s16+$0x100] =	vst v31  }
0x1ec: {  	v37 =	vor.u32 $0x280, v1;
	[tilespmem:s3+$0x190] =	vst v13;
	v8 =	vld.idx.msk [tilespmem:v32+s7+$0x0], $0xffff  }
0x1ed: {  	v39 =	vor.u32 $0x200, v3;
	v6 =	vld.idx.msk [tilespmem:v6+s7+$0x0], $0xffff;
	[tilespmem:s16+$0x110] =	vst v33  }
0x1ee: {  	v38 =	vor.u32 $0x200, v2;
	v16 =	vld.idx.msk [tilespmem:v34+s7+$0x0], $0xffff;
	[tilespmem:s14+$0x100] =	vst v10  }
0x1ef: {  	v40 =	vor.u32 $0x200, v4;
	s4 =	sor.u32 $0x300, s15;
	v13 =	vld.idx.msk [tilespmem:v35+s7+$0x0], $0xffff;
	[tilespmem:s14+$0x110] =	vst v9  }
0x1f0: {  	v41 =	vor.u32 $0x200, v14;
	[tilespmem:s4+$0x17800] =	vst v12;
	v7 =	vld.idx.msk [tilespmem:v36+s7+$0x0], $0xffff  }
0x1f1: {  	v43 =	vor.u32 $0x200, v5;
	v42 =	vld.idx.msk [tilespmem:v37+s7+$0x0], $0xffff;
	s2 =	sor.u32 $0x380, s1;
	[tilespmem:s16+$0x180] =	vst v8  }
0x1f2: {  	v0 =	vor.u32 $0x380, v0;
	[tilespmem:s2+$0x17800] =	vst v6;
	v15 =	vld.idx.msk [tilespmem:v39+s7+$0x0], $0xffff  }
0x1f3: {  	v46 =	vor.u32 $0x280, v3;
	v11 =	vld.idx.msk [tilespmem:v38+s7+$0x0], $0xffff;
	[tilespmem:s16+$0x190] =	vst v16  }
0x1f4: {  	v45 =	vor.u32 $0x280, v2;
	v10 =	vld.idx.msk [tilespmem:v40+s7+$0x0], $0xffff;
	[tilespmem:s14+$0x180] =	vst v13  }
0x1f5: {  	v47 =	vor.u32 $0x280, v4;
	v6 =	vld.idx.msk [tilespmem:v41+s7+$0x0], $0xffff;
	[tilespmem:s14+$0x190] =	vst v7  }
0x1f6: {  	v48 =	vor.u32 $0x280, v14;
	[tilespmem:s3+$0x280] =	vst v42;
	v49 =	vld.idx.msk [tilespmem:v43+s7+$0x0], $0xffff  }
0x1f7: {  	v51 =	vor.u32 $0x280, v5;
	v0 =	vld.idx.msk [tilespmem:v0+s7+$0x0], $0xffff;
	[tilespmem:s16+$0x200] =	vst v15  }
0x1f8: {  	v44 =	vor.u32 $0x300, v1;
	[tilespmem:s3+$0x210] =	vst v11;
	v16 =	vld.idx.msk [tilespmem:v46+s7+$0x0], $0xffff  }
0x1f9: {  	v53 =	vor.u32 $0x300, v3;
	v8 =	vld.idx.msk [tilespmem:v45+s7+$0x0], $0xffff;
	[tilespmem:s16+$0x210] =	vst v10  }
0x1fa: {  	v52 =	vor.u32 $0x300, v2;
	v13 =	vld.idx.msk [tilespmem:v47+s7+$0x0], $0xffff;
	[tilespmem:s14+$0x200] =	vst v6  }
0x1fb: {  	s6 =	sadd.s32 $0x1, s12;
	v54 =	vor.u32 $0x300, v4;
	s12 =	sor.u32 $0x380, s15;
	v7 =	vld.idx.msk [tilespmem:v48+s7+$0x0], $0xffff;
	[tilespmem:s14+$0x210] =	vst v49  }
0x1fc: {  	v55 =	vor.u32 $0x300, v14;
	[tilespmem:s12+$0x17800] =	vst v0;
	v11 =	vld.idx.msk [tilespmem:v51+s7+$0x0], $0xffff  }
0x1fd: {  	v56 =	vor.u32 $0x300, v5;
	v50 =	vld.idx.msk [tilespmem:v44+s7+$0x0], $0xffff;
	[tilespmem:s16+$0x280] =	vst v16  }
0x1fe: {  	v57 =	vor.u32 $0x380, v1;
	s0 =	sadd.s32 $0x1, s6;
	s8 =	sand.u32 $0x3, s6;
	[tilespmem:s3+$0x290] =	vst v8;
	v10 =	vld.idx.msk [tilespmem:v53+s7+$0x0], $0xffff  }
0x1ff: {  	v60 =	vor.u32 $0x380, v3;
	s15 =	sand.u32 $0x3, s0;
	s1 =	sshll.u32 s8, $0x5;
	v58 =	vld.idx.msk [tilespmem:v52+s7+$0x0], $0xffff;
	[tilespmem:s16+$0x290] =	vst v13  }
0x200: {  	v59 =	vor.u32 $0x380, v2;
	s1 =	sadd.s32 s1, s28;
	s3 =	sshll.u32 s15, $0x5;
	v6 =	vld.idx.msk [tilespmem:v54+s7+$0x0], $0xffff;
	[tilespmem:s14+$0x280] =	vst v7  }
0x201: {  	v61 =	vor.u32 $0x380, v4;
	s0 =	sadd.s32 $0x1, s0;
	s10 =	sor.u32 $0x300, s1;
	s17 =	sadd.s32 s3, s9;
	v7 =	vld.idx.msk [tilespmem:v55+s7+$0x0], $0xffff;
	[tilespmem:s14+$0x290] =	vst v11  }
0x202: {  	v62 =	vor.u32 $0x380, v14;
	s0 =	sand.u32 $0x3, s0;
	[tilespmem:s10+$0x17800] =	vst v50;
	s3 =	sor.u32 $0x300, s17;
	s16 =	sadd.s32 $0x10, s1;
	v8 =	vld.idx.msk [tilespmem:v56+s7+$0x0], $0xffff  }
0x203: {  	s0 =	sshll.u32 s0, $0x5;
	v5 =	vor.u32 $0x380, v5;
	v1 =	vld.idx.msk [tilespmem:v57+s7+$0x0], $0xffff;
	s19 =	sadd.s32 $0x10, s17;
	[tilespmem:s3+$0x17800] =	vst v10;
	s6 =	sor.u32 $0x300, s16  }
0x204: {  	s0 =	sadd.s32 s0, s13;
	s20 =	sor.u32 $0x300, s19;
	v3 =	vld.idx.msk [tilespmem:v60+s7+$0x0], $0xffff;
	[tilespmem:s6+$0x17800] =	vst v58  }
0x205: {  	s21 =	sor.u32 $0x300, s0;
	s22 =	sadd.s32 $0x10, s0;
	v2 =	vld.idx.msk [tilespmem:v59+s7+$0x0], $0xffff;
	[tilespmem:s20+$0x17800] =	vst v6  }
0x206: {  	s23 =	sor.u32 $0x300, s22;
	v4 =	vld.idx.msk [tilespmem:v61+s7+$0x0], $0xffff;
	[tilespmem:s21+$0x17800] =	vst v7  }
0x207: {  	s1 =	sor.u32 $0x380, s1;
	v0 =	vld.idx.msk [tilespmem:v62+s7+$0x0], $0xffff;
	[tilespmem:s23+$0x17800] =	vst v8  }
0x208: {  	s29 =	sor.u32 $0x380, s17;
	[tilespmem:s1+$0x17800] =	vst v1;
	v63 =	vld.idx.msk [tilespmem:v5+s7+$0x0], $0xffff  }
0x209: {  	s28 =	sor.u32 $0x380, s16;
	[tilespmem:s29+$0x17800] =	vst v3  }
0x20a: {  	s30 =	sor.u32 $0x380, s19;
	[tilespmem:s28+$0x17800] =	vst v2  }
0x20b: {  	s0 =	sor.u32 $0x380, s0;
	[tilespmem:s30+$0x17800] =	vst v4  }
0x20c: {  	s31 =	sor.u32 $0x380, s22;
	[tilespmem:s0+$0x17800] =	vst v0  }
0x20d: {  	[tilespmem:s31+$0x17800] =	vst v63  }
.LBB2_39:
.Ltmp14:
0x20e: {  	(pc) =	sbr.rel @!p1 .LBB2_43-.Ltmp14, $1  }
0x20f: {  	_ =	sdelay $0x3  }
0x210: {  	s3 =	simm.s32 $0x0  }
0x211: {  	s0 =	sand.u32 $0x7E0, s3  }
0x212: {  	v0 =	vld [tilespmem:s0+$0x14B00];
	_ =	sdelay $0x4  }
0x213: {  	v1 =	vshll.u32 v0, $0x3  }
0x214: {  	v0 =	vand.u32 $0x7F, v0;
	v1 =	vand.u32 $0xFFFFFC00, v1  }
0x215: {  	s22 =	simm.s32 $0x14B10;
	v3 =	vor.u32 v0, v1  }
0x216: {  	v0 =	vld [tilespmem:s22+$0x0];
	_ =	sdelay $0x3  }
0x217: {  	v1 =	vld.idx.msk [tilespmem:v3+s7+$0x0], $0xffff  }
0x218: {  	s23 =	simm.s32 $0x20;
	v4 =	vor.u32 $0x80, v3;
	v2 =	vshll.u32 v0, $0x3  }
0x219: {  	s1 =	sand.u32 $0x7E0, s23;
	v0 =	vand.u32 $0x7F, v0;
	v2 =	vand.u32 $0xFFFFFC00, v2  }
0x21a: {  	s2 =	sand.u32 $0x60, s3;
	s4 =	sand.u32 $0x3C00, s3;
	v7 =	vor.u32 v0, v2;
	v0 =	vld [tilespmem:s1+$0x14B00]  }
0x21b: {  	s29 =	sor.u32 s2, s4  }
0x21c: {  	[tilespmem:s29+$0x17800] =	vst v1  }
0x21d: {  	v1 =	vld.idx.msk [tilespmem:v4+s7+$0x0], $0xffff  }
0x21e: {  	v2 =	vor.u32 $0x100, v3  }
0x21f: {  	v4 =	vld.idx.msk [tilespmem:v7+s7+$0x0], $0xffff;
	v6 =	vshll.u32 v0, $0x3  }
0x220: {  	s30 =	simm.s32 $0x14B30;
	v5 =	vor.u32 $0x80, v7;
	v0 =	vand.u32 $0x7F, v0;
	v6 =	vand.u32 $0xFFFFFC00, v6  }
0x221: {  	v8 =	vld [tilespmem:s30+$0x0];
	s1 =	sadd.s32 $0x17800, s29;
	v6 =	vor.u32 v0, v6  }
0x222: {  	[tilespmem:s1+$0x80] =	vst v1  }
0x223: {  	v0 =	vld.idx.msk [tilespmem:v2+s7+$0x0], $0xffff  }
0x224: {  	v1 =	vor.u32 $0x180, v3;
	[tilespmem:s1+$0x10] =	vst v4  }
0x225: {  	v2 =	vld.idx.msk [tilespmem:v5+s7+$0x0], $0xffff  }
0x226: {  	v4 =	vor.u32 $0x100, v7;
	v5 =	vshll.u32 v8, $0x3;
	v9 =	vld.idx.msk [tilespmem:v6+s7+$0x0], $0xffff  }
0x227: {  	s9 =	simm.s32 $0x14B50;
	v10 =	vor.u32 $0x80, v6;
	v8 =	vand.u32 $0x7F, v8;
	v5 =	vand.u32 $0xFFFFFC00, v5  }
0x228: {  	s31 =	simm.s32 $0x40;
	s8 =	simm.s32 $0x100;
	[tilespmem:s1+$0x100] =	vst v0;
	v0 =	vor.u32 v8, v5;
	v8 =	vld [tilespmem:s9+$0x0]  }
0x229: {  	s6 =	sand.u32 $0x7E0, s31;
	s0 =	sand.u32 $0x60, s23;
	s2 =	sand.u32 $0x3C00, s8;
	v1 =	vld.idx.msk [tilespmem:v1+s7+$0x0], $0xffff  }
0x22a: {  	s0 =	sor.u32 s0, s2;
	v5 =	vor.u32 $0x200, v3;
	[tilespmem:s1+$0x90] =	vst v2;
	v2 =	vld [tilespmem:s6+$0x14B00]  }
0x22b: {  	v4 =	vld.idx.msk [tilespmem:v4+s7+$0x0], $0xffff;
	[tilespmem:s0+$0x17800] =	vst v9  }
0x22c: {  	v9 =	vor.u32 $0x180, v7;
	v10 =	vld.idx.msk [tilespmem:v10+s7+$0x0], $0xffff  }
0x22d: {  	v12 =	vor.u32 $0x100, v6;
	v11 =	vld.idx.msk [tilespmem:v0+s7+$0x0], $0xffff  }
0x22e: {  	v13 =	vor.u32 $0x80, v0;
	[tilespmem:s1+$0x180] =	vst v1  }
0x22f: {  	s10 =	simm.s32 $0x14B70;
	v1 =	vshll.u32 v2, $0x3;
	v5 =	vld.idx.msk [tilespmem:v5+s7+$0x0], $0xffff  }
0x230: {  	v14 =	vld [tilespmem:s10+$0x0];
	s0 =	sadd.s32 $0x17800, s0;
	v2 =	vand.u32 $0x7F, v2;
	[tilespmem:s1+$0x110] =	vst v4;
	v1 =	vand.u32 $0xFFFFFC00, v1;
	v4 =	vor.u32 $0x280, v3  }
0x231: {  	v9 =	vld.idx.msk [tilespmem:v9+s7+$0x0], $0xffff;
	v1 =	vor.u32 v2, v1;
	v2 =	vshll.u32 v8, $0x3;
	[tilespmem:s0+$0x80] =	vst v10  }
0x232: {  	s12 =	simm.s32 $0x60;
	v8 =	vand.u32 $0x7F, v8;
	v10 =	vor.u32 $0x200, v7;
	v2 =	vand.u32 $0xFFFFFC00, v2;
	v12 =	vld.idx.msk [tilespmem:v12+s7+$0x0], $0xffff;
	[tilespmem:s0+$0x10] =	vst v11  }
0x233: {  	s15 =	sand.u32 $0x7E0, s12;
	v2 =	vor.u32 v8, v2;
	v11 =	vor.u32 $0x180, v6;
	v8 =	vld.idx.msk [tilespmem:v13+s7+$0x0], $0xffff  }
0x234: {  	v17 =	vld [tilespmem:s15+$0x14B00];
	[tilespmem:s1+$0x200] =	vst v5  }
0x235: {  	v5 =	vor.u32 $0x100, v0;
	v4 =	vld.idx.msk [tilespmem:v4+s7+$0x0], $0xffff  }
0x236: {  	v13 =	vor.u32 $0x300, v3;
	[tilespmem:s1+$0x190] =	vst v9;
	v9 =	vld.idx.msk [tilespmem:v1+s7+$0x0], $0xffff  }
0x237: {  	v15 =	vor.u32 $0x80, v1;
	v10 =	vld.idx.msk [tilespmem:v10+s7+$0x0], $0xffff;
	[tilespmem:s0+$0x100] =	vst v12  }
0x238: {  	s28 =	simm.s32 $0x200;
	v11 =	vld.idx.msk [tilespmem:v11+s7+$0x0], $0xffff;
	[tilespmem:s0+$0x90] =	vst v8;
	v8 =	vor.u32 $0x280, v7  }
0x239: {  	s4 =	sand.u32 $0x60, s31;
	s8 =	sand.u32 $0x3C00, s28;
	v12 =	vor.u32 $0x200, v6;
	v16 =	vld.idx.msk [tilespmem:v2+s7+$0x0], $0xffff  }
0x23a: {  	s16 =	sor.u32 s4, s8;
	v5 =	vld.idx.msk [tilespmem:v5+s7+$0x0], $0xffff;
	[tilespmem:s1+$0x280] =	vst v4  }
0x23b: {  	v4 =	vor.u32 $0x180, v0;
	[tilespmem:s16+$0x17800] =	vst v9;
	v9 =	vld.idx.msk [tilespmem:v13+s7+$0x0], $0xffff  }
0x23c: {  	s3 =	sand.u32 $0x3, s3;
	v13 =	vld.idx.msk [tilespmem:v15+s7+$0x0], $0xffff;
	[tilespmem:s1+$0x210] =	vst v10;
	v10 =	vor.u32 $0x380, v3  }
0x23d: {  	s3 =	sshll.u32 s3, $0x5;
	v15 =	vor.u32 $0x100, v1;
	[tilespmem:s0+$0x180] =	vst v11;
	v8 =	vld.idx.msk [tilespmem:v8+s7+$0x0], $0xffff  }
0x23e: {  	s19 =	simm.s32 $0x14B90;
	s17 =	sadd.s32 $0x0, s3;
	v11 =	vor.u32 $0x80, v2;
	v12 =	vld.idx.msk [tilespmem:v12+s7+$0x0], $0xffff  }
0x23f: {  	s20 =	sor.u32 $0x300, s17;
	v19 =	vor.u32 $0x300, v7;
	v3 =	vshll.u32 v17, $0x3;
	[tilespmem:s0+$0x110] =	vst v5;
	v5 =	vld [tilespmem:s19+$0x0]  }
0x240: {  	s3 =	sadd.s32 $0x17800, s16;
	v3 =	vand.u32 $0xFFFFFC00, v3;
	v18 =	vld.idx.msk [tilespmem:v4+s7+$0x0], $0xffff;
	v4 =	vand.u32 $0x7F, v17;
	v17 =	vor.u32 $0x280, v6;
	[tilespmem:s20+$0x17800] =	vst v9  }
0x241: {  	v3 =	vor.u32 v4, v3;
	v4 =	vshll.u32 v14, $0x3;
	[tilespmem:s3+$0x80] =	vst v13;
	v13 =	vld.idx.msk [tilespmem:v10+s7+$0x0], $0xffff  }
0x242: {  	[tilespmem:s3+$0x10] =	vst v16;
	v9 =	vand.u32 $0x7F, v14;
	v14 =	vor.u32 $0x200, v0;
	v4 =	vand.u32 $0xFFFFFC00, v4;
	v10 =	vld.idx.msk [tilespmem:v15+s7+$0x0], $0xffff  }
0x243: {  	v4 =	vor.u32 v9, v4;
	v9 =	vld.idx.msk [tilespmem:v11+s7+$0x0], $0xffff;
	[tilespmem:s1+$0x290] =	vst v8  }
0x244: {  	[tilespmem:s0+$0x200] =	vst v12;
	v12 =	vld.idx.msk [tilespmem:v19+s7+$0x0], $0xffff  }
0x245: {  	v11 =	vor.u32 $0x180, v1;
	v16 =	vld.idx.msk [tilespmem:v17+s7+$0x0], $0xffff  }
0x246: {  	s14 =	simm.s32 $0x80;
	v15 =	vor.u32 $0x100, v2;
	[tilespmem:s0+$0x190] =	vst v18;
	v17 =	vld.idx.msk [tilespmem:v3+s7+$0x0], $0xffff  }
0x247: {  	s21 =	sand.u32 $0x7E0, s14;
	v7 =	vor.u32 $0x380, v7;
	v19 =	vld.idx.msk [tilespmem:v14+s7+$0x0], $0xffff  }
0x248: {  	v18 =	vor.u32 $0x300, v6;
	v14 =	vld [tilespmem:s21+$0x14B00]  }
0x249: {  	s23 =	sadd.s32 $0x10, s17;
	v20 =	vor.u32 $0x80, v3;
	[tilespmem:s3+$0x100] =	vst v10;
	v8 =	vld.idx.msk [tilespmem:v4+s7+$0x0], $0xffff  }
0x24a: {  	s13 =	simm.s32 $0x300;
	s29 =	sor.u32 $0x300, s23;
	v11 =	vld.idx.msk [tilespmem:v11+s7+$0x0], $0xffff;
	[tilespmem:s3+$0x90] =	vst v9;
	v9 =	vor.u32 $0x280, v0  }
0x24b: {  	s2 =	sand.u32 $0x60, s12;
	s22 =	sand.u32 $0x3C00, s13;
	v22 =	vor.u32 $0x200, v1;
	v21 =	vld.idx.msk [tilespmem:v15+s7+$0x0], $0xffff;
	[tilespmem:s29+$0x17800] =	vst v12  }
0x24c: {  	v23 =	vor.u32 $0x180, v2;
	s20 =	sor.u32 s2, s22;
	[tilespmem:s0+$0x280] =	vst v16;
	v7 =	vld.idx.msk [tilespmem:v7+s7+$0x0], $0xffff  }
0x24d: {  	s12 =	simm.s32 $0x1;
	[tilespmem:s20+$0x17800] =	vst v17;
	v16 =	vld.idx.msk [tilespmem:v18+s7+$0x0], $0xffff  }
0x24e: {  	s30 =	sand.u32 $0x3, s12;
	s4 =	sor.u32 $0x380, s17;
	v6 =	vor.u32 $0x380, v6;
	[tilespmem:s0+$0x210] =	vst v19;
	v10 =	vld.idx.msk [tilespmem:v20+s7+$0x0], $0xffff  }
0x24f: {  	s31 =	sshll.u32 s30, $0x5;
	s8 =	sor.u32 $0x380, s23;
	s9 =	simm.s32 $0x300;
	v15 =	vor.u32 $0x100, v3;
	v9 =	vld.idx.msk [tilespmem:v9+s7+$0x0], $0xffff;
	[tilespmem:s3+$0x180] =	vst v11  }
0x250: {  	s16 =	simm.s32 $0x8;
	s19 =	simm.s32 $0x14BB0;
	s1 =	sadd.s32 $0x100, s31;
	v17 =	vor.u32 $0x80, v4;
	v11 =	vld.idx.msk [tilespmem:v22+s7+$0x0], $0xffff;
	[tilespmem:s3+$0x110] =	vst v21  }
0x251: {  	s2 =	sor.u32 $0x300, s1;
	s15 =	sadd.s32 $0x10, s1;
	s21 =	simm.s32 $0x80;
	[tilespmem:s4+$0x17800] =	vst v13;
	v12 =	vor.u32 $0x300, v0;
	v18 =	vshll.u32 v14, $0x3;
	v13 =	vld.idx.msk [tilespmem:v23+s7+$0x0], $0xffff  }
.LBB2_41:
0x252: {  	v19 =	vld [tilespmem:s19+$0x0];
	v14 =	vand.u32 $0x7F, v14;
	v18 =	vand.u32 $0xFFFFFC00, v18;
	s4 =	sadd.s32 $0x17800, s20;
	v20 =	vor.u32 $0x280, v1;
	[tilespmem:s2+$0x17800] =	vst v16;
	s2 =	sor.u32 $0x300, s15  }
0x253: {  	s6 =	sor.u32 $0x380, s15;
	v18 =	vor.u32 v14, v18;
	v14 =	vshll.u32 v5, $0x3;
	[tilespmem:s4+$0x80] =	vst v10;
	v6 =	vld.idx.msk [tilespmem:v6+s7+$0x0], $0xffff  }
0x254: {  	v5 =	vand.u32 $0x7F, v5;
	v10 =	vand.u32 $0xFFFFFC00, v14;
	v14 =	vld.idx.msk [tilespmem:v15+s7+$0x0], $0xffff;
	[tilespmem:s4+$0x10] =	vst v8;
	v8 =	vor.u32 $0x200, v2  }
0x255: {  	v10 =	vor.u32 v5, v10;
	v15 =	vld.idx.msk [tilespmem:v17+s7+$0x0], $0xffff;
	[tilespmem:s0+$0x290] =	vst v9;
	s0 =	smov.u32 s3;
	s3 =	smov.u32 s4  }
0x256: {  	v9 =	vor.u32 $0x180, v3;
	[tilespmem:s0+$0x200] =	vst v11;
	v11 =	vld.idx.msk [tilespmem:v12+s7+$0x0], $0xffff  }
0x257: {  	v12 =	vor.u32 $0x100, v4;
	v16 =	vld.idx.msk [tilespmem:v20+s7+$0x0], $0xffff;
	[tilespmem:s0+$0x190] =	vst v13;
	v5 =	vmov v19  }
0x258: {  	s1 =	sor.u32 $0x380, s1;
	v13 =	vld.idx.msk [tilespmem:v18+s7+$0x0], $0xffff;
	[tilespmem:s8+$0x17800] =	vst v7;
	s8 =	smov.u32 s6  }
0x259: {  	v7 =	vor.u32 $0x300, v1;
	v17 =	vld.idx.msk [tilespmem:v8+s7+$0x0], $0xffff;
	[tilespmem:s1+$0x17800] =	vst v6  }
0x25a: {  	v6 =	vor.u32 $0x80, v18;
	v8 =	vld.idx.msk [tilespmem:v10+s7+$0x0], $0xffff;
	[tilespmem:s3+$0x100] =	vst v14  }
0x25b: {  	s14 =	sadd.s32 $0x20, s14;
	s13 =	sadd.s32 $0x100, s13;
	v19 =	vld.idx.msk [tilespmem:v9+s7+$0x0], $0xffff;
	[tilespmem:s3+$0x90] =	vst v15;
	v9 =	vor.u32 $0x280, v2  }
0x25c: {  	s4 =	sand.u32 $0x60, s21;
	s6 =	sand.u32 $0x3C00, s13;
	s1 =	sand.u32 $0x7E0, s14;
	v12 =	vld.idx.msk [tilespmem:v12+s7+$0x0], $0xffff;
	[tilespmem:s2+$0x17800] =	vst v11;
	v11 =	vor.u32 $0x380, v0;
	v0 =	vmovc v2;
	v2 =	vmov v4;
	v4 =	vmov v10  }
0x25d: {  	s16 =	sadd.s32 $0x2, s16;
	s21 =	smov.u32 s14;
	v20 =	vor.u32 $0x200, v3;
	s20 =	sor.u32 s4, s6;
	v14 =	vld [tilespmem:s1+$0x14B00];
	[tilespmem:s0+$0x280] =	vst v16  }
0x25e: {  	p2 =	slt.u32 s16, $0x4E;
	[tilespmem:s20+$0x17800] =	vst v13;
	v13 =	vor.u32 $0x180, v2;
	v16 =	vld.idx.msk [tilespmem:v7+s7+$0x0], $0xffff  }
.Ltmp15:
0x25f: {  	s12 =	sadd.s32 $0x1, s12;
	v10 =	vld.idx.msk [tilespmem:v6+s7+$0x0], $0xffff;
	[tilespmem:s0+$0x210] =	vst v17;
	(pc) =	sbr.rel @p2 .LBB2_41-.Ltmp15, $4  }
0x260: {  	s1 =	sand.u32 $0x3, s12;
	v6 =	vor.u32 $0x380, v1;
	v1 =	vmov v3;
	v3 =	vmov v18;
	v9 =	vld.idx.msk [tilespmem:v9+s7+$0x0], $0xffff  }
0x261: {  	s1 =	sshll.u32 s1, $0x5;
	v15 =	vor.u32 $0x100, v3;
	[tilespmem:s3+$0x180] =	vst v19;
	v7 =	vld.idx.msk [tilespmem:v11+s7+$0x0], $0xffff  }
0x262: {  	v17 =	vor.u32 $0x80, v4;
	s1 =	sadd.s32 s1, s28;
	s28 =	smov.u32 s9;
	s9 =	smov.u32 s13;
	v11 =	vld.idx.msk [tilespmem:v20+s7+$0x0], $0xffff;
	[tilespmem:s3+$0x110] =	vst v12  }
0x263: {  	s19 =	sadd.s32 $0x20, s19;
	s2 =	sor.u32 $0x300, s1;
	s15 =	sadd.s32 $0x10, s1;
	v18 =	vshll.u32 v14, $0x3;
	v12 =	vor.u32 $0x300, v0;
	v13 =	vld.idx.msk [tilespmem:v13+s7+$0x0], $0xffff  }
0x264: {  	v14 =	vand.u32 $0x7F, v14;
	v18 =	vand.u32 $0xFFFFFC00, v18;
	v19 =	vshll.u32 v5, $0x3  }
0x265: {  	v22 =	vand.u32 $0x7F, v5;
	v14 =	vor.u32 v14, v18;
	v23 =	vand.u32 $0xFFFFFC00, v19  }
0x266: {  	v5 =	vor.u32 v22, v23;
	_ =	sdelay $0x3  }
0x267: {  	v24 =	vld.idx.msk [tilespmem:v14+s7+$0x0], $0xffff  }
0x268: {  	v25 =	vor.u32 $0x80, v14;
	v20 =	vld.idx.msk [tilespmem:v5+s7+$0x0], $0xffff  }
0x269: {  	s13 =	sadd.s32 $0x100, s13;
	v21 =	vor.u32 $0x80, v5  }
0x26a: {  	[tilespmem:s2+$0x17800] =	vst v16;
	s16 =	sadd.s32 $0x17800, s20;
	s31 =	sand.u32 $0x60, s21;
	s4 =	sand.u32 $0x3C00, s13  }
0x26b: {  	[tilespmem:s16+$0x10] =	vst v8;
	s2 =	sor.u32 s31, s4  }
0x26c: {  	v8 =	vld.idx.msk [tilespmem:v17+s7+$0x0], $0xffff;
	s14 =	sadd.s32 $0x17800, s2;
	[tilespmem:s2+$0x17800] =	vst v24  }
0x26d: {  	v26 =	vor.u32 $0x100, v4;
	v27 =	vld.idx.msk [tilespmem:v25+s7+$0x0], $0xffff;
	[tilespmem:s14+$0x10] =	vst v20  }
0x26e: {  	[tilespmem:s16+$0x80] =	vst v10;
	v28 =	vor.u32 $0x100, v14;
	v29 =	vld.idx.msk [tilespmem:v21+s7+$0x0], $0xffff  }
0x26f: {  	[tilespmem:s0+$0x290] =	vst v9;
	v30 =	vor.u32 $0x100, v5  }
0x270: {  	v31 =	vld.idx.msk [tilespmem:v15+s7+$0x0], $0xffff;
	[tilespmem:s8+$0x17800] =	vst v7  }
0x271: {  	v32 =	vor.u32 $0x180, v3;
	[tilespmem:s16+$0x90] =	vst v8  }
0x272: {  	v33 =	vld.idx.msk [tilespmem:v26+s7+$0x0], $0xffff;
	[tilespmem:s14+$0x80] =	vst v27  }
0x273: {  	v34 =	vor.u32 $0x180, v4;
	v10 =	vld.idx.msk [tilespmem:v28+s7+$0x0], $0xffff;
	[tilespmem:s14+$0x90] =	vst v29  }
0x274: {  	v35 =	vor.u32 $0x180, v14;
	[tilespmem:s3+$0x200] =	vst v11;
	v9 =	vld.idx.msk [tilespmem:v30+s7+$0x0], $0xffff  }
0x275: {  	v12 =	vld.idx.msk [tilespmem:v12+s7+$0x0], $0xffff;
	v36 =	vor.u32 $0x180, v5;
	[tilespmem:s16+$0x100] =	vst v31  }
0x276: {  	v37 =	vor.u32 $0x280, v1;
	[tilespmem:s3+$0x190] =	vst v13;
	v8 =	vld.idx.msk [tilespmem:v32+s7+$0x0], $0xffff  }
0x277: {  	v39 =	vor.u32 $0x200, v3;
	v6 =	vld.idx.msk [tilespmem:v6+s7+$0x0], $0xffff;
	[tilespmem:s16+$0x110] =	vst v33  }
0x278: {  	v38 =	vor.u32 $0x200, v2;
	v16 =	vld.idx.msk [tilespmem:v34+s7+$0x0], $0xffff;
	[tilespmem:s14+$0x100] =	vst v10  }
0x279: {  	v40 =	vor.u32 $0x200, v4;
	s4 =	sor.u32 $0x300, s15;
	v13 =	vld.idx.msk [tilespmem:v35+s7+$0x0], $0xffff;
	[tilespmem:s14+$0x110] =	vst v9  }
0x27a: {  	v41 =	vor.u32 $0x200, v14;
	[tilespmem:s4+$0x17800] =	vst v12;
	v7 =	vld.idx.msk [tilespmem:v36+s7+$0x0], $0xffff  }
0x27b: {  	v43 =	vor.u32 $0x200, v5;
	v42 =	vld.idx.msk [tilespmem:v37+s7+$0x0], $0xffff;
	s2 =	sor.u32 $0x380, s1;
	[tilespmem:s16+$0x180] =	vst v8  }
0x27c: {  	v0 =	vor.u32 $0x380, v0;
	[tilespmem:s2+$0x17800] =	vst v6;
	v15 =	vld.idx.msk [tilespmem:v39+s7+$0x0], $0xffff  }
0x27d: {  	v46 =	vor.u32 $0x280, v3;
	v11 =	vld.idx.msk [tilespmem:v38+s7+$0x0], $0xffff;
	[tilespmem:s16+$0x190] =	vst v16  }
0x27e: {  	v45 =	vor.u32 $0x280, v2;
	v10 =	vld.idx.msk [tilespmem:v40+s7+$0x0], $0xffff;
	[tilespmem:s14+$0x180] =	vst v13  }
0x27f: {  	v47 =	vor.u32 $0x280, v4;
	v6 =	vld.idx.msk [tilespmem:v41+s7+$0x0], $0xffff;
	[tilespmem:s14+$0x190] =	vst v7  }
0x280: {  	v48 =	vor.u32 $0x280, v14;
	[tilespmem:s3+$0x280] =	vst v42;
	v49 =	vld.idx.msk [tilespmem:v43+s7+$0x0], $0xffff  }
0x281: {  	v51 =	vor.u32 $0x280, v5;
	v0 =	vld.idx.msk [tilespmem:v0+s7+$0x0], $0xffff;
	[tilespmem:s16+$0x200] =	vst v15  }
0x282: {  	v44 =	vor.u32 $0x300, v1;
	[tilespmem:s3+$0x210] =	vst v11;
	v16 =	vld.idx.msk [tilespmem:v46+s7+$0x0], $0xffff  }
0x283: {  	v53 =	vor.u32 $0x300, v3;
	v8 =	vld.idx.msk [tilespmem:v45+s7+$0x0], $0xffff;
	[tilespmem:s16+$0x210] =	vst v10  }
0x284: {  	v52 =	vor.u32 $0x300, v2;
	v13 =	vld.idx.msk [tilespmem:v47+s7+$0x0], $0xffff;
	[tilespmem:s14+$0x200] =	vst v6  }
0x285: {  	s6 =	sadd.s32 $0x1, s12;
	v54 =	vor.u32 $0x300, v4;
	s12 =	sor.u32 $0x380, s15;
	v7 =	vld.idx.msk [tilespmem:v48+s7+$0x0], $0xffff;
	[tilespmem:s14+$0x210] =	vst v49  }
0x286: {  	v55 =	vor.u32 $0x300, v14;
	[tilespmem:s12+$0x17800] =	vst v0;
	v11 =	vld.idx.msk [tilespmem:v51+s7+$0x0], $0xffff  }
0x287: {  	v56 =	vor.u32 $0x300, v5;
	v50 =	vld.idx.msk [tilespmem:v44+s7+$0x0], $0xffff;
	[tilespmem:s16+$0x280] =	vst v16  }
0x288: {  	v57 =	vor.u32 $0x380, v1;
	s0 =	sadd.s32 $0x1, s6;
	s8 =	sand.u32 $0x3, s6;
	[tilespmem:s3+$0x290] =	vst v8;
	v10 =	vld.idx.msk [tilespmem:v53+s7+$0x0], $0xffff  }
0x289: {  	v60 =	vor.u32 $0x380, v3;
	s15 =	sand.u32 $0x3, s0;
	s1 =	sshll.u32 s8, $0x5;
	v58 =	vld.idx.msk [tilespmem:v52+s7+$0x0], $0xffff;
	[tilespmem:s16+$0x290] =	vst v13  }
0x28a: {  	v59 =	vor.u32 $0x380, v2;
	s1 =	sadd.s32 s1, s28;
	s3 =	sshll.u32 s15, $0x5;
	v6 =	vld.idx.msk [tilespmem:v54+s7+$0x0], $0xffff;
	[tilespmem:s14+$0x280] =	vst v7  }
0x28b: {  	v61 =	vor.u32 $0x380, v4;
	s0 =	sadd.s32 $0x1, s0;
	s10 =	sor.u32 $0x300, s1;
	s17 =	sadd.s32 s3, s9;
	v7 =	vld.idx.msk [tilespmem:v55+s7+$0x0], $0xffff;
	[tilespmem:s14+$0x290] =	vst v11  }
0x28c: {  	v62 =	vor.u32 $0x380, v14;
	s0 =	sand.u32 $0x3, s0;
	[tilespmem:s10+$0x17800] =	vst v50;
	s3 =	sor.u32 $0x300, s17;
	s16 =	sadd.s32 $0x10, s1;
	v8 =	vld.idx.msk [tilespmem:v56+s7+$0x0], $0xffff  }
0x28d: {  	s0 =	sshll.u32 s0, $0x5;
	v5 =	vor.u32 $0x380, v5;
	v1 =	vld.idx.msk [tilespmem:v57+s7+$0x0], $0xffff;
	s19 =	sadd.s32 $0x10, s17;
	[tilespmem:s3+$0x17800] =	vst v10;
	s6 =	sor.u32 $0x300, s16  }
0x28e: {  	s0 =	sadd.s32 s0, s13;
	s20 =	sor.u32 $0x300, s19;
	v3 =	vld.idx.msk [tilespmem:v60+s7+$0x0], $0xffff;
	[tilespmem:s6+$0x17800] =	vst v58  }
0x28f: {  	s21 =	sor.u32 $0x300, s0;
	s22 =	sadd.s32 $0x10, s0;
	v2 =	vld.idx.msk [tilespmem:v59+s7+$0x0], $0xffff;
	[tilespmem:s20+$0x17800] =	vst v6  }
0x290: {  	s23 =	sor.u32 $0x300, s22;
	v4 =	vld.idx.msk [tilespmem:v61+s7+$0x0], $0xffff;
	[tilespmem:s21+$0x17800] =	vst v7  }
0x291: {  	s1 =	sor.u32 $0x380, s1;
	v0 =	vld.idx.msk [tilespmem:v62+s7+$0x0], $0xffff;
	[tilespmem:s23+$0x17800] =	vst v8  }
0x292: {  	s29 =	sor.u32 $0x380, s17;
	[tilespmem:s1+$0x17800] =	vst v1;
	v63 =	vld.idx.msk [tilespmem:v5+s7+$0x0], $0xffff  }
.Ltmp16:
0x293: {  	s28 =	sor.u32 $0x380, s16;
	[tilespmem:s29+$0x17800] =	vst v3;
	(pc) =	sbr.rel .LBB2_43-.Ltmp16, $4  }
0x294: {  	s30 =	sor.u32 $0x380, s19;
	[tilespmem:s28+$0x17800] =	vst v2  }
0x295: {  	s0 =	sor.u32 $0x380, s0;
	[tilespmem:s30+$0x17800] =	vst v4  }
0x296: {  	s31 =	sor.u32 $0x380, s22;
	[tilespmem:s0+$0x17800] =	vst v0  }
0x297: {  	[tilespmem:s31+$0x17800] =	vst v63  }
.LBB2_2:
0x298: {  	s0 =	rddreg [dreg:$0x2]  }
0x299: {  	s1 =	simm.s32 $0x13C00;
	s29 =	rddreg [dreg:$0x7]  }
0x29a: {  	[tilespmem:s1], [sflag:$0x3] =	stream.linear.gather [hbm4b:s0+s24], $0xA00, $0x38;
	[tilespmem:$0x1C800] =	vst v63  }
.Ltmp17:
0x29b: {  	s30 =	simm.s32 $0x14600;
	s31 =	simm.s32 $0x5;
	(pc) =	sbr.rel .LBB2_3-.Ltmp17, $4  }
0x29c: {  	[tilespmem:s30], [sflag:$0x4] =	stream.linear.gather [hbm4b:s29+s24], $0xA00, $0x38;
	[tilespmem:$0x1C800] =	vst v63  }
0x29d: {  	_ =	swait.ge [sflag:s31], $0x13C00  }
0x29e: {  	[sflag:s31] =	ssyncset.done $0x0  }
0x29f: {  	[sflag:s31] =	ssyncadd.s32 $0xFFFEC400  }
.LBB2_22:
0x2a0: {  	s0 =	rddreg [dreg:$0x9]  }
0x2a1: {  	s0 =	sadd.s32 s0, s26  }
0x2a2: {  	s0 =	sshrl.u32 s0, $0x3  }
0x2a3: {  	s1 =	simm.s32 $0x17800;
	p2 =	sgt.u32 s24, $0x7A;
	s0 =	sadd.s32 s5, s0  }
0x2a4: {  	[hbm4b:s0+s7] =	stream.linear.scatter [tilespmem:s1], [sflag:$0x2], $0x2800, $0x38;
	[tilespmem:$0x1C800] =	vst v63  }
0x2a5: {  	s0 =	smul.u32 @!p2 $0xA00, s24  }
0x2a6: {  	s4 =	rddreg [dreg:$0x2];
	p3 =	sne.s32 @!p2 s25, $0x0  }
0x2a7: {  	p1 =	por !p1, p2;
	p3 =	por p3, p2;
	s0 =	sadd.s32 @!p2 $0x1400, s0  }
0x2a8: {  	s2 =	simm.s32 @!p3 $0x0;
	s3 =	simm.s32 @!p3 $0x13C00;
	s1 =	sshrl.u32 @!p3 s0, $0x3  }
0x2a9: {  	s24 =	sadd.s32 $0x1, s24;
	s0 =	sshrl.u32 @!p1 s0, $0x3;
	s1 =	sadd.s32 @!p3 s4, s1  }
0x2aa: {  	[tilespmem:s3], [sflag:$0x3] =	stream.linear.gather @!p3 [hbm4b:s1+s2], $0xA00, $0x38;
	[tilespmem:$0x1C800] =	vst v63  }
0x2ab: {  	s0 =	sadd.s32 @!p1 s4, s0;
	s1 =	simm.s32 @!p1 $0x0;
	s2 =	simm.s32 @!p1 $0x14600  }
0x2ac: {  	[tilespmem:s2], [sflag:$0x4] =	stream.linear.gather @!p1 [hbm4b:s0+s1], $0xA00, $0x38;
	[tilespmem:$0x1C800] =	vst v63  }
0x2ad: {  	p1 =	seq.s32 s24, $0x7D  }
.Ltmp18:
0x2ae: {  	_ = 	snop;
	(pc) =	sbr.rel @p1 .LBB2_44-.Ltmp18, $1  }
0x2af: {  	_ =	sdelay $0x3  }
.LBB2_3:
0x2b0: {  	s0 =	sshrl.u32 s24, $0x1  }
0x2b1: {  	s25 =	sand.u32 $0x1, s24;
	s1 =	sshll.u32 s0, $0x5  }
0x2b2: {  	p1 =	seq.s32 s25, $0x1;
	s1 =	sor.u32 s11, s1  }
0x2b3: {  	p3 =	sgt.u32 @!p1 s1, $0x1F3  }
0x2b4: {  	p2 =	por p3, p1  }
0x2b5: {  	p4 =	seq.s32 @!p2 s0, $0x0  }
0x2b6: {  	p5 =	sgt.u32 @!p2 s1, $0xF9;
	p4 =	por @!p1 p4, p3  }
0x2b7: {  	s0 =	sadd.s32 @!p2 $0xFFFFFF06, s1;
	s3 =	simm.s32 @!p2 $0x271000;
	p4 =	por p4, p1  }
0x2b8: {  	p3 =	por @!p1 !p5, p3;
	s0 =	smin.u32 @!p2 s0, s1;
	s2 =	simm.s32 @!p4 $0x7  }
0x2b9: {  	p3 =	por !p3, p1;
	s0 =	smul.u32 @!p2 $0x2800, s0;
	_ =	swait.ge @!p4 [sflag:s2], $0x2800  }
0x2ba: {  	s3 =	simm.s32 @!p3 $0x0;
	[sflag:s2] =	ssyncset.done @!p4 $0x0  }
0x2bb: {  	s0 =	sadd.s32 @!p2 s3, s0;
	[sflag:s2] =	ssyncadd.s32 @!p4 $0xFFFFD800  }
0x2bc: {  	p3 =	sgt.u32 s1, $0x1F3;
	s0 =	sshrl.u32 @!p2 s0, $0x3;
	s2 =	rddreg [dreg:$0x1]  }
0x2bd: {  	s3 =	simm.s32 @!p2 $0x1A000;
	s0 =	sadd.s32 @!p2 s2, s0;
	s2 =	simm.s32 @!p2 $0x0  }
0x2be: {  	[tilespmem:s3], [sflag:$0x6] =	stream.linear.gather @!p2 [hbm4b:s0+s2], $0x2800, $0x38;
	[tilespmem:$0x1C800] =	vst v63  }
0x2bf: {  	p2 =	por !p1, p3  }
0x2c0: {  	p4 =	sgt.u32 @!p2 s1, $0xF9;
	s0 =	sadd.s32 @!p2 $0xFFFFFF06, s1  }
0x2c1: {  	s2 =	simm.s32 @!p2 $0x6;
	p4 =	por @!p3 !p4, !p1;
	s0 =	smin.u32 @!p2 s0, s1  }
0x2c2: {  	s1 =	simm.s32 @!p2 $0x271000;
	p3 =	por !p4, p3;
	s0 =	smul.u32 @!p2 $0x2800, s0  }
0x2c3: {  	_ =	swait.ge @!p2 [sflag:s2], $0x2800;
	s1 =	simm.s32 @!p3 $0x0  }
0x2c4: {  	[sflag:s2] =	ssyncset.done @!p2 $0x0;
	s0 =	sadd.s32 @!p2 s1, s0  }
0x2c5: {  	[sflag:s2] =	ssyncadd.s32 @!p2 $0xFFFFD800;
	s0 =	sshrl.u32 @!p2 s0, $0x3  }
0x2c6: {  	s2 =	simm.s32 @!p2 $0x1A000;
	s1 =	simm.s32 @!p2 $0x0;
	s0 =	sadd.s32 @!p2 s5, s0  }
0x2c7: {  	[hbm4b:s0+s1] =	stream.linear.scatter @!p2 [tilespmem:s2], [sflag:$0x7], $0x2800, $0x38;
	[tilespmem:$0x1C800] =	vst v63  }
.Ltmp19:
0x2c8: {  	p2 =	sne.s32 s25, $0x0;
	(pc) =	sbr.rel @!p1 .LBB2_5-.Ltmp19, $4  }
0x2c9: {  	s0 =	simm.s32 @!p2 $0x3  }
0x2ca: {  	_ =	swait.ge @!p2 [sflag:s0], $0xA00  }
0x2cb: {  	[sflag:s0] =	ssyncset.done @!p2 $0x0  }
0x2cc: {  	[sflag:s0] =	ssyncadd.s32 @!p2 $0xFFFFF600  }
.Ltmp20:
0x2cd: {  	(pc) =	sbr.rel .LBB2_6-.Ltmp20, $4  }
0x2ce: {  	s0 =	simm.s32 $0x4  }
0x2cf: {  	_ =	swait.ge [sflag:s0], $0xA00  }
0x2d0: {  	[sflag:s0] =	ssyncset.done $0x0  }
0x2d1: {  	[sflag:s0] =	ssyncadd.s32 $0xFFFFF600  }
.LBB2_5:
0x2d2: {  	p3 =	seq.s32 s24, $0x0  }
.Ltmp21:
0x2d3: {  	_ = 	snop;
	(pc) =	sbr.rel @p3 .LBB2_7-.Ltmp21, $1  }
0x2d4: {  	_ =	sdelay $0x3  }
.LBB2_6:
.Ltmp22:
0x2d5: {  	(pc) =	sbr.rel @p2 .LBB2_10-.Ltmp22, $4  }
0x2d6: {  	_ = 	snop  }
0x2d7: {  	_ =	swait.ge [sflag:s18], $0x2800  }
0x2d8: {  	[sflag:s18] =	ssyncset.done $0x0  }
0x2d9: {  	[sflag:s18] =	ssyncadd.s32 $0xFFFFD800  }
.LBB2_7:
0x2da: {  	s9 =	simm.s32 $0x0  }
0x2db: {  	s2 =	sand.u32 $0x60, s9  }
0x2dc: {  	s0 =	sand.u32 $0x780, s9;
	s1 =	sor.u32 $0x10, s2  }
0x2dd: {  	s0 =	sor.u32 s1, s0  }
0x2de: {  	v0 =	vld [tilespmem:s0+$0x13C00];
	_ =	sdelay $0x2  }
0x2df: {  	s23 =	simm.s32 $0x13C00  }
0x2e0: {  	v2 =	vld [tilespmem:s23+$0x0]  }
0x2e1: {  	v1 =	vshll.u32 v0, $0x3  }
0x2e2: {  	v0 =	vand.u32 $0x7F, v0;
	v1 =	vand.u32 $0xFFFFFC00, v1  }
0x2e3: {  	s3 =	simm.s32 $0x20;
	v5 =	vor.u32 v0, v1  }
0x2e4: {  	s26 =	sand.u32 $0x60, s3  }
0x2e5: {  	s3 =	sand.u32 $0x780, s3;
	s13 =	sor.u32 $0x10, s26;
	v0 =	vshll.u32 v2, $0x3  }
0x2e6: {  	s3 =	sor.u32 s13, s3;
	v1 =	vand.u32 $0x7F, v2;
	v0 =	vand.u32 $0xFFFFFC00, v0  }
0x2e7: {  	v6 =	vor.u32 v1, v0;
	v0 =	vld [tilespmem:s3+$0x13C00]  }
0x2e8: {  	v2 =	vld.idx.msk [tilespmem:v5+s7+$0x0], $0xffff  }
0x2e9: {  	v1 =	vor.u32 $0x80, v5  }
0x2ea: {  	s4 =	sand.u32 $0x3C00, s9  }
0x2eb: {  	s3 =	sadd.s32 $0x15000, s4  }
0x2ec: {  	s1 =	sor.u32 s1, s3;
	v3 =	vld.idx.msk [tilespmem:v6+s7+$0x0], $0xffff  }
0x2ed: {  	v4 =	vor.u32 $0x80, v6;
	[tilespmem:s1+$0x0] =	vst v2;
	v2 =	vshll.u32 v0, $0x3  }
0x2ee: {  	s4 =	simm.s32 $0x13C20;
	v0 =	vand.u32 $0x7F, v0;
	v7 =	vld.idx.msk [tilespmem:v1+s7+$0x0], $0xffff;
	v1 =	vand.u32 $0xFFFFFC00, v2  }
0x2ef: {  	v1 =	vor.u32 v0, v1;
	v0 =	vld [tilespmem:s4+$0x0]  }
0x2f0: {  	s12 =	sor.u32 s2, s3  }
0x2f1: {  	s6 =	simm.s32 $0x40;
	v2 =	vor.u32 $0x100, v5;
	[tilespmem:s12+$0x0] =	vst v3  }
0x2f2: {  	s8 =	sand.u32 $0x60, s6;
	v3 =	vld.idx.msk [tilespmem:v4+s7+$0x0], $0xffff  }
0x2f3: {  	s10 =	sor.u32 $0x10, s8;
	v8 =	vor.u32 $0x100, v6;
	s2 =	sand.u32 $0x780, s6  }
0x2f4: {  	s2 =	sor.u32 s10, s2;
	[tilespmem:s1+$0x80] =	vst v7;
	v7 =	vld.idx.msk [tilespmem:v1+s7+$0x0], $0xffff;
	v4 =	vshll.u32 v0, $0x3  }
0x2f5: {  	s29 =	simm.s32 $0x100;
	v10 =	vld [tilespmem:s2+$0x13C00];
	v9 =	vor.u32 $0x80, v1;
	v0 =	vand.u32 $0x7F, v0;
	v4 =	vand.u32 $0xFFFFFC00, v4  }
0x2f6: {  	s15 =	sand.u32 $0x3C00, s29;
	v2 =	vld.idx.msk [tilespmem:v2+s7+$0x0], $0xffff;
	v4 =	vor.u32 v0, v4  }
0x2f7: {  	s2 =	sadd.s32 $0x15000, s15;
	[tilespmem:s12+$0x80] =	vst v3;
	v0 =	vor.u32 $0x180, v5  }
0x2f8: {  	s3 =	sor.u32 s13, s2;
	v3 =	vld.idx.msk [tilespmem:v8+s7+$0x0], $0xffff  }
0x2f9: {  	[tilespmem:s3+$0x0] =	vst v7;
	v7 =	vor.u32 $0x180, v6  }
0x2fa: {  	v8 =	vld.idx.msk [tilespmem:v9+s7+$0x0], $0xffff  }
0x2fb: {  	v11 =	vor.u32 $0x100, v1;
	[tilespmem:s1+$0x100] =	vst v2;
	v2 =	vshll.u32 v10, $0x3;
	v9 =	vld.idx.msk [tilespmem:v4+s7+$0x0], $0xffff  }
0x2fc: {  	s16 =	simm.s32 $0x13C40;
	v13 =	vor.u32 $0x80, v4;
	v2 =	vand.u32 $0xFFFFFC00, v2;
	v12 =	vld.idx.msk [tilespmem:v0+s7+$0x0], $0xffff;
	v0 =	vand.u32 $0x7F, v10  }
0x2fd: {  	[tilespmem:s12+$0x100] =	vst v3;
	v0 =	vor.u32 v0, v2;
	v2 =	vld [tilespmem:s16+$0x0]  }
0x2fe: {  	v3 =	vor.u32 $0x200, v5;
	v7 =	vld.idx.msk [tilespmem:v7+s7+$0x0], $0xffff  }
0x2ff: {  	s0 =	sor.u32 s26, s2;
	[tilespmem:s3+$0x80] =	vst v8;
	v8 =	vor.u32 $0x200, v6  }
0x300: {  	[tilespmem:s0+$0x0] =	vst v9;
	v9 =	vld.idx.msk [tilespmem:v11+s7+$0x0], $0xffff  }
0x301: {  	s17 =	simm.s32 $0x60;
	v11 =	vor.u32 $0x180, v1;
	v10 =	vld.idx.msk [tilespmem:v13+s7+$0x0], $0xffff  }
0x302: {  	s15 =	sand.u32 $0x60, s17;
	v14 =	vor.u32 $0x100, v4;
	[tilespmem:s1+$0x180] =	vst v12;
	v12 =	vld.idx.msk [tilespmem:v0+s7+$0x0], $0xffff;
	v13 =	vshll.u32 v2, $0x3  }
0x303: {  	s26 =	simm.s32 $0x200;
	s19 =	sor.u32 $0x10, s15;
	s13 =	sand.u32 $0x780, s17;
	v15 =	vor.u32 $0x80, v0;
	v3 =	vld.idx.msk [tilespmem:v3+s7+$0x0], $0xffff;
	v2 =	vand.u32 $0x7F, v2;
	v13 =	vand.u32 $0xFFFFFC00, v13;
	[tilespmem:s12+$0x180] =	vst v7  }
0x304: {  	s13 =	sor.u32 s19, s13;
	s14 =	sand.u32 $0x3C00, s26;
	v2 =	vor.u32 v2, v13;
	v7 =	vld.idx.msk [tilespmem:v8+s7+$0x0], $0xffff  }
0x305: {  	s22 =	sadd.s32 $0x15000, s14;
	v8 =	vld [tilespmem:s13+$0x13C00];
	[tilespmem:s3+$0x100] =	vst v9;
	v9 =	vor.u32 $0x280, v6  }
0x306: {  	s28 =	sor.u32 s10, s22;
	[tilespmem:s0+$0x80] =	vst v10;
	v10 =	vld.idx.msk [tilespmem:v11+s7+$0x0], $0xffff;
	v11 =	vor.u32 $0x280, v5  }
0x307: {  	[tilespmem:s28+$0x0] =	vst v12;
	v12 =	vld.idx.msk [tilespmem:v14+s7+$0x0], $0xffff  }
0x308: {  	v13 =	vor.u32 $0x200, v1;
	v14 =	vld.idx.msk [tilespmem:v15+s7+$0x0], $0xffff  }
0x309: {  	v16 =	vor.u32 $0x180, v4;
	v15 =	vld.idx.msk [tilespmem:v2+s7+$0x0], $0xffff;
	[tilespmem:s12+$0x200] =	vst v7  }
0x30a: {  	[tilespmem:s1+$0x200] =	vst v3;
	v3 =	vshll.u32 v8, $0x3;
	v7 =	vor.u32 $0x100, v0;
	v9 =	vld.idx.msk [tilespmem:v9+s7+$0x0], $0xffff  }
0x30b: {  	s23 =	simm.s32 $0x13C60;
	v17 =	vor.u32 $0x80, v2;
	v8 =	vand.u32 $0x7F, v8;
	v3 =	vand.u32 $0xFFFFFC00, v3;
	[tilespmem:s3+$0x180] =	vst v10;
	v10 =	vld.idx.msk [tilespmem:v11+s7+$0x0], $0xffff  }
0x30c: {  	v3 =	vor.u32 v8, v3;
	v11 =	vld [tilespmem:s23+$0x0]  }
0x30d: {  	v8 =	vld.idx.msk [tilespmem:v13+s7+$0x0], $0xffff;
	[tilespmem:s0+$0x100] =	vst v12;
	v12 =	vor.u32 $0x300, v5  }
0x30e: {  	s31 =	sor.u32 s8, s22;
	[tilespmem:s28+$0x80] =	vst v14;
	v13 =	vor.u32 $0x300, v6;
	v14 =	vld.idx.msk [tilespmem:v16+s7+$0x0], $0xffff  }
0x30f: {  	[tilespmem:s31+$0x0] =	vst v15;
	v7 =	vld.idx.msk [tilespmem:v7+s7+$0x0], $0xffff  }
0x310: {  	s6 =	simm.s32 $0x80;
	v16 =	vor.u32 $0x200, v4;
	v15 =	vld.idx.msk [tilespmem:v17+s7+$0x0], $0xffff  }
0x311: {  	s8 =	sand.u32 $0x60, s6;
	v18 =	vor.u32 $0x180, v0;
	v17 =	vld.idx.msk [tilespmem:v3+s7+$0x0], $0xffff;
	[tilespmem:s1+$0x280] =	vst v10  }
0x312: {  	s10 =	sand.u32 $0x780, s6;
	s13 =	sor.u32 $0x10, s8;
	[tilespmem:s12+$0x280] =	vst v9;
	v9 =	vor.u32 $0x100, v2;
	v10 =	vld.idx.msk [tilespmem:v12+s7+$0x0], $0xffff  }
0x313: {  	s30 =	simm.s32 $0x300;
	s14 =	sand.u32 $0x3, s9;
	s1 =	sor.u32 s13, s10;
	v12 =	vor.u32 $0x80, v3;
	v19 =	vld.idx.msk [tilespmem:v13+s7+$0x0], $0xffff  }
0x314: {  	s4 =	sshll.u32 s14, $0x5;
	s16 =	sand.u32 $0x3C00, s30;
	v13 =	vshll.u32 v11, $0x3;
	v20 =	vld [tilespmem:s1+$0x13C00];
	[tilespmem:s0+$0x180] =	vst v14;
	v14 =	vor.u32 $0x380, v5  }
0x315: {  	s20 =	sadd.s32 $0x0, s4;
	s21 =	sadd.s32 $0x15000, s16;
	v6 =	vor.u32 $0x380, v6;
	v11 =	vand.u32 $0x7F, v11;
	v5 =	vand.u32 $0xFFFFFC00, v13;
	[tilespmem:s28+$0x100] =	vst v7;
	v7 =	vld.idx.msk [tilespmem:v16+s7+$0x0], $0xffff  }
0x316: {  	s2 =	sadd.s32 $0x10, s20;
	s12 =	sor.u32 s19, s21;
	v5 =	vor.u32 v11, v5;
	[tilespmem:s31+$0x80] =	vst v15;
	v16 =	vld.idx.msk [tilespmem:v18+s7+$0x0], $0xffff  }
0x317: {  	s17 =	sor.u32 $0x300, s2;
	v21 =	vor.u32 $0x280, v4;
	v13 =	vld.idx.msk [tilespmem:v9+s7+$0x0], $0xffff;
	[tilespmem:s12+$0x0] =	vst v17  }
0x318: {  	s4 =	sor.u32 $0x300, s20;
	v17 =	vor.u32 $0x280, v1;
	v15 =	vld.idx.msk [tilespmem:v12+s7+$0x0], $0xffff;
	[tilespmem:s17+$0x15000] =	vst v10  }
0x319: {  	v18 =	vor.u32 $0x200, v0;
	[tilespmem:s4+$0x15000] =	vst v19;
	v11 =	vld.idx.msk [tilespmem:v14+s7+$0x0], $0xffff  }
0x31a: {  	s9 =	simm.s32 $0x2;
	s22 =	simm.s32 $0x8;
	[tilespmem:s3+$0x200] =	vst v8;
	v14 =	vld.idx.msk [tilespmem:v6+s7+$0x0], $0xffff  }
0x31b: {  	s14 =	simm.s32 $0x400;
	s23 =	simm.s32 $0x13C80;
	s19 =	simm.s32 $0x1;
	v8 =	vor.u32 $0x80, v5;
	v9 =	vshll.u32 v20, $0x3;
	v10 =	vor.u32 $0x180, v2;
	v12 =	vld.idx.msk [tilespmem:v5+s7+$0x0], $0xffff;
	[tilespmem:s0+$0x200] =	vst v7  }
0x31c: {  	s16 =	sand.u32 $0x3, s19;
	s19 =	simm.s32 $0x13CA0;
	s1 =	simm.s32 $0xA0;
	v6 =	vand.u32 $0x7F, v20;
	v7 =	vand.u32 $0xFFFFFC00, v9;
	v9 =	vor.u32 $0x100, v3;
	[tilespmem:s28+$0x180] =	vst v16;
	v16 =	vld.idx.msk [tilespmem:v21+s7+$0x0], $0xffff  }
.LBB2_8:
0x31d: {  	s17 =	sand.u32 $0x60, s1;
	s22 =	sadd.s32 $0x2, s22;
	[tilespmem:s31+$0x100] =	vst v13;
	v13 =	vld.idx.msk [tilespmem:v17+s7+$0x0], $0xffff;
	s20 =	sor.u32 $0x380, s20  }
0x31e: {  	s6 =	sand.u32 $0x780, s1;
	v6 =	vor.u32 v6, v7;
	s2 =	sor.u32 $0x380, s2;
	s4 =	sor.u32 $0x10, s17;
	[tilespmem:s12+$0x80] =	vst v15;
	v7 =	vld.idx.msk [tilespmem:v18+s7+$0x0], $0xffff  }
0x31f: {  	s10 =	sand.u32 $0x3, s9;
	v17 =	vor.u32 $0x300, v4;
	p2 =	slt.u32 s22, $0x4E;
	v18 =	vor.u32 $0x300, v1;
	s6 =	sor.u32 s4, s6;
	v15 =	vld [tilespmem:s23+$0x0];
	[tilespmem:s2+$0x15000] =	vst v11  }
0x320: {  	s2 =	sor.u32 s15, s21;
	s15 =	smov.u32 s8;
	s8 =	smov.u32 s17;
	v10 =	vld.idx.msk [tilespmem:v10+s7+$0x0], $0xffff;
	[tilespmem:s20+$0x15000] =	vst v14  }
0x321: {  	s23 =	smov.u32 s19;
	[tilespmem:s2+$0x0] =	vst v12;
	v9 =	vld.idx.msk [tilespmem:v9+s7+$0x0], $0xffff  }
0x322: {  	v11 =	vor.u32 $0x200, v2;
	v8 =	vld.idx.msk [tilespmem:v8+s7+$0x0], $0xffff;
	[tilespmem:s0+$0x280] =	vst v16;
	s0 =	smov.u32 s31;
	s31 =	smov.u32 s2  }
0x323: {  	v14 =	vor.u32 $0x180, v3;
	v12 =	vld.idx.msk [tilespmem:v6+s7+$0x0], $0xffff;
	[tilespmem:s3+$0x280] =	vst v13;
	s3 =	smov.u32 s28;
	s28 =	smov.u32 s12  }
0x324: {  	v16 =	vor.u32 $0x100, v5;
	v13 =	vshll.u32 v15, $0x3;
	[tilespmem:s3+$0x200] =	vst v7;
	v7 =	vld.idx.msk [tilespmem:v18+s7+$0x0], $0xffff  }
0x325: {  	v18 =	vor.u32 $0x80, v6;
	v13 =	vand.u32 $0xFFFFFC00, v13;
	v19 =	vld.idx.msk [tilespmem:v17+s7+$0x0], $0xffff  }
0x326: {  	v21 =	vor.u32 $0x380, v1;
	v1 =	vmovc v0;
	v0 =	vmovc v3;
	v3 =	vmov v6;
	s2 =	sand.u32 $0x3C00, s14;
	v20 =	vld [tilespmem:s6+$0x13C00];
	[tilespmem:s0+$0x180] =	vst v10;
	s6 =	sshll.u32 s16, $0x5;
	v10 =	vor.u32 $0x380, v4;
	s16 =	smov.u32 s10  }
0x327: {  	s21 =	sadd.s32 $0x15000, s2;
	v6 =	vand.u32 $0x7F, v15;
	v4 =	vmov v2;
	v2 =	vmov v5;
	[tilespmem:s28+$0x100] =	vst v9;
	v9 =	vld.idx.msk [tilespmem:v11+s7+$0x0], $0xffff;
	s20 =	sadd.s32 s6, s29;
	s29 =	smov.u32 s26  }
0x328: {  	s12 =	sor.u32 s13, s21;
	s13 =	smov.u32 s4;
	v5 =	vor.u32 v6, v13;
	[tilespmem:s31+$0x80] =	vst v8;
	v22 =	vld.idx.msk [tilespmem:v14+s7+$0x0], $0xffff;
	s2 =	sadd.s32 $0x10, s20  }
0x329: {  	s26 =	smov.u32 s30;
	v8 =	vor.u32 $0x80, v5;
	s4 =	sor.u32 $0x300, s20;
	[tilespmem:s12+$0x0] =	vst v12;
	v13 =	vld.idx.msk [tilespmem:v16+s7+$0x0], $0xffff;
	v16 =	vor.u32 $0x280, v4;
	s6 =	sor.u32 $0x300, s2  }
.Ltmp23:
0x32a: {  	v17 =	vor.u32 $0x280, v1;
	s30 =	smov.u32 s14;
	v15 =	vld.idx.msk [tilespmem:v18+s7+$0x0], $0xffff;
	[tilespmem:s6+$0x15000] =	vst v7;
	(pc) =	sbr.rel @p2 .LBB2_8-.Ltmp23, $4  }
0x32b: {  	v18 =	vor.u32 $0x200, v0;
	v6 =	vand.u32 $0x7F, v20;
	v7 =	vshll.u32 v20, $0x3;
	[tilespmem:s4+$0x15000] =	vst v19;
	v11 =	vld.idx.msk [tilespmem:v21+s7+$0x0], $0xffff  }
0x32c: {  	v7 =	vand.u32 $0xFFFFFC00, v7;
	v14 =	vld.idx.msk [tilespmem:v10+s7+$0x0], $0xffff  }
0x32d: {  	s9 =	sadd.s32 $0x1, s9;
	v10 =	vor.u32 $0x180, v2;
	v12 =	vld.idx.msk [tilespmem:v5+s7+$0x0], $0xffff;
	[tilespmem:s0+$0x200] =	vst v9  }
0x32e: {  	s1 =	sadd.s32 $0x20, s1;
	s19 =	sadd.s32 $0x20, s19;
	s14 =	sadd.s32 $0x100, s14;
	v9 =	vor.u32 $0x100, v3;
	[tilespmem:s28+$0x180] =	vst v22;
	v16 =	vld.idx.msk [tilespmem:v16+s7+$0x0], $0xffff  }
0x32f: {  	v19 =	vld [tilespmem:s23+$0x0];
	_ =	sdelay $0x4  }
0x330: {  	v20 =	vshll.u32 v19, $0x3  }
0x331: {  	v7 =	vor.u32 v6, v7;
	v19 =	vand.u32 $0x7F, v19;
	v60 =	vand.u32 $0xFFFFFC00, v20  }
0x332: {  	v6 =	vor.u32 v19, v60;
	_ =	sdelay $0x3  }
0x333: {  	[tilespmem:s31+$0x100] =	vst v13;
	v61 =	vld.idx.msk [tilespmem:v7+s7+$0x0], $0xffff  }
0x334: {  	[tilespmem:s12+$0x80] =	vst v15;
	s1 =	sor.u32 $0x380, s2;
	v62 =	vor.u32 $0x80, v7;
	v19 =	vld.idx.msk [tilespmem:v6+s7+$0x0], $0xffff  }
0x335: {  	s22 =	sor.u32 $0x380, s20;
	s23 =	sand.u32 $0x3C00, s14;
	[tilespmem:s1+$0x15000] =	vst v11;
	v63 =	vor.u32 $0x80, v6  }
0x336: {  	s15 =	sor.u32 s15, s21;
	v21 =	vld.idx.msk [tilespmem:v18+s7+$0x0], $0xffff;
	s1 =	sadd.s32 $0x15000, s23;
	[tilespmem:s22+$0x15000] =	vst v14  }
0x337: {  	v10 =	vld.idx.msk [tilespmem:v10+s7+$0x0], $0xffff;
	s13 =	sor.u32 s13, s1;
	[tilespmem:s15+$0x0] =	vst v12  }
0x338: {  	v39 =	vor.u32 $0x280, v0;
	s1 =	sor.u32 s8, s1;
	v8 =	vld.idx.msk [tilespmem:v8+s7+$0x0], $0xffff;
	[tilespmem:s13+$0x0] =	vst v61  }
0x339: {  	v23 =	vor.u32 $0x100, v5;
	v15 =	vld.idx.msk [tilespmem:v62+s7+$0x0], $0xffff;
	[tilespmem:s1+$0x0] =	vst v19  }
0x33a: {  	v24 =	vor.u32 $0x100, v7;
	[tilespmem:s0+$0x280] =	vst v16;
	v11 =	vld.idx.msk [tilespmem:v63+s7+$0x0], $0xffff  }
0x33b: {  	v9 =	vld.idx.msk [tilespmem:v9+s7+$0x0], $0xffff;
	[tilespmem:s28+$0x200] =	vst v21;
	v25 =	vor.u32 $0x100, v6  }
0x33c: {  	v27 =	vor.u32 $0x200, v2;
	v20 =	vld.idx.msk [tilespmem:v17+s7+$0x0], $0xffff;
	[tilespmem:s31+$0x180] =	vst v10  }
0x33d: {  	v28 =	vor.u32 $0x180, v3;
	v45 =	vld.idx.msk [tilespmem:v39+s7+$0x0], $0xffff;
	[tilespmem:s15+$0x80] =	vst v8  }
0x33e: {  	v22 =	vor.u32 $0x300, v1;
	v13 =	vld.idx.msk [tilespmem:v23+s7+$0x0], $0xffff;
	[tilespmem:s13+$0x80] =	vst v15  }
0x33f: {  	v29 =	vor.u32 $0x180, v5;
	v16 =	vld.idx.msk [tilespmem:v24+s7+$0x0], $0xffff;
	[tilespmem:s1+$0x80] =	vst v11  }
0x340: {  	v30 =	vor.u32 $0x180, v7;
	[tilespmem:s12+$0x100] =	vst v9;
	v11 =	vld.idx.msk [tilespmem:v25+s7+$0x0], $0xffff  }
0x341: {  	v17 =	vld.idx.msk [tilespmem:v27+s7+$0x0], $0xffff;
	v32 =	vor.u32 $0x180, v6;
	[tilespmem:s3+$0x280] =	vst v20  }
0x342: {  	v26 =	vor.u32 $0x300, v4;
	v8 =	vld.idx.msk [tilespmem:v28+s7+$0x0], $0xffff;
	[tilespmem:s28+$0x280] =	vst v45  }
0x343: {  	v40 =	vor.u32 $0x280, v2;
	v12 =	vld.idx.msk [tilespmem:v22+s7+$0x0], $0xffff;
	[tilespmem:s15+$0x100] =	vst v13  }
0x344: {  	v35 =	vor.u32 $0x200, v3;
	s3 =	sshll.u32 s16, $0x5;
	v13 =	vld.idx.msk [tilespmem:v29+s7+$0x0], $0xffff;
	[tilespmem:s13+$0x100] =	vst v16  }
0x345: {  	v36 =	vor.u32 $0x200, v5;
	s0 =	sadd.s32 s3, s29;
	v10 =	vld.idx.msk [tilespmem:v30+s7+$0x0], $0xffff;
	[tilespmem:s1+$0x100] =	vst v11  }
0x346: {  	v37 =	vor.u32 $0x200, v7;
	[tilespmem:s31+$0x200] =	vst v17;
	s4 =	sadd.s32 $0x10, s0;
	v9 =	vld.idx.msk [tilespmem:v32+s7+$0x0], $0xffff  }
0x347: {  	v31 =	vld.idx.msk [tilespmem:v26+s7+$0x0], $0xffff;
	v38 =	vor.u32 $0x200, v6;
	s6 =	sor.u32 $0x300, s4;
	[tilespmem:s12+$0x180] =	vst v8  }
0x348: {  	v34 =	vor.u32 $0x380, v4;
	v8 =	vld.idx.msk [tilespmem:v40+s7+$0x0], $0xffff;
	[tilespmem:s6+$0x15000] =	vst v12  }
0x349: {  	v33 =	vor.u32 $0x380, v1;
	v12 =	vld.idx.msk [tilespmem:v35+s7+$0x0], $0xffff;
	[tilespmem:s15+$0x180] =	vst v13  }
0x34a: {  	v41 =	vor.u32 $0x280, v3;
	v13 =	vld.idx.msk [tilespmem:v36+s7+$0x0], $0xffff;
	[tilespmem:s13+$0x180] =	vst v10  }
0x34b: {  	v42 =	vor.u32 $0x280, v5;
	s8 =	sor.u32 $0x300, s0;
	v11 =	vld.idx.msk [tilespmem:v37+s7+$0x0], $0xffff;
	[tilespmem:s1+$0x180] =	vst v9  }
0x34c: {  	v44 =	vor.u32 $0x280, v7;
	[tilespmem:s8+$0x15000] =	vst v31;
	v43 =	vld.idx.msk [tilespmem:v38+s7+$0x0], $0xffff  }
0x34d: {  	v46 =	vor.u32 $0x280, v6;
	v4 =	vld.idx.msk [tilespmem:v34+s7+$0x0], $0xffff;
	[tilespmem:s31+$0x280] =	vst v8  }
0x34e: {  	v47 =	vor.u32 $0x300, v0;
	v1 =	vld.idx.msk [tilespmem:v33+s7+$0x0], $0xffff;
	[tilespmem:s12+$0x200] =	vst v12  }
0x34f: {  	v48 =	vor.u32 $0x300, v2;
	v49 =	vld.idx.msk [tilespmem:v41+s7+$0x0], $0xffff;
	[tilespmem:s15+$0x200] =	vst v13  }
0x350: {  	v50 =	vor.u32 $0x300, v3;
	v10 =	vld.idx.msk [tilespmem:v42+s7+$0x0], $0xffff;
	[tilespmem:s13+$0x200] =	vst v11  }
0x351: {  	v51 =	vor.u32 $0x300, v5;
	s0 =	sor.u32 $0x380, s0;
	v52 =	vld.idx.msk [tilespmem:v44+s7+$0x0], $0xffff;
	[tilespmem:s1+$0x200] =	vst v43  }
0x352: {  	v53 =	vor.u32 $0x300, v7;
	s2 =	sor.u32 $0x380, s4;
	[tilespmem:s0+$0x15000] =	vst v4;
	v4 =	vld.idx.msk [tilespmem:v46+s7+$0x0], $0xffff  }
0x353: {  	s10 =	sand.u32 $0x3, s9;
	v55 =	vor.u32 $0x300, v6;
	v54 =	vld.idx.msk [tilespmem:v47+s7+$0x0], $0xffff;
	[tilespmem:s2+$0x15000] =	vst v1  }
0x354: {  	v56 =	vor.u32 $0x380, v0;
	s16 =	sadd.s32 $0x1, s9;
	s0 =	sshll.u32 s10, $0x5;
	v12 =	vld.idx.msk [tilespmem:v48+s7+$0x0], $0xffff;
	[tilespmem:s12+$0x280] =	vst v49  }
0x355: {  	v57 =	vor.u32 $0x380, v2;
	s17 =	sand.u32 $0x3, s16;
	s0 =	sadd.s32 s0, s26;
	v58 =	vld.idx.msk [tilespmem:v50+s7+$0x0], $0xffff;
	[tilespmem:s15+$0x280] =	vst v10  }
0x356: {  	v59 =	vor.u32 $0x380, v3;
	s3 =	sshll.u32 s17, $0x5;
	s4 =	sadd.s32 $0x10, s0;
	s2 =	sadd.s32 $0x1, s16;
	v11 =	vld.idx.msk [tilespmem:v51+s7+$0x0], $0xffff;
	[tilespmem:s13+$0x280] =	vst v52  }
0x357: {  	v60 =	vor.u32 $0x380, v5;
	s3 =	sadd.s32 s3, s30;
	s6 =	sor.u32 $0x300, s4;
	s2 =	sand.u32 $0x3, s2;
	v61 =	vld.idx.msk [tilespmem:v53+s7+$0x0], $0xffff;
	[tilespmem:s1+$0x280] =	vst v4  }
0x358: {  	v7 =	vor.u32 $0x380, v7;
	s20 =	sadd.s32 $0x10, s3;
	s19 =	sor.u32 $0x300, s0;
	[tilespmem:s6+$0x15000] =	vst v54;
	s2 =	sshll.u32 s2, $0x5;
	v62 =	vld.idx.msk [tilespmem:v55+s7+$0x0], $0xffff  }
0x359: {  	v6 =	vor.u32 $0x380, v6;
	s21 =	sor.u32 $0x300, s20;
	v0 =	vld.idx.msk [tilespmem:v56+s7+$0x0], $0xffff;
	s2 =	sadd.s32 s2, s14;
	[tilespmem:s19+$0x15000] =	vst v12  }
0x35a: {  	s22 =	sor.u32 $0x300, s3;
	s23 =	sadd.s32 $0x10, s2;
	v2 =	vld.idx.msk [tilespmem:v57+s7+$0x0], $0xffff;
	[tilespmem:s21+$0x15000] =	vst v58  }
0x35b: {  	s26 =	sor.u32 $0x300, s23;
	v3 =	vld.idx.msk [tilespmem:v59+s7+$0x0], $0xffff;
	[tilespmem:s22+$0x15000] =	vst v11  }
0x35c: {  	s28 =	sor.u32 $0x300, s2;
	v1 =	vld.idx.msk [tilespmem:v60+s7+$0x0], $0xffff;
	[tilespmem:s26+$0x15000] =	vst v61  }
0x35d: {  	s4 =	sor.u32 $0x380, s4;
	v4 =	vld.idx.msk [tilespmem:v7+s7+$0x0], $0xffff;
	[tilespmem:s28+$0x15000] =	vst v62  }
0x35e: {  	s0 =	sor.u32 $0x380, s0;
	[tilespmem:s4+$0x15000] =	vst v0;
	v63 =	vld.idx.msk [tilespmem:v6+s7+$0x0], $0xffff  }
0x35f: {  	s29 =	sor.u32 $0x380, s20;
	[tilespmem:s0+$0x15000] =	vst v2  }
0x360: {  	s3 =	sor.u32 $0x380, s3;
	[tilespmem:s29+$0x15000] =	vst v3  }
0x361: {  	s30 =	sor.u32 $0x380, s23;
	[tilespmem:s3+$0x15000] =	vst v1  }
0x362: {  	s31 =	sor.u32 $0x380, s2;
	[tilespmem:s30+$0x15000] =	vst v4  }
0x363: {  	[tilespmem:s31+$0x15000] =	vst v63  }
.LBB2_10:
.Ltmp24:
0x364: {  	(pc) =	sbr.rel @!p1 .LBB2_14-.Ltmp24, $1  }
0x365: {  	_ =	sdelay $0x3  }
0x366: {  	s9 =	simm.s32 $0x0  }
0x367: {  	s2 =	sand.u32 $0x60, s9  }
0x368: {  	s0 =	sand.u32 $0x780, s9;
	s1 =	sor.u32 $0x10, s2  }
0x369: {  	s0 =	sor.u32 s1, s0  }
0x36a: {  	v0 =	vld [tilespmem:s0+$0x14600];
	_ =	sdelay $0x2  }
0x36b: {  	s8 =	simm.s32 $0x14600  }
0x36c: {  	v2 =	vld [tilespmem:s8+$0x0]  }
0x36d: {  	v1 =	vshll.u32 v0, $0x3  }
0x36e: {  	v0 =	vand.u32 $0x7F, v0;
	v1 =	vand.u32 $0xFFFFFC00, v1  }
0x36f: {  	s3 =	simm.s32 $0x20;
	v5 =	vor.u32 v0, v1  }
0x370: {  	s10 =	sand.u32 $0x60, s3  }
0x371: {  	s3 =	sand.u32 $0x780, s3;
	s6 =	sor.u32 $0x10, s10;
	v0 =	vshll.u32 v2, $0x3  }
0x372: {  	s3 =	sor.u32 s6, s3;
	v1 =	vand.u32 $0x7F, v2;
	v0 =	vand.u32 $0xFFFFFC00, v0  }
0x373: {  	v6 =	vor.u32 v1, v0;
	v0 =	vld [tilespmem:s3+$0x14600]  }
0x374: {  	v2 =	vld.idx.msk [tilespmem:v5+s7+$0x0], $0xffff  }
0x375: {  	v1 =	vor.u32 $0x80, v5  }
0x376: {  	s12 =	sand.u32 $0x3C00, s9  }
0x377: {  	s3 =	sadd.s32 $0x15000, s12  }
0x378: {  	s1 =	sor.u32 s1, s3;
	v3 =	vld.idx.msk [tilespmem:v6+s7+$0x0], $0xffff  }
0x379: {  	v4 =	vor.u32 $0x80, v6;
	[tilespmem:s1+$0x0] =	vst v2;
	v2 =	vshll.u32 v0, $0x3  }
0x37a: {  	s4 =	simm.s32 $0x14620;
	v0 =	vand.u32 $0x7F, v0;
	v7 =	vld.idx.msk [tilespmem:v1+s7+$0x0], $0xffff;
	v1 =	vand.u32 $0xFFFFFC00, v2  }
0x37b: {  	v1 =	vor.u32 v0, v1;
	v0 =	vld [tilespmem:s4+$0x0]  }
0x37c: {  	s12 =	sor.u32 s2, s3  }
0x37d: {  	s13 =	simm.s32 $0x40;
	v2 =	vor.u32 $0x100, v5;
	[tilespmem:s12+$0x0] =	vst v3  }
0x37e: {  	s8 =	sand.u32 $0x60, s13;
	v3 =	vld.idx.msk [tilespmem:v4+s7+$0x0], $0xffff  }
0x37f: {  	s14 =	sor.u32 $0x10, s8;
	v8 =	vor.u32 $0x100, v6;
	s2 =	sand.u32 $0x780, s13  }
0x380: {  	s2 =	sor.u32 s14, s2;
	[tilespmem:s1+$0x80] =	vst v7;
	v7 =	vld.idx.msk [tilespmem:v1+s7+$0x0], $0xffff;
	v4 =	vshll.u32 v0, $0x3  }
0x381: {  	s29 =	simm.s32 $0x100;
	v10 =	vld [tilespmem:s2+$0x14600];
	v9 =	vor.u32 $0x80, v1;
	v0 =	vand.u32 $0x7F, v0;
	v4 =	vand.u32 $0xFFFFFC00, v4  }
0x382: {  	s15 =	sand.u32 $0x3C00, s29;
	v2 =	vld.idx.msk [tilespmem:v2+s7+$0x0], $0xffff;
	v4 =	vor.u32 v0, v4  }
0x383: {  	s2 =	sadd.s32 $0x15000, s15;
	[tilespmem:s12+$0x80] =	vst v3;
	v0 =	vor.u32 $0x180, v5  }
0x384: {  	s3 =	sor.u32 s6, s2;
	v3 =	vld.idx.msk [tilespmem:v8+s7+$0x0], $0xffff  }
0x385: {  	[tilespmem:s3+$0x0] =	vst v7;
	v7 =	vor.u32 $0x180, v6  }
0x386: {  	v8 =	vld.idx.msk [tilespmem:v9+s7+$0x0], $0xffff  }
0x387: {  	v11 =	vor.u32 $0x100, v1;
	[tilespmem:s1+$0x100] =	vst v2;
	v2 =	vshll.u32 v10, $0x3;
	v9 =	vld.idx.msk [tilespmem:v4+s7+$0x0], $0xffff  }
0x388: {  	s16 =	simm.s32 $0x14640;
	v13 =	vor.u32 $0x80, v4;
	v2 =	vand.u32 $0xFFFFFC00, v2;
	v12 =	vld.idx.msk [tilespmem:v0+s7+$0x0], $0xffff;
	v0 =	vand.u32 $0x7F, v10  }
0x389: {  	[tilespmem:s12+$0x100] =	vst v3;
	v0 =	vor.u32 v0, v2;
	v2 =	vld [tilespmem:s16+$0x0]  }
0x38a: {  	v3 =	vor.u32 $0x200, v5;
	v7 =	vld.idx.msk [tilespmem:v7+s7+$0x0], $0xffff  }
0x38b: {  	s0 =	sor.u32 s10, s2;
	[tilespmem:s3+$0x80] =	vst v8;
	v8 =	vor.u32 $0x200, v6  }
0x38c: {  	[tilespmem:s0+$0x0] =	vst v9;
	v9 =	vld.idx.msk [tilespmem:v11+s7+$0x0], $0xffff  }
0x38d: {  	s17 =	simm.s32 $0x60;
	v11 =	vor.u32 $0x180, v1;
	v10 =	vld.idx.msk [tilespmem:v13+s7+$0x0], $0xffff  }
0x38e: {  	s15 =	sand.u32 $0x60, s17;
	v14 =	vor.u32 $0x100, v4;
	[tilespmem:s1+$0x180] =	vst v12;
	v12 =	vld.idx.msk [tilespmem:v0+s7+$0x0], $0xffff;
	v13 =	vshll.u32 v2, $0x3  }
0x38f: {  	s26 =	simm.s32 $0x200;
	s19 =	sor.u32 $0x10, s15;
	s6 =	sand.u32 $0x780, s17;
	v15 =	vor.u32 $0x80, v0;
	v3 =	vld.idx.msk [tilespmem:v3+s7+$0x0], $0xffff;
	v2 =	vand.u32 $0x7F, v2;
	v13 =	vand.u32 $0xFFFFFC00, v13;
	[tilespmem:s12+$0x180] =	vst v7  }
0x390: {  	s10 =	sand.u32 $0x3C00, s26;
	s6 =	sor.u32 s19, s6;
	v2 =	vor.u32 v2, v13;
	v7 =	vld.idx.msk [tilespmem:v8+s7+$0x0], $0xffff  }
0x391: {  	s22 =	sadd.s32 $0x15000, s10;
	v8 =	vld [tilespmem:s6+$0x14600];
	[tilespmem:s3+$0x100] =	vst v9;
	v9 =	vor.u32 $0x280, v6  }
0x392: {  	s28 =	sor.u32 s14, s22;
	[tilespmem:s0+$0x80] =	vst v10;
	v10 =	vld.idx.msk [tilespmem:v11+s7+$0x0], $0xffff;
	v11 =	vor.u32 $0x280, v5  }
0x393: {  	[tilespmem:s28+$0x0] =	vst v12;
	v12 =	vld.idx.msk [tilespmem:v14+s7+$0x0], $0xffff  }
0x394: {  	v13 =	vor.u32 $0x200, v1;
	v14 =	vld.idx.msk [tilespmem:v15+s7+$0x0], $0xffff  }
0x395: {  	v16 =	vor.u32 $0x180, v4;
	v15 =	vld.idx.msk [tilespmem:v2+s7+$0x0], $0xffff;
	[tilespmem:s12+$0x200] =	vst v7  }
0x396: {  	[tilespmem:s1+$0x200] =	vst v3;
	v3 =	vshll.u32 v8, $0x3;
	v7 =	vor.u32 $0x100, v0;
	v9 =	vld.idx.msk [tilespmem:v9+s7+$0x0], $0xffff  }
0x397: {  	s23 =	simm.s32 $0x14660;
	v17 =	vor.u32 $0x80, v2;
	v8 =	vand.u32 $0x7F, v8;
	v3 =	vand.u32 $0xFFFFFC00, v3;
	[tilespmem:s3+$0x180] =	vst v10;
	v10 =	vld.idx.msk [tilespmem:v11+s7+$0x0], $0xffff  }
0x398: {  	v3 =	vor.u32 v8, v3;
	v11 =	vld [tilespmem:s23+$0x0]  }
0x399: {  	v8 =	vld.idx.msk [tilespmem:v13+s7+$0x0], $0xffff;
	[tilespmem:s0+$0x100] =	vst v12;
	v12 =	vor.u32 $0x300, v5  }
0x39a: {  	s31 =	sor.u32 s8, s22;
	[tilespmem:s28+$0x80] =	vst v14;
	v13 =	vor.u32 $0x300, v6;
	v14 =	vld.idx.msk [tilespmem:v16+s7+$0x0], $0xffff  }
0x39b: {  	[tilespmem:s31+$0x0] =	vst v15;
	v7 =	vld.idx.msk [tilespmem:v7+s7+$0x0], $0xffff  }
0x39c: {  	s6 =	simm.s32 $0x80;
	v16 =	vor.u32 $0x200, v4;
	v15 =	vld.idx.msk [tilespmem:v17+s7+$0x0], $0xffff  }
0x39d: {  	v18 =	vor.u32 $0x180, v0;
	s8 =	sand.u32 $0x60, s6;
	v17 =	vld.idx.msk [tilespmem:v3+s7+$0x0], $0xffff;
	[tilespmem:s1+$0x280] =	vst v10  }
0x39e: {  	s10 =	sand.u32 $0x780, s6;
	s13 =	sor.u32 $0x10, s8;
	[tilespmem:s12+$0x280] =	vst v9;
	v9 =	vor.u32 $0x100, v2;
	v10 =	vld.idx.msk [tilespmem:v12+s7+$0x0], $0xffff  }
0x39f: {  	s30 =	simm.s32 $0x300;
	s14 =	sand.u32 $0x3, s9;
	s1 =	sor.u32 s13, s10;
	v12 =	vor.u32 $0x80, v3;
	v19 =	vld.idx.msk [tilespmem:v13+s7+$0x0], $0xffff  }
0x3a0: {  	s4 =	sshll.u32 s14, $0x5;
	s16 =	sand.u32 $0x3C00, s30;
	v13 =	vshll.u32 v11, $0x3;
	v20 =	vld [tilespmem:s1+$0x14600];
	[tilespmem:s0+$0x180] =	vst v14;
	v14 =	vor.u32 $0x380, v5  }
0x3a1: {  	s20 =	sadd.s32 $0x0, s4;
	s21 =	sadd.s32 $0x15000, s16;
	v6 =	vor.u32 $0x380, v6;
	v11 =	vand.u32 $0x7F, v11;
	v5 =	vand.u32 $0xFFFFFC00, v13;
	[tilespmem:s28+$0x100] =	vst v7;
	v7 =	vld.idx.msk [tilespmem:v16+s7+$0x0], $0xffff  }
0x3a2: {  	s2 =	sadd.s32 $0x10, s20;
	s12 =	sor.u32 s19, s21;
	v5 =	vor.u32 v11, v5;
	[tilespmem:s31+$0x80] =	vst v15;
	v16 =	vld.idx.msk [tilespmem:v18+s7+$0x0], $0xffff  }
0x3a3: {  	s17 =	sor.u32 $0x300, s2;
	v21 =	vor.u32 $0x280, v4;
	v13 =	vld.idx.msk [tilespmem:v9+s7+$0x0], $0xffff;
	[tilespmem:s12+$0x0] =	vst v17  }
0x3a4: {  	s4 =	sor.u32 $0x300, s20;
	v17 =	vor.u32 $0x280, v1;
	v15 =	vld.idx.msk [tilespmem:v12+s7+$0x0], $0xffff;
	[tilespmem:s17+$0x15000] =	vst v10  }
0x3a5: {  	v18 =	vor.u32 $0x200, v0;
	[tilespmem:s4+$0x15000] =	vst v19;
	v11 =	vld.idx.msk [tilespmem:v14+s7+$0x0], $0xffff  }
0x3a6: {  	s22 =	simm.s32 $0x8;
	s9 =	simm.s32 $0x2;
	[tilespmem:s3+$0x200] =	vst v8;
	v14 =	vld.idx.msk [tilespmem:v6+s7+$0x0], $0xffff  }
0x3a7: {  	s14 =	simm.s32 $0x400;
	s23 =	simm.s32 $0x14680;
	s19 =	simm.s32 $0x1;
	v8 =	vor.u32 $0x80, v5;
	v9 =	vshll.u32 v20, $0x3;
	v10 =	vor.u32 $0x180, v2;
	v12 =	vld.idx.msk [tilespmem:v5+s7+$0x0], $0xffff;
	[tilespmem:s0+$0x200] =	vst v7  }
0x3a8: {  	s16 =	sand.u32 $0x3, s19;
	s19 =	simm.s32 $0x146A0;
	s1 =	simm.s32 $0xA0;
	v6 =	vand.u32 $0x7F, v20;
	v7 =	vand.u32 $0xFFFFFC00, v9;
	v9 =	vor.u32 $0x100, v3;
	[tilespmem:s28+$0x180] =	vst v16;
	v16 =	vld.idx.msk [tilespmem:v21+s7+$0x0], $0xffff  }
.LBB2_12:
0x3a9: {  	s6 =	sand.u32 $0x60, s1;
	s22 =	sadd.s32 $0x2, s22;
	[tilespmem:s31+$0x100] =	vst v13;
	v13 =	vld.idx.msk [tilespmem:v17+s7+$0x0], $0xffff;
	s10 =	sor.u32 $0x380, s20  }
0x3aa: {  	s17 =	sand.u32 $0x780, s1;
	v6 =	vor.u32 v6, v7;
	s2 =	sor.u32 $0x380, s2;
	s4 =	sor.u32 $0x10, s6;
	[tilespmem:s12+$0x80] =	vst v15;
	v7 =	vld.idx.msk [tilespmem:v18+s7+$0x0], $0xffff  }
0x3ab: {  	s20 =	sand.u32 $0x3, s9;
	v17 =	vor.u32 $0x300, v4;
	p2 =	slt.u32 s22, $0x4E;
	v18 =	vor.u32 $0x300, v1;
	s17 =	sor.u32 s4, s17;
	v15 =	vld [tilespmem:s23+$0x0];
	[tilespmem:s2+$0x15000] =	vst v11  }
0x3ac: {  	s2 =	sor.u32 s15, s21;
	s15 =	smov.u32 s8;
	s8 =	smov.u32 s6;
	v10 =	vld.idx.msk [tilespmem:v10+s7+$0x0], $0xffff;
	[tilespmem:s10+$0x15000] =	vst v14  }
0x3ad: {  	s23 =	smov.u32 s19;
	[tilespmem:s2+$0x0] =	vst v12;
	v9 =	vld.idx.msk [tilespmem:v9+s7+$0x0], $0xffff  }
0x3ae: {  	v11 =	vor.u32 $0x200, v2;
	v8 =	vld.idx.msk [tilespmem:v8+s7+$0x0], $0xffff;
	[tilespmem:s0+$0x280] =	vst v16;
	s0 =	smov.u32 s31;
	s31 =	smov.u32 s2  }
0x3af: {  	v14 =	vor.u32 $0x180, v3;
	v12 =	vld.idx.msk [tilespmem:v6+s7+$0x0], $0xffff;
	[tilespmem:s3+$0x280] =	vst v13;
	s3 =	smov.u32 s28;
	s28 =	smov.u32 s12  }
0x3b0: {  	v16 =	vor.u32 $0x100, v5;
	v13 =	vshll.u32 v15, $0x3;
	[tilespmem:s3+$0x200] =	vst v7;
	v7 =	vld.idx.msk [tilespmem:v18+s7+$0x0], $0xffff  }
0x3b1: {  	v18 =	vor.u32 $0x80, v6;
	v13 =	vand.u32 $0xFFFFFC00, v13;
	v19 =	vld.idx.msk [tilespmem:v17+s7+$0x0], $0xffff  }
0x3b2: {  	v21 =	vor.u32 $0x380, v1;
	v1 =	vmovc v0;
	v0 =	vmovc v3;
	s6 =	sshll.u32 s16, $0x5;
	s16 =	smov.u32 s20;
	v3 =	vmov v6;
	s2 =	sand.u32 $0x3C00, s14;
	v20 =	vld [tilespmem:s17+$0x14600];
	[tilespmem:s0+$0x180] =	vst v10;
	v10 =	vor.u32 $0x380, v4  }
0x3b3: {  	s20 =	sadd.s32 s6, s29;
	s29 =	smov.u32 s26;
	s21 =	sadd.s32 $0x15000, s2;
	v6 =	vand.u32 $0x7F, v15;
	v4 =	vmov v2;
	v2 =	vmov v5;
	[tilespmem:s28+$0x100] =	vst v9;
	v9 =	vld.idx.msk [tilespmem:v11+s7+$0x0], $0xffff  }
0x3b4: {  	s2 =	sadd.s32 $0x10, s20;
	s12 =	sor.u32 s13, s21;
	s13 =	smov.u32 s4;
	v5 =	vor.u32 v6, v13;
	[tilespmem:s31+$0x80] =	vst v8;
	v22 =	vld.idx.msk [tilespmem:v14+s7+$0x0], $0xffff  }
0x3b5: {  	s26 =	smov.u32 s30;
	s4 =	sor.u32 $0x300, s20;
	s6 =	sor.u32 $0x300, s2;
	v8 =	vor.u32 $0x80, v5;
	[tilespmem:s12+$0x0] =	vst v12;
	v13 =	vld.idx.msk [tilespmem:v16+s7+$0x0], $0xffff;
	v16 =	vor.u32 $0x280, v4  }
.Ltmp25:
0x3b6: {  	s30 =	smov.u32 s14;
	v17 =	vor.u32 $0x280, v1;
	v15 =	vld.idx.msk [tilespmem:v18+s7+$0x0], $0xffff;
	[tilespmem:s6+$0x15000] =	vst v7;
	(pc) =	sbr.rel @p2 .LBB2_12-.Ltmp25, $4  }
0x3b7: {  	v18 =	vor.u32 $0x200, v0;
	v6 =	vand.u32 $0x7F, v20;
	v7 =	vshll.u32 v20, $0x3;
	[tilespmem:s4+$0x15000] =	vst v19;
	v11 =	vld.idx.msk [tilespmem:v21+s7+$0x0], $0xffff  }
0x3b8: {  	v7 =	vand.u32 $0xFFFFFC00, v7;
	v14 =	vld.idx.msk [tilespmem:v10+s7+$0x0], $0xffff  }
0x3b9: {  	s9 =	sadd.s32 $0x1, s9;
	v10 =	vor.u32 $0x180, v2;
	v12 =	vld.idx.msk [tilespmem:v5+s7+$0x0], $0xffff;
	[tilespmem:s0+$0x200] =	vst v9  }
0x3ba: {  	s1 =	sadd.s32 $0x20, s1;
	s19 =	sadd.s32 $0x20, s19;
	s14 =	sadd.s32 $0x100, s14;
	v9 =	vor.u32 $0x100, v3;
	[tilespmem:s28+$0x180] =	vst v22;
	v16 =	vld.idx.msk [tilespmem:v16+s7+$0x0], $0xffff  }
0x3bb: {  	v19 =	vld [tilespmem:s23+$0x0];
	_ =	sdelay $0x4  }
0x3bc: {  	v20 =	vshll.u32 v19, $0x3  }
0x3bd: {  	v7 =	vor.u32 v6, v7;
	v19 =	vand.u32 $0x7F, v19;
	v60 =	vand.u32 $0xFFFFFC00, v20  }
0x3be: {  	v6 =	vor.u32 v19, v60;
	_ =	sdelay $0x3  }
0x3bf: {  	[tilespmem:s31+$0x100] =	vst v13;
	v61 =	vld.idx.msk [tilespmem:v7+s7+$0x0], $0xffff  }
0x3c0: {  	[tilespmem:s12+$0x80] =	vst v15;
	s1 =	sor.u32 $0x380, s2;
	v62 =	vor.u32 $0x80, v7;
	v19 =	vld.idx.msk [tilespmem:v6+s7+$0x0], $0xffff  }
0x3c1: {  	s22 =	sor.u32 $0x380, s20;
	s23 =	sand.u32 $0x3C00, s14;
	[tilespmem:s1+$0x15000] =	vst v11;
	v63 =	vor.u32 $0x80, v6  }
0x3c2: {  	s15 =	sor.u32 s15, s21;
	v21 =	vld.idx.msk [tilespmem:v18+s7+$0x0], $0xffff;
	s1 =	sadd.s32 $0x15000, s23;
	[tilespmem:s22+$0x15000] =	vst v14  }
0x3c3: {  	v10 =	vld.idx.msk [tilespmem:v10+s7+$0x0], $0xffff;
	s13 =	sor.u32 s13, s1;
	[tilespmem:s15+$0x0] =	vst v12  }
0x3c4: {  	v39 =	vor.u32 $0x280, v0;
	s1 =	sor.u32 s8, s1;
	v8 =	vld.idx.msk [tilespmem:v8+s7+$0x0], $0xffff;
	[tilespmem:s13+$0x0] =	vst v61  }
0x3c5: {  	v23 =	vor.u32 $0x100, v5;
	v15 =	vld.idx.msk [tilespmem:v62+s7+$0x0], $0xffff;
	[tilespmem:s1+$0x0] =	vst v19  }
0x3c6: {  	v24 =	vor.u32 $0x100, v7;
	[tilespmem:s0+$0x280] =	vst v16;
	v11 =	vld.idx.msk [tilespmem:v63+s7+$0x0], $0xffff  }
0x3c7: {  	v9 =	vld.idx.msk [tilespmem:v9+s7+$0x0], $0xffff;
	[tilespmem:s28+$0x200] =	vst v21;
	v25 =	vor.u32 $0x100, v6  }
0x3c8: {  	v27 =	vor.u32 $0x200, v2;
	v20 =	vld.idx.msk [tilespmem:v17+s7+$0x0], $0xffff;
	[tilespmem:s31+$0x180] =	vst v10  }
0x3c9: {  	v28 =	vor.u32 $0x180, v3;
	v45 =	vld.idx.msk [tilespmem:v39+s7+$0x0], $0xffff;
	[tilespmem:s15+$0x80] =	vst v8  }
0x3ca: {  	v22 =	vor.u32 $0x300, v1;
	v13 =	vld.idx.msk [tilespmem:v23+s7+$0x0], $0xffff;
	[tilespmem:s13+$0x80] =	vst v15  }
0x3cb: {  	v29 =	vor.u32 $0x180, v5;
	v16 =	vld.idx.msk [tilespmem:v24+s7+$0x0], $0xffff;
	[tilespmem:s1+$0x80] =	vst v11  }
0x3cc: {  	v30 =	vor.u32 $0x180, v7;
	[tilespmem:s12+$0x100] =	vst v9;
	v11 =	vld.idx.msk [tilespmem:v25+s7+$0x0], $0xffff  }
0x3cd: {  	v17 =	vld.idx.msk [tilespmem:v27+s7+$0x0], $0xffff;
	v32 =	vor.u32 $0x180, v6;
	[tilespmem:s3+$0x280] =	vst v20  }
0x3ce: {  	v26 =	vor.u32 $0x300, v4;
	v8 =	vld.idx.msk [tilespmem:v28+s7+$0x0], $0xffff;
	[tilespmem:s28+$0x280] =	vst v45  }
0x3cf: {  	v40 =	vor.u32 $0x280, v2;
	v12 =	vld.idx.msk [tilespmem:v22+s7+$0x0], $0xffff;
	[tilespmem:s15+$0x100] =	vst v13  }
0x3d0: {  	v35 =	vor.u32 $0x200, v3;
	s3 =	sshll.u32 s16, $0x5;
	v13 =	vld.idx.msk [tilespmem:v29+s7+$0x0], $0xffff;
	[tilespmem:s13+$0x100] =	vst v16  }
0x3d1: {  	v36 =	vor.u32 $0x200, v5;
	s0 =	sadd.s32 s3, s29;
	v10 =	vld.idx.msk [tilespmem:v30+s7+$0x0], $0xffff;
	[tilespmem:s1+$0x100] =	vst v11  }
0x3d2: {  	v37 =	vor.u32 $0x200, v7;
	[tilespmem:s31+$0x200] =	vst v17;
	s4 =	sadd.s32 $0x10, s0;
	v9 =	vld.idx.msk [tilespmem:v32+s7+$0x0], $0xffff  }
0x3d3: {  	v31 =	vld.idx.msk [tilespmem:v26+s7+$0x0], $0xffff;
	v38 =	vor.u32 $0x200, v6;
	s6 =	sor.u32 $0x300, s4;
	[tilespmem:s12+$0x180] =	vst v8  }
0x3d4: {  	v34 =	vor.u32 $0x380, v4;
	v8 =	vld.idx.msk [tilespmem:v40+s7+$0x0], $0xffff;
	[tilespmem:s6+$0x15000] =	vst v12  }
0x3d5: {  	v33 =	vor.u32 $0x380, v1;
	v12 =	vld.idx.msk [tilespmem:v35+s7+$0x0], $0xffff;
	[tilespmem:s15+$0x180] =	vst v13  }
0x3d6: {  	v41 =	vor.u32 $0x280, v3;
	v13 =	vld.idx.msk [tilespmem:v36+s7+$0x0], $0xffff;
	[tilespmem:s13+$0x180] =	vst v10  }
0x3d7: {  	v42 =	vor.u32 $0x280, v5;
	s8 =	sor.u32 $0x300, s0;
	v11 =	vld.idx.msk [tilespmem:v37+s7+$0x0], $0xffff;
	[tilespmem:s1+$0x180] =	vst v9  }
0x3d8: {  	v44 =	vor.u32 $0x280, v7;
	[tilespmem:s8+$0x15000] =	vst v31;
	v43 =	vld.idx.msk [tilespmem:v38+s7+$0x0], $0xffff  }
0x3d9: {  	v46 =	vor.u32 $0x280, v6;
	v4 =	vld.idx.msk [tilespmem:v34+s7+$0x0], $0xffff;
	[tilespmem:s31+$0x280] =	vst v8  }
0x3da: {  	v47 =	vor.u32 $0x300, v0;
	v1 =	vld.idx.msk [tilespmem:v33+s7+$0x0], $0xffff;
	[tilespmem:s12+$0x200] =	vst v12  }
0x3db: {  	v48 =	vor.u32 $0x300, v2;
	v49 =	vld.idx.msk [tilespmem:v41+s7+$0x0], $0xffff;
	[tilespmem:s15+$0x200] =	vst v13  }
0x3dc: {  	v50 =	vor.u32 $0x300, v3;
	v10 =	vld.idx.msk [tilespmem:v42+s7+$0x0], $0xffff;
	[tilespmem:s13+$0x200] =	vst v11  }
0x3dd: {  	v51 =	vor.u32 $0x300, v5;
	s0 =	sor.u32 $0x380, s0;
	v52 =	vld.idx.msk [tilespmem:v44+s7+$0x0], $0xffff;
	[tilespmem:s1+$0x200] =	vst v43  }
0x3de: {  	v53 =	vor.u32 $0x300, v7;
	s2 =	sor.u32 $0x380, s4;
	[tilespmem:s0+$0x15000] =	vst v4;
	v4 =	vld.idx.msk [tilespmem:v46+s7+$0x0], $0xffff  }
0x3df: {  	s10 =	sand.u32 $0x3, s9;
	v55 =	vor.u32 $0x300, v6;
	v54 =	vld.idx.msk [tilespmem:v47+s7+$0x0], $0xffff;
	[tilespmem:s2+$0x15000] =	vst v1  }
0x3e0: {  	v56 =	vor.u32 $0x380, v0;
	s16 =	sadd.s32 $0x1, s9;
	s0 =	sshll.u32 s10, $0x5;
	v12 =	vld.idx.msk [tilespmem:v48+s7+$0x0], $0xffff;
	[tilespmem:s12+$0x280] =	vst v49  }
0x3e1: {  	v57 =	vor.u32 $0x380, v2;
	s17 =	sand.u32 $0x3, s16;
	s0 =	sadd.s32 s0, s26;
	v58 =	vld.idx.msk [tilespmem:v50+s7+$0x0], $0xffff;
	[tilespmem:s15+$0x280] =	vst v10  }
0x3e2: {  	v59 =	vor.u32 $0x380, v3;
	s3 =	sshll.u32 s17, $0x5;
	s4 =	sadd.s32 $0x10, s0;
	s2 =	sadd.s32 $0x1, s16;
	v11 =	vld.idx.msk [tilespmem:v51+s7+$0x0], $0xffff;
	[tilespmem:s13+$0x280] =	vst v52  }
0x3e3: {  	v60 =	vor.u32 $0x380, v5;
	s3 =	sadd.s32 s3, s30;
	s6 =	sor.u32 $0x300, s4;
	s2 =	sand.u32 $0x3, s2;
	v61 =	vld.idx.msk [tilespmem:v53+s7+$0x0], $0xffff;
	[tilespmem:s1+$0x280] =	vst v4  }
0x3e4: {  	v7 =	vor.u32 $0x380, v7;
	s20 =	sadd.s32 $0x10, s3;
	s19 =	sor.u32 $0x300, s0;
	[tilespmem:s6+$0x15000] =	vst v54;
	s2 =	sshll.u32 s2, $0x5;
	v62 =	vld.idx.msk [tilespmem:v55+s7+$0x0], $0xffff  }
0x3e5: {  	v6 =	vor.u32 $0x380, v6;
	s21 =	sor.u32 $0x300, s20;
	v0 =	vld.idx.msk [tilespmem:v56+s7+$0x0], $0xffff;
	s2 =	sadd.s32 s2, s14;
	[tilespmem:s19+$0x15000] =	vst v12  }
0x3e6: {  	s22 =	sor.u32 $0x300, s3;
	s23 =	sadd.s32 $0x10, s2;
	v2 =	vld.idx.msk [tilespmem:v57+s7+$0x0], $0xffff;
	[tilespmem:s21+$0x15000] =	vst v58  }
0x3e7: {  	s26 =	sor.u32 $0x300, s23;
	v3 =	vld.idx.msk [tilespmem:v59+s7+$0x0], $0xffff;
	[tilespmem:s22+$0x15000] =	vst v11  }
0x3e8: {  	s28 =	sor.u32 $0x300, s2;
	v1 =	vld.idx.msk [tilespmem:v60+s7+$0x0], $0xffff;
	[tilespmem:s26+$0x15000] =	vst v61  }
0x3e9: {  	s4 =	sor.u32 $0x380, s4;
	v4 =	vld.idx.msk [tilespmem:v7+s7+$0x0], $0xffff;
	[tilespmem:s28+$0x15000] =	vst v62  }
0x3ea: {  	s0 =	sor.u32 $0x380, s0;
	[tilespmem:s4+$0x15000] =	vst v0;
	v63 =	vld.idx.msk [tilespmem:v6+s7+$0x0], $0xffff  }
0x3eb: {  	s29 =	sor.u32 $0x380, s20;
	[tilespmem:s0+$0x15000] =	vst v2  }
0x3ec: {  	s3 =	sor.u32 $0x380, s3;
	[tilespmem:s29+$0x15000] =	vst v3  }
0x3ed: {  	s30 =	sor.u32 $0x380, s23;
	[tilespmem:s3+$0x15000] =	vst v1  }
0x3ee: {  	s31 =	sor.u32 $0x380, s2;
	[tilespmem:s30+$0x15000] =	vst v4  }
0x3ef: {  	[tilespmem:s31+$0x15000] =	vst v63  }
.LBB2_14:
0x3f0: {  	s26 =	smul.u32 $0x5000, s24  }
0x3f1: {  	s0 =	rddreg [dreg:$0x8]  }
0x3f2: {  	p2 =	seq.s32 s24, $0x0;
	s0 =	sadd.s32 s0, s26  }
0x3f3: {  	p3 =	sne.s32 @!p2 s25, $0x0;
	s0 =	sshrl.u32 s0, $0x3  }
0x3f4: {  	s1 =	simm.s32 $0x15000;
	p3 =	por p2, !p3;
	s0 =	sadd.s32 s5, s0  }
0x3f5: {  	[hbm4b:s0+s7] =	stream.linear.scatter [tilespmem:s1], [sflag:$0x1], $0x2800, $0x38;
	[tilespmem:$0x1C800] =	vst v63  }
.Ltmp26:
0x3f6: {  	_ = 	snop;
	(pc) =	sbr.rel @!p3 .LBB2_18-.Ltmp26, $4  }
0x3f7: {  	s0 =	simm.s32 @!p2 $0x2  }
0x3f8: {  	_ =	swait.ge @!p2 [sflag:s0], $0x2800  }
0x3f9: {  	[sflag:s0] =	ssyncset.done @!p2 $0x0  }
0x3fa: {  	[sflag:s0] =	ssyncadd.s32 @!p2 $0xFFFFD800  }
0x3fb: {  	s3 =	simm.s32 $0x0  }
0x3fc: {  	s0 =	sand.u32 $0x7E0, s3  }
0x3fd: {  	v0 =	vld [tilespmem:s0+$0x14100];
	_ =	sdelay $0x4  }
0x3fe: {  	v1 =	vshll.u32 v0, $0x3  }
0x3ff: {  	v0 =	vand.u32 $0x7F, v0;
	v1 =	vand.u32 $0xFFFFFC00, v1  }
0x400: {  	s22 =	simm.s32 $0x14110;
	v3 =	vor.u32 v0, v1  }
0x401: {  	v0 =	vld [tilespmem:s22+$0x0];
	_ =	sdelay $0x3  }
0x402: {  	v1 =	vld.idx.msk [tilespmem:v3+s7+$0x0], $0xffff  }
0x403: {  	s23 =	simm.s32 $0x20;
	v4 =	vor.u32 $0x80, v3;
	v2 =	vshll.u32 v0, $0x3  }
0x404: {  	s1 =	sand.u32 $0x7E0, s23;
	v0 =	vand.u32 $0x7F, v0;
	v2 =	vand.u32 $0xFFFFFC00, v2  }
0x405: {  	s2 =	sand.u32 $0x60, s3;
	s4 =	sand.u32 $0x3C00, s3;
	v7 =	vor.u32 v0, v2;
	v0 =	vld [tilespmem:s1+$0x14100]  }
0x406: {  	s29 =	sor.u32 s2, s4  }
0x407: {  	[tilespmem:s29+$0x17800] =	vst v1  }
0x408: {  	v1 =	vld.idx.msk [tilespmem:v4+s7+$0x0], $0xffff  }
0x409: {  	v2 =	vor.u32 $0x100, v3  }
0x40a: {  	v4 =	vld.idx.msk [tilespmem:v7+s7+$0x0], $0xffff;
	v6 =	vshll.u32 v0, $0x3  }
0x40b: {  	s30 =	simm.s32 $0x14130;
	v5 =	vor.u32 $0x80, v7;
	v0 =	vand.u32 $0x7F, v0;
	v6 =	vand.u32 $0xFFFFFC00, v6  }
0x40c: {  	v8 =	vld [tilespmem:s30+$0x0];
	s1 =	sadd.s32 $0x17800, s29;
	v6 =	vor.u32 v0, v6  }
0x40d: {  	[tilespmem:s1+$0x80] =	vst v1  }
0x40e: {  	v0 =	vld.idx.msk [tilespmem:v2+s7+$0x0], $0xffff  }
0x40f: {  	v1 =	vor.u32 $0x180, v3;
	[tilespmem:s1+$0x10] =	vst v4  }
0x410: {  	v2 =	vld.idx.msk [tilespmem:v5+s7+$0x0], $0xffff  }
0x411: {  	v4 =	vor.u32 $0x100, v7;
	v5 =	vshll.u32 v8, $0x3;
	v9 =	vld.idx.msk [tilespmem:v6+s7+$0x0], $0xffff  }
0x412: {  	s9 =	simm.s32 $0x14150;
	v10 =	vor.u32 $0x80, v6;
	v8 =	vand.u32 $0x7F, v8;
	v5 =	vand.u32 $0xFFFFFC00, v5  }
0x413: {  	s31 =	simm.s32 $0x40;
	s8 =	simm.s32 $0x100;
	[tilespmem:s1+$0x100] =	vst v0;
	v0 =	vor.u32 v8, v5;
	v8 =	vld [tilespmem:s9+$0x0]  }
0x414: {  	s6 =	sand.u32 $0x7E0, s31;
	s0 =	sand.u32 $0x60, s23;
	s2 =	sand.u32 $0x3C00, s8;
	v1 =	vld.idx.msk [tilespmem:v1+s7+$0x0], $0xffff  }
0x415: {  	s0 =	sor.u32 s0, s2;
	v5 =	vor.u32 $0x200, v3;
	[tilespmem:s1+$0x90] =	vst v2;
	v2 =	vld [tilespmem:s6+$0x14100]  }
0x416: {  	v4 =	vld.idx.msk [tilespmem:v4+s7+$0x0], $0xffff;
	[tilespmem:s0+$0x17800] =	vst v9  }
0x417: {  	v9 =	vor.u32 $0x180, v7;
	v10 =	vld.idx.msk [tilespmem:v10+s7+$0x0], $0xffff  }
0x418: {  	v12 =	vor.u32 $0x100, v6;
	v11 =	vld.idx.msk [tilespmem:v0+s7+$0x0], $0xffff  }
0x419: {  	v13 =	vor.u32 $0x80, v0;
	[tilespmem:s1+$0x180] =	vst v1  }
0x41a: {  	s10 =	simm.s32 $0x14170;
	v1 =	vshll.u32 v2, $0x3;
	v5 =	vld.idx.msk [tilespmem:v5+s7+$0x0], $0xffff  }
0x41b: {  	v14 =	vld [tilespmem:s10+$0x0];
	s0 =	sadd.s32 $0x17800, s0;
	v2 =	vand.u32 $0x7F, v2;
	[tilespmem:s1+$0x110] =	vst v4;
	v1 =	vand.u32 $0xFFFFFC00, v1;
	v4 =	vor.u32 $0x280, v3  }
0x41c: {  	v9 =	vld.idx.msk [tilespmem:v9+s7+$0x0], $0xffff;
	v1 =	vor.u32 v2, v1;
	v2 =	vshll.u32 v8, $0x3;
	[tilespmem:s0+$0x80] =	vst v10  }
0x41d: {  	s12 =	simm.s32 $0x60;
	v8 =	vand.u32 $0x7F, v8;
	v10 =	vor.u32 $0x200, v7;
	v2 =	vand.u32 $0xFFFFFC00, v2;
	v12 =	vld.idx.msk [tilespmem:v12+s7+$0x0], $0xffff;
	[tilespmem:s0+$0x10] =	vst v11  }
0x41e: {  	s15 =	sand.u32 $0x7E0, s12;
	v2 =	vor.u32 v8, v2;
	v11 =	vor.u32 $0x180, v6;
	v8 =	vld.idx.msk [tilespmem:v13+s7+$0x0], $0xffff  }
0x41f: {  	v17 =	vld [tilespmem:s15+$0x14100];
	[tilespmem:s1+$0x200] =	vst v5  }
0x420: {  	v5 =	vor.u32 $0x100, v0;
	v4 =	vld.idx.msk [tilespmem:v4+s7+$0x0], $0xffff  }
0x421: {  	v13 =	vor.u32 $0x300, v3;
	[tilespmem:s1+$0x190] =	vst v9;
	v9 =	vld.idx.msk [tilespmem:v1+s7+$0x0], $0xffff  }
0x422: {  	v15 =	vor.u32 $0x80, v1;
	v10 =	vld.idx.msk [tilespmem:v10+s7+$0x0], $0xffff;
	[tilespmem:s0+$0x100] =	vst v12  }
0x423: {  	s28 =	simm.s32 $0x200;
	v11 =	vld.idx.msk [tilespmem:v11+s7+$0x0], $0xffff;
	[tilespmem:s0+$0x90] =	vst v8;
	v8 =	vor.u32 $0x280, v7  }
0x424: {  	s4 =	sand.u32 $0x60, s31;
	s8 =	sand.u32 $0x3C00, s28;
	v12 =	vor.u32 $0x200, v6;
	v16 =	vld.idx.msk [tilespmem:v2+s7+$0x0], $0xffff  }
0x425: {  	s16 =	sor.u32 s4, s8;
	v5 =	vld.idx.msk [tilespmem:v5+s7+$0x0], $0xffff;
	[tilespmem:s1+$0x280] =	vst v4  }
0x426: {  	v4 =	vor.u32 $0x180, v0;
	[tilespmem:s16+$0x17800] =	vst v9;
	v9 =	vld.idx.msk [tilespmem:v13+s7+$0x0], $0xffff  }
0x427: {  	s3 =	sand.u32 $0x3, s3;
	v13 =	vld.idx.msk [tilespmem:v15+s7+$0x0], $0xffff;
	[tilespmem:s1+$0x210] =	vst v10;
	v10 =	vor.u32 $0x380, v3  }
0x428: {  	s3 =	sshll.u32 s3, $0x5;
	v15 =	vor.u32 $0x100, v1;
	[tilespmem:s0+$0x180] =	vst v11;
	v8 =	vld.idx.msk [tilespmem:v8+s7+$0x0], $0xffff  }
0x429: {  	s19 =	simm.s32 $0x14190;
	s17 =	sadd.s32 $0x0, s3;
	v11 =	vor.u32 $0x80, v2;
	v12 =	vld.idx.msk [tilespmem:v12+s7+$0x0], $0xffff  }
0x42a: {  	s20 =	sor.u32 $0x300, s17;
	v19 =	vor.u32 $0x300, v7;
	v3 =	vshll.u32 v17, $0x3;
	[tilespmem:s0+$0x110] =	vst v5;
	v5 =	vld [tilespmem:s19+$0x0]  }
0x42b: {  	s3 =	sadd.s32 $0x17800, s16;
	v3 =	vand.u32 $0xFFFFFC00, v3;
	v18 =	vld.idx.msk [tilespmem:v4+s7+$0x0], $0xffff;
	v4 =	vand.u32 $0x7F, v17;
	v17 =	vor.u32 $0x280, v6;
	[tilespmem:s20+$0x17800] =	vst v9  }
0x42c: {  	v3 =	vor.u32 v4, v3;
	v4 =	vshll.u32 v14, $0x3;
	[tilespmem:s3+$0x80] =	vst v13;
	v13 =	vld.idx.msk [tilespmem:v10+s7+$0x0], $0xffff  }
0x42d: {  	[tilespmem:s3+$0x10] =	vst v16;
	v9 =	vand.u32 $0x7F, v14;
	v14 =	vor.u32 $0x200, v0;
	v4 =	vand.u32 $0xFFFFFC00, v4;
	v10 =	vld.idx.msk [tilespmem:v15+s7+$0x0], $0xffff  }
0x42e: {  	v4 =	vor.u32 v9, v4;
	v9 =	vld.idx.msk [tilespmem:v11+s7+$0x0], $0xffff;
	[tilespmem:s1+$0x290] =	vst v8  }
0x42f: {  	[tilespmem:s0+$0x200] =	vst v12;
	v12 =	vld.idx.msk [tilespmem:v19+s7+$0x0], $0xffff  }
0x430: {  	v11 =	vor.u32 $0x180, v1;
	v16 =	vld.idx.msk [tilespmem:v17+s7+$0x0], $0xffff  }
0x431: {  	s14 =	simm.s32 $0x80;
	v15 =	vor.u32 $0x100, v2;
	[tilespmem:s0+$0x190] =	vst v18;
	v17 =	vld.idx.msk [tilespmem:v3+s7+$0x0], $0xffff  }
0x432: {  	s21 =	sand.u32 $0x7E0, s14;
	v7 =	vor.u32 $0x380, v7;
	v19 =	vld.idx.msk [tilespmem:v14+s7+$0x0], $0xffff  }
0x433: {  	v18 =	vor.u32 $0x300, v6;
	v14 =	vld [tilespmem:s21+$0x14100]  }
0x434: {  	s23 =	sadd.s32 $0x10, s17;
	v20 =	vor.u32 $0x80, v3;
	[tilespmem:s3+$0x100] =	vst v10;
	v8 =	vld.idx.msk [tilespmem:v4+s7+$0x0], $0xffff  }
0x435: {  	s13 =	simm.s32 $0x300;
	s29 =	sor.u32 $0x300, s23;
	v11 =	vld.idx.msk [tilespmem:v11+s7+$0x0], $0xffff;
	[tilespmem:s3+$0x90] =	vst v9;
	v9 =	vor.u32 $0x280, v0  }
0x436: {  	s2 =	sand.u32 $0x60, s12;
	s22 =	sand.u32 $0x3C00, s13;
	v22 =	vor.u32 $0x200, v1;
	v21 =	vld.idx.msk [tilespmem:v15+s7+$0x0], $0xffff;
	[tilespmem:s29+$0x17800] =	vst v12  }
0x437: {  	v23 =	vor.u32 $0x180, v2;
	s20 =	sor.u32 s2, s22;
	[tilespmem:s0+$0x280] =	vst v16;
	v7 =	vld.idx.msk [tilespmem:v7+s7+$0x0], $0xffff  }
0x438: {  	s12 =	simm.s32 $0x1;
	[tilespmem:s20+$0x17800] =	vst v17;
	v16 =	vld.idx.msk [tilespmem:v18+s7+$0x0], $0xffff  }
0x439: {  	s30 =	sand.u32 $0x3, s12;
	s4 =	sor.u32 $0x380, s17;
	v6 =	vor.u32 $0x380, v6;
	[tilespmem:s0+$0x210] =	vst v19;
	v10 =	vld.idx.msk [tilespmem:v20+s7+$0x0], $0xffff  }
0x43a: {  	s31 =	sshll.u32 s30, $0x5;
	s8 =	sor.u32 $0x380, s23;
	s9 =	simm.s32 $0x300;
	v15 =	vor.u32 $0x100, v3;
	v9 =	vld.idx.msk [tilespmem:v9+s7+$0x0], $0xffff;
	[tilespmem:s3+$0x180] =	vst v11  }
0x43b: {  	s16 =	simm.s32 $0x8;
	s19 =	simm.s32 $0x141B0;
	s1 =	sadd.s32 $0x100, s31;
	v17 =	vor.u32 $0x80, v4;
	v11 =	vld.idx.msk [tilespmem:v22+s7+$0x0], $0xffff;
	[tilespmem:s3+$0x110] =	vst v21  }
0x43c: {  	s2 =	sor.u32 $0x300, s1;
	s15 =	sadd.s32 $0x10, s1;
	s21 =	simm.s32 $0x80;
	[tilespmem:s4+$0x17800] =	vst v13;
	v12 =	vor.u32 $0x300, v0;
	v18 =	vshll.u32 v14, $0x3;
	v13 =	vld.idx.msk [tilespmem:v23+s7+$0x0], $0xffff  }
.LBB2_16:
0x43d: {  	v19 =	vld [tilespmem:s19+$0x0];
	v14 =	vand.u32 $0x7F, v14;
	v18 =	vand.u32 $0xFFFFFC00, v18;
	s4 =	sadd.s32 $0x17800, s20;
	v20 =	vor.u32 $0x280, v1;
	[tilespmem:s2+$0x17800] =	vst v16;
	s2 =	sor.u32 $0x300, s15  }
0x43e: {  	s6 =	sor.u32 $0x380, s15;
	v18 =	vor.u32 v14, v18;
	v14 =	vshll.u32 v5, $0x3;
	[tilespmem:s4+$0x80] =	vst v10;
	v6 =	vld.idx.msk [tilespmem:v6+s7+$0x0], $0xffff  }
0x43f: {  	v5 =	vand.u32 $0x7F, v5;
	v10 =	vand.u32 $0xFFFFFC00, v14;
	v14 =	vld.idx.msk [tilespmem:v15+s7+$0x0], $0xffff;
	[tilespmem:s4+$0x10] =	vst v8;
	v8 =	vor.u32 $0x200, v2  }
0x440: {  	v10 =	vor.u32 v5, v10;
	v15 =	vld.idx.msk [tilespmem:v17+s7+$0x0], $0xffff;
	[tilespmem:s0+$0x290] =	vst v9;
	s0 =	smov.u32 s3;
	s3 =	smov.u32 s4  }
0x441: {  	v9 =	vor.u32 $0x180, v3;
	[tilespmem:s0+$0x200] =	vst v11;
	v11 =	vld.idx.msk [tilespmem:v12+s7+$0x0], $0xffff  }
0x442: {  	v12 =	vor.u32 $0x100, v4;
	v16 =	vld.idx.msk [tilespmem:v20+s7+$0x0], $0xffff;
	[tilespmem:s0+$0x190] =	vst v13;
	v5 =	vmov v19  }
0x443: {  	s1 =	sor.u32 $0x380, s1;
	v13 =	vld.idx.msk [tilespmem:v18+s7+$0x0], $0xffff;
	[tilespmem:s8+$0x17800] =	vst v7;
	s8 =	smov.u32 s6  }
0x444: {  	v7 =	vor.u32 $0x300, v1;
	v17 =	vld.idx.msk [tilespmem:v8+s7+$0x0], $0xffff;
	[tilespmem:s1+$0x17800] =	vst v6  }
0x445: {  	v6 =	vor.u32 $0x80, v18;
	v8 =	vld.idx.msk [tilespmem:v10+s7+$0x0], $0xffff;
	[tilespmem:s3+$0x100] =	vst v14  }
0x446: {  	s14 =	sadd.s32 $0x20, s14;
	s13 =	sadd.s32 $0x100, s13;
	v19 =	vld.idx.msk [tilespmem:v9+s7+$0x0], $0xffff;
	[tilespmem:s3+$0x90] =	vst v15;
	v9 =	vor.u32 $0x280, v2  }
0x447: {  	s4 =	sand.u32 $0x60, s21;
	s6 =	sand.u32 $0x3C00, s13;
	s1 =	sand.u32 $0x7E0, s14;
	v12 =	vld.idx.msk [tilespmem:v12+s7+$0x0], $0xffff;
	[tilespmem:s2+$0x17800] =	vst v11;
	v11 =	vor.u32 $0x380, v0;
	v0 =	vmovc v2;
	v2 =	vmov v4;
	v4 =	vmov v10  }
0x448: {  	s16 =	sadd.s32 $0x2, s16;
	s21 =	smov.u32 s14;
	v20 =	vor.u32 $0x200, v3;
	s20 =	sor.u32 s4, s6;
	v14 =	vld [tilespmem:s1+$0x14100];
	[tilespmem:s0+$0x280] =	vst v16  }
0x449: {  	p2 =	slt.u32 s16, $0x4E;
	[tilespmem:s20+$0x17800] =	vst v13;
	v13 =	vor.u32 $0x180, v2;
	v16 =	vld.idx.msk [tilespmem:v7+s7+$0x0], $0xffff  }
.Ltmp27:
0x44a: {  	s12 =	sadd.s32 $0x1, s12;
	v10 =	vld.idx.msk [tilespmem:v6+s7+$0x0], $0xffff;
	[tilespmem:s0+$0x210] =	vst v17;
	(pc) =	sbr.rel @p2 .LBB2_16-.Ltmp27, $4  }
0x44b: {  	s1 =	sand.u32 $0x3, s12;
	v6 =	vor.u32 $0x380, v1;
	v1 =	vmov v3;
	v3 =	vmov v18;
	v9 =	vld.idx.msk [tilespmem:v9+s7+$0x0], $0xffff  }
0x44c: {  	s1 =	sshll.u32 s1, $0x5;
	v15 =	vor.u32 $0x100, v3;
	[tilespmem:s3+$0x180] =	vst v19;
	v7 =	vld.idx.msk [tilespmem:v11+s7+$0x0], $0xffff  }
0x44d: {  	v17 =	vor.u32 $0x80, v4;
	s1 =	sadd.s32 s1, s28;
	s28 =	smov.u32 s9;
	s9 =	smov.u32 s13;
	v11 =	vld.idx.msk [tilespmem:v20+s7+$0x0], $0xffff;
	[tilespmem:s3+$0x110] =	vst v12  }
0x44e: {  	s19 =	sadd.s32 $0x20, s19;
	s2 =	sor.u32 $0x300, s1;
	s15 =	sadd.s32 $0x10, s1;
	v18 =	vshll.u32 v14, $0x3;
	v12 =	vor.u32 $0x300, v0;
	v13 =	vld.idx.msk [tilespmem:v13+s7+$0x0], $0xffff  }
0x44f: {  	v14 =	vand.u32 $0x7F, v14;
	v18 =	vand.u32 $0xFFFFFC00, v18;
	v19 =	vshll.u32 v5, $0x3  }
0x450: {  	v22 =	vand.u32 $0x7F, v5;
	v14 =	vor.u32 v14, v18;
	v23 =	vand.u32 $0xFFFFFC00, v19  }
0x451: {  	v5 =	vor.u32 v22, v23;
	_ =	sdelay $0x3  }
0x452: {  	v24 =	vld.idx.msk [tilespmem:v14+s7+$0x0], $0xffff  }
0x453: {  	v25 =	vor.u32 $0x80, v14;
	v20 =	vld.idx.msk [tilespmem:v5+s7+$0x0], $0xffff  }
0x454: {  	s13 =	sadd.s32 $0x100, s13;
	v21 =	vor.u32 $0x80, v5  }
0x455: {  	[tilespmem:s2+$0x17800] =	vst v16;
	s16 =	sadd.s32 $0x17800, s20;
	s31 =	sand.u32 $0x60, s21;
	s4 =	sand.u32 $0x3C00, s13  }
0x456: {  	[tilespmem:s16+$0x10] =	vst v8;
	s2 =	sor.u32 s31, s4  }
0x457: {  	v8 =	vld.idx.msk [tilespmem:v17+s7+$0x0], $0xffff;
	s14 =	sadd.s32 $0x17800, s2;
	[tilespmem:s2+$0x17800] =	vst v24  }
0x458: {  	v26 =	vor.u32 $0x100, v4;
	v27 =	vld.idx.msk [tilespmem:v25+s7+$0x0], $0xffff;
	[tilespmem:s14+$0x10] =	vst v20  }
0x459: {  	[tilespmem:s16+$0x80] =	vst v10;
	v28 =	vor.u32 $0x100, v14;
	v29 =	vld.idx.msk [tilespmem:v21+s7+$0x0], $0xffff  }
0x45a: {  	[tilespmem:s0+$0x290] =	vst v9;
	v30 =	vor.u32 $0x100, v5  }
0x45b: {  	v31 =	vld.idx.msk [tilespmem:v15+s7+$0x0], $0xffff;
	[tilespmem:s8+$0x17800] =	vst v7  }
0x45c: {  	v32 =	vor.u32 $0x180, v3;
	[tilespmem:s16+$0x90] =	vst v8  }
0x45d: {  	v33 =	vld.idx.msk [tilespmem:v26+s7+$0x0], $0xffff;
	[tilespmem:s14+$0x80] =	vst v27  }
0x45e: {  	v34 =	vor.u32 $0x180, v4;
	v10 =	vld.idx.msk [tilespmem:v28+s7+$0x0], $0xffff;
	[tilespmem:s14+$0x90] =	vst v29  }
0x45f: {  	v35 =	vor.u32 $0x180, v14;
	[tilespmem:s3+$0x200] =	vst v11;
	v9 =	vld.idx.msk [tilespmem:v30+s7+$0x0], $0xffff  }
0x460: {  	v12 =	vld.idx.msk [tilespmem:v12+s7+$0x0], $0xffff;
	v36 =	vor.u32 $0x180, v5;
	[tilespmem:s16+$0x100] =	vst v31  }
0x461: {  	v37 =	vor.u32 $0x280, v1;
	[tilespmem:s3+$0x190] =	vst v13;
	v8 =	vld.idx.msk [tilespmem:v32+s7+$0x0], $0xffff  }
0x462: {  	v39 =	vor.u32 $0x200, v3;
	v6 =	vld.idx.msk [tilespmem:v6+s7+$0x0], $0xffff;
	[tilespmem:s16+$0x110] =	vst v33  }
0x463: {  	v38 =	vor.u32 $0x200, v2;
	v16 =	vld.idx.msk [tilespmem:v34+s7+$0x0], $0xffff;
	[tilespmem:s14+$0x100] =	vst v10  }
0x464: {  	v40 =	vor.u32 $0x200, v4;
	s4 =	sor.u32 $0x300, s15;
	v13 =	vld.idx.msk [tilespmem:v35+s7+$0x0], $0xffff;
	[tilespmem:s14+$0x110] =	vst v9  }
0x465: {  	v41 =	vor.u32 $0x200, v14;
	[tilespmem:s4+$0x17800] =	vst v12;
	v7 =	vld.idx.msk [tilespmem:v36+s7+$0x0], $0xffff  }
0x466: {  	v43 =	vor.u32 $0x200, v5;
	v42 =	vld.idx.msk [tilespmem:v37+s7+$0x0], $0xffff;
	s2 =	sor.u32 $0x380, s1;
	[tilespmem:s16+$0x180] =	vst v8  }
0x467: {  	v0 =	vor.u32 $0x380, v0;
	[tilespmem:s2+$0x17800] =	vst v6;
	v15 =	vld.idx.msk [tilespmem:v39+s7+$0x0], $0xffff  }
0x468: {  	v46 =	vor.u32 $0x280, v3;
	v11 =	vld.idx.msk [tilespmem:v38+s7+$0x0], $0xffff;
	[tilespmem:s16+$0x190] =	vst v16  }
0x469: {  	v45 =	vor.u32 $0x280, v2;
	v10 =	vld.idx.msk [tilespmem:v40+s7+$0x0], $0xffff;
	[tilespmem:s14+$0x180] =	vst v13  }
0x46a: {  	v47 =	vor.u32 $0x280, v4;
	v6 =	vld.idx.msk [tilespmem:v41+s7+$0x0], $0xffff;
	[tilespmem:s14+$0x190] =	vst v7  }
0x46b: {  	v48 =	vor.u32 $0x280, v14;
	[tilespmem:s3+$0x280] =	vst v42;
	v49 =	vld.idx.msk [tilespmem:v43+s7+$0x0], $0xffff  }
0x46c: {  	v51 =	vor.u32 $0x280, v5;
	v0 =	vld.idx.msk [tilespmem:v0+s7+$0x0], $0xffff;
	[tilespmem:s16+$0x200] =	vst v15  }
0x46d: {  	v44 =	vor.u32 $0x300, v1;
	[tilespmem:s3+$0x210] =	vst v11;
	v16 =	vld.idx.msk [tilespmem:v46+s7+$0x0], $0xffff  }
0x46e: {  	v53 =	vor.u32 $0x300, v3;
	v8 =	vld.idx.msk [tilespmem:v45+s7+$0x0], $0xffff;
	[tilespmem:s16+$0x210] =	vst v10  }
0x46f: {  	v52 =	vor.u32 $0x300, v2;
	v13 =	vld.idx.msk [tilespmem:v47+s7+$0x0], $0xffff;
	[tilespmem:s14+$0x200] =	vst v6  }
0x470: {  	s6 =	sadd.s32 $0x1, s12;
	v54 =	vor.u32 $0x300, v4;
	s12 =	sor.u32 $0x380, s15;
	v7 =	vld.idx.msk [tilespmem:v48+s7+$0x0], $0xffff;
	[tilespmem:s14+$0x210] =	vst v49  }
0x471: {  	v55 =	vor.u32 $0x300, v14;
	[tilespmem:s12+$0x17800] =	vst v0;
	v11 =	vld.idx.msk [tilespmem:v51+s7+$0x0], $0xffff  }
0x472: {  	v56 =	vor.u32 $0x300, v5;
	v50 =	vld.idx.msk [tilespmem:v44+s7+$0x0], $0xffff;
	[tilespmem:s16+$0x280] =	vst v16  }
0x473: {  	v57 =	vor.u32 $0x380, v1;
	s0 =	sadd.s32 $0x1, s6;
	s8 =	sand.u32 $0x3, s6;
	[tilespmem:s3+$0x290] =	vst v8;
	v10 =	vld.idx.msk [tilespmem:v53+s7+$0x0], $0xffff  }
0x474: {  	v60 =	vor.u32 $0x380, v3;
	s15 =	sand.u32 $0x3, s0;
	s1 =	sshll.u32 s8, $0x5;
	v58 =	vld.idx.msk [tilespmem:v52+s7+$0x0], $0xffff;
	[tilespmem:s16+$0x290] =	vst v13  }
0x475: {  	v59 =	vor.u32 $0x380, v2;
	s1 =	sadd.s32 s1, s28;
	s3 =	sshll.u32 s15, $0x5;
	v6 =	vld.idx.msk [tilespmem:v54+s7+$0x0], $0xffff;
	[tilespmem:s14+$0x280] =	vst v7  }
0x476: {  	v61 =	vor.u32 $0x380, v4;
	s0 =	sadd.s32 $0x1, s0;
	s10 =	sor.u32 $0x300, s1;
	s17 =	sadd.s32 s3, s9;
	v7 =	vld.idx.msk [tilespmem:v55+s7+$0x0], $0xffff;
	[tilespmem:s14+$0x290] =	vst v11  }
0x477: {  	v62 =	vor.u32 $0x380, v14;
	s0 =	sand.u32 $0x3, s0;
	[tilespmem:s10+$0x17800] =	vst v50;
	s3 =	sor.u32 $0x300, s17;
	s16 =	sadd.s32 $0x10, s1;
	v8 =	vld.idx.msk [tilespmem:v56+s7+$0x0], $0xffff  }
0x478: {  	s0 =	sshll.u32 s0, $0x5;
	v5 =	vor.u32 $0x380, v5;
	v1 =	vld.idx.msk [tilespmem:v57+s7+$0x0], $0xffff;
	s19 =	sadd.s32 $0x10, s17;
	[tilespmem:s3+$0x17800] =	vst v10;
	s6 =	sor.u32 $0x300, s16  }
0x479: {  	s0 =	sadd.s32 s0, s13;
	s20 =	sor.u32 $0x300, s19;
	v3 =	vld.idx.msk [tilespmem:v60+s7+$0x0], $0xffff;
	[tilespmem:s6+$0x17800] =	vst v58  }
0x47a: {  	s21 =	sor.u32 $0x300, s0;
	s22 =	sadd.s32 $0x10, s0;
	v2 =	vld.idx.msk [tilespmem:v59+s7+$0x0], $0xffff;
	[tilespmem:s20+$0x17800] =	vst v6  }
0x47b: {  	s23 =	sor.u32 $0x300, s22;
	v4 =	vld.idx.msk [tilespmem:v61+s7+$0x0], $0xffff;
	[tilespmem:s21+$0x17800] =	vst v7  }
0x47c: {  	s1 =	sor.u32 $0x380, s1;
	v0 =	vld.idx.msk [tilespmem:v62+s7+$0x0], $0xffff;
	[tilespmem:s23+$0x17800] =	vst v8  }
0x47d: {  	s29 =	sor.u32 $0x380, s17;
	[tilespmem:s1+$0x17800] =	vst v1;
	v63 =	vld.idx.msk [tilespmem:v5+s7+$0x0], $0xffff  }
0x47e: {  	s28 =	sor.u32 $0x380, s16;
	[tilespmem:s29+$0x17800] =	vst v3  }
0x47f: {  	s30 =	sor.u32 $0x380, s19;
	[tilespmem:s28+$0x17800] =	vst v2  }
0x480: {  	s0 =	sor.u32 $0x380, s0;
	[tilespmem:s30+$0x17800] =	vst v4  }
0x481: {  	s31 =	sor.u32 $0x380, s22;
	[tilespmem:s0+$0x17800] =	vst v0  }
0x482: {  	[tilespmem:s31+$0x17800] =	vst v63  }
.LBB2_18:
.Ltmp28:
0x483: {  	(pc) =	sbr.rel @!p1 .LBB2_22-.Ltmp28, $1  }
0x484: {  	_ =	sdelay $0x3  }
0x485: {  	s3 =	simm.s32 $0x0  }
0x486: {  	s0 =	sand.u32 $0x7E0, s3  }
0x487: {  	v0 =	vld [tilespmem:s0+$0x14B00];
	_ =	sdelay $0x4  }
0x488: {  	v1 =	vshll.u32 v0, $0x3  }
0x489: {  	v0 =	vand.u32 $0x7F, v0;
	v1 =	vand.u32 $0xFFFFFC00, v1  }
0x48a: {  	s22 =	simm.s32 $0x14B10;
	v3 =	vor.u32 v0, v1  }
0x48b: {  	v0 =	vld [tilespmem:s22+$0x0];
	_ =	sdelay $0x3  }
0x48c: {  	v1 =	vld.idx.msk [tilespmem:v3+s7+$0x0], $0xffff  }
0x48d: {  	s23 =	simm.s32 $0x20;
	v4 =	vor.u32 $0x80, v3;
	v2 =	vshll.u32 v0, $0x3  }
0x48e: {  	s1 =	sand.u32 $0x7E0, s23;
	v0 =	vand.u32 $0x7F, v0;
	v2 =	vand.u32 $0xFFFFFC00, v2  }
0x48f: {  	s2 =	sand.u32 $0x60, s3;
	s4 =	sand.u32 $0x3C00, s3;
	v7 =	vor.u32 v0, v2;
	v0 =	vld [tilespmem:s1+$0x14B00]  }
0x490: {  	s29 =	sor.u32 s2, s4  }
0x491: {  	[tilespmem:s29+$0x17800] =	vst v1  }
0x492: {  	v1 =	vld.idx.msk [tilespmem:v4+s7+$0x0], $0xffff  }
0x493: {  	v2 =	vor.u32 $0x100, v3  }
0x494: {  	v4 =	vld.idx.msk [tilespmem:v7+s7+$0x0], $0xffff;
	v6 =	vshll.u32 v0, $0x3  }
0x495: {  	s30 =	simm.s32 $0x14B30;
	v5 =	vor.u32 $0x80, v7;
	v0 =	vand.u32 $0x7F, v0;
	v6 =	vand.u32 $0xFFFFFC00, v6  }
0x496: {  	v8 =	vld [tilespmem:s30+$0x0];
	s1 =	sadd.s32 $0x17800, s29;
	v6 =	vor.u32 v0, v6  }
0x497: {  	[tilespmem:s1+$0x80] =	vst v1  }
0x498: {  	v0 =	vld.idx.msk [tilespmem:v2+s7+$0x0], $0xffff  }
0x499: {  	v1 =	vor.u32 $0x180, v3;
	[tilespmem:s1+$0x10] =	vst v4  }
0x49a: {  	v2 =	vld.idx.msk [tilespmem:v5+s7+$0x0], $0xffff  }
0x49b: {  	v4 =	vor.u32 $0x100, v7;
	v5 =	vshll.u32 v8, $0x3;
	v9 =	vld.idx.msk [tilespmem:v6+s7+$0x0], $0xffff  }
0x49c: {  	s9 =	simm.s32 $0x14B50;
	v10 =	vor.u32 $0x80, v6;
	v8 =	vand.u32 $0x7F, v8;
	v5 =	vand.u32 $0xFFFFFC00, v5  }
0x49d: {  	s31 =	simm.s32 $0x40;
	s8 =	simm.s32 $0x100;
	[tilespmem:s1+$0x100] =	vst v0;
	v0 =	vor.u32 v8, v5;
	v8 =	vld [tilespmem:s9+$0x0]  }
0x49e: {  	s6 =	sand.u32 $0x7E0, s31;
	s0 =	sand.u32 $0x60, s23;
	s2 =	sand.u32 $0x3C00, s8;
	v1 =	vld.idx.msk [tilespmem:v1+s7+$0x0], $0xffff  }
0x49f: {  	s0 =	sor.u32 s0, s2;
	v5 =	vor.u32 $0x200, v3;
	[tilespmem:s1+$0x90] =	vst v2;
	v2 =	vld [tilespmem:s6+$0x14B00]  }
0x4a0: {  	v4 =	vld.idx.msk [tilespmem:v4+s7+$0x0], $0xffff;
	[tilespmem:s0+$0x17800] =	vst v9  }
0x4a1: {  	v9 =	vor.u32 $0x180, v7;
	v10 =	vld.idx.msk [tilespmem:v10+s7+$0x0], $0xffff  }
0x4a2: {  	v12 =	vor.u32 $0x100, v6;
	v11 =	vld.idx.msk [tilespmem:v0+s7+$0x0], $0xffff  }
0x4a3: {  	v13 =	vor.u32 $0x80, v0;
	[tilespmem:s1+$0x180] =	vst v1  }
0x4a4: {  	s10 =	simm.s32 $0x14B70;
	v1 =	vshll.u32 v2, $0x3;
	v5 =	vld.idx.msk [tilespmem:v5+s7+$0x0], $0xffff  }
0x4a5: {  	v14 =	vld [tilespmem:s10+$0x0];
	s0 =	sadd.s32 $0x17800, s0;
	v2 =	vand.u32 $0x7F, v2;
	[tilespmem:s1+$0x110] =	vst v4;
	v1 =	vand.u32 $0xFFFFFC00, v1;
	v4 =	vor.u32 $0x280, v3  }
0x4a6: {  	v9 =	vld.idx.msk [tilespmem:v9+s7+$0x0], $0xffff;
	v1 =	vor.u32 v2, v1;
	v2 =	vshll.u32 v8, $0x3;
	[tilespmem:s0+$0x80] =	vst v10  }
0x4a7: {  	s12 =	simm.s32 $0x60;
	v8 =	vand.u32 $0x7F, v8;
	v10 =	vor.u32 $0x200, v7;
	v2 =	vand.u32 $0xFFFFFC00, v2;
	v12 =	vld.idx.msk [tilespmem:v12+s7+$0x0], $0xffff;
	[tilespmem:s0+$0x10] =	vst v11  }
0x4a8: {  	s15 =	sand.u32 $0x7E0, s12;
	v2 =	vor.u32 v8, v2;
	v11 =	vor.u32 $0x180, v6;
	v8 =	vld.idx.msk [tilespmem:v13+s7+$0x0], $0xffff  }
0x4a9: {  	v17 =	vld [tilespmem:s15+$0x14B00];
	[tilespmem:s1+$0x200] =	vst v5  }
0x4aa: {  	v5 =	vor.u32 $0x100, v0;
	v4 =	vld.idx.msk [tilespmem:v4+s7+$0x0], $0xffff  }
0x4ab: {  	v13 =	vor.u32 $0x300, v3;
	[tilespmem:s1+$0x190] =	vst v9;
	v9 =	vld.idx.msk [tilespmem:v1+s7+$0x0], $0xffff  }
0x4ac: {  	v15 =	vor.u32 $0x80, v1;
	v10 =	vld.idx.msk [tilespmem:v10+s7+$0x0], $0xffff;
	[tilespmem:s0+$0x100] =	vst v12  }
0x4ad: {  	s28 =	simm.s32 $0x200;
	v11 =	vld.idx.msk [tilespmem:v11+s7+$0x0], $0xffff;
	[tilespmem:s0+$0x90] =	vst v8;
	v8 =	vor.u32 $0x280, v7  }
0x4ae: {  	s4 =	sand.u32 $0x60, s31;
	s8 =	sand.u32 $0x3C00, s28;
	v12 =	vor.u32 $0x200, v6;
	v16 =	vld.idx.msk [tilespmem:v2+s7+$0x0], $0xffff  }
0x4af: {  	s16 =	sor.u32 s4, s8;
	v5 =	vld.idx.msk [tilespmem:v5+s7+$0x0], $0xffff;
	[tilespmem:s1+$0x280] =	vst v4  }
0x4b0: {  	v4 =	vor.u32 $0x180, v0;
	[tilespmem:s16+$0x17800] =	vst v9;
	v9 =	vld.idx.msk [tilespmem:v13+s7+$0x0], $0xffff  }
0x4b1: {  	s3 =	sand.u32 $0x3, s3;
	v13 =	vld.idx.msk [tilespmem:v15+s7+$0x0], $0xffff;
	[tilespmem:s1+$0x210] =	vst v10;
	v10 =	vor.u32 $0x380, v3  }
0x4b2: {  	s3 =	sshll.u32 s3, $0x5;
	v15 =	vor.u32 $0x100, v1;
	[tilespmem:s0+$0x180] =	vst v11;
	v8 =	vld.idx.msk [tilespmem:v8+s7+$0x0], $0xffff  }
0x4b3: {  	s19 =	simm.s32 $0x14B90;
	s17 =	sadd.s32 $0x0, s3;
	v11 =	vor.u32 $0x80, v2;
	v12 =	vld.idx.msk [tilespmem:v12+s7+$0x0], $0xffff  }
0x4b4: {  	s20 =	sor.u32 $0x300, s17;
	v19 =	vor.u32 $0x300, v7;
	v3 =	vshll.u32 v17, $0x3;
	[tilespmem:s0+$0x110] =	vst v5;
	v5 =	vld [tilespmem:s19+$0x0]  }
0x4b5: {  	s3 =	sadd.s32 $0x17800, s16;
	v3 =	vand.u32 $0xFFFFFC00, v3;
	v18 =	vld.idx.msk [tilespmem:v4+s7+$0x0], $0xffff;
	v4 =	vand.u32 $0x7F, v17;
	v17 =	vor.u32 $0x280, v6;
	[tilespmem:s20+$0x17800] =	vst v9  }
0x4b6: {  	v3 =	vor.u32 v4, v3;
	v4 =	vshll.u32 v14, $0x3;
	[tilespmem:s3+$0x80] =	vst v13;
	v13 =	vld.idx.msk [tilespmem:v10+s7+$0x0], $0xffff  }
0x4b7: {  	[tilespmem:s3+$0x10] =	vst v16;
	v9 =	vand.u32 $0x7F, v14;
	v14 =	vor.u32 $0x200, v0;
	v4 =	vand.u32 $0xFFFFFC00, v4;
	v10 =	vld.idx.msk [tilespmem:v15+s7+$0x0], $0xffff  }
0x4b8: {  	v4 =	vor.u32 v9, v4;
	v9 =	vld.idx.msk [tilespmem:v11+s7+$0x0], $0xffff;
	[tilespmem:s1+$0x290] =	vst v8  }
0x4b9: {  	[tilespmem:s0+$0x200] =	vst v12;
	v12 =	vld.idx.msk [tilespmem:v19+s7+$0x0], $0xffff  }
0x4ba: {  	v11 =	vor.u32 $0x180, v1;
	v16 =	vld.idx.msk [tilespmem:v17+s7+$0x0], $0xffff  }
0x4bb: {  	s14 =	simm.s32 $0x80;
	v15 =	vor.u32 $0x100, v2;
	[tilespmem:s0+$0x190] =	vst v18;
	v17 =	vld.idx.msk [tilespmem:v3+s7+$0x0], $0xffff  }
0x4bc: {  	s21 =	sand.u32 $0x7E0, s14;
	v7 =	vor.u32 $0x380, v7;
	v19 =	vld.idx.msk [tilespmem:v14+s7+$0x0], $0xffff  }
0x4bd: {  	v18 =	vor.u32 $0x300, v6;
	v14 =	vld [tilespmem:s21+$0x14B00]  }
0x4be: {  	s23 =	sadd.s32 $0x10, s17;
	v20 =	vor.u32 $0x80, v3;
	[tilespmem:s3+$0x100] =	vst v10;
	v8 =	vld.idx.msk [tilespmem:v4+s7+$0x0], $0xffff  }
0x4bf: {  	s13 =	simm.s32 $0x300;
	s29 =	sor.u32 $0x300, s23;
	v11 =	vld.idx.msk [tilespmem:v11+s7+$0x0], $0xffff;
	[tilespmem:s3+$0x90] =	vst v9;
	v9 =	vor.u32 $0x280, v0  }
0x4c0: {  	s2 =	sand.u32 $0x60, s12;
	s22 =	sand.u32 $0x3C00, s13;
	v22 =	vor.u32 $0x200, v1;
	v21 =	vld.idx.msk [tilespmem:v15+s7+$0x0], $0xffff;
	[tilespmem:s29+$0x17800] =	vst v12  }
0x4c1: {  	v23 =	vor.u32 $0x180, v2;
	s20 =	sor.u32 s2, s22;
	[tilespmem:s0+$0x280] =	vst v16;
	v7 =	vld.idx.msk [tilespmem:v7+s7+$0x0], $0xffff  }
0x4c2: {  	s12 =	simm.s32 $0x1;
	[tilespmem:s20+$0x17800] =	vst v17;
	v16 =	vld.idx.msk [tilespmem:v18+s7+$0x0], $0xffff  }
0x4c3: {  	s30 =	sand.u32 $0x3, s12;
	s4 =	sor.u32 $0x380, s17;
	v6 =	vor.u32 $0x380, v6;
	[tilespmem:s0+$0x210] =	vst v19;
	v10 =	vld.idx.msk [tilespmem:v20+s7+$0x0], $0xffff  }
0x4c4: {  	s31 =	sshll.u32 s30, $0x5;
	s8 =	sor.u32 $0x380, s23;
	s9 =	simm.s32 $0x300;
	v15 =	vor.u32 $0x100, v3;
	v9 =	vld.idx.msk [tilespmem:v9+s7+$0x0], $0xffff;
	[tilespmem:s3+$0x180] =	vst v11  }
0x4c5: {  	s16 =	simm.s32 $0x8;
	s19 =	simm.s32 $0x14BB0;
	s1 =	sadd.s32 $0x100, s31;
	v17 =	vor.u32 $0x80, v4;
	v11 =	vld.idx.msk [tilespmem:v22+s7+$0x0], $0xffff;
	[tilespmem:s3+$0x110] =	vst v21  }
0x4c6: {  	s2 =	sor.u32 $0x300, s1;
	s15 =	sadd.s32 $0x10, s1;
	s21 =	simm.s32 $0x80;
	[tilespmem:s4+$0x17800] =	vst v13;
	v12 =	vor.u32 $0x300, v0;
	v18 =	vshll.u32 v14, $0x3;
	v13 =	vld.idx.msk [tilespmem:v23+s7+$0x0], $0xffff  }
.LBB2_20:
0x4c7: {  	v19 =	vld [tilespmem:s19+$0x0];
	v14 =	vand.u32 $0x7F, v14;
	v18 =	vand.u32 $0xFFFFFC00, v18;
	s4 =	sadd.s32 $0x17800, s20;
	v20 =	vor.u32 $0x280, v1;
	[tilespmem:s2+$0x17800] =	vst v16;
	s2 =	sor.u32 $0x300, s15  }
0x4c8: {  	s6 =	sor.u32 $0x380, s15;
	v18 =	vor.u32 v14, v18;
	v14 =	vshll.u32 v5, $0x3;
	[tilespmem:s4+$0x80] =	vst v10;
	v6 =	vld.idx.msk [tilespmem:v6+s7+$0x0], $0xffff  }
0x4c9: {  	v5 =	vand.u32 $0x7F, v5;
	v10 =	vand.u32 $0xFFFFFC00, v14;
	v14 =	vld.idx.msk [tilespmem:v15+s7+$0x0], $0xffff;
	[tilespmem:s4+$0x10] =	vst v8;
	v8 =	vor.u32 $0x200, v2  }
0x4ca: {  	v10 =	vor.u32 v5, v10;
	v15 =	vld.idx.msk [tilespmem:v17+s7+$0x0], $0xffff;
	[tilespmem:s0+$0x290] =	vst v9;
	s0 =	smov.u32 s3;
	s3 =	smov.u32 s4  }
0x4cb: {  	v9 =	vor.u32 $0x180, v3;
	[tilespmem:s0+$0x200] =	vst v11;
	v11 =	vld.idx.msk [tilespmem:v12+s7+$0x0], $0xffff  }
0x4cc: {  	v12 =	vor.u32 $0x100, v4;
	v16 =	vld.idx.msk [tilespmem:v20+s7+$0x0], $0xffff;
	[tilespmem:s0+$0x190] =	vst v13;
	v5 =	vmov v19  }
0x4cd: {  	s1 =	sor.u32 $0x380, s1;
	v13 =	vld.idx.msk [tilespmem:v18+s7+$0x0], $0xffff;
	[tilespmem:s8+$0x17800] =	vst v7;
	s8 =	smov.u32 s6  }
0x4ce: {  	v7 =	vor.u32 $0x300, v1;
	v17 =	vld.idx.msk [tilespmem:v8+s7+$0x0], $0xffff;
	[tilespmem:s1+$0x17800] =	vst v6  }
0x4cf: {  	v6 =	vor.u32 $0x80, v18;
	v8 =	vld.idx.msk [tilespmem:v10+s7+$0x0], $0xffff;
	[tilespmem:s3+$0x100] =	vst v14  }
0x4d0: {  	s14 =	sadd.s32 $0x20, s14;
	s13 =	sadd.s32 $0x100, s13;
	v19 =	vld.idx.msk [tilespmem:v9+s7+$0x0], $0xffff;
	[tilespmem:s3+$0x90] =	vst v15;
	v9 =	vor.u32 $0x280, v2  }
0x4d1: {  	s4 =	sand.u32 $0x60, s21;
	s6 =	sand.u32 $0x3C00, s13;
	s1 =	sand.u32 $0x7E0, s14;
	v12 =	vld.idx.msk [tilespmem:v12+s7+$0x0], $0xffff;
	[tilespmem:s2+$0x17800] =	vst v11;
	v11 =	vor.u32 $0x380, v0;
	v0 =	vmovc v2;
	v2 =	vmov v4;
	v4 =	vmov v10  }
0x4d2: {  	s16 =	sadd.s32 $0x2, s16;
	s21 =	smov.u32 s14;
	v20 =	vor.u32 $0x200, v3;
	s20 =	sor.u32 s4, s6;
	v14 =	vld [tilespmem:s1+$0x14B00];
	[tilespmem:s0+$0x280] =	vst v16  }
0x4d3: {  	p2 =	slt.u32 s16, $0x4E;
	[tilespmem:s20+$0x17800] =	vst v13;
	v13 =	vor.u32 $0x180, v2;
	v16 =	vld.idx.msk [tilespmem:v7+s7+$0x0], $0xffff  }
.Ltmp29:
0x4d4: {  	s12 =	sadd.s32 $0x1, s12;
	v10 =	vld.idx.msk [tilespmem:v6+s7+$0x0], $0xffff;
	[tilespmem:s0+$0x210] =	vst v17;
	(pc) =	sbr.rel @p2 .LBB2_20-.Ltmp29, $4  }
0x4d5: {  	s1 =	sand.u32 $0x3, s12;
	v6 =	vor.u32 $0x380, v1;
	v1 =	vmov v3;
	v3 =	vmov v18;
	v9 =	vld.idx.msk [tilespmem:v9+s7+$0x0], $0xffff  }
0x4d6: {  	s1 =	sshll.u32 s1, $0x5;
	v15 =	vor.u32 $0x100, v3;
	[tilespmem:s3+$0x180] =	vst v19;
	v7 =	vld.idx.msk [tilespmem:v11+s7+$0x0], $0xffff  }
0x4d7: {  	v17 =	vor.u32 $0x80, v4;
	s1 =	sadd.s32 s1, s28;
	s28 =	smov.u32 s9;
	s9 =	smov.u32 s13;
	v11 =	vld.idx.msk [tilespmem:v20+s7+$0x0], $0xffff;
	[tilespmem:s3+$0x110] =	vst v12  }
0x4d8: {  	s19 =	sadd.s32 $0x20, s19;
	s2 =	sor.u32 $0x300, s1;
	s15 =	sadd.s32 $0x10, s1;
	v18 =	vshll.u32 v14, $0x3;
	v12 =	vor.u32 $0x300, v0;
	v13 =	vld.idx.msk [tilespmem:v13+s7+$0x0], $0xffff  }
0x4d9: {  	v14 =	vand.u32 $0x7F, v14;
	v18 =	vand.u32 $0xFFFFFC00, v18;
	v19 =	vshll.u32 v5, $0x3  }
0x4da: {  	v22 =	vand.u32 $0x7F, v5;
	v14 =	vor.u32 v14, v18;
	v23 =	vand.u32 $0xFFFFFC00, v19  }
0x4db: {  	v5 =	vor.u32 v22, v23;
	_ =	sdelay $0x3  }
0x4dc: {  	v24 =	vld.idx.msk [tilespmem:v14+s7+$0x0], $0xffff  }
0x4dd: {  	v25 =	vor.u32 $0x80, v14;
	v20 =	vld.idx.msk [tilespmem:v5+s7+$0x0], $0xffff  }
0x4de: {  	s13 =	sadd.s32 $0x100, s13;
	v21 =	vor.u32 $0x80, v5  }
0x4df: {  	[tilespmem:s2+$0x17800] =	vst v16;
	s16 =	sadd.s32 $0x17800, s20;
	s31 =	sand.u32 $0x60, s21;
	s4 =	sand.u32 $0x3C00, s13  }
0x4e0: {  	[tilespmem:s16+$0x10] =	vst v8;
	s2 =	sor.u32 s31, s4  }
0x4e1: {  	v8 =	vld.idx.msk [tilespmem:v17+s7+$0x0], $0xffff;
	s14 =	sadd.s32 $0x17800, s2;
	[tilespmem:s2+$0x17800] =	vst v24  }
0x4e2: {  	v26 =	vor.u32 $0x100, v4;
	v27 =	vld.idx.msk [tilespmem:v25+s7+$0x0], $0xffff;
	[tilespmem:s14+$0x10] =	vst v20  }
0x4e3: {  	[tilespmem:s16+$0x80] =	vst v10;
	v28 =	vor.u32 $0x100, v14;
	v29 =	vld.idx.msk [tilespmem:v21+s7+$0x0], $0xffff  }
0x4e4: {  	[tilespmem:s0+$0x290] =	vst v9;
	v30 =	vor.u32 $0x100, v5  }
0x4e5: {  	v31 =	vld.idx.msk [tilespmem:v15+s7+$0x0], $0xffff;
	[tilespmem:s8+$0x17800] =	vst v7  }
0x4e6: {  	v32 =	vor.u32 $0x180, v3;
	[tilespmem:s16+$0x90] =	vst v8  }
0x4e7: {  	v33 =	vld.idx.msk [tilespmem:v26+s7+$0x0], $0xffff;
	[tilespmem:s14+$0x80] =	vst v27  }
0x4e8: {  	v34 =	vor.u32 $0x180, v4;
	v10 =	vld.idx.msk [tilespmem:v28+s7+$0x0], $0xffff;
	[tilespmem:s14+$0x90] =	vst v29  }
0x4e9: {  	v35 =	vor.u32 $0x180, v14;
	[tilespmem:s3+$0x200] =	vst v11;
	v9 =	vld.idx.msk [tilespmem:v30+s7+$0x0], $0xffff  }
0x4ea: {  	v12 =	vld.idx.msk [tilespmem:v12+s7+$0x0], $0xffff;
	v36 =	vor.u32 $0x180, v5;
	[tilespmem:s16+$0x100] =	vst v31  }
0x4eb: {  	v37 =	vor.u32 $0x280, v1;
	[tilespmem:s3+$0x190] =	vst v13;
	v8 =	vld.idx.msk [tilespmem:v32+s7+$0x0], $0xffff  }
0x4ec: {  	v39 =	vor.u32 $0x200, v3;
	v6 =	vld.idx.msk [tilespmem:v6+s7+$0x0], $0xffff;
	[tilespmem:s16+$0x110] =	vst v33  }
0x4ed: {  	v38 =	vor.u32 $0x200, v2;
	v16 =	vld.idx.msk [tilespmem:v34+s7+$0x0], $0xffff;
	[tilespmem:s14+$0x100] =	vst v10  }
0x4ee: {  	v40 =	vor.u32 $0x200, v4;
	s4 =	sor.u32 $0x300, s15;
	v13 =	vld.idx.msk [tilespmem:v35+s7+$0x0], $0xffff;
	[tilespmem:s14+$0x110] =	vst v9  }
0x4ef: {  	v41 =	vor.u32 $0x200, v14;
	[tilespmem:s4+$0x17800] =	vst v12;
	v7 =	vld.idx.msk [tilespmem:v36+s7+$0x0], $0xffff  }
0x4f0: {  	v43 =	vor.u32 $0x200, v5;
	v42 =	vld.idx.msk [tilespmem:v37+s7+$0x0], $0xffff;
	s2 =	sor.u32 $0x380, s1;
	[tilespmem:s16+$0x180] =	vst v8  }
0x4f1: {  	v0 =	vor.u32 $0x380, v0;
	[tilespmem:s2+$0x17800] =	vst v6;
	v15 =	vld.idx.msk [tilespmem:v39+s7+$0x0], $0xffff  }
0x4f2: {  	v46 =	vor.u32 $0x280, v3;
	v11 =	vld.idx.msk [tilespmem:v38+s7+$0x0], $0xffff;
	[tilespmem:s16+$0x190] =	vst v16  }
0x4f3: {  	v45 =	vor.u32 $0x280, v2;
	v10 =	vld.idx.msk [tilespmem:v40+s7+$0x0], $0xffff;
	[tilespmem:s14+$0x180] =	vst v13  }
0x4f4: {  	v47 =	vor.u32 $0x280, v4;
	v6 =	vld.idx.msk [tilespmem:v41+s7+$0x0], $0xffff;
	[tilespmem:s14+$0x190] =	vst v7  }
0x4f5: {  	v48 =	vor.u32 $0x280, v14;
	[tilespmem:s3+$0x280] =	vst v42;
	v49 =	vld.idx.msk [tilespmem:v43+s7+$0x0], $0xffff  }
0x4f6: {  	v51 =	vor.u32 $0x280, v5;
	v0 =	vld.idx.msk [tilespmem:v0+s7+$0x0], $0xffff;
	[tilespmem:s16+$0x200] =	vst v15  }
0x4f7: {  	v44 =	vor.u32 $0x300, v1;
	[tilespmem:s3+$0x210] =	vst v11;
	v16 =	vld.idx.msk [tilespmem:v46+s7+$0x0], $0xffff  }
0x4f8: {  	v53 =	vor.u32 $0x300, v3;
	v8 =	vld.idx.msk [tilespmem:v45+s7+$0x0], $0xffff;
	[tilespmem:s16+$0x210] =	vst v10  }
0x4f9: {  	v52 =	vor.u32 $0x300, v2;
	v13 =	vld.idx.msk [tilespmem:v47+s7+$0x0], $0xffff;
	[tilespmem:s14+$0x200] =	vst v6  }
0x4fa: {  	s6 =	sadd.s32 $0x1, s12;
	v54 =	vor.u32 $0x300, v4;
	s12 =	sor.u32 $0x380, s15;
	v7 =	vld.idx.msk [tilespmem:v48+s7+$0x0], $0xffff;
	[tilespmem:s14+$0x210] =	vst v49  }
0x4fb: {  	v55 =	vor.u32 $0x300, v14;
	[tilespmem:s12+$0x17800] =	vst v0;
	v11 =	vld.idx.msk [tilespmem:v51+s7+$0x0], $0xffff  }
0x4fc: {  	v56 =	vor.u32 $0x300, v5;
	v50 =	vld.idx.msk [tilespmem:v44+s7+$0x0], $0xffff;
	[tilespmem:s16+$0x280] =	vst v16  }
0x4fd: {  	v57 =	vor.u32 $0x380, v1;
	s0 =	sadd.s32 $0x1, s6;
	s8 =	sand.u32 $0x3, s6;
	[tilespmem:s3+$0x290] =	vst v8;
	v10 =	vld.idx.msk [tilespmem:v53+s7+$0x0], $0xffff  }
0x4fe: {  	v60 =	vor.u32 $0x380, v3;
	s15 =	sand.u32 $0x3, s0;
	s1 =	sshll.u32 s8, $0x5;
	v58 =	vld.idx.msk [tilespmem:v52+s7+$0x0], $0xffff;
	[tilespmem:s16+$0x290] =	vst v13  }
0x4ff: {  	v59 =	vor.u32 $0x380, v2;
	s1 =	sadd.s32 s1, s28;
	s3 =	sshll.u32 s15, $0x5;
	v6 =	vld.idx.msk [tilespmem:v54+s7+$0x0], $0xffff;
	[tilespmem:s14+$0x280] =	vst v7  }
0x500: {  	v61 =	vor.u32 $0x380, v4;
	s0 =	sadd.s32 $0x1, s0;
	s10 =	sor.u32 $0x300, s1;
	s17 =	sadd.s32 s3, s9;
	v7 =	vld.idx.msk [tilespmem:v55+s7+$0x0], $0xffff;
	[tilespmem:s14+$0x290] =	vst v11  }
0x501: {  	v62 =	vor.u32 $0x380, v14;
	s0 =	sand.u32 $0x3, s0;
	[tilespmem:s10+$0x17800] =	vst v50;
	s3 =	sor.u32 $0x300, s17;
	s16 =	sadd.s32 $0x10, s1;
	v8 =	vld.idx.msk [tilespmem:v56+s7+$0x0], $0xffff  }
0x502: {  	s0 =	sshll.u32 s0, $0x5;
	v5 =	vor.u32 $0x380, v5;
	v1 =	vld.idx.msk [tilespmem:v57+s7+$0x0], $0xffff;
	s19 =	sadd.s32 $0x10, s17;
	[tilespmem:s3+$0x17800] =	vst v10;
	s6 =	sor.u32 $0x300, s16  }
0x503: {  	s0 =	sadd.s32 s0, s13;
	s20 =	sor.u32 $0x300, s19;
	v3 =	vld.idx.msk [tilespmem:v60+s7+$0x0], $0xffff;
	[tilespmem:s6+$0x17800] =	vst v58  }
0x504: {  	s21 =	sor.u32 $0x300, s0;
	s22 =	sadd.s32 $0x10, s0;
	v2 =	vld.idx.msk [tilespmem:v59+s7+$0x0], $0xffff;
	[tilespmem:s20+$0x17800] =	vst v6  }
0x505: {  	s23 =	sor.u32 $0x300, s22;
	v4 =	vld.idx.msk [tilespmem:v61+s7+$0x0], $0xffff;
	[tilespmem:s21+$0x17800] =	vst v7  }
0x506: {  	s1 =	sor.u32 $0x380, s1;
	v0 =	vld.idx.msk [tilespmem:v62+s7+$0x0], $0xffff;
	[tilespmem:s23+$0x17800] =	vst v8  }
0x507: {  	s29 =	sor.u32 $0x380, s17;
	[tilespmem:s1+$0x17800] =	vst v1;
	v63 =	vld.idx.msk [tilespmem:v5+s7+$0x0], $0xffff  }
.Ltmp30:
0x508: {  	s28 =	sor.u32 $0x380, s16;
	[tilespmem:s29+$0x17800] =	vst v3;
	(pc) =	sbr.rel .LBB2_22-.Ltmp30, $4  }
0x509: {  	s30 =	sor.u32 $0x380, s19;
	[tilespmem:s28+$0x17800] =	vst v2  }
0x50a: {  	s0 =	sor.u32 $0x380, s0;
	[tilespmem:s30+$0x17800] =	vst v4  }
0x50b: {  	s31 =	sor.u32 $0x380, s22;
	[tilespmem:s0+$0x17800] =	vst v0  }
0x50c: {  	[tilespmem:s31+$0x17800] =	vst v63  }
.LBB2_45:
0x50d: {  	_ =	sfence.sel $0x180000  }
0x50e: {  	[bflag:$0x0] =	sbarrier.arrive $0xFFFF  }
0x50f: {  	_ =	strace $0x90000047  }
0x510: {  	s0 =	stileid.u32;
	[bflag:$0x2] =	sbarrier.arrive $0xFFFF  }
0x511: {  	p0 =	sne.s32 s0, $0x0;
	s0 =	rddreg [dreg:$0x5]  }
0x512: {  	s0 =	sadd.s32 @!p0 $0x100000, s0  }
0x513: {  	[sflag:s0] =	ssyncadd.tile.s32 @!p0 $0x1;
	_ =	shalt  }
.Lfunc_end2:
_tile_overlayer_lowered:
.L_overlay_start_2:
0x514: {  	(tag) =	ssettag $0x2  }
0x515: {  	s0 =	rddreg [dreg:$0x0];
	s2 =	stileid.u32  }
0x516: {  	s1 =	rddreg [dreg:$0x1];
	p0 =	sne.s32 s2, $0x0  }
0x517: {  	s3 =	rddreg [dreg:$0x2];
	[bflag:$0x3] =	sbarrier.arrive $0xFFFF;
	s2 =	simm.s32 @!p0 $0x1C08  }
0x518: {  	[timem:s3], [sflag:s2] =	dma.local @!p0 [hbm:s0], s1  }
0x519: {  	s0 =	simm.s32 @!p0 $0x8  }
0x51a: {  	_ =	swait.ge @!p0 [sflag:s0], s1  }
0x51b: {  	s1 =	ssub.s32 @!p0 $0x0, s1;
	[sflag:s0] =	ssyncset.done @!p0 $0x0  }
0x51c: {  	[sflag:s0] =	ssyncadd.s32 @!p0 s1  }
0x51d: {  	[bflag:$0x3] =	sbarrier.arrive $0xFFFF  }
0x51e: {  	_ =	shalt  }

</sc_bundles>
